<compile_context>
chip_gen: v7x
topology: tpu7x:2x2x1
jax: 0.10.2.dev20260603
libtpu: 0.0.44.dev20260713+nightly
codegen_flags: <defaults>
</compile_context>

<pallas_src>
import functools
import jax
import jax.numpy as jnp
from jax import lax
from jax.experimental import pallas as pl
from jax.experimental.pallas import tpu as pltpu, tpu_sc as plsc

_B, _S, _H = 4, 4096, 1024
_S1 = 2048
_NC, _NS = 2, 16
_NW = _NC * _NS
_ROWS_W = _S1 // _NW
_R = 8
_NCH = _ROWS_W // _R
_TC_BS = 2048


def _sc_body(x_hbm, pos_hbm, out_hbm,
             pos0, pos1, xa0, xb0, xc0, xd0, xa1, xb1, xc1, xd1,
             sin0, sin1, sout0, sout1):
    wid = lax.axis_index("c") * _NS + lax.axis_index("s")
    posv = (pos0, pos1)
    xv = ((xa0, xb0, xc0, xd0), (xa1, xb1, xc1, xd1))
    sin = (sin0, sin1)
    sout = (sout0, sout1)

    def rbase(g):
        return wid * _ROWS_W + g * _R

    def issue_in(g, p):
        pltpu.async_copy(pos_hbm.at[pl.ds(rbase(g), _R), :], posv[p], sin[p])
        for b in range(_B):
            pltpu.async_copy(x_hbm.at[b, pl.ds(rbase(g), _R), :], xv[p][b], sin[p])

    def drain_in(p):
        pltpu.make_async_copy(pos_hbm.at[pl.ds(0, _R), :], posv[p], sin[p]).wait()
        for b in range(_B):
            pltpu.make_async_copy(x_hbm.at[0, pl.ds(0, _R), :], xv[p][b], sin[p]).wait()

    def issue_out(g, p):
        for b in range(_B):
            pltpu.async_copy(xv[p][b], out_hbm.at[b, pl.ds(rbase(g), _R), :], sout[p])

    def drain_out(p):
        for b in range(_B):
            pltpu.make_async_copy(xv[p][b], out_hbm.at[0, pl.ds(0, _R), :], sout[p]).wait()

    def compute(p):
        bufs = xv[p]
        pv_ref = posv[p]

        def row_body(r, acc):
            def col_body(j, acc2):
                cs = j * 16
                pv = pv_ref[r, pl.ds(cs, 16)]
                for b in range(_B):
                    plsc.addupdate(bufs[b].at[r, pl.ds(cs, 16)], pv)
                return acc2

            return lax.fori_loop(0, _H // 16, col_body, acc, unroll=8)

        lax.fori_loop(0, _R, row_body, 0)

    issue_in(0, 0)
    for g in range(_NCH):
        p = g % 2
        if g + 1 < _NCH:
            if g >= 1:
                drain_out(1 - p)
            issue_in(g + 1, 1 - p)
        drain_in(p)
        compute(p)
        issue_out(g, p)
    drain_out(0)
    drain_out(1)


def _tc_body(x_ref, p_ref, sc_ref, o_ref):
    o_ref[...] = x_ref[...] + p_ref[...]


def kernel(x, position_embeddings):
    B, S, H = x.shape
    pf = position_embeddings[:S]

    sc_run = functools.partial(
        pl.kernel,
        mesh=plsc.VectorSubcoreMesh(core_axis_name="c", subcore_axis_name="s"),
        out_type=jax.ShapeDtypeStruct((B, S, H), x.dtype),
        scratch_types=(
            [pltpu.VMEM((_R, _H), jnp.float32) for _ in range(10)]
            + [pltpu.SemaphoreType.DMA for _ in range(4)]
        ),
    )(_sc_body)
    sc_out = sc_run(x, pf)

    blk0 = _S1 // _TC_BS
    nblk = (S - _S1) // _TC_BS
    return pl.pallas_call(
        _tc_body,
        grid=(nblk, B),
        in_specs=[
            pl.BlockSpec((1, _TC_BS, H), lambda i, j: (j, i + blk0, 0)),
            pl.BlockSpec((_TC_BS, H), lambda i, j: (i + blk0, 0)),
            pl.BlockSpec(memory_space=pl.ANY),
        ],
        out_specs=pl.BlockSpec((1, _TC_BS, H), lambda i, j: (j, i + blk0, 0)),
        out_shape=jax.ShapeDtypeStruct((B, S, H), x.dtype),
        input_output_aliases={2: 0},
    )(x, pf, sc_out)

# --- scband reference (transcript-rebuilt; emitter-appended) ---
"""Pipeline reference for scband-positional-encoding-6133213299054 (READ-ONLY COPY).

The authoritative reference and input builder live on the scoring server;
editing this copy changes nothing except your own understanding.
"""

import jax, jax.numpy as jnp
import numpy as np

HIDDEN_DIM = 1024
MAX_SEQ_LEN = 4096
BATCH = 4
SEQ_LEN = 4096

def setup_inputs(seed: int = 0) -> dict:
    key = jax.random.key(seed)
    k1, k2 = jax.random.split(key)
    x = jax.random.normal(k1, (BATCH, SEQ_LEN, HIDDEN_DIM), dtype=jnp.float32)
    # learned position embedding table, nn.Embedding default init ~ N(0,1)
    position_embeddings = jax.random.normal(k2, (MAX_SEQ_LEN, HIDDEN_DIM), dtype=jnp.float32)
    return {"x": x, "position_embeddings": position_embeddings}

def reference(x, position_embeddings):
    batch_size, seq_len, _ = x.shape
    positions = jnp.arange(seq_len)
    pos_embeddings = jnp.take(position_embeddings, positions, axis=0)  # [S, H] gather
    return x + jnp.broadcast_to(pos_embeddings[None, :, :], (batch_size, seq_len, pos_embeddings.shape[-1]))

if __name__ == "__main__":
    import jax
    _d = setup_inputs()
    print(jax.jit(kernel)(*tuple(_d.values())))

</pallas_src>

<mosaic_0001>
#map = affine_map<(d0, d1) -> (0, 0, 0)>
#map1 = affine_map<(d0, d1) -> (0, 0)>
module attributes {stable_mosaic.version = 14 : i64} {
  func.func @_sc_body(%arg0: i32, %arg1: i32, %arg2: memref<4x4096x1024xf32, #tpu.memory_space<hbm>>, %arg3: memref<4096x1024xf32, #tpu.memory_space<hbm>>, %arg4: memref<4x4096x1024xf32, #tpu.memory_space<hbm>>, %arg5: memref<8x1024xf32, #tpu.memory_space<vmem>>, %arg6: memref<8x1024xf32, #tpu.memory_space<vmem>>, %arg7: memref<8x1024xf32, #tpu.memory_space<vmem>>, %arg8: memref<8x1024xf32, #tpu.memory_space<vmem>>, %arg9: memref<8x1024xf32, #tpu.memory_space<vmem>>, %arg10: memref<8x1024xf32, #tpu.memory_space<vmem>>, %arg11: memref<8x1024xf32, #tpu.memory_space<vmem>>, %arg12: memref<8x1024xf32, #tpu.memory_space<vmem>>, %arg13: memref<8x1024xf32, #tpu.memory_space<vmem>>, %arg14: memref<8x1024xf32, #tpu.memory_space<vmem>>, %arg15: memref<!tpu.dma_semaphore, #tpu.memory_space<semaphore_mem>>, %arg16: memref<!tpu.dma_semaphore, #tpu.memory_space<semaphore_mem>>, %arg17: memref<!tpu.dma_semaphore, #tpu.memory_space<semaphore_mem>>, %arg18: memref<!tpu.dma_semaphore, #tpu.memory_space<semaphore_mem>>) attributes {dimension_semantics = [#tpu.dimension_semantics<core_parallel>, #tpu.dimension_semantics<subcore_parallel>], iteration_bounds = array<i64: 2, 16>, scalar_prefetch = 0 : i64, scratch_operands = 14 : i64, tpu.core_type = #tpu.core_type<sc_vector_subcore>, window_params = [{transform_indices = #map}, {transform_indices = #map1}, {transform_indices = #map}]} {
    %mul3A = arith.constant 16 : i32
    %mul3A_0 = arith.muli %arg0, %mul3A : i32
    %add3A = arith.addi %mul3A_0, %arg1 : i32
    %mul3A_1 = arith.constant 64 : i32
    %mul3A_2 = arith.muli %add3A, %mul3A_1 : i32
    %add3A_3 = arith.constant 0 : i32
    %add3A_4 = arith.addi %mul3A_2, %add3A_3 : i32
    %dma_start3A = arith.constant 0 : i32
    %dma_start3A_5 = tpu.memref_slice %arg3[%add3A_4, %dma_start3A] : memref<4096x1024xf32, #tpu.memory_space<hbm>> -> memref<8x1024xf32, #tpu.memory_space<hbm>>
    %dma_start3A_6 = arith.constant 0 : i32
    %dma_start3A_7 = tpu.memref_slice %arg3[%add3A_4, %dma_start3A_6] : memref<4096x1024xf32, #tpu.memory_space<hbm>> -> memref<8x1024xf32, #tpu.memory_space<hbm>>
    tpu.enqueue_dma source(%dma_start3A_7 : memref<8x1024xf32, #tpu.memory_space<hbm>>) target(%arg5 : memref<8x1024xf32, #tpu.memory_space<vmem>>) target_semaphore(%arg15 : memref<!tpu.dma_semaphore, #tpu.memory_space<semaphore_mem>>)
    %mul3A_8 = arith.constant 64 : i32
    %mul3A_9 = arith.muli %add3A, %mul3A_8 : i32
    %add3A_10 = arith.constant 0 : i32
    %add3A_11 = arith.addi %mul3A_9, %add3A_10 : i32
    %dma_start3A_12 = arith.constant 0 : i32
    %dma_start3A_13 = arith.constant 0 : i32
    %dma_start3A_14 = tpu.memref_slice %arg2[%dma_start3A_12, %add3A_11, %dma_start3A_13] : memref<4x4096x1024xf32, #tpu.memory_space<hbm>> -> memref<1x8x1024xf32, #tpu.memory_space<hbm>>
    %dma_start3A_15 = tpu.memref_squeeze %dma_start3A_14 : memref<1x8x1024xf32, #tpu.memory_space<hbm>> -> memref<8x1024xf32, #tpu.memory_space<hbm>>
    %dma_start3A_16 = arith.constant 0 : i32
    %dma_start3A_17 = tpu.memref_slice %arg2[%dma_start3A_12, %add3A_11, %dma_start3A_16] : memref<4x4096x1024xf32, #tpu.memory_space<hbm>> -> memref<1x8x1024xf32, #tpu.memory_space<hbm>>
    %dma_start3A_18 = tpu.memref_squeeze %dma_start3A_17 : memref<1x8x1024xf32, #tpu.memory_space<hbm>> -> memref<8x1024xf32, #tpu.memory_space<hbm>>
    tpu.enqueue_dma source(%dma_start3A_18 : memref<8x1024xf32, #tpu.memory_space<hbm>>) target(%arg7 : memref<8x1024xf32, #tpu.memory_space<vmem>>) target_semaphore(%arg15 : memref<!tpu.dma_semaphore, #tpu.memory_space<semaphore_mem>>)
    %mul3A_19 = arith.constant 64 : i32
    %mul3A_20 = arith.muli %add3A, %mul3A_19 : i32
    %add3A_21 = arith.constant 0 : i32
    %add3A_22 = arith.addi %mul3A_20, %add3A_21 : i32
    %dma_start3A_23 = arith.constant 1 : i32
    %dma_start3A_24 = arith.constant 0 : i32
    %dma_start3A_25 = tpu.memref_slice %arg2[%dma_start3A_23, %add3A_22, %dma_start3A_24] : memref<4x4096x1024xf32, #tpu.memory_space<hbm>> -> memref<1x8x1024xf32, #tpu.memory_space<hbm>>
    %dma_start3A_26 = tpu.memref_squeeze %dma_start3A_25 : memref<1x8x1024xf32, #tpu.memory_space<hbm>> -> memref<8x1024xf32, #tpu.memory_space<hbm>>
    %dma_start3A_27 = arith.constant 0 : i32
    %dma_start3A_28 = tpu.memref_slice %arg2[%dma_start3A_23, %add3A_22, %dma_start3A_27] : memref<4x4096x1024xf32, #tpu.memory_space<hbm>> -> memref<1x8x1024xf32, #tpu.memory_space<hbm>>
    %dma_start3A_29 = tpu.memref_squeeze %dma_start3A_28 : memref<1x8x1024xf32, #tpu.memory_space<hbm>> -> memref<8x1024xf32, #tpu.memory_space<hbm>>
    tpu.enqueue_dma source(%dma_start3A_29 : memref<8x1024xf32, #tpu.memory_space<hbm>>) target(%arg8 : memref<8x1024xf32, #tpu.memory_space<vmem>>) target_semaphore(%arg15 : memref<!tpu.dma_semaphore, #tpu.memory_space<semaphore_mem>>)
    %mul3A_30 = arith.constant 64 : i32
    %mul3A_31 = arith.muli %add3A, %mul3A_30 : i32
    %add3A_32 = arith.constant 0 : i32
    %add3A_33 = arith.addi %mul3A_31, %add3A_32 : i32
    %dma_start3A_34 = arith.constant 2 : i32
    %dma_start3A_35 = arith.constant 0 : i32
    %dma_start3A_36 = tpu.memref_slice %arg2[%dma_start3A_34, %add3A_33, %dma_start3A_35] : memref<4x4096x1024xf32, #tpu.memory_space<hbm>> -> memref<1x8x1024xf32, #tpu.memory_space<hbm>>
    %dma_start3A_37 = tpu.memref_squeeze %dma_start3A_36 : memref<1x8x1024xf32, #tpu.memory_space<hbm>> -> memref<8x1024xf32, #tpu.memory_space<hbm>>
    %dma_start3A_38 = arith.constant 0 : i32
    %dma_start3A_39 = tpu.memref_slice %arg2[%dma_start3A_34, %add3A_33, %dma_start3A_38] : memref<4x4096x1024xf32, #tpu.memory_space<hbm>> -> memref<1x8x1024xf32, #tpu.memory_space<hbm>>
    %dma_start3A_40 = tpu.memref_squeeze %dma_start3A_39 : memref<1x8x1024xf32, #tpu.memory_space<hbm>> -> memref<8x1024xf32, #tpu.memory_space<hbm>>
    tpu.enqueue_dma source(%dma_start3A_40 : memref<8x1024xf32, #tpu.memory_space<hbm>>) target(%arg9 : memref<8x1024xf32, #tpu.memory_space<vmem>>) target_semaphore(%arg15 : memref<!tpu.dma_semaphore, #tpu.memory_space<semaphore_mem>>)
    %mul3A_41 = arith.constant 64 : i32
    %mul3A_42 = arith.muli %add3A, %mul3A_41 : i32
    %add3A_43 = arith.constant 0 : i32
    %add3A_44 = arith.addi %mul3A_42, %add3A_43 : i32
    %dma_start3A_45 = arith.constant 3 : i32
    %dma_start3A_46 = arith.constant 0 : i32
    %dma_start3A_47 = tpu.memref_slice %arg2[%dma_start3A_45, %add3A_44, %dma_start3A_46] : memref<4x4096x1024xf32, #tpu.memory_space<hbm>> -> memref<1x8x1024xf32, #tpu.memory_space<hbm>>
    %dma_start3A_48 = tpu.memref_squeeze %dma_start3A_47 : memref<1x8x1024xf32, #tpu.memory_space<hbm>> -> memref<8x1024xf32, #tpu.memory_space<hbm>>
    %dma_start3A_49 = arith.constant 0 : i32
    %dma_start3A_50 = tpu.memref_slice %arg2[%dma_start3A_45, %add3A_44, %dma_start3A_49] : memref<4x4096x1024xf32, #tpu.memory_space<hbm>> -> memref<1x8x1024xf32, #tpu.memory_space<hbm>>
    %dma_start3A_51 = tpu.memref_squeeze %dma_start3A_50 : memref<1x8x1024xf32, #tpu.memory_space<hbm>> -> memref<8x1024xf32, #tpu.memory_space<hbm>>
    tpu.enqueue_dma source(%dma_start3A_51 : memref<8x1024xf32, #tpu.memory_space<hbm>>) target(%arg10 : memref<8x1024xf32, #tpu.memory_space<vmem>>) target_semaphore(%arg15 : memref<!tpu.dma_semaphore, #tpu.memory_space<semaphore_mem>>)
    %mul3A_52 = arith.constant 64 : i32
    %mul3A_53 = arith.muli %add3A, %mul3A_52 : i32
    %add3A_54 = arith.constant 8 : i32
    %add3A_55 = arith.addi %mul3A_53, %add3A_54 : i32
    %dma_start3A_56 = arith.constant 0 : i32
    %dma_start3A_57 = tpu.memref_slice %arg3[%add3A_55, %dma_start3A_56] : memref<4096x1024xf32, #tpu.memory_space<hbm>> -> memref<8x1024xf32, #tpu.memory_space<hbm>>
    %dma_start3A_58 = arith.constant 0 : i32
    %dma_start3A_59 = tpu.memref_slice %arg3[%add3A_55, %dma_start3A_58] : memref<4096x1024xf32, #tpu.memory_space<hbm>> -> memref<8x1024xf32, #tpu.memory_space<hbm>>
    tpu.enqueue_dma source(%dma_start3A_59 : memref<8x1024xf32, #tpu.memory_space<hbm>>) target(%arg6 : memref<8x1024xf32, #tpu.memory_space<vmem>>) target_semaphore(%arg16 : memref<!tpu.dma_semaphore, #tpu.memory_space<semaphore_mem>>)
    %mul3A_60 = arith.constant 64 : i32
    %mul3A_61 = arith.muli %add3A, %mul3A_60 : i32
    %add3A_62 = arith.constant 8 : i32
    %add3A_63 = arith.addi %mul3A_61, %add3A_62 : i32
    %dma_start3A_64 = arith.constant 0 : i32
    %dma_start3A_65 = arith.constant 0 : i32
    %dma_start3A_66 = tpu.memref_slice %arg2[%dma_start3A_64, %add3A_63, %dma_start3A_65] : memref<4x4096x1024xf32, #tpu.memory_space<hbm>> -> memref<1x8x1024xf32, #tpu.memory_space<hbm>>
    %dma_start3A_67 = tpu.memref_squeeze %dma_start3A_66 : memref<1x8x1024xf32, #tpu.memory_space<hbm>> -> memref<8x1024xf32, #tpu.memory_space<hbm>>
    %dma_start3A_68 = arith.constant 0 : i32
    %dma_start3A_69 = tpu.memref_slice %arg2[%dma_start3A_64, %add3A_63, %dma_start3A_68] : memref<4x4096x1024xf32, #tpu.memory_space<hbm>> -> memref<1x8x1024xf32, #tpu.memory_space<hbm>>
    %dma_start3A_70 = tpu.memref_squeeze %dma_start3A_69 : memref<1x8x1024xf32, #tpu.memory_space<hbm>> -> memref<8x1024xf32, #tpu.memory_space<hbm>>
    tpu.enqueue_dma source(%dma_start3A_70 : memref<8x1024xf32, #tpu.memory_space<hbm>>) target(%arg11 : memref<8x1024xf32, #tpu.memory_space<vmem>>) target_semaphore(%arg16 : memref<!tpu.dma_semaphore, #tpu.memory_space<semaphore_mem>>)
    %mul3A_71 = arith.constant 64 : i32
    %mul3A_72 = arith.muli %add3A, %mul3A_71 : i32
    %add3A_73 = arith.constant 8 : i32
    %add3A_74 = arith.addi %mul3A_72, %add3A_73 : i32
    %dma_start3A_75 = arith.constant 1 : i32
    %dma_start3A_76 = arith.constant 0 : i32
    %dma_start3A_77 = tpu.memref_slice %arg2[%dma_start3A_75, %add3A_74, %dma_start3A_76] : memref<4x4096x1024xf32, #tpu.memory_space<hbm>> -> memref<1x8x1024xf32, #tpu.memory_space<hbm>>
    %dma_start3A_78 = tpu.memref_squeeze %dma_start3A_77 : memref<1x8x1024xf32, #tpu.memory_space<hbm>> -> memref<8x1024xf32, #tpu.memory_space<hbm>>
    %dma_start3A_79 = arith.constant 0 : i32
    %dma_start3A_80 = tpu.memref_slice %arg2[%dma_start3A_75, %add3A_74, %dma_start3A_79] : memref<4x4096x1024xf32, #tpu.memory_space<hbm>> -> memref<1x8x1024xf32, #tpu.memory_space<hbm>>
    %dma_start3A_81 = tpu.memref_squeeze %dma_start3A_80 : memref<1x8x1024xf32, #tpu.memory_space<hbm>> -> memref<8x1024xf32, #tpu.memory_space<hbm>>
    tpu.enqueue_dma source(%dma_start3A_81 : memref<8x1024xf32, #tpu.memory_space<hbm>>) target(%arg12 : memref<8x1024xf32, #tpu.memory_space<vmem>>) target_semaphore(%arg16 : memref<!tpu.dma_semaphore, #tpu.memory_space<semaphore_mem>>)
    %mul3A_82 = arith.constant 64 : i32
    %mul3A_83 = arith.muli %add3A, %mul3A_82 : i32
    %add3A_84 = arith.constant 8 : i32
    %add3A_85 = arith.addi %mul3A_83, %add3A_84 : i32
    %dma_start3A_86 = arith.constant 2 : i32
    %dma_start3A_87 = arith.constant 0 : i32
    %dma_start3A_88 = tpu.memref_slice %arg2[%dma_start3A_86, %add3A_85, %dma_start3A_87] : memref<4x4096x1024xf32, #tpu.memory_space<hbm>> -> memref<1x8x1024xf32, #tpu.memory_space<hbm>>
    %dma_start3A_89 = tpu.memref_squeeze %dma_start3A_88 : memref<1x8x1024xf32, #tpu.memory_space<hbm>> -> memref<8x1024xf32, #tpu.memory_space<hbm>>
    %dma_start3A_90 = arith.constant 0 : i32
    %dma_start3A_91 = tpu.memref_slice %arg2[%dma_start3A_86, %add3A_85, %dma_start3A_90] : memref<4x4096x1024xf32, #tpu.memory_space<hbm>> -> memref<1x8x1024xf32, #tpu.memory_space<hbm>>
    %dma_start3A_92 = tpu.memref_squeeze %dma_start3A_91 : memref<1x8x1024xf32, #tpu.memory_space<hbm>> -> memref<8x1024xf32, #tpu.memory_space<hbm>>
    tpu.enqueue_dma source(%dma_start3A_92 : memref<8x1024xf32, #tpu.memory_space<hbm>>) target(%arg13 : memref<8x1024xf32, #tpu.memory_space<vmem>>) target_semaphore(%arg16 : memref<!tpu.dma_semaphore, #tpu.memory_space<semaphore_mem>>)
    %mul3A_93 = arith.constant 64 : i32
    %mul3A_94 = arith.muli %add3A, %mul3A_93 : i32
    %add3A_95 = arith.constant 8 : i32
    %add3A_96 = arith.addi %mul3A_94, %add3A_95 : i32
    %dma_start3A_97 = arith.constant 3 : i32
    %dma_start3A_98 = arith.constant 0 : i32
    %dma_start3A_99 = tpu.memref_slice %arg2[%dma_start3A_97, %add3A_96, %dma_start3A_98] : memref<4x4096x1024xf32, #tpu.memory_space<hbm>> -> memref<1x8x1024xf32, #tpu.memory_space<hbm>>
    %dma_start3A_100 = tpu.memref_squeeze %dma_start3A_99 : memref<1x8x1024xf32, #tpu.memory_space<hbm>> -> memref<8x1024xf32, #tpu.memory_space<hbm>>
    %dma_start3A_101 = arith.constant 0 : i32
    %dma_start3A_102 = tpu.memref_slice %arg2[%dma_start3A_97, %add3A_96, %dma_start3A_101] : memref<4x4096x1024xf32, #tpu.memory_space<hbm>> -> memref<1x8x1024xf32, #tpu.memory_space<hbm>>
    %dma_start3A_103 = tpu.memref_squeeze %dma_start3A_102 : memref<1x8x1024xf32, #tpu.memory_space<hbm>> -> memref<8x1024xf32, #tpu.memory_space<hbm>>
    tpu.enqueue_dma source(%dma_start3A_103 : memref<8x1024xf32, #tpu.memory_space<hbm>>) target(%arg14 : memref<8x1024xf32, #tpu.memory_space<vmem>>) target_semaphore(%arg16 : memref<!tpu.dma_semaphore, #tpu.memory_space<semaphore_mem>>)
    %dma_wait3A = arith.constant 0 : i32
    %dma_wait3A_104 = arith.constant 0 : i32
    %dma_wait3A_105 = tpu.memref_slice %arg3[%dma_wait3A, %dma_wait3A_104] : memref<4096x1024xf32, #tpu.memory_space<hbm>> -> memref<8x1024xf32, #tpu.memory_space<hbm>>
    %dma_wait3A_106 = arith.constant 0 : i32
    %dma_wait3A_107 = arith.constant 0 : i32
    %dma_wait3A_108 = tpu.memref_slice %arg3[%dma_wait3A_106, %dma_wait3A_107] : memref<4096x1024xf32, #tpu.memory_space<hbm>> -> memref<8x1024xf32, #tpu.memory_space<hbm>>
    tpu.wait_dma2 semaphore(%arg15 : memref<!tpu.dma_semaphore, #tpu.memory_space<semaphore_mem>>) src(%dma_wait3A_108 : memref<8x1024xf32, #tpu.memory_space<hbm>>) dst(%arg5 : memref<8x1024xf32, #tpu.memory_space<vmem>>)
    %dma_wait3A_109 = arith.constant 0 : i32
    %dma_wait3A_110 = arith.constant 0 : i32
    %dma_wait3A_111 = arith.constant 0 : i32
    %dma_wait3A_112 = tpu.memref_slice %arg2[%dma_wait3A_109, %dma_wait3A_110, %dma_wait3A_111] : memref<4x4096x1024xf32, #tpu.memory_space<hbm>> -> memref<1x8x1024xf32, #tpu.memory_space<hbm>>
    %dma_wait3A_113 = tpu.memref_squeeze %dma_wait3A_112 : memref<1x8x1024xf32, #tpu.memory_space<hbm>> -> memref<8x1024xf32, #tpu.memory_space<hbm>>
    %dma_wait3A_114 = arith.constant 0 : i32
    %dma_wait3A_115 = arith.constant 0 : i32
    %dma_wait3A_116 = tpu.memref_slice %arg2[%dma_wait3A_109, %dma_wait3A_114, %dma_wait3A_115] : memref<4x4096x1024xf32, #tpu.memory_space<hbm>> -> memref<1x8x1024xf32, #tpu.memory_space<hbm>>
    %dma_wait3A_117 = tpu.memref_squeeze %dma_wait3A_116 : memref<1x8x1024xf32, #tpu.memory_space<hbm>> -> memref<8x1024xf32, #tpu.memory_space<hbm>>
    tpu.wait_dma2 semaphore(%arg15 : memref<!tpu.dma_semaphore, #tpu.memory_space<semaphore_mem>>) src(%dma_wait3A_117 : memref<8x1024xf32, #tpu.memory_space<hbm>>) dst(%arg7 : memref<8x1024xf32, #tpu.memory_space<vmem>>)
    %dma_wait3A_118 = arith.constant 0 : i32
    %dma_wait3A_119 = arith.constant 0 : i32
    %dma_wait3A_120 = arith.constant 0 : i32
    %dma_wait3A_121 = tpu.memref_slice %arg2[%dma_wait3A_118, %dma_wait3A_119, %dma_wait3A_120] : memref<4x4096x1024xf32, #tpu.memory_space<hbm>> -> memref<1x8x1024xf32, #tpu.memory_space<hbm>>
    %dma_wait3A_122 = tpu.memref_squeeze %dma_wait3A_121 : memref<1x8x1024xf32, #tpu.memory_space<hbm>> -> memref<8x1024xf32, #tpu.memory_space<hbm>>
    %dma_wait3A_123 = arith.constant 0 : i32
    %dma_wait3A_124 = arith.constant 0 : i32
    %dma_wait3A_125 = tpu.memref_slice %arg2[%dma_wait3A_118, %dma_wait3A_123, %dma_wait3A_124] : memref<4x4096x1024xf32, #tpu.memory_space<hbm>> -> memref<1x8x1024xf32, #tpu.memory_space<hbm>>
    %dma_wait3A_126 = tpu.memref_squeeze %dma_wait3A_125 : memref<1x8x1024xf32, #tpu.memory_space<hbm>> -> memref<8x1024xf32, #tpu.memory_space<hbm>>
    tpu.wait_dma2 semaphore(%arg15 : memref<!tpu.dma_semaphore, #tpu.memory_space<semaphore_mem>>) src(%dma_wait3A_126 : memref<8x1024xf32, #tpu.memory_space<hbm>>) dst(%arg8 : memref<8x1024xf32, #tpu.memory_space<vmem>>)
    %dma_wait3A_127 = arith.constant 0 : i32
    %dma_wait3A_128 = arith.constant 0 : i32
    %dma_wait3A_129 = arith.constant 0 : i32
    %dma_wait3A_130 = tpu.memref_slice %arg2[%dma_wait3A_127, %dma_wait3A_128, %dma_wait3A_129] : memref<4x4096x1024xf32, #tpu.memory_space<hbm>> -> memref<1x8x1024xf32, #tpu.memory_space<hbm>>
    %dma_wait3A_131 = tpu.memref_squeeze %dma_wait3A_130 : memref<1x8x1024xf32, #tpu.memory_space<hbm>> -> memref<8x1024xf32, #tpu.memory_space<hbm>>
    %dma_wait3A_132 = arith.constant 0 : i32
    %dma_wait3A_133 = arith.constant 0 : i32
    %dma_wait3A_134 = tpu.memref_slice %arg2[%dma_wait3A_127, %dma_wait3A_132, %dma_wait3A_133] : memref<4x4096x1024xf32, #tpu.memory_space<hbm>> -> memref<1x8x1024xf32, #tpu.memory_space<hbm>>
    %dma_wait3A_135 = tpu.memref_squeeze %dma_wait3A_134 : memref<1x8x1024xf32, #tpu.memory_space<hbm>> -> memref<8x1024xf32, #tpu.memory_space<hbm>>
    tpu.wait_dma2 semaphore(%arg15 : memref<!tpu.dma_semaphore, #tpu.memory_space<semaphore_mem>>) src(%dma_wait3A_135 : memref<8x1024xf32, #tpu.memory_space<hbm>>) dst(%arg9 : memref<8x1024xf32, #tpu.memory_space<vmem>>)
    %dma_wait3A_136 = arith.constant 0 : i32
    %dma_wait3A_137 = arith.constant 0 : i32
    %dma_wait3A_138 = arith.constant 0 : i32
    %dma_wait3A_139 = tpu.memref_slice %arg2[%dma_wait3A_136, %dma_wait3A_137, %dma_wait3A_138] : memref<4x4096x1024xf32, #tpu.memory_space<hbm>> -> memref<1x8x1024xf32, #tpu.memory_space<hbm>>
    %dma_wait3A_140 = tpu.memref_squeeze %dma_wait3A_139 : memref<1x8x1024xf32, #tpu.memory_space<hbm>> -> memref<8x1024xf32, #tpu.memory_space<hbm>>
    %dma_wait3A_141 = arith.constant 0 : i32
    %dma_wait3A_142 = arith.constant 0 : i32
    %dma_wait3A_143 = tpu.memref_slice %arg2[%dma_wait3A_136, %dma_wait3A_141, %dma_wait3A_142] : memref<4x4096x1024xf32, #tpu.memory_space<hbm>> -> memref<1x8x1024xf32, #tpu.memory_space<hbm>>
    %dma_wait3A_144 = tpu.memref_squeeze %dma_wait3A_143 : memref<1x8x1024xf32, #tpu.memory_space<hbm>> -> memref<8x1024xf32, #tpu.memory_space<hbm>>
    tpu.wait_dma2 semaphore(%arg15 : memref<!tpu.dma_semaphore, #tpu.memory_space<semaphore_mem>>) src(%dma_wait3A_144 : memref<8x1024xf32, #tpu.memory_space<hbm>>) dst(%arg10 : memref<8x1024xf32, #tpu.memory_space<vmem>>)
    %scan3A = arith.constant 0 : i32
    %scan3A_145 = arith.constant 0 : i32
    %scan3A_146 = arith.constant 8 : i32
    %scan3A_147 = arith.addi %scan3A_145, %scan3A_146 : i32
    %scan3A_148 = arith.constant 1 : i32
    scf.for %scan3A_1438 = %scan3A_145 to %scan3A_147 step %scan3A_148  : i32 {
      %scan3A_1439 = arith.constant 0 : i32
      %scan3A_1440 = arith.constant 64 : i32
      %scan3A_1441 = arith.addi %scan3A_1439, %scan3A_1440 : i32
      %scan3A_1442 = arith.constant 8 : i32
      scf.for %scan3A_1444 = %scan3A_1439 to %scan3A_1441 step %scan3A_1442  : i32 {
        %mul3A_1445 = arith.constant 16 : i32
        %mul3A_1446 = arith.muli %scan3A_1444, %mul3A_1445 : i32
        %get3A = arith.index_cast %scan3A_1438 : i32 to index
        %get3A_1447 = arith.index_cast %mul3A_1446 : i32 to index
        %get3A_1448 = tpu.vector_load %arg5[%get3A, %get3A_1447] {strides = array<i32>} : memref<8x1024xf32, #tpu.memory_space<vmem>>, vector<1x16xf32>,
        %get3A_1449 = vector.shape_cast %get3A_1448 : vector<1x16xf32> to vector<16xf32>
        %swap3A = arith.index_cast %scan3A_1438 : i32 to index
        %swap3A_1450 = arith.index_cast %mul3A_1446 : i32 to index
        %swap3A_1451 = tpu.vector_load %arg7[%swap3A, %swap3A_1450] {strides = array<i32>} : memref<8x1024xf32, #tpu.memory_space<vmem>>, vector<1x16xf32>,
        %swap3A_1452 = vector.shape_cast %swap3A_1451 : vector<1x16xf32> to vector<16xf32>
        %swap3A_1453 = vector.shape_cast %get3A_1449 : vector<16xf32> to vector<1x16xf32>
        tpu.vector_store %arg7[%swap3A, %swap3A_1450], %swap3A_1453 {add = true, strides = array<i32>} : memref<8x1024xf32, #tpu.memory_space<vmem>>, vector<1x16xf32>,
        %swap3A_1454 = arith.index_cast %scan3A_1438 : i32 to index
        %swap3A_1455 = arith.index_cast %mul3A_1446 : i32 to index
        %swap3A_1456 = tpu.vector_load %arg8[%swap3A_1454, %swap3A_1455] {strides = array<i32>} : memref<8x1024xf32, #tpu.memory_space<vmem>>, vector<1x16xf32>,
        %swap3A_1457 = vector.shape_cast %swap3A_1456 : vector<1x16xf32> to vector<16xf32>
        %swap3A_1458 = vector.shape_cast %get3A_1449 : vector<16xf32> to vector<1x16xf32>
        tpu.vector_store %arg8[%swap3A_1454, %swap3A_1455], %swap3A_1458 {add = true, strides = array<i32>} : memref<8x1024xf32, #tpu.memory_space<vmem>>, vector<1x16xf32>,
        %swap3A_1459 = arith.index_cast %scan3A_1438 : i32 to index
        %swap3A_1460 = arith.index_cast %mul3A_1446 : i32 to index
        %swap3A_1461 = tpu.vector_load %arg9[%swap3A_1459, %swap3A_1460] {strides = array<i32>} : memref<8x1024xf32, #tpu.memory_space<vmem>>, vector<1x16xf32>,
        %swap3A_1462 = vector.shape_cast %swap3A_1461 : vector<1x16xf32> to vector<16xf32>
        %swap3A_1463 = vector.shape_cast %get3A_1449 : vector<16xf32> to vector<1x16xf32>
        tpu.vector_store %arg9[%swap3A_1459, %swap3A_1460], %swap3A_1463 {add = true, strides = array<i32>} : memref<8x1024xf32, #tpu.memory_space<vmem>>, vector<1x16xf32>,
        %swap3A_1464 = arith.index_cast %scan3A_1438 : i32 to index
        %swap3A_1465 = arith.index_cast %mul3A_1446 : i32 to index
        %swap3A_1466 = tpu.vector_load %arg10[%swap3A_1464, %swap3A_1465] {strides = array<i32>} : memref<8x1024xf32, #tpu.memory_space<vmem>>, vector<1x16xf32>,
        %swap3A_1467 = vector.shape_cast %swap3A_1466 : vector<1x16xf32> to vector<16xf32>
        %swap3A_1468 = vector.shape_cast %get3A_1449 : vector<16xf32> to vector<1x16xf32>
        tpu.vector_store %arg10[%swap3A_1464, %swap3A_1465], %swap3A_1468 {add = true, strides = array<i32>} : memref<8x1024xf32, #tpu.memory_space<vmem>>, vector<1x16xf32>,
        %scan3A_1469 = arith.constant 1 : i32
        %scan3A_1470 = arith.addi %scan3A_1444, %scan3A_1469 : i32
        %mul3A_1471 = arith.constant 16 : i32
        %mul3A_1472 = arith.muli %scan3A_1470, %mul3A_1471 : i32
        %get3A_1473 = arith.index_cast %scan3A_1438 : i32 to index
        %get3A_1474 = arith.index_cast %mul3A_1472 : i32 to index
        %get3A_1475 = tpu.vector_load %arg5[%get3A_1473, %get3A_1474] {strides = array<i32>} : memref<8x1024xf32, #tpu.memory_space<vmem>>, vector<1x16xf32>,
        %get3A_1476 = vector.shape_cast %get3A_1475 : vector<1x16xf32> to vector<16xf32>
        %swap3A_1477 = arith.index_cast %scan3A_1438 : i32 to index
        %swap3A_1478 = arith.index_cast %mul3A_1472 : i32 to index
        %swap3A_1479 = tpu.vector_load %arg7[%swap3A_1477, %swap3A_1478] {strides = array<i32>} : memref<8x1024xf32, #tpu.memory_space<vmem>>, vector<1x16xf32>,
        %swap3A_1480 = vector.shape_cast %swap3A_1479 : vector<1x16xf32> to vector<16xf32>
        %swap3A_1481 = vector.shape_cast %get3A_1476 : vector<16xf32> to vector<1x16xf32>
        tpu.vector_store %arg7[%swap3A_1477, %swap3A_1478], %swap3A_1481 {add = true, strides = array<i32>} : memref<8x1024xf32, #tpu.memory_space<vmem>>, vector<1x16xf32>,
        %swap3A_1482 = arith.index_cast %scan3A_1438 : i32 to index
        %swap3A_1483 = arith.index_cast %mul3A_1472 : i32 to index
        %swap3A_1484 = tpu.vector_load %arg8[%swap3A_1482, %swap3A_1483] {strides = array<i32>} : memref<8x1024xf32, #tpu.memory_space<vmem>>, vector<1x16xf32>,
        %swap3A_1485 = vector.shape_cast %swap3A_1484 : vector<1x16xf32> to vector<16xf32>
        %swap3A_1486 = vector.shape_cast %get3A_1476 : vector<16xf32> to vector<1x16xf32>
        tpu.vector_store %arg8[%swap3A_1482, %swap3A_1483], %swap3A_1486 {add = true, strides = array<i32>} : memref<8x1024xf32, #tpu.memory_space<vmem>>, vector<1x16xf32>,
        %swap3A_1487 = arith.index_cast %scan3A_1438 : i32 to index
        %swap3A_1488 = arith.index_cast %mul3A_1472 : i32 to index
        %swap3A_1489 = tpu.vector_load %arg9[%swap3A_1487, %swap3A_1488] {strides = array<i32>} : memref<8x1024xf32, #tpu.memory_space<vmem>>, vector<1x16xf32>,
        %swap3A_1490 = vector.shape_cast %swap3A_1489 : vector<1x16xf32> to vector<16xf32>
        %swap3A_1491 = vector.shape_cast %get3A_1476 : vector<16xf32> to vector<1x16xf32>
        tpu.vector_store %arg9[%swap3A_1487, %swap3A_1488], %swap3A_1491 {add = true, strides = array<i32>} : memref<8x1024xf32, #tpu.memory_space<vmem>>, vector<1x16xf32>,
        %swap3A_1492 = arith.index_cast %scan3A_1438 : i32 to index
        %swap3A_1493 = arith.index_cast %mul3A_1472 : i32 to index
        %swap3A_1494 = tpu.vector_load %arg10[%swap3A_1492, %swap3A_1493] {strides = array<i32>} : memref<8x1024xf32, #tpu.memory_space<vmem>>, vector<1x16xf32>,
        %swap3A_1495 = vector.shape_cast %swap3A_1494 : vector<1x16xf32> to vector<16xf32>
        %swap3A_1496 = vector.shape_cast %get3A_1476 : vector<16xf32> to vector<1x16xf32>
        tpu.vector_store %arg10[%swap3A_1492, %swap3A_1493], %swap3A_1496 {add = true, strides = array<i32>} : memref<8x1024xf32, #tpu.memory_space<vmem>>, vector<1x16xf32>,
        %scan3A_1497 = arith.constant 2 : i32
        %scan3A_1498 = arith.addi %scan3A_1444, %scan3A_1497 : i32
        %mul3A_1499 = arith.constant 16 : i32
        %mul3A_1500 = arith.muli %scan3A_1498, %mul3A_1499 : i32
        %get3A_1501 = arith.index_cast %scan3A_1438 : i32 to index
        %get3A_1502 = arith.index_cast %mul3A_1500 : i32 to index
        %get3A_1503 = tpu.vector_load %arg5[%get3A_1501, %get3A_1502] {strides = array<i32>} : memref<8x1024xf32, #tpu.memory_space<vmem>>, vector<1x16xf32>,
        %get3A_1504 = vector.shape_cast %get3A_1503 : vector<1x16xf32> to vector<16xf32>
        %swap3A_1505 = arith.index_cast %scan3A_1438 : i32 to index
        %swap3A_1506 = arith.index_cast %mul3A_1500 : i32 to index
        %swap3A_1507 = tpu.vector_load %arg7[%swap3A_1505, %swap3A_1506] {strides = array<i32>} : memref<8x1024xf32, #tpu.memory_space<vmem>>, vector<1x16xf32>,
        %swap3A_1508 = vector.shape_cast %swap3A_1507 : vector<1x16xf32> to vector<16xf32>
        %swap3A_1509 = vector.shape_cast %get3A_1504 : vector<16xf32> to vector<1x16xf32>
        tpu.vector_store %arg7[%swap3A_1505, %swap3A_1506], %swap3A_1509 {add = true, strides = array<i32>} : memref<8x1024xf32, #tpu.memory_space<vmem>>, vector<1x16xf32>,
        %swap3A_1510 = arith.index_cast %scan3A_1438 : i32 to index
        %swap3A_1511 = arith.index_cast %mul3A_1500 : i32 to index
        %swap3A_1512 = tpu.vector_load %arg8[%swap3A_1510, %swap3A_1511] {strides = array<i32>} : memref<8x1024xf32, #tpu.memory_space<vmem>>, vector<1x16xf32>,
        %swap3A_1513 = vector.shape_cast %swap3A_1512 : vector<1x16xf32> to vector<16xf32>
        %swap3A_1514 = vector.shape_cast %get3A_1504 : vector<16xf32> to vector<1x16xf32>
        tpu.vector_store %arg8[%swap3A_1510, %swap3A_1511], %swap3A_1514 {add = true, strides = array<i32>} : memref<8x1024xf32, #tpu.memory_space<vmem>>, vector<1x16xf32>,
        %swap3A_1515 = arith.index_cast %scan3A_1438 : i32 to index
        %swap3A_1516 = arith.index_cast %mul3A_1500 : i32 to index
        %swap3A_1517 = tpu.vector_load %arg9[%swap3A_1515, %swap3A_1516] {strides = array<i32>} : memref<8x1024xf32, #tpu.memory_space<vmem>>, vector<1x16xf32>,
        %swap3A_1518 = vector.shape_cast %swap3A_1517 : vector<1x16xf32> to vector<16xf32>
        %swap3A_1519 = vector.shape_cast %get3A_1504 : vector<16xf32> to vector<1x16xf32>
        tpu.vector_store %arg9[%swap3A_1515, %swap3A_1516], %swap3A_1519 {add = true, strides = array<i32>} : memref<8x1024xf32, #tpu.memory_space<vmem>>, vector<1x16xf32>,
        %swap3A_1520 = arith.index_cast %scan3A_1438 : i32 to index
        %swap3A_1521 = arith.index_cast %mul3A_1500 : i32 to index
        %swap3A_1522 = tpu.vector_load %arg10[%swap3A_1520, %swap3A_1521] {strides = array<i32>} : memref<8x1024xf32, #tpu.memory_space<vmem>>, vector<1x16xf32>,
        %swap3A_1523 = vector.shape_cast %swap3A_1522 : vector<1x16xf32> to vector<16xf32>
        %swap3A_1524 = vector.shape_cast %get3A_1504 : vector<16xf32> to vector<1x16xf32>
        tpu.vector_store %arg10[%swap3A_1520, %swap3A_1521], %swap3A_1524 {add = true, strides = array<i32>} : memref<8x1024xf32, #tpu.memory_space<vmem>>, vector<1x16xf32>,
        %scan3A_1525 = arith.constant 3 : i32
        %scan3A_1526 = arith.addi %scan3A_1444, %scan3A_1525 : i32
        %mul3A_1527 = arith.constant 16 : i32
        %mul3A_1528 = arith.muli %scan3A_1526, %mul3A_1527 : i32
        %get3A_1529 = arith.index_cast %scan3A_1438 : i32 to index
        %get3A_1530 = arith.index_cast %mul3A_1528 : i32 to index
        %get3A_1531 = tpu.vector_load %arg5[%get3A_1529, %get3A_1530] {strides = array<i32>} : memref<8x1024xf32, #tpu.memory_space<vmem>>, vector<1x16xf32>,
        %get3A_1532 = vector.shape_cast %get3A_1531 : vector<1x16xf32> to vector<16xf32>
        %swap3A_1533 = arith.index_cast %scan3A_1438 : i32 to index
        %swap3A_1534 = arith.index_cast %mul3A_1528 : i32 to index
        %swap3A_1535 = tpu.vector_load %arg7[%swap3A_1533, %swap3A_1534] {strides = array<i32>} : memref<8x1024xf32, #tpu.memory_space<vmem>>, vector<1x16xf32>,
        %swap3A_1536 = vector.shape_cast %swap3A_1535 : vector<1x16xf32> to vector<16xf32>
        %swap3A_1537 = vector.shape_cast %get3A_1532 : vector<16xf32> to vector<1x16xf32>
        tpu.vector_store %arg7[%swap3A_1533, %swap3A_1534], %swap3A_1537 {add = true, strides = array<i32>} : memref<8x1024xf32, #tpu.memory_space<vmem>>, vector<1x16xf32>,
        %swap3A_1538 = arith.index_cast %scan3A_1438 : i32 to index
        %swap3A_1539 = arith.index_cast %mul3A_1528 : i32 to index
        %swap3A_1540 = tpu.vector_load %arg8[%swap3A_1538, %swap3A_1539] {strides = array<i32>} : memref<8x1024xf32, #tpu.memory_space<vmem>>, vector<1x16xf32>,
        %swap3A_1541 = vector.shape_cast %swap3A_1540 : vector<1x16xf32> to vector<16xf32>
        %swap3A_1542 = vector.shape_cast %get3A_1532 : vector<16xf32> to vector<1x16xf32>
        tpu.vector_store %arg8[%swap3A_1538, %swap3A_1539], %swap3A_1542 {add = true, strides = array<i32>} : memref<8x1024xf32, #tpu.memory_space<vmem>>, vector<1x16xf32>,
        %swap3A_1543 = arith.index_cast %scan3A_1438 : i32 to index
        %swap3A_1544 = arith.index_cast %mul3A_1528 : i32 to index
        %swap3A_1545 = tpu.vector_load %arg9[%swap3A_1543, %swap3A_1544] {strides = array<i32>} : memref<8x1024xf32, #tpu.memory_space<vmem>>, vector<1x16xf32>,
        %swap3A_1546 = vector.shape_cast %swap3A_1545 : vector<1x16xf32> to vector<16xf32>
        %swap3A_1547 = vector.shape_cast %get3A_1532 : vector<16xf32> to vector<1x16xf32>
        tpu.vector_store %arg9[%swap3A_1543, %swap3A_1544], %swap3A_1547 {add = true, strides = array<i32>} : memref<8x1024xf32, #tpu.memory_space<vmem>>, vector<1x16xf32>,
        %swap3A_1548 = arith.index_cast %scan3A_1438 : i32 to index
        %swap3A_1549 = arith.index_cast %mul3A_1528 : i32 to index
        %swap3A_1550 = tpu.vector_load %arg10[%swap3A_1548, %swap3A_1549] {strides = array<i32>} : memref<8x1024xf32, #tpu.memory_space<vmem>>, vector<1x16xf32>,
        %swap3A_1551 = vector.shape_cast %swap3A_1550 : vector<1x16xf32> to vector<16xf32>
        %swap3A_1552 = vector.shape_cast %get3A_1532 : vector<16xf32> to vector<1x16xf32>
        tpu.vector_store %arg10[%swap3A_1548, %swap3A_1549], %swap3A_1552 {add = true, strides = array<i32>} : memref<8x1024xf32, #tpu.memory_space<vmem>>, vector<1x16xf32>,
        %scan3A_1553 = arith.constant 4 : i32
        %scan3A_1554 = arith.addi %scan3A_1444, %scan3A_1553 : i32
        %mul3A_1555 = arith.constant 16 : i32
        %mul3A_1556 = arith.muli %scan3A_1554, %mul3A_1555 : i32
        %get3A_1557 = arith.index_cast %scan3A_1438 : i32 to index
        %get3A_1558 = arith.index_cast %mul3A_1556 : i32 to index
        %get3A_1559 = tpu.vector_load %arg5[%get3A_1557, %get3A_1558] {strides = array<i32>} : memref<8x1024xf32, #tpu.memory_space<vmem>>, vector<1x16xf32>,
        %get3A_1560 = vector.shape_cast %get3A_1559 : vector<1x16xf32> to vector<16xf32>
        %swap3A_1561 = arith.index_cast %scan3A_1438 : i32 to index
        %swap3A_1562 = arith.index_cast %mul3A_1556 : i32 to index
        %swap3A_1563 = tpu.vector_load %arg7[%swap3A_1561, %swap3A_1562] {strides = array<i32>} : memref<8x1024xf32, #tpu.memory_space<vmem>>, vector<1x16xf32>,
        %swap3A_1564 = vector.shape_cast %swap3A_1563 : vector<1x16xf32> to vector<16xf32>
        %swap3A_1565 = vector.shape_cast %get3A_1560 : vector<16xf32> to vector<1x16xf32>
        tpu.vector_store %arg7[%swap3A_1561, %swap3A_1562], %swap3A_1565 {add = true, strides = array<i32>} : memref<8x1024xf32, #tpu.memory_space<vmem>>, vector<1x16xf32>,
        %swap3A_1566 = arith.index_cast %scan3A_1438 : i32 to index
        %swap3A_1567 = arith.index_cast %mul3A_1556 : i32 to index
        %swap3A_1568 = tpu.vector_load %arg8[%swap3A_1566, %swap3A_1567] {strides = array<i32>} : memref<8x1024xf32, #tpu.memory_space<vmem>>, vector<1x16xf32>,
        %swap3A_1569 = vector.shape_cast %swap3A_1568 : vector<1x16xf32> to vector<16xf32>
        %swap3A_1570 = vector.shape_cast %get3A_1560 : vector<16xf32> to vector<1x16xf32>
        tpu.vector_store %arg8[%swap3A_1566, %swap3A_1567], %swap3A_1570 {add = true, strides = array<i32>} : memref<8x1024xf32, #tpu.memory_space<vmem>>, vector<1x16xf32>,
        %swap3A_1571 = arith.index_cast %scan3A_1438 : i32 to index
        %swap3A_1572 = arith.index_cast %mul3A_1556 : i32 to index
        %swap3A_1573 = tpu.vector_load %arg9[%swap3A_1571, %swap3A_1572] {strides = array<i32>} : memref<8x1024xf32, #tpu.memory_space<vmem>>, vector<1x16xf32>,
        %swap3A_1574 = vector.shape_cast %swap3A_1573 : vector<1x16xf32> to vector<16xf32>
        %swap3A_1575 = vector.shape_cast %get3A_1560 : vector<16xf32> to vector<1x16xf32>
        tpu.vector_store %arg9[%swap3A_1571, %swap3A_1572], %swap3A_1575 {add = true, strides = array<i32>} : memref<8x1024xf32, #tpu.memory_space<vmem>>, vector<1x16xf32>,
        %swap3A_1576 = arith.index_cast %scan3A_1438 : i32 to index
        %swap3A_1577 = arith.index_cast %mul3A_1556 : i32 to index
        %swap3A_1578 = tpu.vector_load %arg10[%swap3A_1576, %swap3A_1577] {strides = array<i32>} : memref<8x1024xf32, #tpu.memory_space<vmem>>, vector<1x16xf32>,
        %swap3A_1579 = vector.shape_cast %swap3A_1578 : vector<1x16xf32> to vector<16xf32>
        %swap3A_1580 = vector.shape_cast %get3A_1560 : vector<16xf32> to vector<1x16xf32>
        tpu.vector_store %arg10[%swap3A_1576, %swap3A_1577], %swap3A_1580 {add = true, strides = array<i32>} : memref<8x1024xf32, #tpu.memory_space<vmem>>, vector<1x16xf32>,
        %scan3A_1581 = arith.constant 5 : i32
        %scan3A_1582 = arith.addi %scan3A_1444, %scan3A_1581 : i32
        %mul3A_1583 = arith.constant 16 : i32
        %mul3A_1584 = arith.muli %scan3A_1582, %mul3A_1583 : i32
        %get3A_1585 = arith.index_cast %scan3A_1438 : i32 to index
        %get3A_1586 = arith.index_cast %mul3A_1584 : i32 to index
        %get3A_1587 = tpu.vector_load %arg5[%get3A_1585, %get3A_1586] {strides = array<i32>} : memref<8x1024xf32, #tpu.memory_space<vmem>>, vector<1x16xf32>,
        %get3A_1588 = vector.shape_cast %get3A_1587 : vector<1x16xf32> to vector<16xf32>
        %swap3A_1589 = arith.index_cast %scan3A_1438 : i32 to index
        %swap3A_1590 = arith.index_cast %mul3A_1584 : i32 to index
        %swap3A_1591 = tpu.vector_load %arg7[%swap3A_1589, %swap3A_1590] {strides = array<i32>} : memref<8x1024xf32, #tpu.memory_space<vmem>>, vector<1x16xf32>,
        %swap3A_1592 = vector.shape_cast %swap3A_1591 : vector<1x16xf32> to vector<16xf32>
        %swap3A_1593 = vector.shape_cast %get3A_1588 : vector<16xf32> to vector<1x16xf32>
        tpu.vector_store %arg7[%swap3A_1589, %swap3A_1590], %swap3A_1593 {add = true, strides = array<i32>} : memref<8x1024xf32, #tpu.memory_space<vmem>>, vector<1x16xf32>,
        %swap3A_1594 = arith.index_cast %scan3A_1438 : i32 to index
        %swap3A_1595 = arith.index_cast %mul3A_1584 : i32 to index
        %swap3A_1596 = tpu.vector_load %arg8[%swap3A_1594, %swap3A_1595] {strides = array<i32>} : memref<8x1024xf32, #tpu.memory_space<vmem>>, vector<1x16xf32>,
        %swap3A_1597 = vector.shape_cast %swap3A_1596 : vector<1x16xf32> to vector<16xf32>
        %swap3A_1598 = vector.shape_cast %get3A_1588 : vector<16xf32> to vector<1x16xf32>
        tpu.vector_store %arg8[%swap3A_1594, %swap3A_1595], %swap3A_1598 {add = true, strides = array<i32>} : memref<8x1024xf32, #tpu.memory_space<vmem>>, vector<1x16xf32>,
        %swap3A_1599 = arith.index_cast %scan3A_1438 : i32 to index
        %swap3A_1600 = arith.index_cast %mul3A_1584 : i32 to index
        %swap3A_1601 = tpu.vector_load %arg9[%swap3A_1599, %swap3A_1600] {strides = array<i32>} : memref<8x1024xf32, #tpu.memory_space<vmem>>, vector<1x16xf32>,
        %swap3A_1602 = vector.shape_cast %swap3A_1601 : vector<1x16xf32> to vector<16xf32>
        %swap3A_1603 = vector.shape_cast %get3A_1588 : vector<16xf32> to vector<1x16xf32>
        tpu.vector_store %arg9[%swap3A_1599, %swap3A_1600], %swap3A_1603 {add = true, strides = array<i32>} : memref<8x1024xf32, #tpu.memory_space<vmem>>, vector<1x16xf32>,
        %swap3A_1604 = arith.index_cast %scan3A_1438 : i32 to index
        %swap3A_1605 = arith.index_cast %mul3A_1584 : i32 to index
        %swap3A_1606 = tpu.vector_load %arg10[%swap3A_1604, %swap3A_1605] {strides = array<i32>} : memref<8x1024xf32, #tpu.memory_space<vmem>>, vector<1x16xf32>,
        %swap3A_1607 = vector.shape_cast %swap3A_1606 : vector<1x16xf32> to vector<16xf32>
        %swap3A_1608 = vector.shape_cast %get3A_1588 : vector<16xf32> to vector<1x16xf32>
        tpu.vector_store %arg10[%swap3A_1604, %swap3A_1605], %swap3A_1608 {add = true, strides = array<i32>} : memref<8x1024xf32, #tpu.memory_space<vmem>>, vector<1x16xf32>,
        %scan3A_1609 = arith.constant 6 : i32
        %scan3A_1610 = arith.addi %scan3A_1444, %scan3A_1609 : i32
        %mul3A_1611 = arith.constant 16 : i32
        %mul3A_1612 = arith.muli %scan3A_1610, %mul3A_1611 : i32
        %get3A_1613 = arith.index_cast %scan3A_1438 : i32 to index
        %get3A_1614 = arith.index_cast %mul3A_1612 : i32 to index
        %get3A_1615 = tpu.vector_load %arg5[%get3A_1613, %get3A_1614] {strides = array<i32>} : memref<8x1024xf32, #tpu.memory_space<vmem>>, vector<1x16xf32>,
        %get3A_1616 = vector.shape_cast %get3A_1615 : vector<1x16xf32> to vector<16xf32>
        %swap3A_1617 = arith.index_cast %scan3A_1438 : i32 to index
        %swap3A_1618 = arith.index_cast %mul3A_1612 : i32 to index
        %swap3A_1619 = tpu.vector_load %arg7[%swap3A_1617, %swap3A_1618] {strides = array<i32>} : memref<8x1024xf32, #tpu.memory_space<vmem>>, vector<1x16xf32>,
        %swap3A_1620 = vector.shape_cast %swap3A_1619 : vector<1x16xf32> to vector<16xf32>
        %swap3A_1621 = vector.shape_cast %get3A_1616 : vector<16xf32> to vector<1x16xf32>
        tpu.vector_store %arg7[%swap3A_1617, %swap3A_1618], %swap3A_1621 {add = true, strides = array<i32>} : memref<8x1024xf32, #tpu.memory_space<vmem>>, vector<1x16xf32>,
        %swap3A_1622 = arith.index_cast %scan3A_1438 : i32 to index
        %swap3A_1623 = arith.index_cast %mul3A_1612 : i32 to index
        %swap3A_1624 = tpu.vector_load %arg8[%swap3A_1622, %swap3A_1623] {strides = array<i32>} : memref<8x1024xf32, #tpu.memory_space<vmem>>, vector<1x16xf32>,
        %swap3A_1625 = vector.shape_cast %swap3A_1624 : vector<1x16xf32> to vector<16xf32>
        %swap3A_1626 = vector.shape_cast %get3A_1616 : vector<16xf32> to vector<1x16xf32>
        tpu.vector_store %arg8[%swap3A_1622, %swap3A_1623], %swap3A_1626 {add = true, strides = array<i32>} : memref<8x1024xf32, #tpu.memory_space<vmem>>, vector<1x16xf32>,
        %swap3A_1627 = arith.index_cast %scan3A_1438 : i32 to index
        %swap3A_1628 = arith.index_cast %mul3A_1612 : i32 to index
        %swap3A_1629 = tpu.vector_load %arg9[%swap3A_1627, %swap3A_1628] {strides = array<i32>} : memref<8x1024xf32, #tpu.memory_space<vmem>>, vector<1x16xf32>,
        %swap3A_1630 = vector.shape_cast %swap3A_1629 : vector<1x16xf32> to vector<16xf32>
        %swap3A_1631 = vector.shape_cast %get3A_1616 : vector<16xf32> to vector<1x16xf32>
        tpu.vector_store %arg9[%swap3A_1627, %swap3A_1628], %swap3A_1631 {add = true, strides = array<i32>} : memref<8x1024xf32, #tpu.memory_space<vmem>>, vector<1x16xf32>,
        %swap3A_1632 = arith.index_cast %scan3A_1438 : i32 to index
        %swap3A_1633 = arith.index_cast %mul3A_1612 : i32 to index
        %swap3A_1634 = tpu.vector_load %arg10[%swap3A_1632, %swap3A_1633] {strides = array<i32>} : memref<8x1024xf32, #tpu.memory_space<vmem>>, vector<1x16xf32>,
        %swap3A_1635 = vector.shape_cast %swap3A_1634 : vector<1x16xf32> to vector<16xf32>
        %swap3A_1636 = vector.shape_cast %get3A_1616 : vector<16xf32> to vector<1x16xf32>
        tpu.vector_store %arg10[%swap3A_1632, %swap3A_1633], %swap3A_1636 {add = true, strides = array<i32>} : memref<8x1024xf32, #tpu.memory_space<vmem>>, vector<1x16xf32>,
        %scan3A_1637 = arith.constant 7 : i32
        %scan3A_1638 = arith.addi %scan3A_1444, %scan3A_1637 : i32
        %mul3A_1639 = arith.constant 16 : i32
        %mul3A_1640 = arith.muli %scan3A_1638, %mul3A_1639 : i32
        %get3A_1641 = arith.index_cast %scan3A_1438 : i32 to index
        %get3A_1642 = arith.index_cast %mul3A_1640 : i32 to index
        %get3A_1643 = tpu.vector_load %arg5[%get3A_1641, %get3A_1642] {strides = array<i32>} : memref<8x1024xf32, #tpu.memory_space<vmem>>, vector<1x16xf32>,
        %get3A_1644 = vector.shape_cast %get3A_1643 : vector<1x16xf32> to vector<16xf32>
        %swap3A_1645 = arith.index_cast %scan3A_1438 : i32 to index
        %swap3A_1646 = arith.index_cast %mul3A_1640 : i32 to index
        %swap3A_1647 = tpu.vector_load %arg7[%swap3A_1645, %swap3A_1646] {strides = array<i32>} : memref<8x1024xf32, #tpu.memory_space<vmem>>, vector<1x16xf32>,
        %swap3A_1648 = vector.shape_cast %swap3A_1647 : vector<1x16xf32> to vector<16xf32>
        %swap3A_1649 = vector.shape_cast %get3A_1644 : vector<16xf32> to vector<1x16xf32>
        tpu.vector_store %arg7[%swap3A_1645, %swap3A_1646], %swap3A_1649 {add = true, strides = array<i32>} : memref<8x1024xf32, #tpu.memory_space<vmem>>, vector<1x16xf32>,
        %swap3A_1650 = arith.index_cast %scan3A_1438 : i32 to index
        %swap3A_1651 = arith.index_cast %mul3A_1640 : i32 to index
        %swap3A_1652 = tpu.vector_load %arg8[%swap3A_1650, %swap3A_1651] {strides = array<i32>} : memref<8x1024xf32, #tpu.memory_space<vmem>>, vector<1x16xf32>,
        %swap3A_1653 = vector.shape_cast %swap3A_1652 : vector<1x16xf32> to vector<16xf32>
        %swap3A_1654 = vector.shape_cast %get3A_1644 : vector<16xf32> to vector<1x16xf32>
        tpu.vector_store %arg8[%swap3A_1650, %swap3A_1651], %swap3A_1654 {add = true, strides = array<i32>} : memref<8x1024xf32, #tpu.memory_space<vmem>>, vector<1x16xf32>,
        %swap3A_1655 = arith.index_cast %scan3A_1438 : i32 to index
        %swap3A_1656 = arith.index_cast %mul3A_1640 : i32 to index
        %swap3A_1657 = tpu.vector_load %arg9[%swap3A_1655, %swap3A_1656] {strides = array<i32>} : memref<8x1024xf32, #tpu.memory_space<vmem>>, vector<1x16xf32>,
        %swap3A_1658 = vector.shape_cast %swap3A_1657 : vector<1x16xf32> to vector<16xf32>
        %swap3A_1659 = vector.shape_cast %get3A_1644 : vector<16xf32> to vector<1x16xf32>
        tpu.vector_store %arg9[%swap3A_1655, %swap3A_1656], %swap3A_1659 {add = true, strides = array<i32>} : memref<8x1024xf32, #tpu.memory_space<vmem>>, vector<1x16xf32>,
        %swap3A_1660 = arith.index_cast %scan3A_1438 : i32 to index
        %swap3A_1661 = arith.index_cast %mul3A_1640 : i32 to index
        %swap3A_1662 = tpu.vector_load %arg10[%swap3A_1660, %swap3A_1661] {strides = array<i32>} : memref<8x1024xf32, #tpu.memory_space<vmem>>, vector<1x16xf32>,
        %swap3A_1663 = vector.shape_cast %swap3A_1662 : vector<1x16xf32> to vector<16xf32>
        %swap3A_1664 = vector.shape_cast %get3A_1644 : vector<16xf32> to vector<1x16xf32>
        tpu.vector_store %arg10[%swap3A_1660, %swap3A_1661], %swap3A_1664 {add = true, strides = array<i32>} : memref<8x1024xf32, #tpu.memory_space<vmem>>, vector<1x16xf32>,
      }
      %scan3A_1443 = arith.constant 64 : i32
    }
    %scan3A_149 = arith.constant 8 : i32
    %mul3A_150 = arith.constant 64 : i32
    %mul3A_151 = arith.muli %add3A, %mul3A_150 : i32
    %add3A_152 = arith.constant 0 : i32
    %add3A_153 = arith.addi %mul3A_151, %add3A_152 : i32
    %dma_start3A_154 = arith.constant 0 : i32
    %dma_start3A_155 = arith.constant 0 : i32
    %dma_start3A_156 = tpu.memref_slice %arg4[%dma_start3A_154, %add3A_153, %dma_start3A_155] : memref<4x4096x1024xf32, #tpu.memory_space<hbm>> -> memref<1x8x1024xf32, #tpu.memory_space<hbm>>
    %dma_start3A_157 = tpu.memref_squeeze %dma_start3A_156 : memref<1x8x1024xf32, #tpu.memory_space<hbm>> -> memref<8x1024xf32, #tpu.memory_space<hbm>>
    %dma_start3A_158 = arith.constant 0 : i32
    %dma_start3A_159 = tpu.memref_slice %arg4[%dma_start3A_154, %add3A_153, %dma_start3A_158] : memref<4x4096x1024xf32, #tpu.memory_space<hbm>> -> memref<1x8x1024xf32, #tpu.memory_space<hbm>>
    %dma_start3A_160 = tpu.memref_squeeze %dma_start3A_159 : memref<1x8x1024xf32, #tpu.memory_space<hbm>> -> memref<8x1024xf32, #tpu.memory_space<hbm>>
    tpu.enqueue_dma source(%arg7 : memref<8x1024xf32, #tpu.memory_space<vmem>>) target(%dma_start3A_160 : memref<8x1024xf32, #tpu.memory_space<hbm>>) target_semaphore(%arg17 : memref<!tpu.dma_semaphore, #tpu.memory_space<semaphore_mem>>)
    %mul3A_161 = arith.constant 64 : i32
    %mul3A_162 = arith.muli %add3A, %mul3A_161 : i32
    %add3A_163 = arith.constant 0 : i32
    %add3A_164 = arith.addi %mul3A_162, %add3A_163 : i32
    %dma_start3A_165 = arith.constant 1 : i32
    %dma_start3A_166 = arith.constant 0 : i32
    %dma_start3A_167 = tpu.memref_slice %arg4[%dma_start3A_165, %add3A_164, %dma_start3A_166] : memref<4x4096x1024xf32, #tpu.memory_space<hbm>> -> memref<1x8x1024xf32, #tpu.memory_space<hbm>>
    %dma_start3A_168 = tpu.memref_squeeze %dma_start3A_167 : memref<1x8x1024xf32, #tpu.memory_space<hbm>> -> memref<8x1024xf32, #tpu.memory_space<hbm>>
    %dma_start3A_169 = arith.constant 0 : i32
    %dma_start3A_170 = tpu.memref_slice %arg4[%dma_start3A_165, %add3A_164, %dma_start3A_169] : memref<4x4096x1024xf32, #tpu.memory_space<hbm>> -> memref<1x8x1024xf32, #tpu.memory_space<hbm>>
    %dma_start3A_171 = tpu.memref_squeeze %dma_start3A_170 : memref<1x8x1024xf32, #tpu.memory_space<hbm>> -> memref<8x1024xf32, #tpu.memory_space<hbm>>
    tpu.enqueue_dma source(%arg8 : memref<8x1024xf32, #tpu.memory_space<vmem>>) target(%dma_start3A_171 : memref<8x1024xf32, #tpu.memory_space<hbm>>) target_semaphore(%arg17 : memref<!tpu.dma_semaphore, #tpu.memory_space<semaphore_mem>>)
    %mul3A_172 = arith.constant 64 : i32
    %mul3A_173 = arith.muli %add3A, %mul3A_172 : i32
    %add3A_174 = arith.constant 0 : i32
    %add3A_175 = arith.addi %mul3A_173, %add3A_174 : i32
    %dma_start3A_176 = arith.constant 2 : i32
    %dma_start3A_177 = arith.constant 0 : i32
    %dma_start3A_178 = tpu.memref_slice %arg4[%dma_start3A_176, %add3A_175, %dma_start3A_177] : memref<4x4096x1024xf32, #tpu.memory_space<hbm>> -> memref<1x8x1024xf32, #tpu.memory_space<hbm>>
    %dma_start3A_179 = tpu.memref_squeeze %dma_start3A_178 : memref<1x8x1024xf32, #tpu.memory_space<hbm>> -> memref<8x1024xf32, #tpu.memory_space<hbm>>
    %dma_start3A_180 = arith.constant 0 : i32
    %dma_start3A_181 = tpu.memref_slice %arg4[%dma_start3A_176, %add3A_175, %dma_start3A_180] : memref<4x4096x1024xf32, #tpu.memory_space<hbm>> -> memref<1x8x1024xf32, #tpu.memory_space<hbm>>
    %dma_start3A_182 = tpu.memref_squeeze %dma_start3A_181 : memref<1x8x1024xf32, #tpu.memory_space<hbm>> -> memref<8x1024xf32, #tpu.memory_space<hbm>>
    tpu.enqueue_dma source(%arg9 : memref<8x1024xf32, #tpu.memory_space<vmem>>) target(%dma_start3A_182 : memref<8x1024xf32, #tpu.memory_space<hbm>>) target_semaphore(%arg17 : memref<!tpu.dma_semaphore, #tpu.memory_space<semaphore_mem>>)
    %mul3A_183 = arith.constant 64 : i32
    %mul3A_184 = arith.muli %add3A, %mul3A_183 : i32
    %add3A_185 = arith.constant 0 : i32
    %add3A_186 = arith.addi %mul3A_184, %add3A_185 : i32
    %dma_start3A_187 = arith.constant 3 : i32
    %dma_start3A_188 = arith.constant 0 : i32
    %dma_start3A_189 = tpu.memref_slice %arg4[%dma_start3A_187, %add3A_186, %dma_start3A_188] : memref<4x4096x1024xf32, #tpu.memory_space<hbm>> -> memref<1x8x1024xf32, #tpu.memory_space<hbm>>
    %dma_start3A_190 = tpu.memref_squeeze %dma_start3A_189 : memref<1x8x1024xf32, #tpu.memory_space<hbm>> -> memref<8x1024xf32, #tpu.memory_space<hbm>>
    %dma_start3A_191 = arith.constant 0 : i32
    %dma_start3A_192 = tpu.memref_slice %arg4[%dma_start3A_187, %add3A_186, %dma_start3A_191] : memref<4x4096x1024xf32, #tpu.memory_space<hbm>> -> memref<1x8x1024xf32, #tpu.memory_space<hbm>>
    %dma_start3A_193 = tpu.memref_squeeze %dma_start3A_192 : memref<1x8x1024xf32, #tpu.memory_space<hbm>> -> memref<8x1024xf32, #tpu.memory_space<hbm>>
    tpu.enqueue_dma source(%arg10 : memref<8x1024xf32, #tpu.memory_space<vmem>>) target(%dma_start3A_193 : memref<8x1024xf32, #tpu.memory_space<hbm>>) target_semaphore(%arg17 : memref<!tpu.dma_semaphore, #tpu.memory_space<semaphore_mem>>)
    %dma_wait3A_194 = arith.constant 0 : i32
    %dma_wait3A_195 = arith.constant 0 : i32
    %dma_wait3A_196 = arith.constant 0 : i32
    %dma_wait3A_197 = tpu.memref_slice %arg4[%dma_wait3A_194, %dma_wait3A_195, %dma_wait3A_196] : memref<4x4096x1024xf32, #tpu.memory_space<hbm>> -> memref<1x8x1024xf32, #tpu.memory_space<hbm>>
    %dma_wait3A_198 = tpu.memref_squeeze %dma_wait3A_197 : memref<1x8x1024xf32, #tpu.memory_space<hbm>> -> memref<8x1024xf32, #tpu.memory_space<hbm>>
    %dma_wait3A_199 = arith.constant 0 : i32
    %dma_wait3A_200 = arith.constant 0 : i32
    %dma_wait3A_201 = tpu.memref_slice %arg4[%dma_wait3A_194, %dma_wait3A_199, %dma_wait3A_200] : memref<4x4096x1024xf32, #tpu.memory_space<hbm>> -> memref<1x8x1024xf32, #tpu.memory_space<hbm>>
    %dma_wait3A_202 = tpu.memref_squeeze %dma_wait3A_201 : memref<1x8x1024xf32, #tpu.memory_space<hbm>> -> memref<8x1024xf32, #tpu.memory_space<hbm>>
    tpu.wait_dma2 semaphore(%arg17 : memref<!tpu.dma_semaphore, #tpu.memory_space<semaphore_mem>>) src(%arg7 : memref<8x1024xf32, #tpu.memory_space<vmem>>) dst(%dma_wait3A_202 : memref<8x1024xf32, #tpu.memory_space<hbm>>)
    %dma_wait3A_203 = arith.constant 0 : i32
    %dma_wait3A_204 = arith.constant 0 : i32
    %dma_wait3A_205 = arith.constant 0 : i32
    %dma_wait3A_206 = tpu.memref_slice %arg4[%dma_wait3A_203, %dma_wait3A_204, %dma_wait3A_205] : memref<4x4096x1024xf32, #tpu.memory_space<hbm>> -> memref<1x8x1024xf32, #tpu.memory_space<hbm>>
    %dma_wait3A_207 = tpu.memref_squeeze %dma_wait3A_206 : memref<1x8x1024xf32, #tpu.memory_space<hbm>> -> memref<8x1024xf32, #tpu.memory_space<hbm>>
    %dma_wait3A_208 = arith.constant 0 : i32
    %dma_wait3A_209 = arith.constant 0 : i32
    %dma_wait3A_210 = tpu.memref_slice %arg4[%dma_wait3A_203, %dma_wait3A_208, %dma_wait3A_209] : memref<4x4096x1024xf32, #tpu.memory_space<hbm>> -> memref<1x8x1024xf32, #tpu.memory_space<hbm>>
    %dma_wait3A_211 = tpu.memref_squeeze %dma_wait3A_210 : memref<1x8x1024xf32, #tpu.memory_space<hbm>> -> memref<8x1024xf32, #tpu.memory_space<hbm>>
    tpu.wait_dma2 semaphore(%arg17 : memref<!tpu.dma_semaphore, #tpu.memory_space<semaphore_mem>>) src(%arg8 : memref<8x1024xf32, #tpu.memory_space<vmem>>) dst(%dma_wait3A_211 : memref<8x1024xf32, #tpu.memory_space<hbm>>)
    %dma_wait3A_212 = arith.constant 0 : i32
    %dma_wait3A_213 = arith.constant 0 : i32
    %dma_wait3A_214 = arith.constant 0 : i32
    %dma_wait3A_215 = tpu.memref_slice %arg4[%dma_wait3A_212, %dma_wait3A_213, %dma_wait3A_214] : memref<4x4096x1024xf32, #tpu.memory_space<hbm>> -> memref<1x8x1024xf32, #tpu.memory_space<hbm>>
    %dma_wait3A_216 = tpu.memref_squeeze %dma_wait3A_215 : memref<1x8x1024xf32, #tpu.memory_space<hbm>> -> memref<8x1024xf32, #tpu.memory_space<hbm>>
    %dma_wait3A_217 = arith.constant 0 : i32
    %dma_wait3A_218 = arith.constant 0 : i32
    %dma_wait3A_219 = tpu.memref_slice %arg4[%dma_wait3A_212, %dma_wait3A_217, %dma_wait3A_218] : memref<4x4096x1024xf32, #tpu.memory_space<hbm>> -> memref<1x8x1024xf32, #tpu.memory_space<hbm>>
    %dma_wait3A_220 = tpu.memref_squeeze %dma_wait3A_219 : memref<1x8x1024xf32, #tpu.memory_space<hbm>> -> memref<8x1024xf32, #tpu.memory_space<hbm>>
    tpu.wait_dma2 semaphore(%arg17 : memref<!tpu.dma_semaphore, #tpu.memory_space<semaphore_mem>>) src(%arg9 : memref<8x1024xf32, #tpu.memory_space<vmem>>) dst(%dma_wait3A_220 : memref<8x1024xf32, #tpu.memory_space<hbm>>)
    %dma_wait3A_221 = arith.constant 0 : i32
    %dma_wait3A_222 = arith.constant 0 : i32
    %dma_wait3A_223 = arith.constant 0 : i32
    %dma_wait3A_224 = tpu.memref_slice %arg4[%dma_wait3A_221, %dma_wait3A_222, %dma_wait3A_223] : memref<4x4096x1024xf32, #tpu.memory_space<hbm>> -> memref<1x8x1024xf32, #tpu.memory_space<hbm>>
    %dma_wait3A_225 = tpu.memref_squeeze %dma_wait3A_224 : memref<1x8x1024xf32, #tpu.memory_space<hbm>> -> memref<8x1024xf32, #tpu.memory_space<hbm>>
    %dma_wait3A_226 = arith.constant 0 : i32
    %dma_wait3A_227 = arith.constant 0 : i32
    %dma_wait3A_228 = tpu.memref_slice %arg4[%dma_wait3A_221, %dma_wait3A_226, %dma_wait3A_227] : memref<4x4096x1024xf32, #tpu.memory_space<hbm>> -> memref<1x8x1024xf32, #tpu.memory_space<hbm>>
    %dma_wait3A_229 = tpu.memref_squeeze %dma_wait3A_228 : memref<1x8x1024xf32, #tpu.memory_space<hbm>> -> memref<8x1024xf32, #tpu.memory_space<hbm>>
    tpu.wait_dma2 semaphore(%arg17 : memref<!tpu.dma_semaphore, #tpu.memory_space<semaphore_mem>>) src(%arg10 : memref<8x1024xf32, #tpu.memory_space<vmem>>) dst(%dma_wait3A_229 : memref<8x1024xf32, #tpu.memory_space<hbm>>)
    %mul3A_230 = arith.constant 64 : i32
    %mul3A_231 = arith.muli %add3A, %mul3A_230 : i32
    %add3A_232 = arith.constant 16 : i32
    %add3A_233 = arith.addi %mul3A_231, %add3A_232 : i32
    %dma_start3A_234 = arith.constant 0 : i32
    %dma_start3A_235 = tpu.memref_slice %arg3[%add3A_233, %dma_start3A_234] : memref<4096x1024xf32, #tpu.memory_space<hbm>> -> memref<8x1024xf32, #tpu.memory_space<hbm>>
    %dma_start3A_236 = arith.constant 0 : i32
    %dma_start3A_237 = tpu.memref_slice %arg3[%add3A_233, %dma_start3A_236] : memref<4096x1024xf32, #tpu.memory_space<hbm>> -> memref<8x1024xf32, #tpu.memory_space<hbm>>
    tpu.enqueue_dma source(%dma_start3A_237 : memref<8x1024xf32, #tpu.memory_space<hbm>>) target(%arg5 : memref<8x1024xf32, #tpu.memory_space<vmem>>) target_semaphore(%arg15 : memref<!tpu.dma_semaphore, #tpu.memory_space<semaphore_mem>>)
    %mul3A_238 = arith.constant 64 : i32
    %mul3A_239 = arith.muli %add3A, %mul3A_238 : i32
    %add3A_240 = arith.constant 16 : i32
    %add3A_241 = arith.addi %mul3A_239, %add3A_240 : i32
    %dma_start3A_242 = arith.constant 0 : i32
    %dma_start3A_243 = arith.constant 0 : i32
    %dma_start3A_244 = tpu.memref_slice %arg2[%dma_start3A_242, %add3A_241, %dma_start3A_243] : memref<4x4096x1024xf32, #tpu.memory_space<hbm>> -> memref<1x8x1024xf32, #tpu.memory_space<hbm>>
    %dma_start3A_245 = tpu.memref_squeeze %dma_start3A_244 : memref<1x8x1024xf32, #tpu.memory_space<hbm>> -> memref<8x1024xf32, #tpu.memory_space<hbm>>
    %dma_start3A_246 = arith.constant 0 : i32
    %dma_start3A_247 = tpu.memref_slice %arg2[%dma_start3A_242, %add3A_241, %dma_start3A_246] : memref<4x4096x1024xf32, #tpu.memory_space<hbm>> -> memref<1x8x1024xf32, #tpu.memory_space<hbm>>
    %dma_start3A_248 = tpu.memref_squeeze %dma_start3A_247 : memref<1x8x1024xf32, #tpu.memory_space<hbm>> -> memref<8x1024xf32, #tpu.memory_space<hbm>>
    tpu.enqueue_dma source(%dma_start3A_248 : memref<8x1024xf32, #tpu.memory_space<hbm>>) target(%arg7 : memref<8x1024xf32, #tpu.memory_space<vmem>>) target_semaphore(%arg15 : memref<!tpu.dma_semaphore, #tpu.memory_space<semaphore_mem>>)
    %mul3A_249 = arith.constant 64 : i32
    %mul3A_250 = arith.muli %add3A, %mul3A_249 : i32
    %add3A_251 = arith.constant 16 : i32
    %add3A_252 = arith.addi %mul3A_250, %add3A_251 : i32
    %dma_start3A_253 = arith.constant 1 : i32
    %dma_start3A_254 = arith.constant 0 : i32
    %dma_start3A_255 = tpu.memref_slice %arg2[%dma_start3A_253, %add3A_252, %dma_start3A_254] : memref<4x4096x1024xf32, #tpu.memory_space<hbm>> -> memref<1x8x1024xf32, #tpu.memory_space<hbm>>
    %dma_start3A_256 = tpu.memref_squeeze %dma_start3A_255 : memref<1x8x1024xf32, #tpu.memory_space<hbm>> -> memref<8x1024xf32, #tpu.memory_space<hbm>>
    %dma_start3A_257 = arith.constant 0 : i32
    %dma_start3A_258 = tpu.memref_slice %arg2[%dma_start3A_253, %add3A_252, %dma_start3A_257] : memref<4x4096x1024xf32, #tpu.memory_space<hbm>> -> memref<1x8x1024xf32, #tpu.memory_space<hbm>>
    %dma_start3A_259 = tpu.memref_squeeze %dma_start3A_258 : memref<1x8x1024xf32, #tpu.memory_space<hbm>> -> memref<8x1024xf32, #tpu.memory_space<hbm>>
    tpu.enqueue_dma source(%dma_start3A_259 : memref<8x1024xf32, #tpu.memory_space<hbm>>) target(%arg8 : memref<8x1024xf32, #tpu.memory_space<vmem>>) target_semaphore(%arg15 : memref<!tpu.dma_semaphore, #tpu.memory_space<semaphore_mem>>)
    %mul3A_260 = arith.constant 64 : i32
    %mul3A_261 = arith.muli %add3A, %mul3A_260 : i32
    %add3A_262 = arith.constant 16 : i32
    %add3A_263 = arith.addi %mul3A_261, %add3A_262 : i32
    %dma_start3A_264 = arith.constant 2 : i32
    %dma_start3A_265 = arith.constant 0 : i32
    %dma_start3A_266 = tpu.memref_slice %arg2[%dma_start3A_264, %add3A_263, %dma_start3A_265] : memref<4x4096x1024xf32, #tpu.memory_space<hbm>> -> memref<1x8x1024xf32, #tpu.memory_space<hbm>>
    %dma_start3A_267 = tpu.memref_squeeze %dma_start3A_266 : memref<1x8x1024xf32, #tpu.memory_space<hbm>> -> memref<8x1024xf32, #tpu.memory_space<hbm>>
    %dma_start3A_268 = arith.constant 0 : i32
    %dma_start3A_269 = tpu.memref_slice %arg2[%dma_start3A_264, %add3A_263, %dma_start3A_268] : memref<4x4096x1024xf32, #tpu.memory_space<hbm>> -> memref<1x8x1024xf32, #tpu.memory_space<hbm>>
    %dma_start3A_270 = tpu.memref_squeeze %dma_start3A_269 : memref<1x8x1024xf32, #tpu.memory_space<hbm>> -> memref<8x1024xf32, #tpu.memory_space<hbm>>
    tpu.enqueue_dma source(%dma_start3A_270 : memref<8x1024xf32, #tpu.memory_space<hbm>>) target(%arg9 : memref<8x1024xf32, #tpu.memory_space<vmem>>) target_semaphore(%arg15 : memref<!tpu.dma_semaphore, #tpu.memory_space<semaphore_mem>>)
    %mul3A_271 = arith.constant 64 : i32
    %mul3A_272 = arith.muli %add3A, %mul3A_271 : i32
    %add3A_273 = arith.constant 16 : i32
    %add3A_274 = arith.addi %mul3A_272, %add3A_273 : i32
    %dma_start3A_275 = arith.constant 3 : i32
    %dma_start3A_276 = arith.constant 0 : i32
    %dma_start3A_277 = tpu.memref_slice %arg2[%dma_start3A_275, %add3A_274, %dma_start3A_276] : memref<4x4096x1024xf32, #tpu.memory_space<hbm>> -> memref<1x8x1024xf32, #tpu.memory_space<hbm>>
    %dma_start3A_278 = tpu.memref_squeeze %dma_start3A_277 : memref<1x8x1024xf32, #tpu.memory_space<hbm>> -> memref<8x1024xf32, #tpu.memory_space<hbm>>
    %dma_start3A_279 = arith.constant 0 : i32
    %dma_start3A_280 = tpu.memref_slice %arg2[%dma_start3A_275, %add3A_274, %dma_start3A_279] : memref<4x4096x1024xf32, #tpu.memory_space<hbm>> -> memref<1x8x1024xf32, #tpu.memory_space<hbm>>
    %dma_start3A_281 = tpu.memref_squeeze %dma_start3A_280 : memref<1x8x1024xf32, #tpu.memory_space<hbm>> -> memref<8x1024xf32, #tpu.memory_space<hbm>>
    tpu.enqueue_dma source(%dma_start3A_281 : memref<8x1024xf32, #tpu.memory_space<hbm>>) target(%arg10 : memref<8x1024xf32, #tpu.memory_space<vmem>>) target_semaphore(%arg15 : memref<!tpu.dma_semaphore, #tpu.memory_space<semaphore_mem>>)
    %dma_wait3A_282 = arith.constant 0 : i32
    %dma_wait3A_283 = arith.constant 0 : i32
    %dma_wait3A_284 = tpu.memref_slice %arg3[%dma_wait3A_282, %dma_wait3A_283] : memref<4096x1024xf32, #tpu.memory_space<hbm>> -> memref<8x1024xf32, #tpu.memory_space<hbm>>
    %dma_wait3A_285 = arith.constant 0 : i32
    %dma_wait3A_286 = arith.constant 0 : i32
    %dma_wait3A_287 = tpu.memref_slice %arg3[%dma_wait3A_285, %dma_wait3A_286] : memref<4096x1024xf32, #tpu.memory_space<hbm>> -> memref<8x1024xf32, #tpu.memory_space<hbm>>
    tpu.wait_dma2 semaphore(%arg16 : memref<!tpu.dma_semaphore, #tpu.memory_space<semaphore_mem>>) src(%dma_wait3A_287 : memref<8x1024xf32, #tpu.memory_space<hbm>>) dst(%arg6 : memref<8x1024xf32, #tpu.memory_space<vmem>>)
    %dma_wait3A_288 = arith.constant 0 : i32
    %dma_wait3A_289 = arith.constant 0 : i32
    %dma_wait3A_290 = arith.constant 0 : i32
    %dma_wait3A_291 = tpu.memref_slice %arg2[%dma_wait3A_288, %dma_wait3A_289, %dma_wait3A_290] : memref<4x4096x1024xf32, #tpu.memory_space<hbm>> -> memref<1x8x1024xf32, #tpu.memory_space<hbm>>
    %dma_wait3A_292 = tpu.memref_squeeze %dma_wait3A_291 : memref<1x8x1024xf32, #tpu.memory_space<hbm>> -> memref<8x1024xf32, #tpu.memory_space<hbm>>
    %dma_wait3A_293 = arith.constant 0 : i32
    %dma_wait3A_294 = arith.constant 0 : i32
    %dma_wait3A_295 = tpu.memref_slice %arg2[%dma_wait3A_288, %dma_wait3A_293, %dma_wait3A_294] : memref<4x4096x1024xf32, #tpu.memory_space<hbm>> -> memref<1x8x1024xf32, #tpu.memory_space<hbm>>
    %dma_wait3A_296 = tpu.memref_squeeze %dma_wait3A_295 : memref<1x8x1024xf32, #tpu.memory_space<hbm>> -> memref<8x1024xf32, #tpu.memory_space<hbm>>
    tpu.wait_dma2 semaphore(%arg16 : memref<!tpu.dma_semaphore, #tpu.memory_space<semaphore_mem>>) src(%dma_wait3A_296 : memref<8x1024xf32, #tpu.memory_space<hbm>>) dst(%arg11 : memref<8x1024xf32, #tpu.memory_space<vmem>>)
    %dma_wait3A_297 = arith.constant 0 : i32
    %dma_wait3A_298 = arith.constant 0 : i32
    %dma_wait3A_299 = arith.constant 0 : i32
    %dma_wait3A_300 = tpu.memref_slice %arg2[%dma_wait3A_297, %dma_wait3A_298, %dma_wait3A_299] : memref<4x4096x1024xf32, #tpu.memory_space<hbm>> -> memref<1x8x1024xf32, #tpu.memory_space<hbm>>
    %dma_wait3A_301 = tpu.memref_squeeze %dma_wait3A_300 : memref<1x8x1024xf32, #tpu.memory_space<hbm>> -> memref<8x1024xf32, #tpu.memory_space<hbm>>
    %dma_wait3A_302 = arith.constant 0 : i32
    %dma_wait3A_303 = arith.constant 0 : i32
    %dma_wait3A_304 = tpu.memref_slice %arg2[%dma_wait3A_297, %dma_wait3A_302, %dma_wait3A_303] : memref<4x4096x1024xf32, #tpu.memory_space<hbm>> -> memref<1x8x1024xf32, #tpu.memory_space<hbm>>
    %dma_wait3A_305 = tpu.memref_squeeze %dma_wait3A_304 : memref<1x8x1024xf32, #tpu.memory_space<hbm>> -> memref<8x1024xf32, #tpu.memory_space<hbm>>
    tpu.wait_dma2 semaphore(%arg16 : memref<!tpu.dma_semaphore, #tpu.memory_space<semaphore_mem>>) src(%dma_wait3A_305 : memref<8x1024xf32, #tpu.memory_space<hbm>>) dst(%arg12 : memref<8x1024xf32, #tpu.memory_space<vmem>>)
    %dma_wait3A_306 = arith.constant 0 : i32
    %dma_wait3A_307 = arith.constant 0 : i32
    %dma_wait3A_308 = arith.constant 0 : i32
    %dma_wait3A_309 = tpu.memref_slice %arg2[%dma_wait3A_306, %dma_wait3A_307, %dma_wait3A_308] : memref<4x4096x1024xf32, #tpu.memory_space<hbm>> -> memref<1x8x1024xf32, #tpu.memory_space<hbm>>
    %dma_wait3A_310 = tpu.memref_squeeze %dma_wait3A_309 : memref<1x8x1024xf32, #tpu.memory_space<hbm>> -> memref<8x1024xf32, #tpu.memory_space<hbm>>
    %dma_wait3A_311 = arith.constant 0 : i32
    %dma_wait3A_312 = arith.constant 0 : i32
    %dma_wait3A_313 = tpu.memref_slice %arg2[%dma_wait3A_306, %dma_wait3A_311, %dma_wait3A_312] : memref<4x4096x1024xf32, #tpu.memory_space<hbm>> -> memref<1x8x1024xf32, #tpu.memory_space<hbm>>
    %dma_wait3A_314 = tpu.memref_squeeze %dma_wait3A_313 : memref<1x8x1024xf32, #tpu.memory_space<hbm>> -> memref<8x1024xf32, #tpu.memory_space<hbm>>
    tpu.wait_dma2 semaphore(%arg16 : memref<!tpu.dma_semaphore, #tpu.memory_space<semaphore_mem>>) src(%dma_wait3A_314 : memref<8x1024xf32, #tpu.memory_space<hbm>>) dst(%arg13 : memref<8x1024xf32, #tpu.memory_space<vmem>>)
    %dma_wait3A_315 = arith.constant 0 : i32
    %dma_wait3A_316 = arith.constant 0 : i32
    %dma_wait3A_317 = arith.constant 0 : i32
    %dma_wait3A_318 = tpu.memref_slice %arg2[%dma_wait3A_315, %dma_wait3A_316, %dma_wait3A_317] : memref<4x4096x1024xf32, #tpu.memory_space<hbm>> -> memref<1x8x1024xf32, #tpu.memory_space<hbm>>
    %dma_wait3A_319 = tpu.memref_squeeze %dma_wait3A_318 : memref<1x8x1024xf32, #tpu.memory_space<hbm>> -> memref<8x1024xf32, #tpu.memory_space<hbm>>
    %dma_wait3A_320 = arith.constant 0 : i32
    %dma_wait3A_321 = arith.constant 0 : i32
    %dma_wait3A_322 = tpu.memref_slice %arg2[%dma_wait3A_315, %dma_wait3A_320, %dma_wait3A_321] : memref<4x4096x1024xf32, #tpu.memory_space<hbm>> -> memref<1x8x1024xf32, #tpu.memory_space<hbm>>
    %dma_wait3A_323 = tpu.memref_squeeze %dma_wait3A_322 : memref<1x8x1024xf32, #tpu.memory_space<hbm>> -> memref<8x1024xf32, #tpu.memory_space<hbm>>
    tpu.wait_dma2 semaphore(%arg16 : memref<!tpu.dma_semaphore, #tpu.memory_space<semaphore_mem>>) src(%dma_wait3A_323 : memref<8x1024xf32, #tpu.memory_space<hbm>>) dst(%arg14 : memref<8x1024xf32, #tpu.memory_space<vmem>>)
    %scan3A_324 = arith.constant 0 : i32
    %scan3A_325 = arith.constant 0 : i32
    %scan3A_326 = arith.constant 8 : i32
    %scan3A_327 = arith.addi %scan3A_325, %scan3A_326 : i32
    %scan3A_328 = arith.constant 1 : i32
    scf.for %scan3A_1438 = %scan3A_325 to %scan3A_327 step %scan3A_328  : i32 {
      %scan3A_1439 = arith.constant 0 : i32
      %scan3A_1440 = arith.constant 64 : i32
      %scan3A_1441 = arith.addi %scan3A_1439, %scan3A_1440 : i32
      %scan3A_1442 = arith.constant 8 : i32
      scf.for %scan3A_1444 = %scan3A_1439 to %scan3A_1441 step %scan3A_1442  : i32 {
        %mul3A_1445 = arith.constant 16 : i32
        %mul3A_1446 = arith.muli %scan3A_1444, %mul3A_1445 : i32
        %get3A = arith.index_cast %scan3A_1438 : i32 to index
        %get3A_1447 = arith.index_cast %mul3A_1446 : i32 to index
        %get3A_1448 = tpu.vector_load %arg6[%get3A, %get3A_1447] {strides = array<i32>} : memref<8x1024xf32, #tpu.memory_space<vmem>>, vector<1x16xf32>,
        %get3A_1449 = vector.shape_cast %get3A_1448 : vector<1x16xf32> to vector<16xf32>
        %swap3A = arith.index_cast %scan3A_1438 : i32 to index
        %swap3A_1450 = arith.index_cast %mul3A_1446 : i32 to index
        %swap3A_1451 = tpu.vector_load %arg11[%swap3A, %swap3A_1450] {strides = array<i32>} : memref<8x1024xf32, #tpu.memory_space<vmem>>, vector<1x16xf32>,
        %swap3A_1452 = vector.shape_cast %swap3A_1451 : vector<1x16xf32> to vector<16xf32>
        %swap3A_1453 = vector.shape_cast %get3A_1449 : vector<16xf32> to vector<1x16xf32>
        tpu.vector_store %arg11[%swap3A, %swap3A_1450], %swap3A_1453 {add = true, strides = array<i32>} : memref<8x1024xf32, #tpu.memory_space<vmem>>, vector<1x16xf32>,
        %swap3A_1454 = arith.index_cast %scan3A_1438 : i32 to index
        %swap3A_1455 = arith.index_cast %mul3A_1446 : i32 to index
        %swap3A_1456 = tpu.vector_load %arg12[%swap3A_1454, %swap3A_1455] {strides = array<i32>} : memref<8x1024xf32, #tpu.memory_space<vmem>>, vector<1x16xf32>,
        %swap3A_1457 = vector.shape_cast %swap3A_1456 : vector<1x16xf32> to vector<16xf32>
        %swap3A_1458 = vector.shape_cast %get3A_1449 : vector<16xf32> to vector<1x16xf32>
        tpu.vector_store %arg12[%swap3A_1454, %swap3A_1455], %swap3A_1458 {add = true, strides = array<i32>} : memref<8x1024xf32, #tpu.memory_space<vmem>>, vector<1x16xf32>,
        %swap3A_1459 = arith.index_cast %scan3A_1438 : i32 to index
        %swap3A_1460 = arith.index_cast %mul3A_1446 : i32 to index
        %swap3A_1461 = tpu.vector_load %arg13[%swap3A_1459, %swap3A_1460] {strides = array<i32>} : memref<8x1024xf32, #tpu.memory_space<vmem>>, vector<1x16xf32>,
        %swap3A_1462 = vector.shape_cast %swap3A_1461 : vector<1x16xf32> to vector<16xf32>
        %swap3A_1463 = vector.shape_cast %get3A_1449 : vector<16xf32> to vector<1x16xf32>
        tpu.vector_store %arg13[%swap3A_1459, %swap3A_1460], %swap3A_1463 {add = true, strides = array<i32>} : memref<8x1024xf32, #tpu.memory_space<vmem>>, vector<1x16xf32>,
        %swap3A_1464 = arith.index_cast %scan3A_1438 : i32 to index
        %swap3A_1465 = arith.index_cast %mul3A_1446 : i32 to index
        %swap3A_1466 = tpu.vector_load %arg14[%swap3A_1464, %swap3A_1465] {strides = array<i32>} : memref<8x1024xf32, #tpu.memory_space<vmem>>, vector<1x16xf32>,
        %swap3A_1467 = vector.shape_cast %swap3A_1466 : vector<1x16xf32> to vector<16xf32>
        %swap3A_1468 = vector.shape_cast %get3A_1449 : vector<16xf32> to vector<1x16xf32>
        tpu.vector_store %arg14[%swap3A_1464, %swap3A_1465], %swap3A_1468 {add = true, strides = array<i32>} : memref<8x1024xf32, #tpu.memory_space<vmem>>, vector<1x16xf32>,
        %scan3A_1469 = arith.constant 1 : i32
        %scan3A_1470 = arith.addi %scan3A_1444, %scan3A_1469 : i32
        %mul3A_1471 = arith.constant 16 : i32
        %mul3A_1472 = arith.muli %scan3A_1470, %mul3A_1471 : i32
        %get3A_1473 = arith.index_cast %scan3A_1438 : i32 to index
        %get3A_1474 = arith.index_cast %mul3A_1472 : i32 to index
        %get3A_1475 = tpu.vector_load %arg6[%get3A_1473, %get3A_1474] {strides = array<i32>} : memref<8x1024xf32, #tpu.memory_space<vmem>>, vector<1x16xf32>,
        %get3A_1476 = vector.shape_cast %get3A_1475 : vector<1x16xf32> to vector<16xf32>
        %swap3A_1477 = arith.index_cast %scan3A_1438 : i32 to index
        %swap3A_1478 = arith.index_cast %mul3A_1472 : i32 to index
        %swap3A_1479 = tpu.vector_load %arg11[%swap3A_1477, %swap3A_1478] {strides = array<i32>} : memref<8x1024xf32, #tpu.memory_space<vmem>>, vector<1x16xf32>,
        %swap3A_1480 = vector.shape_cast %swap3A_1479 : vector<1x16xf32> to vector<16xf32>
        %swap3A_1481 = vector.shape_cast %get3A_1476 : vector<16xf32> to vector<1x16xf32>
        tpu.vector_store %arg11[%swap3A_1477, %swap3A_1478], %swap3A_1481 {add = true, strides = array<i32>} : memref<8x1024xf32, #tpu.memory_space<vmem>>, vector<1x16xf32>,
        %swap3A_1482 = arith.index_cast %scan3A_1438 : i32 to index
        %swap3A_1483 = arith.index_cast %mul3A_1472 : i32 to index
        %swap3A_1484 = tpu.vector_load %arg12[%swap3A_1482, %swap3A_1483] {strides = array<i32>} : memref<8x1024xf32, #tpu.memory_space<vmem>>, vector<1x16xf32>,
        %swap3A_1485 = vector.shape_cast %swap3A_1484 : vector<1x16xf32> to vector<16xf32>
        %swap3A_1486 = vector.shape_cast %get3A_1476 : vector<16xf32> to vector<1x16xf32>
        tpu.vector_store %arg12[%swap3A_1482, %swap3A_1483], %swap3A_1486 {add = true, strides = array<i32>} : memref<8x1024xf32, #tpu.memory_space<vmem>>, vector<1x16xf32>,
        %swap3A_1487 = arith.index_cast %scan3A_1438 : i32 to index
        %swap3A_1488 = arith.index_cast %mul3A_1472 : i32 to index
        %swap3A_1489 = tpu.vector_load %arg13[%swap3A_1487, %swap3A_1488] {strides = array<i32>} : memref<8x1024xf32, #tpu.memory_space<vmem>>, vector<1x16xf32>,
        %swap3A_1490 = vector.shape_cast %swap3A_1489 : vector<1x16xf32> to vector<16xf32>
        %swap3A_1491 = vector.shape_cast %get3A_1476 : vector<16xf32> to vector<1x16xf32>
        tpu.vector_store %arg13[%swap3A_1487, %swap3A_1488], %swap3A_1491 {add = true, strides = array<i32>} : memref<8x1024xf32, #tpu.memory_space<vmem>>, vector<1x16xf32>,
        %swap3A_1492 = arith.index_cast %scan3A_1438 : i32 to index
        %swap3A_1493 = arith.index_cast %mul3A_1472 : i32 to index
        %swap3A_1494 = tpu.vector_load %arg14[%swap3A_1492, %swap3A_1493] {strides = array<i32>} : memref<8x1024xf32, #tpu.memory_space<vmem>>, vector<1x16xf32>,
        %swap3A_1495 = vector.shape_cast %swap3A_1494 : vector<1x16xf32> to vector<16xf32>
        %swap3A_1496 = vector.shape_cast %get3A_1476 : vector<16xf32> to vector<1x16xf32>
        tpu.vector_store %arg14[%swap3A_1492, %swap3A_1493], %swap3A_1496 {add = true, strides = array<i32>} : memref<8x1024xf32, #tpu.memory_space<vmem>>, vector<1x16xf32>,
        %scan3A_1497 = arith.constant 2 : i32
        %scan3A_1498 = arith.addi %scan3A_1444, %scan3A_1497 : i32
        %mul3A_1499 = arith.constant 16 : i32
        %mul3A_1500 = arith.muli %scan3A_1498, %mul3A_1499 : i32
        %get3A_1501 = arith.index_cast %scan3A_1438 : i32 to index
        %get3A_1502 = arith.index_cast %mul3A_1500 : i32 to index
        %get3A_1503 = tpu.vector_load %arg6[%get3A_1501, %get3A_1502] {strides = array<i32>} : memref<8x1024xf32, #tpu.memory_space<vmem>>, vector<1x16xf32>,
        %get3A_1504 = vector.shape_cast %get3A_1503 : vector<1x16xf32> to vector<16xf32>
        %swap3A_1505 = arith.index_cast %scan3A_1438 : i32 to index
        %swap3A_1506 = arith.index_cast %mul3A_1500 : i32 to index
        %swap3A_1507 = tpu.vector_load %arg11[%swap3A_1505, %swap3A_1506] {strides = array<i32>} : memref<8x1024xf32, #tpu.memory_space<vmem>>, vector<1x16xf32>,
        %swap3A_1508 = vector.shape_cast %swap3A_1507 : vector<1x16xf32> to vector<16xf32>
        %swap3A_1509 = vector.shape_cast %get3A_1504 : vector<16xf32> to vector<1x16xf32>
        tpu.vector_store %arg11[%swap3A_1505, %swap3A_1506], %swap3A_1509 {add = true, strides = array<i32>} : memref<8x1024xf32, #tpu.memory_space<vmem>>, vector<1x16xf32>,
        %swap3A_1510 = arith.index_cast %scan3A_1438 : i32 to index
        %swap3A_1511 = arith.index_cast %mul3A_1500 : i32 to index
        %swap3A_1512 = tpu.vector_load %arg12[%swap3A_1510, %swap3A_1511] {strides = array<i32>} : memref<8x1024xf32, #tpu.memory_space<vmem>>, vector<1x16xf32>,
        %swap3A_1513 = vector.shape_cast %swap3A_1512 : vector<1x16xf32> to vector<16xf32>
        %swap3A_1514 = vector.shape_cast %get3A_1504 : vector<16xf32> to vector<1x16xf32>
        tpu.vector_store %arg12[%swap3A_1510, %swap3A_1511], %swap3A_1514 {add = true, strides = array<i32>} : memref<8x1024xf32, #tpu.memory_space<vmem>>, vector<1x16xf32>,
        %swap3A_1515 = arith.index_cast %scan3A_1438 : i32 to index
        %swap3A_1516 = arith.index_cast %mul3A_1500 : i32 to index
        %swap3A_1517 = tpu.vector_load %arg13[%swap3A_1515, %swap3A_1516] {strides = array<i32>} : memref<8x1024xf32, #tpu.memory_space<vmem>>, vector<1x16xf32>,
        %swap3A_1518 = vector.shape_cast %swap3A_1517 : vector<1x16xf32> to vector<16xf32>
        %swap3A_1519 = vector.shape_cast %get3A_1504 : vector<16xf32> to vector<1x16xf32>
        tpu.vector_store %arg13[%swap3A_1515, %swap3A_1516], %swap3A_1519 {add = true, strides = array<i32>} : memref<8x1024xf32, #tpu.memory_space<vmem>>, vector<1x16xf32>,
        %swap3A_1520 = arith.index_cast %scan3A_1438 : i32 to index
        %swap3A_1521 = arith.index_cast %mul3A_1500 : i32 to index
        %swap3A_1522 = tpu.vector_load %arg14[%swap3A_1520, %swap3A_1521] {strides = array<i32>} : memref<8x1024xf32, #tpu.memory_space<vmem>>, vector<1x16xf32>,
        %swap3A_1523 = vector.shape_cast %swap3A_1522 : vector<1x16xf32> to vector<16xf32>
        %swap3A_1524 = vector.shape_cast %get3A_1504 : vector<16xf32> to vector<1x16xf32>
        tpu.vector_store %arg14[%swap3A_1520, %swap3A_1521], %swap3A_1524 {add = true, strides = array<i32>} : memref<8x1024xf32, #tpu.memory_space<vmem>>, vector<1x16xf32>,
        %scan3A_1525 = arith.constant 3 : i32
        %scan3A_1526 = arith.addi %scan3A_1444, %scan3A_1525 : i32
        %mul3A_1527 = arith.constant 16 : i32
        %mul3A_1528 = arith.muli %scan3A_1526, %mul3A_1527 : i32
        %get3A_1529 = arith.index_cast %scan3A_1438 : i32 to index
        %get3A_1530 = arith.index_cast %mul3A_1528 : i32 to index
        %get3A_1531 = tpu.vector_load %arg6[%get3A_1529, %get3A_1530] {strides = array<i32>} : memref<8x1024xf32, #tpu.memory_space<vmem>>, vector<1x16xf32>,
        %get3A_1532 = vector.shape_cast %get3A_1531 : vector<1x16xf32> to vector<16xf32>
        %swap3A_1533 = arith.index_cast %scan3A_1438 : i32 to index
        %swap3A_1534 = arith.index_cast %mul3A_1528 : i32 to index
        %swap3A_1535 = tpu.vector_load %arg11[%swap3A_1533, %swap3A_1534] {strides = array<i32>} : memref<8x1024xf32, #tpu.memory_space<vmem>>, vector<1x16xf32>,
        %swap3A_1536 = vector.shape_cast %swap3A_1535 : vector<1x16xf32> to vector<16xf32>
        %swap3A_1537 = vector.shape_cast %get3A_1532 : vector<16xf32> to vector<1x16xf32>
        tpu.vector_store %arg11[%swap3A_1533, %swap3A_1534], %swap3A_1537 {add = true, strides = array<i32>} : memref<8x1024xf32, #tpu.memory_space<vmem>>, vector<1x16xf32>,
        %swap3A_1538 = arith.index_cast %scan3A_1438 : i32 to index
        %swap3A_1539 = arith.index_cast %mul3A_1528 : i32 to index
        %swap3A_1540 = tpu.vector_load %arg12[%swap3A_1538, %swap3A_1539] {strides = array<i32>} : memref<8x1024xf32, #tpu.memory_space<vmem>>, vector<1x16xf32>,
        %swap3A_1541 = vector.shape_cast %swap3A_1540 : vector<1x16xf32> to vector<16xf32>
        %swap3A_1542 = vector.shape_cast %get3A_1532 : vector<16xf32> to vector<1x16xf32>
        tpu.vector_store %arg12[%swap3A_1538, %swap3A_1539], %swap3A_1542 {add = true, strides = array<i32>} : memref<8x1024xf32, #tpu.memory_space<vmem>>, vector<1x16xf32>,
        %swap3A_1543 = arith.index_cast %scan3A_1438 : i32 to index
        %swap3A_1544 = arith.index_cast %mul3A_1528 : i32 to index
        %swap3A_1545 = tpu.vector_load %arg13[%swap3A_1543, %swap3A_1544] {strides = array<i32>} : memref<8x1024xf32, #tpu.memory_space<vmem>>, vector<1x16xf32>,
        %swap3A_1546 = vector.shape_cast %swap3A_1545 : vector<1x16xf32> to vector<16xf32>
        %swap3A_1547 = vector.shape_cast %get3A_1532 : vector<16xf32> to vector<1x16xf32>
        tpu.vector_store %arg13[%swap3A_1543, %swap3A_1544], %swap3A_1547 {add = true, strides = array<i32>} : memref<8x1024xf32, #tpu.memory_space<vmem>>, vector<1x16xf32>,
        %swap3A_1548 = arith.index_cast %scan3A_1438 : i32 to index
        %swap3A_1549 = arith.index_cast %mul3A_1528 : i32 to index
        %swap3A_1550 = tpu.vector_load %arg14[%swap3A_1548, %swap3A_1549] {strides = array<i32>} : memref<8x1024xf32, #tpu.memory_space<vmem>>, vector<1x16xf32>,
        %swap3A_1551 = vector.shape_cast %swap3A_1550 : vector<1x16xf32> to vector<16xf32>
        %swap3A_1552 = vector.shape_cast %get3A_1532 : vector<16xf32> to vector<1x16xf32>
        tpu.vector_store %arg14[%swap3A_1548, %swap3A_1549], %swap3A_1552 {add = true, strides = array<i32>} : memref<8x1024xf32, #tpu.memory_space<vmem>>, vector<1x16xf32>,
        %scan3A_1553 = arith.constant 4 : i32
        %scan3A_1554 = arith.addi %scan3A_1444, %scan3A_1553 : i32
        %mul3A_1555 = arith.constant 16 : i32
        %mul3A_1556 = arith.muli %scan3A_1554, %mul3A_1555 : i32
        %get3A_1557 = arith.index_cast %scan3A_1438 : i32 to index
        %get3A_1558 = arith.index_cast %mul3A_1556 : i32 to index
        %get3A_1559 = tpu.vector_load %arg6[%get3A_1557, %get3A_1558] {strides = array<i32>} : memref<8x1024xf32, #tpu.memory_space<vmem>>, vector<1x16xf32>,
        %get3A_1560 = vector.shape_cast %get3A_1559 : vector<1x16xf32> to vector<16xf32>
        %swap3A_1561 = arith.index_cast %scan3A_1438 : i32 to index
        %swap3A_1562 = arith.index_cast %mul3A_1556 : i32 to index
        %swap3A_1563 = tpu.vector_load %arg11[%swap3A_1561, %swap3A_1562] {strides = array<i32>} : memref<8x1024xf32, #tpu.memory_space<vmem>>, vector<1x16xf32>,
        %swap3A_1564 = vector.shape_cast %swap3A_1563 : vector<1x16xf32> to vector<16xf32>
        %swap3A_1565 = vector.shape_cast %get3A_1560 : vector<16xf32> to vector<1x16xf32>
        tpu.vector_store %arg11[%swap3A_1561, %swap3A_1562], %swap3A_1565 {add = true, strides = array<i32>} : memref<8x1024xf32, #tpu.memory_space<vmem>>, vector<1x16xf32>,
        %swap3A_1566 = arith.index_cast %scan3A_1438 : i32 to index
        %swap3A_1567 = arith.index_cast %mul3A_1556 : i32 to index
        %swap3A_1568 = tpu.vector_load %arg12[%swap3A_1566, %swap3A_1567] {strides = array<i32>} : memref<8x1024xf32, #tpu.memory_space<vmem>>, vector<1x16xf32>,
        %swap3A_1569 = vector.shape_cast %swap3A_1568 : vector<1x16xf32> to vector<16xf32>
        %swap3A_1570 = vector.shape_cast %get3A_1560 : vector<16xf32> to vector<1x16xf32>
        tpu.vector_store %arg12[%swap3A_1566, %swap3A_1567], %swap3A_1570 {add = true, strides = array<i32>} : memref<8x1024xf32, #tpu.memory_space<vmem>>, vector<1x16xf32>,
        %swap3A_1571 = arith.index_cast %scan3A_1438 : i32 to index
        %swap3A_1572 = arith.index_cast %mul3A_1556 : i32 to index
        %swap3A_1573 = tpu.vector_load %arg13[%swap3A_1571, %swap3A_1572] {strides = array<i32>} : memref<8x1024xf32, #tpu.memory_space<vmem>>, vector<1x16xf32>,
        %swap3A_1574 = vector.shape_cast %swap3A_1573 : vector<1x16xf32> to vector<16xf32>
        %swap3A_1575 = vector.shape_cast %get3A_1560 : vector<16xf32> to vector<1x16xf32>
        tpu.vector_store %arg13[%swap3A_1571, %swap3A_1572], %swap3A_1575 {add = true, strides = array<i32>} : memref<8x1024xf32, #tpu.memory_space<vmem>>, vector<1x16xf32>,
        %swap3A_1576 = arith.index_cast %scan3A_1438 : i32 to index
        %swap3A_1577 = arith.index_cast %mul3A_1556 : i32 to index
        %swap3A_1578 = tpu.vector_load %arg14[%swap3A_1576, %swap3A_1577] {strides = array<i32>} : memref<8x1024xf32, #tpu.memory_space<vmem>>, vector<1x16xf32>,
        %swap3A_1579 = vector.shape_cast %swap3A_1578 : vector<1x16xf32> to vector<16xf32>
        %swap3A_1580 = vector.shape_cast %get3A_1560 : vector<16xf32> to vector<1x16xf32>
        tpu.vector_store %arg14[%swap3A_1576, %swap3A_1577], %swap3A_1580 {add = true, strides = array<i32>} : memref<8x1024xf32, #tpu.memory_space<vmem>>, vector<1x16xf32>,
        %scan3A_1581 = arith.constant 5 : i32
        %scan3A_1582 = arith.addi %scan3A_1444, %scan3A_1581 : i32
        %mul3A_1583 = arith.constant 16 : i32
        %mul3A_1584 = arith.muli %scan3A_1582, %mul3A_1583 : i32
        %get3A_1585 = arith.index_cast %scan3A_1438 : i32 to index
        %get3A_1586 = arith.index_cast %mul3A_1584 : i32 to index
        %get3A_1587 = tpu.vector_load %arg6[%get3A_1585, %get3A_1586] {strides = array<i32>} : memref<8x1024xf32, #tpu.memory_space<vmem>>, vector<1x16xf32>,
        %get3A_1588 = vector.shape_cast %get3A_1587 : vector<1x16xf32> to vector<16xf32>
        %swap3A_1589 = arith.index_cast %scan3A_1438 : i32 to index
        %swap3A_1590 = arith.index_cast %mul3A_1584 : i32 to index
        %swap3A_1591 = tpu.vector_load %arg11[%swap3A_1589, %swap3A_1590] {strides = array<i32>} : memref<8x1024xf32, #tpu.memory_space<vmem>>, vector<1x16xf32>,
        %swap3A_1592 = vector.shape_cast %swap3A_1591 : vector<1x16xf32> to vector<16xf32>
        %swap3A_1593 = vector.shape_cast %get3A_1588 : vector<16xf32> to vector<1x16xf32>
        tpu.vector_store %arg11[%swap3A_1589, %swap3A_1590], %swap3A_1593 {add = true, strides = array<i32>} : memref<8x1024xf32, #tpu.memory_space<vmem>>, vector<1x16xf32>,
        %swap3A_1594 = arith.index_cast %scan3A_1438 : i32 to index
        %swap3A_1595 = arith.index_cast %mul3A_1584 : i32 to index
        %swap3A_1596 = tpu.vector_load %arg12[%swap3A_1594, %swap3A_1595] {strides = array<i32>} : memref<8x1024xf32, #tpu.memory_space<vmem>>, vector<1x16xf32>,
        %swap3A_1597 = vector.shape_cast %swap3A_1596 : vector<1x16xf32> to vector<16xf32>
        %swap3A_1598 = vector.shape_cast %get3A_1588 : vector<16xf32> to vector<1x16xf32>
        tpu.vector_store %arg12[%swap3A_1594, %swap3A_1595], %swap3A_1598 {add = true, strides = array<i32>} : memref<8x1024xf32, #tpu.memory_space<vmem>>, vector<1x16xf32>,
        %swap3A_1599 = arith.index_cast %scan3A_1438 : i32 to index
        %swap3A_1600 = arith.index_cast %mul3A_1584 : i32 to index
        %swap3A_1601 = tpu.vector_load %arg13[%swap3A_1599, %swap3A_1600] {strides = array<i32>} : memref<8x1024xf32, #tpu.memory_space<vmem>>, vector<1x16xf32>,
        %swap3A_1602 = vector.shape_cast %swap3A_1601 : vector<1x16xf32> to vector<16xf32>
        %swap3A_1603 = vector.shape_cast %get3A_1588 : vector<16xf32> to vector<1x16xf32>
        tpu.vector_store %arg13[%swap3A_1599, %swap3A_1600], %swap3A_1603 {add = true, strides = array<i32>} : memref<8x1024xf32, #tpu.memory_space<vmem>>, vector<1x16xf32>,
        %swap3A_1604 = arith.index_cast %scan3A_1438 : i32 to index
        %swap3A_1605 = arith.index_cast %mul3A_1584 : i32 to index
        %swap3A_1606 = tpu.vector_load %arg14[%swap3A_1604, %swap3A_1605] {strides = array<i32>} : memref<8x1024xf32, #tpu.memory_space<vmem>>, vector<1x16xf32>,
        %swap3A_1607 = vector.shape_cast %swap3A_1606 : vector<1x16xf32> to vector<16xf32>
        %swap3A_1608 = vector.shape_cast %get3A_1588 : vector<16xf32> to vector<1x16xf32>
        tpu.vector_store %arg14[%swap3A_1604, %swap3A_1605], %swap3A_1608 {add = true, strides = array<i32>} : memref<8x1024xf32, #tpu.memory_space<vmem>>, vector<1x16xf32>,
        %scan3A_1609 = arith.constant 6 : i32
        %scan3A_1610 = arith.addi %scan3A_1444, %scan3A_1609 : i32
        %mul3A_1611 = arith.constant 16 : i32
        %mul3A_1612 = arith.muli %scan3A_1610, %mul3A_1611 : i32
        %get3A_1613 = arith.index_cast %scan3A_1438 : i32 to index
        %get3A_1614 = arith.index_cast %mul3A_1612 : i32 to index
        %get3A_1615 = tpu.vector_load %arg6[%get3A_1613, %get3A_1614] {strides = array<i32>} : memref<8x1024xf32, #tpu.memory_space<vmem>>, vector<1x16xf32>,
        %get3A_1616 = vector.shape_cast %get3A_1615 : vector<1x16xf32> to vector<16xf32>
        %swap3A_1617 = arith.index_cast %scan3A_1438 : i32 to index
        %swap3A_1618 = arith.index_cast %mul3A_1612 : i32 to index
        %swap3A_1619 = tpu.vector_load %arg11[%swap3A_1617, %swap3A_1618] {strides = array<i32>} : memref<8x1024xf32, #tpu.memory_space<vmem>>, vector<1x16xf32>,
        %swap3A_1620 = vector.shape_cast %swap3A_1619 : vector<1x16xf32> to vector<16xf32>
        %swap3A_1621 = vector.shape_cast %get3A_1616 : vector<16xf32> to vector<1x16xf32>
        tpu.vector_store %arg11[%swap3A_1617, %swap3A_1618], %swap3A_1621 {add = true, strides = array<i32>} : memref<8x1024xf32, #tpu.memory_space<vmem>>, vector<1x16xf32>,
        %swap3A_1622 = arith.index_cast %scan3A_1438 : i32 to index
        %swap3A_1623 = arith.index_cast %mul3A_1612 : i32 to index
        %swap3A_1624 = tpu.vector_load %arg12[%swap3A_1622, %swap3A_1623] {strides = array<i32>} : memref<8x1024xf32, #tpu.memory_space<vmem>>, vector<1x16xf32>,
        %swap3A_1625 = vector.shape_cast %swap3A_1624 : vector<1x16xf32> to vector<16xf32>
        %swap3A_1626 = vector.shape_cast %get3A_1616 : vector<16xf32> to vector<1x16xf32>
        tpu.vector_store %arg12[%swap3A_1622, %swap3A_1623], %swap3A_1626 {add = true, strides = array<i32>} : memref<8x1024xf32, #tpu.memory_space<vmem>>, vector<1x16xf32>,
        %swap3A_1627 = arith.index_cast %scan3A_1438 : i32 to index
        %swap3A_1628 = arith.index_cast %mul3A_1612 : i32 to index
        %swap3A_1629 = tpu.vector_load %arg13[%swap3A_1627, %swap3A_1628] {strides = array<i32>} : memref<8x1024xf32, #tpu.memory_space<vmem>>, vector<1x16xf32>,
        %swap3A_1630 = vector.shape_cast %swap3A_1629 : vector<1x16xf32> to vector<16xf32>
        %swap3A_1631 = vector.shape_cast %get3A_1616 : vector<16xf32> to vector<1x16xf32>
        tpu.vector_store %arg13[%swap3A_1627, %swap3A_1628], %swap3A_1631 {add = true, strides = array<i32>} : memref<8x1024xf32, #tpu.memory_space<vmem>>, vector<1x16xf32>,
        %swap3A_1632 = arith.index_cast %scan3A_1438 : i32 to index
        %swap3A_1633 = arith.index_cast %mul3A_1612 : i32 to index
        %swap3A_1634 = tpu.vector_load %arg14[%swap3A_1632, %swap3A_1633] {strides = array<i32>} : memref<8x1024xf32, #tpu.memory_space<vmem>>, vector<1x16xf32>,
        %swap3A_1635 = vector.shape_cast %swap3A_1634 : vector<1x16xf32> to vector<16xf32>
        %swap3A_1636 = vector.shape_cast %get3A_1616 : vector<16xf32> to vector<1x16xf32>
        tpu.vector_store %arg14[%swap3A_1632, %swap3A_1633], %swap3A_1636 {add = true, strides = array<i32>} : memref<8x1024xf32, #tpu.memory_space<vmem>>, vector<1x16xf32>,
        %scan3A_1637 = arith.constant 7 : i32
        %scan3A_1638 = arith.addi %scan3A_1444, %scan3A_1637 : i32
        %mul3A_1639 = arith.constant 16 : i32
        %mul3A_1640 = arith.muli %scan3A_1638, %mul3A_1639 : i32
        %get3A_1641 = arith.index_cast %scan3A_1438 : i32 to index
        %get3A_1642 = arith.index_cast %mul3A_1640 : i32 to index
        %get3A_1643 = tpu.vector_load %arg6[%get3A_1641, %get3A_1642] {strides = array<i32>} : memref<8x1024xf32, #tpu.memory_space<vmem>>, vector<1x16xf32>,
        %get3A_1644 = vector.shape_cast %get3A_1643 : vector<1x16xf32> to vector<16xf32>
        %swap3A_1645 = arith.index_cast %scan3A_1438 : i32 to index
        %swap3A_1646 = arith.index_cast %mul3A_1640 : i32 to index
        %swap3A_1647 = tpu.vector_load %arg11[%swap3A_1645, %swap3A_1646] {strides = array<i32>} : memref<8x1024xf32, #tpu.memory_space<vmem>>, vector<1x16xf32>,
        %swap3A_1648 = vector.shape_cast %swap3A_1647 : vector<1x16xf32> to vector<16xf32>
        %swap3A_1649 = vector.shape_cast %get3A_1644 : vector<16xf32> to vector<1x16xf32>
        tpu.vector_store %arg11[%swap3A_1645, %swap3A_1646], %swap3A_1649 {add = true, strides = array<i32>} : memref<8x1024xf32, #tpu.memory_space<vmem>>, vector<1x16xf32>,
        %swap3A_1650 = arith.index_cast %scan3A_1438 : i32 to index
        %swap3A_1651 = arith.index_cast %mul3A_1640 : i32 to index
        %swap3A_1652 = tpu.vector_load %arg12[%swap3A_1650, %swap3A_1651] {strides = array<i32>} : memref<8x1024xf32, #tpu.memory_space<vmem>>, vector<1x16xf32>,
        %swap3A_1653 = vector.shape_cast %swap3A_1652 : vector<1x16xf32> to vector<16xf32>
        %swap3A_1654 = vector.shape_cast %get3A_1644 : vector<16xf32> to vector<1x16xf32>
        tpu.vector_store %arg12[%swap3A_1650, %swap3A_1651], %swap3A_1654 {add = true, strides = array<i32>} : memref<8x1024xf32, #tpu.memory_space<vmem>>, vector<1x16xf32>,
        %swap3A_1655 = arith.index_cast %scan3A_1438 : i32 to index
        %swap3A_1656 = arith.index_cast %mul3A_1640 : i32 to index
        %swap3A_1657 = tpu.vector_load %arg13[%swap3A_1655, %swap3A_1656] {strides = array<i32>} : memref<8x1024xf32, #tpu.memory_space<vmem>>, vector<1x16xf32>,
        %swap3A_1658 = vector.shape_cast %swap3A_1657 : vector<1x16xf32> to vector<16xf32>
        %swap3A_1659 = vector.shape_cast %get3A_1644 : vector<16xf32> to vector<1x16xf32>
        tpu.vector_store %arg13[%swap3A_1655, %swap3A_1656], %swap3A_1659 {add = true, strides = array<i32>} : memref<8x1024xf32, #tpu.memory_space<vmem>>, vector<1x16xf32>,
        %swap3A_1660 = arith.index_cast %scan3A_1438 : i32 to index
        %swap3A_1661 = arith.index_cast %mul3A_1640 : i32 to index
        %swap3A_1662 = tpu.vector_load %arg14[%swap3A_1660, %swap3A_1661] {strides = array<i32>} : memref<8x1024xf32, #tpu.memory_space<vmem>>, vector<1x16xf32>,
        %swap3A_1663 = vector.shape_cast %swap3A_1662 : vector<1x16xf32> to vector<16xf32>
        %swap3A_1664 = vector.shape_cast %get3A_1644 : vector<16xf32> to vector<1x16xf32>
        tpu.vector_store %arg14[%swap3A_1660, %swap3A_1661], %swap3A_1664 {add = true, strides = array<i32>} : memref<8x1024xf32, #tpu.memory_space<vmem>>, vector<1x16xf32>,
      }
      %scan3A_1443 = arith.constant 64 : i32
    }
    %scan3A_329 = arith.constant 8 : i32
    %mul3A_330 = arith.constant 64 : i32
    %mul3A_331 = arith.muli %add3A, %mul3A_330 : i32
    %add3A_332 = arith.constant 8 : i32
    %add3A_333 = arith.addi %mul3A_331, %add3A_332 : i32
    %dma_start3A_334 = arith.constant 0 : i32
    %dma_start3A_335 = arith.constant 0 : i32
    %dma_start3A_336 = tpu.memref_slice %arg4[%dma_start3A_334, %add3A_333, %dma_start3A_335] : memref<4x4096x1024xf32, #tpu.memory_space<hbm>> -> memref<1x8x1024xf32, #tpu.memory_space<hbm>>
    %dma_start3A_337 = tpu.memref_squeeze %dma_start3A_336 : memref<1x8x1024xf32, #tpu.memory_space<hbm>> -> memref<8x1024xf32, #tpu.memory_space<hbm>>
    %dma_start3A_338 = arith.constant 0 : i32
    %dma_start3A_339 = tpu.memref_slice %arg4[%dma_start3A_334, %add3A_333, %dma_start3A_338] : memref<4x4096x1024xf32, #tpu.memory_space<hbm>> -> memref<1x8x1024xf32, #tpu.memory_space<hbm>>
    %dma_start3A_340 = tpu.memref_squeeze %dma_start3A_339 : memref<1x8x1024xf32, #tpu.memory_space<hbm>> -> memref<8x1024xf32, #tpu.memory_space<hbm>>
    tpu.enqueue_dma source(%arg11 : memref<8x1024xf32, #tpu.memory_space<vmem>>) target(%dma_start3A_340 : memref<8x1024xf32, #tpu.memory_space<hbm>>) target_semaphore(%arg18 : memref<!tpu.dma_semaphore, #tpu.memory_space<semaphore_mem>>)
    %mul3A_341 = arith.constant 64 : i32
    %mul3A_342 = arith.muli %add3A, %mul3A_341 : i32
    %add3A_343 = arith.constant 8 : i32
    %add3A_344 = arith.addi %mul3A_342, %add3A_343 : i32
    %dma_start3A_345 = arith.constant 1 : i32
    %dma_start3A_346 = arith.constant 0 : i32
    %dma_start3A_347 = tpu.memref_slice %arg4[%dma_start3A_345, %add3A_344, %dma_start3A_346] : memref<4x4096x1024xf32, #tpu.memory_space<hbm>> -> memref<1x8x1024xf32, #tpu.memory_space<hbm>>
    %dma_start3A_348 = tpu.memref_squeeze %dma_start3A_347 : memref<1x8x1024xf32, #tpu.memory_space<hbm>> -> memref<8x1024xf32, #tpu.memory_space<hbm>>
    %dma_start3A_349 = arith.constant 0 : i32
    %dma_start3A_350 = tpu.memref_slice %arg4[%dma_start3A_345, %add3A_344, %dma_start3A_349] : memref<4x4096x1024xf32, #tpu.memory_space<hbm>> -> memref<1x8x1024xf32, #tpu.memory_space<hbm>>
    %dma_start3A_351 = tpu.memref_squeeze %dma_start3A_350 : memref<1x8x1024xf32, #tpu.memory_space<hbm>> -> memref<8x1024xf32, #tpu.memory_space<hbm>>
    tpu.enqueue_dma source(%arg12 : memref<8x1024xf32, #tpu.memory_space<vmem>>) target(%dma_start3A_351 : memref<8x1024xf32, #tpu.memory_space<hbm>>) target_semaphore(%arg18 : memref<!tpu.dma_semaphore, #tpu.memory_space<semaphore_mem>>)
    %mul3A_352 = arith.constant 64 : i32
    %mul3A_353 = arith.muli %add3A, %mul3A_352 : i32
    %add3A_354 = arith.constant 8 : i32
    %add3A_355 = arith.addi %mul3A_353, %add3A_354 : i32
    %dma_start3A_356 = arith.constant 2 : i32
    %dma_start3A_357 = arith.constant 0 : i32
    %dma_start3A_358 = tpu.memref_slice %arg4[%dma_start3A_356, %add3A_355, %dma_start3A_357] : memref<4x4096x1024xf32, #tpu.memory_space<hbm>> -> memref<1x8x1024xf32, #tpu.memory_space<hbm>>
    %dma_start3A_359 = tpu.memref_squeeze %dma_start3A_358 : memref<1x8x1024xf32, #tpu.memory_space<hbm>> -> memref<8x1024xf32, #tpu.memory_space<hbm>>
    %dma_start3A_360 = arith.constant 0 : i32
    %dma_start3A_361 = tpu.memref_slice %arg4[%dma_start3A_356, %add3A_355, %dma_start3A_360] : memref<4x4096x1024xf32, #tpu.memory_space<hbm>> -> memref<1x8x1024xf32, #tpu.memory_space<hbm>>
    %dma_start3A_362 = tpu.memref_squeeze %dma_start3A_361 : memref<1x8x1024xf32, #tpu.memory_space<hbm>> -> memref<8x1024xf32, #tpu.memory_space<hbm>>
    tpu.enqueue_dma source(%arg13 : memref<8x1024xf32, #tpu.memory_space<vmem>>) target(%dma_start3A_362 : memref<8x1024xf32, #tpu.memory_space<hbm>>) target_semaphore(%arg18 : memref<!tpu.dma_semaphore, #tpu.memory_space<semaphore_mem>>)
    %mul3A_363 = arith.constant 64 : i32
    %mul3A_364 = arith.muli %add3A, %mul3A_363 : i32
    %add3A_365 = arith.constant 8 : i32
    %add3A_366 = arith.addi %mul3A_364, %add3A_365 : i32
    %dma_start3A_367 = arith.constant 3 : i32
    %dma_start3A_368 = arith.constant 0 : i32
    %dma_start3A_369 = tpu.memref_slice %arg4[%dma_start3A_367, %add3A_366, %dma_start3A_368] : memref<4x4096x1024xf32, #tpu.memory_space<hbm>> -> memref<1x8x1024xf32, #tpu.memory_space<hbm>>
    %dma_start3A_370 = tpu.memref_squeeze %dma_start3A_369 : memref<1x8x1024xf32, #tpu.memory_space<hbm>> -> memref<8x1024xf32, #tpu.memory_space<hbm>>
    %dma_start3A_371 = arith.constant 0 : i32
    %dma_start3A_372 = tpu.memref_slice %arg4[%dma_start3A_367, %add3A_366, %dma_start3A_371] : memref<4x4096x1024xf32, #tpu.memory_space<hbm>> -> memref<1x8x1024xf32, #tpu.memory_space<hbm>>
    %dma_start3A_373 = tpu.memref_squeeze %dma_start3A_372 : memref<1x8x1024xf32, #tpu.memory_space<hbm>> -> memref<8x1024xf32, #tpu.memory_space<hbm>>
    tpu.enqueue_dma source(%arg14 : memref<8x1024xf32, #tpu.memory_space<vmem>>) target(%dma_start3A_373 : memref<8x1024xf32, #tpu.memory_space<hbm>>) target_semaphore(%arg18 : memref<!tpu.dma_semaphore, #tpu.memory_space<semaphore_mem>>)
    %dma_wait3A_374 = arith.constant 0 : i32
    %dma_wait3A_375 = arith.constant 0 : i32
    %dma_wait3A_376 = arith.constant 0 : i32
    %dma_wait3A_377 = tpu.memref_slice %arg4[%dma_wait3A_374, %dma_wait3A_375, %dma_wait3A_376] : memref<4x4096x1024xf32, #tpu.memory_space<hbm>> -> memref<1x8x1024xf32, #tpu.memory_space<hbm>>
    %dma_wait3A_378 = tpu.memref_squeeze %dma_wait3A_377 : memref<1x8x1024xf32, #tpu.memory_space<hbm>> -> memref<8x1024xf32, #tpu.memory_space<hbm>>
    %dma_wait3A_379 = arith.constant 0 : i32
    %dma_wait3A_380 = arith.constant 0 : i32
    %dma_wait3A_381 = tpu.memref_slice %arg4[%dma_wait3A_374, %dma_wait3A_379, %dma_wait3A_380] : memref<4x4096x1024xf32, #tpu.memory_space<hbm>> -> memref<1x8x1024xf32, #tpu.memory_space<hbm>>
    %dma_wait3A_382 = tpu.memref_squeeze %dma_wait3A_381 : memref<1x8x1024xf32, #tpu.memory_space<hbm>> -> memref<8x1024xf32, #tpu.memory_space<hbm>>
    tpu.wait_dma2 semaphore(%arg18 : memref<!tpu.dma_semaphore, #tpu.memory_space<semaphore_mem>>) src(%arg11 : memref<8x1024xf32, #tpu.memory_space<vmem>>) dst(%dma_wait3A_382 : memref<8x1024xf32, #tpu.memory_space<hbm>>)
    %dma_wait3A_383 = arith.constant 0 : i32
    %dma_wait3A_384 = arith.constant 0 : i32
    %dma_wait3A_385 = arith.constant 0 : i32
    %dma_wait3A_386 = tpu.memref_slice %arg4[%dma_wait3A_383, %dma_wait3A_384, %dma_wait3A_385] : memref<4x4096x1024xf32, #tpu.memory_space<hbm>> -> memref<1x8x1024xf32, #tpu.memory_space<hbm>>
    %dma_wait3A_387 = tpu.memref_squeeze %dma_wait3A_386 : memref<1x8x1024xf32, #tpu.memory_space<hbm>> -> memref<8x1024xf32, #tpu.memory_space<hbm>>
    %dma_wait3A_388 = arith.constant 0 : i32
    %dma_wait3A_389 = arith.constant 0 : i32
    %dma_wait3A_390 = tpu.memref_slice %arg4[%dma_wait3A_383, %dma_wait3A_388, %dma_wait3A_389] : memref<4x4096x1024xf32, #tpu.memory_space<hbm>> -> memref<1x8x1024xf32, #tpu.memory_space<hbm>>
    %dma_wait3A_391 = tpu.memref_squeeze %dma_wait3A_390 : memref<1x8x1024xf32, #tpu.memory_space<hbm>> -> memref<8x1024xf32, #tpu.memory_space<hbm>>
    tpu.wait_dma2 semaphore(%arg18 : memref<!tpu.dma_semaphore, #tpu.memory_space<semaphore_mem>>) src(%arg12 : memref<8x1024xf32, #tpu.memory_space<vmem>>) dst(%dma_wait3A_391 : memref<8x1024xf32, #tpu.memory_space<hbm>>)
    %dma_wait3A_392 = arith.constant 0 : i32
    %dma_wait3A_393 = arith.constant 0 : i32
    %dma_wait3A_394 = arith.constant 0 : i32
    %dma_wait3A_395 = tpu.memref_slice %arg4[%dma_wait3A_392, %dma_wait3A_393, %dma_wait3A_394] : memref<4x4096x1024xf32, #tpu.memory_space<hbm>> -> memref<1x8x1024xf32, #tpu.memory_space<hbm>>
    %dma_wait3A_396 = tpu.memref_squeeze %dma_wait3A_395 : memref<1x8x1024xf32, #tpu.memory_space<hbm>> -> memref<8x1024xf32, #tpu.memory_space<hbm>>
    %dma_wait3A_397 = arith.constant 0 : i32
    %dma_wait3A_398 = arith.constant 0 : i32
    %dma_wait3A_399 = tpu.memref_slice %arg4[%dma_wait3A_392, %dma_wait3A_397, %dma_wait3A_398] : memref<4x4096x1024xf32, #tpu.memory_space<hbm>> -> memref<1x8x1024xf32, #tpu.memory_space<hbm>>
    %dma_wait3A_400 = tpu.memref_squeeze %dma_wait3A_399 : memref<1x8x1024xf32, #tpu.memory_space<hbm>> -> memref<8x1024xf32, #tpu.memory_space<hbm>>
    tpu.wait_dma2 semaphore(%arg18 : memref<!tpu.dma_semaphore, #tpu.memory_space<semaphore_mem>>) src(%arg13 : memref<8x1024xf32, #tpu.memory_space<vmem>>) dst(%dma_wait3A_400 : memref<8x1024xf32, #tpu.memory_space<hbm>>)
    %dma_wait3A_401 = arith.constant 0 : i32
    %dma_wait3A_402 = arith.constant 0 : i32
    %dma_wait3A_403 = arith.constant 0 : i32
    %dma_wait3A_404 = tpu.memref_slice %arg4[%dma_wait3A_401, %dma_wait3A_402, %dma_wait3A_403] : memref<4x4096x1024xf32, #tpu.memory_space<hbm>> -> memref<1x8x1024xf32, #tpu.memory_space<hbm>>
    %dma_wait3A_405 = tpu.memref_squeeze %dma_wait3A_404 : memref<1x8x1024xf32, #tpu.memory_space<hbm>> -> memref<8x1024xf32, #tpu.memory_space<hbm>>
    %dma_wait3A_406 = arith.constant 0 : i32
    %dma_wait3A_407 = arith.constant 0 : i32
    %dma_wait3A_408 = tpu.memref_slice %arg4[%dma_wait3A_401, %dma_wait3A_406, %dma_wait3A_407] : memref<4x4096x1024xf32, #tpu.memory_space<hbm>> -> memref<1x8x1024xf32, #tpu.memory_space<hbm>>
    %dma_wait3A_409 = tpu.memref_squeeze %dma_wait3A_408 : memref<1x8x1024xf32, #tpu.memory_space<hbm>> -> memref<8x1024xf32, #tpu.memory_space<hbm>>
    tpu.wait_dma2 semaphore(%arg18 : memref<!tpu.dma_semaphore, #tpu.memory_space<semaphore_mem>>) src(%arg14 : memref<8x1024xf32, #tpu.memory_space<vmem>>) dst(%dma_wait3A_409 : memref<8x1024xf32, #tpu.memory_space<hbm>>)
    %mul3A_410 = arith.constant 64 : i32
    %mul3A_411 = arith.muli %add3A, %mul3A_410 : i32
    %add3A_412 = arith.constant 24 : i32
    %add3A_413 = arith.addi %mul3A_411, %add3A_412 : i32
    %dma_start3A_414 = arith.constant 0 : i32
    %dma_start3A_415 = tpu.memref_slice %arg3[%add3A_413, %dma_start3A_414] : memref<4096x1024xf32, #tpu.memory_space<hbm>> -> memref<8x1024xf32, #tpu.memory_space<hbm>>
    %dma_start3A_416 = arith.constant 0 : i32
    %dma_start3A_417 = tpu.memref_slice %arg3[%add3A_413, %dma_start3A_416] : memref<4096x1024xf32, #tpu.memory_space<hbm>> -> memref<8x1024xf32, #tpu.memory_space<hbm>>
    tpu.enqueue_dma source(%dma_start3A_417 : memref<8x1024xf32, #tpu.memory_space<hbm>>) target(%arg6 : memref<8x1024xf32, #tpu.memory_space<vmem>>) target_semaphore(%arg16 : memref<!tpu.dma_semaphore, #tpu.memory_space<semaphore_mem>>)
    %mul3A_418 = arith.constant 64 : i32
    %mul3A_419 = arith.muli %add3A, %mul3A_418 : i32
    %add3A_420 = arith.constant 24 : i32
    %add3A_421 = arith.addi %mul3A_419, %add3A_420 : i32
    %dma_start3A_422 = arith.constant 0 : i32
    %dma_start3A_423 = arith.constant 0 : i32
    %dma_start3A_424 = tpu.memref_slice %arg2[%dma_start3A_422, %add3A_421, %dma_start3A_423] : memref<4x4096x1024xf32, #tpu.memory_space<hbm>> -> memref<1x8x1024xf32, #tpu.memory_space<hbm>>
    %dma_start3A_425 = tpu.memref_squeeze %dma_start3A_424 : memref<1x8x1024xf32, #tpu.memory_space<hbm>> -> memref<8x1024xf32, #tpu.memory_space<hbm>>
    %dma_start3A_426 = arith.constant 0 : i32
    %dma_start3A_427 = tpu.memref_slice %arg2[%dma_start3A_422, %add3A_421, %dma_start3A_426] : memref<4x4096x1024xf32, #tpu.memory_space<hbm>> -> memref<1x8x1024xf32, #tpu.memory_space<hbm>>
    %dma_start3A_428 = tpu.memref_squeeze %dma_start3A_427 : memref<1x8x1024xf32, #tpu.memory_space<hbm>> -> memref<8x1024xf32, #tpu.memory_space<hbm>>
    tpu.enqueue_dma source(%dma_start3A_428 : memref<8x1024xf32, #tpu.memory_space<hbm>>) target(%arg11 : memref<8x1024xf32, #tpu.memory_space<vmem>>) target_semaphore(%arg16 : memref<!tpu.dma_semaphore, #tpu.memory_space<semaphore_mem>>)
    %mul3A_429 = arith.constant 64 : i32
    %mul3A_430 = arith.muli %add3A, %mul3A_429 : i32
    %add3A_431 = arith.constant 24 : i32
    %add3A_432 = arith.addi %mul3A_430, %add3A_431 : i32
    %dma_start3A_433 = arith.constant 1 : i32
    %dma_start3A_434 = arith.constant 0 : i32
    %dma_start3A_435 = tpu.memref_slice %arg2[%dma_start3A_433, %add3A_432, %dma_start3A_434] : memref<4x4096x1024xf32, #tpu.memory_space<hbm>> -> memref<1x8x1024xf32, #tpu.memory_space<hbm>>
    %dma_start3A_436 = tpu.memref_squeeze %dma_start3A_435 : memref<1x8x1024xf32, #tpu.memory_space<hbm>> -> memref<8x1024xf32, #tpu.memory_space<hbm>>
    %dma_start3A_437 = arith.constant 0 : i32
    %dma_start3A_438 = tpu.memref_slice %arg2[%dma_start3A_433, %add3A_432, %dma_start3A_437] : memref<4x4096x1024xf32, #tpu.memory_space<hbm>> -> memref<1x8x1024xf32, #tpu.memory_space<hbm>>
    %dma_start3A_439 = tpu.memref_squeeze %dma_start3A_438 : memref<1x8x1024xf32, #tpu.memory_space<hbm>> -> memref<8x1024xf32, #tpu.memory_space<hbm>>
    tpu.enqueue_dma source(%dma_start3A_439 : memref<8x1024xf32, #tpu.memory_space<hbm>>) target(%arg12 : memref<8x1024xf32, #tpu.memory_space<vmem>>) target_semaphore(%arg16 : memref<!tpu.dma_semaphore, #tpu.memory_space<semaphore_mem>>)
    %mul3A_440 = arith.constant 64 : i32
    %mul3A_441 = arith.muli %add3A, %mul3A_440 : i32
    %add3A_442 = arith.constant 24 : i32
    %add3A_443 = arith.addi %mul3A_441, %add3A_442 : i32
    %dma_start3A_444 = arith.constant 2 : i32
    %dma_start3A_445 = arith.constant 0 : i32
    %dma_start3A_446 = tpu.memref_slice %arg2[%dma_start3A_444, %add3A_443, %dma_start3A_445] : memref<4x4096x1024xf32, #tpu.memory_space<hbm>> -> memref<1x8x1024xf32, #tpu.memory_space<hbm>>
    %dma_start3A_447 = tpu.memref_squeeze %dma_start3A_446 : memref<1x8x1024xf32, #tpu.memory_space<hbm>> -> memref<8x1024xf32, #tpu.memory_space<hbm>>
    %dma_start3A_448 = arith.constant 0 : i32
    %dma_start3A_449 = tpu.memref_slice %arg2[%dma_start3A_444, %add3A_443, %dma_start3A_448] : memref<4x4096x1024xf32, #tpu.memory_space<hbm>> -> memref<1x8x1024xf32, #tpu.memory_space<hbm>>
    %dma_start3A_450 = tpu.memref_squeeze %dma_start3A_449 : memref<1x8x1024xf32, #tpu.memory_space<hbm>> -> memref<8x1024xf32, #tpu.memory_space<hbm>>
    tpu.enqueue_dma source(%dma_start3A_450 : memref<8x1024xf32, #tpu.memory_space<hbm>>) target(%arg13 : memref<8x1024xf32, #tpu.memory_space<vmem>>) target_semaphore(%arg16 : memref<!tpu.dma_semaphore, #tpu.memory_space<semaphore_mem>>)
    %mul3A_451 = arith.constant 64 : i32
    %mul3A_452 = arith.muli %add3A, %mul3A_451 : i32
    %add3A_453 = arith.constant 24 : i32
    %add3A_454 = arith.addi %mul3A_452, %add3A_453 : i32
    %dma_start3A_455 = arith.constant 3 : i32
    %dma_start3A_456 = arith.constant 0 : i32
    %dma_start3A_457 = tpu.memref_slice %arg2[%dma_start3A_455, %add3A_454, %dma_start3A_456] : memref<4x4096x1024xf32, #tpu.memory_space<hbm>> -> memref<1x8x1024xf32, #tpu.memory_space<hbm>>
    %dma_start3A_458 = tpu.memref_squeeze %dma_start3A_457 : memref<1x8x1024xf32, #tpu.memory_space<hbm>> -> memref<8x1024xf32, #tpu.memory_space<hbm>>
    %dma_start3A_459 = arith.constant 0 : i32
    %dma_start3A_460 = tpu.memref_slice %arg2[%dma_start3A_455, %add3A_454, %dma_start3A_459] : memref<4x4096x1024xf32, #tpu.memory_space<hbm>> -> memref<1x8x1024xf32, #tpu.memory_space<hbm>>
    %dma_start3A_461 = tpu.memref_squeeze %dma_start3A_460 : memref<1x8x1024xf32, #tpu.memory_space<hbm>> -> memref<8x1024xf32, #tpu.memory_space<hbm>>
    tpu.enqueue_dma source(%dma_start3A_461 : memref<8x1024xf32, #tpu.memory_space<hbm>>) target(%arg14 : memref<8x1024xf32, #tpu.memory_space<vmem>>) target_semaphore(%arg16 : memref<!tpu.dma_semaphore, #tpu.memory_space<semaphore_mem>>)
    %dma_wait3A_462 = arith.constant 0 : i32
    %dma_wait3A_463 = arith.constant 0 : i32
    %dma_wait3A_464 = tpu.memref_slice %arg3[%dma_wait3A_462, %dma_wait3A_463] : memref<4096x1024xf32, #tpu.memory_space<hbm>> -> memref<8x1024xf32, #tpu.memory_space<hbm>>
    %dma_wait3A_465 = arith.constant 0 : i32
    %dma_wait3A_466 = arith.constant 0 : i32
    %dma_wait3A_467 = tpu.memref_slice %arg3[%dma_wait3A_465, %dma_wait3A_466] : memref<4096x1024xf32, #tpu.memory_space<hbm>> -> memref<8x1024xf32, #tpu.memory_space<hbm>>
    tpu.wait_dma2 semaphore(%arg15 : memref<!tpu.dma_semaphore, #tpu.memory_space<semaphore_mem>>) src(%dma_wait3A_467 : memref<8x1024xf32, #tpu.memory_space<hbm>>) dst(%arg5 : memref<8x1024xf32, #tpu.memory_space<vmem>>)
    %dma_wait3A_468 = arith.constant 0 : i32
    %dma_wait3A_469 = arith.constant 0 : i32
    %dma_wait3A_470 = arith.constant 0 : i32
    %dma_wait3A_471 = tpu.memref_slice %arg2[%dma_wait3A_468, %dma_wait3A_469, %dma_wait3A_470] : memref<4x4096x1024xf32, #tpu.memory_space<hbm>> -> memref<1x8x1024xf32, #tpu.memory_space<hbm>>
    %dma_wait3A_472 = tpu.memref_squeeze %dma_wait3A_471 : memref<1x8x1024xf32, #tpu.memory_space<hbm>> -> memref<8x1024xf32, #tpu.memory_space<hbm>>
    %dma_wait3A_473 = arith.constant 0 : i32
    %dma_wait3A_474 = arith.constant 0 : i32
    %dma_wait3A_475 = tpu.memref_slice %arg2[%dma_wait3A_468, %dma_wait3A_473, %dma_wait3A_474] : memref<4x4096x1024xf32, #tpu.memory_space<hbm>> -> memref<1x8x1024xf32, #tpu.memory_space<hbm>>
    %dma_wait3A_476 = tpu.memref_squeeze %dma_wait3A_475 : memref<1x8x1024xf32, #tpu.memory_space<hbm>> -> memref<8x1024xf32, #tpu.memory_space<hbm>>
    tpu.wait_dma2 semaphore(%arg15 : memref<!tpu.dma_semaphore, #tpu.memory_space<semaphore_mem>>) src(%dma_wait3A_476 : memref<8x1024xf32, #tpu.memory_space<hbm>>) dst(%arg7 : memref<8x1024xf32, #tpu.memory_space<vmem>>)
    %dma_wait3A_477 = arith.constant 0 : i32
    %dma_wait3A_478 = arith.constant 0 : i32
    %dma_wait3A_479 = arith.constant 0 : i32
    %dma_wait3A_480 = tpu.memref_slice %arg2[%dma_wait3A_477, %dma_wait3A_478, %dma_wait3A_479] : memref<4x4096x1024xf32, #tpu.memory_space<hbm>> -> memref<1x8x1024xf32, #tpu.memory_space<hbm>>
    %dma_wait3A_481 = tpu.memref_squeeze %dma_wait3A_480 : memref<1x8x1024xf32, #tpu.memory_space<hbm>> -> memref<8x1024xf32, #tpu.memory_space<hbm>>
    %dma_wait3A_482 = arith.constant 0 : i32
    %dma_wait3A_483 = arith.constant 0 : i32
    %dma_wait3A_484 = tpu.memref_slice %arg2[%dma_wait3A_477, %dma_wait3A_482, %dma_wait3A_483] : memref<4x4096x1024xf32, #tpu.memory_space<hbm>> -> memref<1x8x1024xf32, #tpu.memory_space<hbm>>
    %dma_wait3A_485 = tpu.memref_squeeze %dma_wait3A_484 : memref<1x8x1024xf32, #tpu.memory_space<hbm>> -> memref<8x1024xf32, #tpu.memory_space<hbm>>
    tpu.wait_dma2 semaphore(%arg15 : memref<!tpu.dma_semaphore, #tpu.memory_space<semaphore_mem>>) src(%dma_wait3A_485 : memref<8x1024xf32, #tpu.memory_space<hbm>>) dst(%arg8 : memref<8x1024xf32, #tpu.memory_space<vmem>>)
    %dma_wait3A_486 = arith.constant 0 : i32
    %dma_wait3A_487 = arith.constant 0 : i32
    %dma_wait3A_488 = arith.constant 0 : i32
    %dma_wait3A_489 = tpu.memref_slice %arg2[%dma_wait3A_486, %dma_wait3A_487, %dma_wait3A_488] : memref<4x4096x1024xf32, #tpu.memory_space<hbm>> -> memref<1x8x1024xf32, #tpu.memory_space<hbm>>
    %dma_wait3A_490 = tpu.memref_squeeze %dma_wait3A_489 : memref<1x8x1024xf32, #tpu.memory_space<hbm>> -> memref<8x1024xf32, #tpu.memory_space<hbm>>
    %dma_wait3A_491 = arith.constant 0 : i32
    %dma_wait3A_492 = arith.constant 0 : i32
    %dma_wait3A_493 = tpu.memref_slice %arg2[%dma_wait3A_486, %dma_wait3A_491, %dma_wait3A_492] : memref<4x4096x1024xf32, #tpu.memory_space<hbm>> -> memref<1x8x1024xf32, #tpu.memory_space<hbm>>
    %dma_wait3A_494 = tpu.memref_squeeze %dma_wait3A_493 : memref<1x8x1024xf32, #tpu.memory_space<hbm>> -> memref<8x1024xf32, #tpu.memory_space<hbm>>
    tpu.wait_dma2 semaphore(%arg15 : memref<!tpu.dma_semaphore, #tpu.memory_space<semaphore_mem>>) src(%dma_wait3A_494 : memref<8x1024xf32, #tpu.memory_space<hbm>>) dst(%arg9 : memref<8x1024xf32, #tpu.memory_space<vmem>>)
    %dma_wait3A_495 = arith.constant 0 : i32
    %dma_wait3A_496 = arith.constant 0 : i32
    %dma_wait3A_497 = arith.constant 0 : i32
    %dma_wait3A_498 = tpu.memref_slice %arg2[%dma_wait3A_495, %dma_wait3A_496, %dma_wait3A_497] : memref<4x4096x1024xf32, #tpu.memory_space<hbm>> -> memref<1x8x1024xf32, #tpu.memory_space<hbm>>
    %dma_wait3A_499 = tpu.memref_squeeze %dma_wait3A_498 : memref<1x8x1024xf32, #tpu.memory_space<hbm>> -> memref<8x1024xf32, #tpu.memory_space<hbm>>
    %dma_wait3A_500 = arith.constant 0 : i32
    %dma_wait3A_501 = arith.constant 0 : i32
    %dma_wait3A_502 = tpu.memref_slice %arg2[%dma_wait3A_495, %dma_wait3A_500, %dma_wait3A_501] : memref<4x4096x1024xf32, #tpu.memory_space<hbm>> -> memref<1x8x1024xf32, #tpu.memory_space<hbm>>
    %dma_wait3A_503 = tpu.memref_squeeze %dma_wait3A_502 : memref<1x8x1024xf32, #tpu.memory_space<hbm>> -> memref<8x1024xf32, #tpu.memory_space<hbm>>
    tpu.wait_dma2 semaphore(%arg15 : memref<!tpu.dma_semaphore, #tpu.memory_space<semaphore_mem>>) src(%dma_wait3A_503 : memref<8x1024xf32, #tpu.memory_space<hbm>>) dst(%arg10 : memref<8x1024xf32, #tpu.memory_space<vmem>>)
    %scan3A_504 = arith.constant 0 : i32
    %scan3A_505 = arith.constant 0 : i32
    %scan3A_506 = arith.constant 8 : i32
    %scan3A_507 = arith.addi %scan3A_505, %scan3A_506 : i32
    %scan3A_508 = arith.constant 1 : i32
    scf.for %scan3A_1438 = %scan3A_505 to %scan3A_507 step %scan3A_508  : i32 {
      %scan3A_1439 = arith.constant 0 : i32
      %scan3A_1440 = arith.constant 64 : i32
      %scan3A_1441 = arith.addi %scan3A_1439, %scan3A_1440 : i32
      %scan3A_1442 = arith.constant 8 : i32
      scf.for %scan3A_1444 = %scan3A_1439 to %scan3A_1441 step %scan3A_1442  : i32 {
        %mul3A_1445 = arith.constant 16 : i32
        %mul3A_1446 = arith.muli %scan3A_1444, %mul3A_1445 : i32
        %get3A = arith.index_cast %scan3A_1438 : i32 to index
        %get3A_1447 = arith.index_cast %mul3A_1446 : i32 to index
        %get3A_1448 = tpu.vector_load %arg5[%get3A, %get3A_1447] {strides = array<i32>} : memref<8x1024xf32, #tpu.memory_space<vmem>>, vector<1x16xf32>,
        %get3A_1449 = vector.shape_cast %get3A_1448 : vector<1x16xf32> to vector<16xf32>
        %swap3A = arith.index_cast %scan3A_1438 : i32 to index
        %swap3A_1450 = arith.index_cast %mul3A_1446 : i32 to index
        %swap3A_1451 = tpu.vector_load %arg7[%swap3A, %swap3A_1450] {strides = array<i32>} : memref<8x1024xf32, #tpu.memory_space<vmem>>, vector<1x16xf32>,
        %swap3A_1452 = vector.shape_cast %swap3A_1451 : vector<1x16xf32> to vector<16xf32>
        %swap3A_1453 = vector.shape_cast %get3A_1449 : vector<16xf32> to vector<1x16xf32>
        tpu.vector_store %arg7[%swap3A, %swap3A_1450], %swap3A_1453 {add = true, strides = array<i32>} : memref<8x1024xf32, #tpu.memory_space<vmem>>, vector<1x16xf32>,
        %swap3A_1454 = arith.index_cast %scan3A_1438 : i32 to index
        %swap3A_1455 = arith.index_cast %mul3A_1446 : i32 to index
        %swap3A_1456 = tpu.vector_load %arg8[%swap3A_1454, %swap3A_1455] {strides = array<i32>} : memref<8x1024xf32, #tpu.memory_space<vmem>>, vector<1x16xf32>,
        %swap3A_1457 = vector.shape_cast %swap3A_1456 : vector<1x16xf32> to vector<16xf32>
        %swap3A_1458 = vector.shape_cast %get3A_1449 : vector<16xf32> to vector<1x16xf32>
        tpu.vector_store %arg8[%swap3A_1454, %swap3A_1455], %swap3A_1458 {add = true, strides = array<i32>} : memref<8x1024xf32, #tpu.memory_space<vmem>>, vector<1x16xf32>,
        %swap3A_1459 = arith.index_cast %scan3A_1438 : i32 to index
        %swap3A_1460 = arith.index_cast %mul3A_1446 : i32 to index
        %swap3A_1461 = tpu.vector_load %arg9[%swap3A_1459, %swap3A_1460] {strides = array<i32>} : memref<8x1024xf32, #tpu.memory_space<vmem>>, vector<1x16xf32>,
        %swap3A_1462 = vector.shape_cast %swap3A_1461 : vector<1x16xf32> to vector<16xf32>
        %swap3A_1463 = vector.shape_cast %get3A_1449 : vector<16xf32> to vector<1x16xf32>
        tpu.vector_store %arg9[%swap3A_1459, %swap3A_1460], %swap3A_1463 {add = true, strides = array<i32>} : memref<8x1024xf32, #tpu.memory_space<vmem>>, vector<1x16xf32>,
        %swap3A_1464 = arith.index_cast %scan3A_1438 : i32 to index
        %swap3A_1465 = arith.index_cast %mul3A_1446 : i32 to index
        %swap3A_1466 = tpu.vector_load %arg10[%swap3A_1464, %swap3A_1465] {strides = array<i32>} : memref<8x1024xf32, #tpu.memory_space<vmem>>, vector<1x16xf32>,
        %swap3A_1467 = vector.shape_cast %swap3A_1466 : vector<1x16xf32> to vector<16xf32>
        %swap3A_1468 = vector.shape_cast %get3A_1449 : vector<16xf32> to vector<1x16xf32>
        tpu.vector_store %arg10[%swap3A_1464, %swap3A_1465], %swap3A_1468 {add = true, strides = array<i32>} : memref<8x1024xf32, #tpu.memory_space<vmem>>, vector<1x16xf32>,
        %scan3A_1469 = arith.constant 1 : i32
        %scan3A_1470 = arith.addi %scan3A_1444, %scan3A_1469 : i32
        %mul3A_1471 = arith.constant 16 : i32
        %mul3A_1472 = arith.muli %scan3A_1470, %mul3A_1471 : i32
        %get3A_1473 = arith.index_cast %scan3A_1438 : i32 to index
        %get3A_1474 = arith.index_cast %mul3A_1472 : i32 to index
        %get3A_1475 = tpu.vector_load %arg5[%get3A_1473, %get3A_1474] {strides = array<i32>} : memref<8x1024xf32, #tpu.memory_space<vmem>>, vector<1x16xf32>,
        %get3A_1476 = vector.shape_cast %get3A_1475 : vector<1x16xf32> to vector<16xf32>
        %swap3A_1477 = arith.index_cast %scan3A_1438 : i32 to index
        %swap3A_1478 = arith.index_cast %mul3A_1472 : i32 to index
        %swap3A_1479 = tpu.vector_load %arg7[%swap3A_1477, %swap3A_1478] {strides = array<i32>} : memref<8x1024xf32, #tpu.memory_space<vmem>>, vector<1x16xf32>,
        %swap3A_1480 = vector.shape_cast %swap3A_1479 : vector<1x16xf32> to vector<16xf32>
        %swap3A_1481 = vector.shape_cast %get3A_1476 : vector<16xf32> to vector<1x16xf32>
        tpu.vector_store %arg7[%swap3A_1477, %swap3A_1478], %swap3A_1481 {add = true, strides = array<i32>} : memref<8x1024xf32, #tpu.memory_space<vmem>>, vector<1x16xf32>,
        %swap3A_1482 = arith.index_cast %scan3A_1438 : i32 to index
        %swap3A_1483 = arith.index_cast %mul3A_1472 : i32 to index
        %swap3A_1484 = tpu.vector_load %arg8[%swap3A_1482, %swap3A_1483] {strides = array<i32>} : memref<8x1024xf32, #tpu.memory_space<vmem>>, vector<1x16xf32>,
        %swap3A_1485 = vector.shape_cast %swap3A_1484 : vector<1x16xf32> to vector<16xf32>
        %swap3A_1486 = vector.shape_cast %get3A_1476 : vector<16xf32> to vector<1x16xf32>
        tpu.vector_store %arg8[%swap3A_1482, %swap3A_1483], %swap3A_1486 {add = true, strides = array<i32>} : memref<8x1024xf32, #tpu.memory_space<vmem>>, vector<1x16xf32>,
        %swap3A_1487 = arith.index_cast %scan3A_1438 : i32 to index
        %swap3A_1488 = arith.index_cast %mul3A_1472 : i32 to index
        %swap3A_1489 = tpu.vector_load %arg9[%swap3A_1487, %swap3A_1488] {strides = array<i32>} : memref<8x1024xf32, #tpu.memory_space<vmem>>, vector<1x16xf32>,
        %swap3A_1490 = vector.shape_cast %swap3A_1489 : vector<1x16xf32> to vector<16xf32>
        %swap3A_1491 = vector.shape_cast %get3A_1476 : vector<16xf32> to vector<1x16xf32>
        tpu.vector_store %arg9[%swap3A_1487, %swap3A_1488], %swap3A_1491 {add = true, strides = array<i32>} : memref<8x1024xf32, #tpu.memory_space<vmem>>, vector<1x16xf32>,
        %swap3A_1492 = arith.index_cast %scan3A_1438 : i32 to index
        %swap3A_1493 = arith.index_cast %mul3A_1472 : i32 to index
        %swap3A_1494 = tpu.vector_load %arg10[%swap3A_1492, %swap3A_1493] {strides = array<i32>} : memref<8x1024xf32, #tpu.memory_space<vmem>>, vector<1x16xf32>,
        %swap3A_1495 = vector.shape_cast %swap3A_1494 : vector<1x16xf32> to vector<16xf32>
        %swap3A_1496 = vector.shape_cast %get3A_1476 : vector<16xf32> to vector<1x16xf32>
        tpu.vector_store %arg10[%swap3A_1492, %swap3A_1493], %swap3A_1496 {add = true, strides = array<i32>} : memref<8x1024xf32, #tpu.memory_space<vmem>>, vector<1x16xf32>,
        %scan3A_1497 = arith.constant 2 : i32
        %scan3A_1498 = arith.addi %scan3A_1444, %scan3A_1497 : i32
        %mul3A_1499 = arith.constant 16 : i32
        %mul3A_1500 = arith.muli %scan3A_1498, %mul3A_1499 : i32
        %get3A_1501 = arith.index_cast %scan3A_1438 : i32 to index
        %get3A_1502 = arith.index_cast %mul3A_1500 : i32 to index
        %get3A_1503 = tpu.vector_load %arg5[%get3A_1501, %get3A_1502] {strides = array<i32>} : memref<8x1024xf32, #tpu.memory_space<vmem>>, vector<1x16xf32>,
        %get3A_1504 = vector.shape_cast %get3A_1503 : vector<1x16xf32> to vector<16xf32>
        %swap3A_1505 = arith.index_cast %scan3A_1438 : i32 to index
        %swap3A_1506 = arith.index_cast %mul3A_1500 : i32 to index
        %swap3A_1507 = tpu.vector_load %arg7[%swap3A_1505, %swap3A_1506] {strides = array<i32>} : memref<8x1024xf32, #tpu.memory_space<vmem>>, vector<1x16xf32>,
        %swap3A_1508 = vector.shape_cast %swap3A_1507 : vector<1x16xf32> to vector<16xf32>
        %swap3A_1509 = vector.shape_cast %get3A_1504 : vector<16xf32> to vector<1x16xf32>
        tpu.vector_store %arg7[%swap3A_1505, %swap3A_1506], %swap3A_1509 {add = true, strides = array<i32>} : memref<8x1024xf32, #tpu.memory_space<vmem>>, vector<1x16xf32>,
        %swap3A_1510 = arith.index_cast %scan3A_1438 : i32 to index
        %swap3A_1511 = arith.index_cast %mul3A_1500 : i32 to index
        %swap3A_1512 = tpu.vector_load %arg8[%swap3A_1510, %swap3A_1511] {strides = array<i32>} : memref<8x1024xf32, #tpu.memory_space<vmem>>, vector<1x16xf32>,
        %swap3A_1513 = vector.shape_cast %swap3A_1512 : vector<1x16xf32> to vector<16xf32>
        %swap3A_1514 = vector.shape_cast %get3A_1504 : vector<16xf32> to vector<1x16xf32>
        tpu.vector_store %arg8[%swap3A_1510, %swap3A_1511], %swap3A_1514 {add = true, strides = array<i32>} : memref<8x1024xf32, #tpu.memory_space<vmem>>, vector<1x16xf32>,
        %swap3A_1515 = arith.index_cast %scan3A_1438 : i32 to index
        %swap3A_1516 = arith.index_cast %mul3A_1500 : i32 to index
        %swap3A_1517 = tpu.vector_load %arg9[%swap3A_1515, %swap3A_1516] {strides = array<i32>} : memref<8x1024xf32, #tpu.memory_space<vmem>>, vector<1x16xf32>,
        %swap3A_1518 = vector.shape_cast %swap3A_1517 : vector<1x16xf32> to vector<16xf32>
        %swap3A_1519 = vector.shape_cast %get3A_1504 : vector<16xf32> to vector<1x16xf32>
        tpu.vector_store %arg9[%swap3A_1515, %swap3A_1516], %swap3A_1519 {add = true, strides = array<i32>} : memref<8x1024xf32, #tpu.memory_space<vmem>>, vector<1x16xf32>,
        %swap3A_1520 = arith.index_cast %scan3A_1438 : i32 to index
        %swap3A_1521 = arith.index_cast %mul3A_1500 : i32 to index
        %swap3A_1522 = tpu.vector_load %arg10[%swap3A_1520, %swap3A_1521] {strides = array<i32>} : memref<8x1024xf32, #tpu.memory_space<vmem>>, vector<1x16xf32>,
        %swap3A_1523 = vector.shape_cast %swap3A_1522 : vector<1x16xf32> to vector<16xf32>
        %swap3A_1524 = vector.shape_cast %get3A_1504 : vector<16xf32> to vector<1x16xf32>
        tpu.vector_store %arg10[%swap3A_1520, %swap3A_1521], %swap3A_1524 {add = true, strides = array<i32>} : memref<8x1024xf32, #tpu.memory_space<vmem>>, vector<1x16xf32>,
        %scan3A_1525 = arith.constant 3 : i32
        %scan3A_1526 = arith.addi %scan3A_1444, %scan3A_1525 : i32
        %mul3A_1527 = arith.constant 16 : i32
        %mul3A_1528 = arith.muli %scan3A_1526, %mul3A_1527 : i32
        %get3A_1529 = arith.index_cast %scan3A_1438 : i32 to index
        %get3A_1530 = arith.index_cast %mul3A_1528 : i32 to index
        %get3A_1531 = tpu.vector_load %arg5[%get3A_1529, %get3A_1530] {strides = array<i32>} : memref<8x1024xf32, #tpu.memory_space<vmem>>, vector<1x16xf32>,
        %get3A_1532 = vector.shape_cast %get3A_1531 : vector<1x16xf32> to vector<16xf32>
        %swap3A_1533 = arith.index_cast %scan3A_1438 : i32 to index
        %swap3A_1534 = arith.index_cast %mul3A_1528 : i32 to index
        %swap3A_1535 = tpu.vector_load %arg7[%swap3A_1533, %swap3A_1534] {strides = array<i32>} : memref<8x1024xf32, #tpu.memory_space<vmem>>, vector<1x16xf32>,
        %swap3A_1536 = vector.shape_cast %swap3A_1535 : vector<1x16xf32> to vector<16xf32>
        %swap3A_1537 = vector.shape_cast %get3A_1532 : vector<16xf32> to vector<1x16xf32>
        tpu.vector_store %arg7[%swap3A_1533, %swap3A_1534], %swap3A_1537 {add = true, strides = array<i32>} : memref<8x1024xf32, #tpu.memory_space<vmem>>, vector<1x16xf32>,
        %swap3A_1538 = arith.index_cast %scan3A_1438 : i32 to index
        %swap3A_1539 = arith.index_cast %mul3A_1528 : i32 to index
        %swap3A_1540 = tpu.vector_load %arg8[%swap3A_1538, %swap3A_1539] {strides = array<i32>} : memref<8x1024xf32, #tpu.memory_space<vmem>>, vector<1x16xf32>,
        %swap3A_1541 = vector.shape_cast %swap3A_1540 : vector<1x16xf32> to vector<16xf32>
        %swap3A_1542 = vector.shape_cast %get3A_1532 : vector<16xf32> to vector<1x16xf32>
        tpu.vector_store %arg8[%swap3A_1538, %swap3A_1539], %swap3A_1542 {add = true, strides = array<i32>} : memref<8x1024xf32, #tpu.memory_space<vmem>>, vector<1x16xf32>,
        %swap3A_1543 = arith.index_cast %scan3A_1438 : i32 to index
        %swap3A_1544 = arith.index_cast %mul3A_1528 : i32 to index
        %swap3A_1545 = tpu.vector_load %arg9[%swap3A_1543, %swap3A_1544] {strides = array<i32>} : memref<8x1024xf32, #tpu.memory_space<vmem>>, vector<1x16xf32>,
        %swap3A_1546 = vector.shape_cast %swap3A_1545 : vector<1x16xf32> to vector<16xf32>
        %swap3A_1547 = vector.shape_cast %get3A_1532 : vector<16xf32> to vector<1x16xf32>
        tpu.vector_store %arg9[%swap3A_1543, %swap3A_1544], %swap3A_1547 {add = true, strides = array<i32>} : memref<8x1024xf32, #tpu.memory_space<vmem>>, vector<1x16xf32>,
        %swap3A_1548 = arith.index_cast %scan3A_1438 : i32 to index
        %swap3A_1549 = arith.index_cast %mul3A_1528 : i32 to index
        %swap3A_1550 = tpu.vector_load %arg10[%swap3A_1548, %swap3A_1549] {strides = array<i32>} : memref<8x1024xf32, #tpu.memory_space<vmem>>, vector<1x16xf32>,
        %swap3A_1551 = vector.shape_cast %swap3A_1550 : vector<1x16xf32> to vector<16xf32>
        %swap3A_1552 = vector.shape_cast %get3A_1532 : vector<16xf32> to vector<1x16xf32>
        tpu.vector_store %arg10[%swap3A_1548, %swap3A_1549], %swap3A_1552 {add = true, strides = array<i32>} : memref<8x1024xf32, #tpu.memory_space<vmem>>, vector<1x16xf32>,
        %scan3A_1553 = arith.constant 4 : i32
        %scan3A_1554 = arith.addi %scan3A_1444, %scan3A_1553 : i32
        %mul3A_1555 = arith.constant 16 : i32
        %mul3A_1556 = arith.muli %scan3A_1554, %mul3A_1555 : i32
        %get3A_1557 = arith.index_cast %scan3A_1438 : i32 to index
        %get3A_1558 = arith.index_cast %mul3A_1556 : i32 to index
        %get3A_1559 = tpu.vector_load %arg5[%get3A_1557, %get3A_1558] {strides = array<i32>} : memref<8x1024xf32, #tpu.memory_space<vmem>>, vector<1x16xf32>,
        %get3A_1560 = vector.shape_cast %get3A_1559 : vector<1x16xf32> to vector<16xf32>
        %swap3A_1561 = arith.index_cast %scan3A_1438 : i32 to index
        %swap3A_1562 = arith.index_cast %mul3A_1556 : i32 to index
        %swap3A_1563 = tpu.vector_load %arg7[%swap3A_1561, %swap3A_1562] {strides = array<i32>} : memref<8x1024xf32, #tpu.memory_space<vmem>>, vector<1x16xf32>,
        %swap3A_1564 = vector.shape_cast %swap3A_1563 : vector<1x16xf32> to vector<16xf32>
        %swap3A_1565 = vector.shape_cast %get3A_1560 : vector<16xf32> to vector<1x16xf32>
        tpu.vector_store %arg7[%swap3A_1561, %swap3A_1562], %swap3A_1565 {add = true, strides = array<i32>} : memref<8x1024xf32, #tpu.memory_space<vmem>>, vector<1x16xf32>,
        %swap3A_1566 = arith.index_cast %scan3A_1438 : i32 to index
        %swap3A_1567 = arith.index_cast %mul3A_1556 : i32 to index
        %swap3A_1568 = tpu.vector_load %arg8[%swap3A_1566, %swap3A_1567] {strides = array<i32>} : memref<8x1024xf32, #tpu.memory_space<vmem>>, vector<1x16xf32>,
        %swap3A_1569 = vector.shape_cast %swap3A_1568 : vector<1x16xf32> to vector<16xf32>
        %swap3A_1570 = vector.shape_cast %get3A_1560 : vector<16xf32> to vector<1x16xf32>
        tpu.vector_store %arg8[%swap3A_1566, %swap3A_1567], %swap3A_1570 {add = true, strides = array<i32>} : memref<8x1024xf32, #tpu.memory_space<vmem>>, vector<1x16xf32>,
        %swap3A_1571 = arith.index_cast %scan3A_1438 : i32 to index
        %swap3A_1572 = arith.index_cast %mul3A_1556 : i32 to index
        %swap3A_1573 = tpu.vector_load %arg9[%swap3A_1571, %swap3A_1572] {strides = array<i32>} : memref<8x1024xf32, #tpu.memory_space<vmem>>, vector<1x16xf32>,
        %swap3A_1574 = vector.shape_cast %swap3A_1573 : vector<1x16xf32> to vector<16xf32>
        %swap3A_1575 = vector.shape_cast %get3A_1560 : vector<16xf32> to vector<1x16xf32>
        tpu.vector_store %arg9[%swap3A_1571, %swap3A_1572], %swap3A_1575 {add = true, strides = array<i32>} : memref<8x1024xf32, #tpu.memory_space<vmem>>, vector<1x16xf32>,
        %swap3A_1576 = arith.index_cast %scan3A_1438 : i32 to index
        %swap3A_1577 = arith.index_cast %mul3A_1556 : i32 to index
        %swap3A_1578 = tpu.vector_load %arg10[%swap3A_1576, %swap3A_1577] {strides = array<i32>} : memref<8x1024xf32, #tpu.memory_space<vmem>>, vector<1x16xf32>,
        %swap3A_1579 = vector.shape_cast %swap3A_1578 : vector<1x16xf32> to vector<16xf32>
        %swap3A_1580 = vector.shape_cast %get3A_1560 : vector<16xf32> to vector<1x16xf32>
        tpu.vector_store %arg10[%swap3A_1576, %swap3A_1577], %swap3A_1580 {add = true, strides = array<i32>} : memref<8x1024xf32, #tpu.memory_space<vmem>>, vector<1x16xf32>,
        %scan3A_1581 = arith.constant 5 : i32
        %scan3A_1582 = arith.addi %scan3A_1444, %scan3A_1581 : i32
        %mul3A_1583 = arith.constant 16 : i32
        %mul3A_1584 = arith.muli %scan3A_1582, %mul3A_1583 : i32
        %get3A_1585 = arith.index_cast %scan3A_1438 : i32 to index
        %get3A_1586 = arith.index_cast %mul3A_1584 : i32 to index
        %get3A_1587 = tpu.vector_load %arg5[%get3A_1585, %get3A_1586] {strides = array<i32>} : memref<8x1024xf32, #tpu.memory_space<vmem>>, vector<1x16xf32>,
        %get3A_1588 = vector.shape_cast %get3A_1587 : vector<1x16xf32> to vector<16xf32>
        %swap3A_1589 = arith.index_cast %scan3A_1438 : i32 to index
        %swap3A_1590 = arith.index_cast %mul3A_1584 : i32 to index
        %swap3A_1591 = tpu.vector_load %arg7[%swap3A_1589, %swap3A_1590] {strides = array<i32>} : memref<8x1024xf32, #tpu.memory_space<vmem>>, vector<1x16xf32>,
        %swap3A_1592 = vector.shape_cast %swap3A_1591 : vector<1x16xf32> to vector<16xf32>
        %swap3A_1593 = vector.shape_cast %get3A_1588 : vector<16xf32> to vector<1x16xf32>
        tpu.vector_store %arg7[%swap3A_1589, %swap3A_1590], %swap3A_1593 {add = true, strides = array<i32>} : memref<8x1024xf32, #tpu.memory_space<vmem>>, vector<1x16xf32>,
        %swap3A_1594 = arith.index_cast %scan3A_1438 : i32 to index
        %swap3A_1595 = arith.index_cast %mul3A_1584 : i32 to index
        %swap3A_1596 = tpu.vector_load %arg8[%swap3A_1594, %swap3A_1595] {strides = array<i32>} : memref<8x1024xf32, #tpu.memory_space<vmem>>, vector<1x16xf32>,
        %swap3A_1597 = vector.shape_cast %swap3A_1596 : vector<1x16xf32> to vector<16xf32>
        %swap3A_1598 = vector.shape_cast %get3A_1588 : vector<16xf32> to vector<1x16xf32>
        tpu.vector_store %arg8[%swap3A_1594, %swap3A_1595], %swap3A_1598 {add = true, strides = array<i32>} : memref<8x1024xf32, #tpu.memory_space<vmem>>, vector<1x16xf32>,
        %swap3A_1599 = arith.index_cast %scan3A_1438 : i32 to index
        %swap3A_1600 = arith.index_cast %mul3A_1584 : i32 to index
        %swap3A_1601 = tpu.vector_load %arg9[%swap3A_1599, %swap3A_1600] {strides = array<i32>} : memref<8x1024xf32, #tpu.memory_space<vmem>>, vector<1x16xf32>,
        %swap3A_1602 = vector.shape_cast %swap3A_1601 : vector<1x16xf32> to vector<16xf32>
        %swap3A_1603 = vector.shape_cast %get3A_1588 : vector<16xf32> to vector<1x16xf32>
        tpu.vector_store %arg9[%swap3A_1599, %swap3A_1600], %swap3A_1603 {add = true, strides = array<i32>} : memref<8x1024xf32, #tpu.memory_space<vmem>>, vector<1x16xf32>,
        %swap3A_1604 = arith.index_cast %scan3A_1438 : i32 to index
        %swap3A_1605 = arith.index_cast %mul3A_1584 : i32 to index
        %swap3A_1606 = tpu.vector_load %arg10[%swap3A_1604, %swap3A_1605] {strides = array<i32>} : memref<8x1024xf32, #tpu.memory_space<vmem>>, vector<1x16xf32>,
        %swap3A_1607 = vector.shape_cast %swap3A_1606 : vector<1x16xf32> to vector<16xf32>
        %swap3A_1608 = vector.shape_cast %get3A_1588 : vector<16xf32> to vector<1x16xf32>
        tpu.vector_store %arg10[%swap3A_1604, %swap3A_1605], %swap3A_1608 {add = true, strides = array<i32>} : memref<8x1024xf32, #tpu.memory_space<vmem>>, vector<1x16xf32>,
        %scan3A_1609 = arith.constant 6 : i32
        %scan3A_1610 = arith.addi %scan3A_1444, %scan3A_1609 : i32
        %mul3A_1611 = arith.constant 16 : i32
        %mul3A_1612 = arith.muli %scan3A_1610, %mul3A_1611 : i32
        %get3A_1613 = arith.index_cast %scan3A_1438 : i32 to index
        %get3A_1614 = arith.index_cast %mul3A_1612 : i32 to index
        %get3A_1615 = tpu.vector_load %arg5[%get3A_1613, %get3A_1614] {strides = array<i32>} : memref<8x1024xf32, #tpu.memory_space<vmem>>, vector<1x16xf32>,
        %get3A_1616 = vector.shape_cast %get3A_1615 : vector<1x16xf32> to vector<16xf32>
        %swap3A_1617 = arith.index_cast %scan3A_1438 : i32 to index
        %swap3A_1618 = arith.index_cast %mul3A_1612 : i32 to index
        %swap3A_1619 = tpu.vector_load %arg7[%swap3A_1617, %swap3A_1618] {strides = array<i32>} : memref<8x1024xf32, #tpu.memory_space<vmem>>, vector<1x16xf32>,
        %swap3A_1620 = vector.shape_cast %swap3A_1619 : vector<1x16xf32> to vector<16xf32>
        %swap3A_1621 = vector.shape_cast %get3A_1616 : vector<16xf32> to vector<1x16xf32>
        tpu.vector_store %arg7[%swap3A_1617, %swap3A_1618], %swap3A_1621 {add = true, strides = array<i32>} : memref<8x1024xf32, #tpu.memory_space<vmem>>, vector<1x16xf32>,
        %swap3A_1622 = arith.index_cast %scan3A_1438 : i32 to index
        %swap3A_1623 = arith.index_cast %mul3A_1612 : i32 to index
        %swap3A_1624 = tpu.vector_load %arg8[%swap3A_1622, %swap3A_1623] {strides = array<i32>} : memref<8x1024xf32, #tpu.memory_space<vmem>>, vector<1x16xf32>,
        %swap3A_1625 = vector.shape_cast %swap3A_1624 : vector<1x16xf32> to vector<16xf32>
        %swap3A_1626 = vector.shape_cast %get3A_1616 : vector<16xf32> to vector<1x16xf32>
        tpu.vector_store %arg8[%swap3A_1622, %swap3A_1623], %swap3A_1626 {add = true, strides = array<i32>} : memref<8x1024xf32, #tpu.memory_space<vmem>>, vector<1x16xf32>,
        %swap3A_1627 = arith.index_cast %scan3A_1438 : i32 to index
        %swap3A_1628 = arith.index_cast %mul3A_1612 : i32 to index
        %swap3A_1629 = tpu.vector_load %arg9[%swap3A_1627, %swap3A_1628] {strides = array<i32>} : memref<8x1024xf32, #tpu.memory_space<vmem>>, vector<1x16xf32>,
        %swap3A_1630 = vector.shape_cast %swap3A_1629 : vector<1x16xf32> to vector<16xf32>
        %swap3A_1631 = vector.shape_cast %get3A_1616 : vector<16xf32> to vector<1x16xf32>
        tpu.vector_store %arg9[%swap3A_1627, %swap3A_1628], %swap3A_1631 {add = true, strides = array<i32>} : memref<8x1024xf32, #tpu.memory_space<vmem>>, vector<1x16xf32>,
        %swap3A_1632 = arith.index_cast %scan3A_1438 : i32 to index
        %swap3A_1633 = arith.index_cast %mul3A_1612 : i32 to index
        %swap3A_1634 = tpu.vector_load %arg10[%swap3A_1632, %swap3A_1633] {strides = array<i32>} : memref<8x1024xf32, #tpu.memory_space<vmem>>, vector<1x16xf32>,
        %swap3A_1635 = vector.shape_cast %swap3A_1634 : vector<1x16xf32> to vector<16xf32>
        %swap3A_1636 = vector.shape_cast %get3A_1616 : vector<16xf32> to vector<1x16xf32>
        tpu.vector_store %arg10[%swap3A_1632, %swap3A_1633], %swap3A_1636 {add = true, strides = array<i32>} : memref<8x1024xf32, #tpu.memory_space<vmem>>, vector<1x16xf32>,
        %scan3A_1637 = arith.constant 7 : i32
        %scan3A_1638 = arith.addi %scan3A_1444, %scan3A_1637 : i32
        %mul3A_1639 = arith.constant 16 : i32
        %mul3A_1640 = arith.muli %scan3A_1638, %mul3A_1639 : i32
        %get3A_1641 = arith.index_cast %scan3A_1438 : i32 to index
        %get3A_1642 = arith.index_cast %mul3A_1640 : i32 to index
        %get3A_1643 = tpu.vector_load %arg5[%get3A_1641, %get3A_1642] {strides = array<i32>} : memref<8x1024xf32, #tpu.memory_space<vmem>>, vector<1x16xf32>,
        %get3A_1644 = vector.shape_cast %get3A_1643 : vector<1x16xf32> to vector<16xf32>
        %swap3A_1645 = arith.index_cast %scan3A_1438 : i32 to index
        %swap3A_1646 = arith.index_cast %mul3A_1640 : i32 to index
        %swap3A_1647 = tpu.vector_load %arg7[%swap3A_1645, %swap3A_1646] {strides = array<i32>} : memref<8x1024xf32, #tpu.memory_space<vmem>>, vector<1x16xf32>,
        %swap3A_1648 = vector.shape_cast %swap3A_1647 : vector<1x16xf32> to vector<16xf32>
        %swap3A_1649 = vector.shape_cast %get3A_1644 : vector<16xf32> to vector<1x16xf32>
        tpu.vector_store %arg7[%swap3A_1645, %swap3A_1646], %swap3A_1649 {add = true, strides = array<i32>} : memref<8x1024xf32, #tpu.memory_space<vmem>>, vector<1x16xf32>,
        %swap3A_1650 = arith.index_cast %scan3A_1438 : i32 to index
        %swap3A_1651 = arith.index_cast %mul3A_1640 : i32 to index
        %swap3A_1652 = tpu.vector_load %arg8[%swap3A_1650, %swap3A_1651] {strides = array<i32>} : memref<8x1024xf32, #tpu.memory_space<vmem>>, vector<1x16xf32>,
        %swap3A_1653 = vector.shape_cast %swap3A_1652 : vector<1x16xf32> to vector<16xf32>
        %swap3A_1654 = vector.shape_cast %get3A_1644 : vector<16xf32> to vector<1x16xf32>
        tpu.vector_store %arg8[%swap3A_1650, %swap3A_1651], %swap3A_1654 {add = true, strides = array<i32>} : memref<8x1024xf32, #tpu.memory_space<vmem>>, vector<1x16xf32>,
        %swap3A_1655 = arith.index_cast %scan3A_1438 : i32 to index
        %swap3A_1656 = arith.index_cast %mul3A_1640 : i32 to index
        %swap3A_1657 = tpu.vector_load %arg9[%swap3A_1655, %swap3A_1656] {strides = array<i32>} : memref<8x1024xf32, #tpu.memory_space<vmem>>, vector<1x16xf32>,
        %swap3A_1658 = vector.shape_cast %swap3A_1657 : vector<1x16xf32> to vector<16xf32>
        %swap3A_1659 = vector.shape_cast %get3A_1644 : vector<16xf32> to vector<1x16xf32>
        tpu.vector_store %arg9[%swap3A_1655, %swap3A_1656], %swap3A_1659 {add = true, strides = array<i32>} : memref<8x1024xf32, #tpu.memory_space<vmem>>, vector<1x16xf32>,
        %swap3A_1660 = arith.index_cast %scan3A_1438 : i32 to index
        %swap3A_1661 = arith.index_cast %mul3A_1640 : i32 to index
        %swap3A_1662 = tpu.vector_load %arg10[%swap3A_1660, %swap3A_1661] {strides = array<i32>} : memref<8x1024xf32, #tpu.memory_space<vmem>>, vector<1x16xf32>,
        %swap3A_1663 = vector.shape_cast %swap3A_1662 : vector<1x16xf32> to vector<16xf32>
        %swap3A_1664 = vector.shape_cast %get3A_1644 : vector<16xf32> to vector<1x16xf32>
        tpu.vector_store %arg10[%swap3A_1660, %swap3A_1661], %swap3A_1664 {add = true, strides = array<i32>} : memref<8x1024xf32, #tpu.memory_space<vmem>>, vector<1x16xf32>,
      }
      %scan3A_1443 = arith.constant 64 : i32
    }
    %scan3A_509 = arith.constant 8 : i32
    %mul3A_510 = arith.constant 64 : i32
    %mul3A_511 = arith.muli %add3A, %mul3A_510 : i32
    %add3A_512 = arith.constant 16 : i32
    %add3A_513 = arith.addi %mul3A_511, %add3A_512 : i32
    %dma_start3A_514 = arith.constant 0 : i32
    %dma_start3A_515 = arith.constant 0 : i32
    %dma_start3A_516 = tpu.memref_slice %arg4[%dma_start3A_514, %add3A_513, %dma_start3A_515] : memref<4x4096x1024xf32, #tpu.memory_space<hbm>> -> memref<1x8x1024xf32, #tpu.memory_space<hbm>>
    %dma_start3A_517 = tpu.memref_squeeze %dma_start3A_516 : memref<1x8x1024xf32, #tpu.memory_space<hbm>> -> memref<8x1024xf32, #tpu.memory_space<hbm>>
    %dma_start3A_518 = arith.constant 0 : i32
    %dma_start3A_519 = tpu.memref_slice %arg4[%dma_start3A_514, %add3A_513, %dma_start3A_518] : memref<4x4096x1024xf32, #tpu.memory_space<hbm>> -> memref<1x8x1024xf32, #tpu.memory_space<hbm>>
    %dma_start3A_520 = tpu.memref_squeeze %dma_start3A_519 : memref<1x8x1024xf32, #tpu.memory_space<hbm>> -> memref<8x1024xf32, #tpu.memory_space<hbm>>
    tpu.enqueue_dma source(%arg7 : memref<8x1024xf32, #tpu.memory_space<vmem>>) target(%dma_start3A_520 : memref<8x1024xf32, #tpu.memory_space<hbm>>) target_semaphore(%arg17 : memref<!tpu.dma_semaphore, #tpu.memory_space<semaphore_mem>>)
    %mul3A_521 = arith.constant 64 : i32
    %mul3A_522 = arith.muli %add3A, %mul3A_521 : i32
    %add3A_523 = arith.constant 16 : i32
    %add3A_524 = arith.addi %mul3A_522, %add3A_523 : i32
    %dma_start3A_525 = arith.constant 1 : i32
    %dma_start3A_526 = arith.constant 0 : i32
    %dma_start3A_527 = tpu.memref_slice %arg4[%dma_start3A_525, %add3A_524, %dma_start3A_526] : memref<4x4096x1024xf32, #tpu.memory_space<hbm>> -> memref<1x8x1024xf32, #tpu.memory_space<hbm>>
    %dma_start3A_528 = tpu.memref_squeeze %dma_start3A_527 : memref<1x8x1024xf32, #tpu.memory_space<hbm>> -> memref<8x1024xf32, #tpu.memory_space<hbm>>
    %dma_start3A_529 = arith.constant 0 : i32
    %dma_start3A_530 = tpu.memref_slice %arg4[%dma_start3A_525, %add3A_524, %dma_start3A_529] : memref<4x4096x1024xf32, #tpu.memory_space<hbm>> -> memref<1x8x1024xf32, #tpu.memory_space<hbm>>
    %dma_start3A_531 = tpu.memref_squeeze %dma_start3A_530 : memref<1x8x1024xf32, #tpu.memory_space<hbm>> -> memref<8x1024xf32, #tpu.memory_space<hbm>>
    tpu.enqueue_dma source(%arg8 : memref<8x1024xf32, #tpu.memory_space<vmem>>) target(%dma_start3A_531 : memref<8x1024xf32, #tpu.memory_space<hbm>>) target_semaphore(%arg17 : memref<!tpu.dma_semaphore, #tpu.memory_space<semaphore_mem>>)
    %mul3A_532 = arith.constant 64 : i32
    %mul3A_533 = arith.muli %add3A, %mul3A_532 : i32
    %add3A_534 = arith.constant 16 : i32
    %add3A_535 = arith.addi %mul3A_533, %add3A_534 : i32
    %dma_start3A_536 = arith.constant 2 : i32
    %dma_start3A_537 = arith.constant 0 : i32
    %dma_start3A_538 = tpu.memref_slice %arg4[%dma_start3A_536, %add3A_535, %dma_start3A_537] : memref<4x4096x1024xf32, #tpu.memory_space<hbm>> -> memref<1x8x1024xf32, #tpu.memory_space<hbm>>
    %dma_start3A_539 = tpu.memref_squeeze %dma_start3A_538 : memref<1x8x1024xf32, #tpu.memory_space<hbm>> -> memref<8x1024xf32, #tpu.memory_space<hbm>>
    %dma_start3A_540 = arith.constant 0 : i32
    %dma_start3A_541 = tpu.memref_slice %arg4[%dma_start3A_536, %add3A_535, %dma_start3A_540] : memref<4x4096x1024xf32, #tpu.memory_space<hbm>> -> memref<1x8x1024xf32, #tpu.memory_space<hbm>>
    %dma_start3A_542 = tpu.memref_squeeze %dma_start3A_541 : memref<1x8x1024xf32, #tpu.memory_space<hbm>> -> memref<8x1024xf32, #tpu.memory_space<hbm>>
    tpu.enqueue_dma source(%arg9 : memref<8x1024xf32, #tpu.memory_space<vmem>>) target(%dma_start3A_542 : memref<8x1024xf32, #tpu.memory_space<hbm>>) target_semaphore(%arg17 : memref<!tpu.dma_semaphore, #tpu.memory_space<semaphore_mem>>)
    %mul3A_543 = arith.constant 64 : i32
    %mul3A_544 = arith.muli %add3A, %mul3A_543 : i32
    %add3A_545 = arith.constant 16 : i32
    %add3A_546 = arith.addi %mul3A_544, %add3A_545 : i32
    %dma_start3A_547 = arith.constant 3 : i32
    %dma_start3A_548 = arith.constant 0 : i32
    %dma_start3A_549 = tpu.memref_slice %arg4[%dma_start3A_547, %add3A_546, %dma_start3A_548] : memref<4x4096x1024xf32, #tpu.memory_space<hbm>> -> memref<1x8x1024xf32, #tpu.memory_space<hbm>>
    %dma_start3A_550 = tpu.memref_squeeze %dma_start3A_549 : memref<1x8x1024xf32, #tpu.memory_space<hbm>> -> memref<8x1024xf32, #tpu.memory_space<hbm>>
    %dma_start3A_551 = arith.constant 0 : i32
    %dma_start3A_552 = tpu.memref_slice %arg4[%dma_start3A_547, %add3A_546, %dma_start3A_551] : memref<4x4096x1024xf32, #tpu.memory_space<hbm>> -> memref<1x8x1024xf32, #tpu.memory_space<hbm>>
    %dma_start3A_553 = tpu.memref_squeeze %dma_start3A_552 : memref<1x8x1024xf32, #tpu.memory_space<hbm>> -> memref<8x1024xf32, #tpu.memory_space<hbm>>
    tpu.enqueue_dma source(%arg10 : memref<8x1024xf32, #tpu.memory_space<vmem>>) target(%dma_start3A_553 : memref<8x1024xf32, #tpu.memory_space<hbm>>) target_semaphore(%arg17 : memref<!tpu.dma_semaphore, #tpu.memory_space<semaphore_mem>>)
    %dma_wait3A_554 = arith.constant 0 : i32
    %dma_wait3A_555 = arith.constant 0 : i32
    %dma_wait3A_556 = arith.constant 0 : i32
    %dma_wait3A_557 = tpu.memref_slice %arg4[%dma_wait3A_554, %dma_wait3A_555, %dma_wait3A_556] : memref<4x4096x1024xf32, #tpu.memory_space<hbm>> -> memref<1x8x1024xf32, #tpu.memory_space<hbm>>
    %dma_wait3A_558 = tpu.memref_squeeze %dma_wait3A_557 : memref<1x8x1024xf32, #tpu.memory_space<hbm>> -> memref<8x1024xf32, #tpu.memory_space<hbm>>
    %dma_wait3A_559 = arith.constant 0 : i32
    %dma_wait3A_560 = arith.constant 0 : i32
    %dma_wait3A_561 = tpu.memref_slice %arg4[%dma_wait3A_554, %dma_wait3A_559, %dma_wait3A_560] : memref<4x4096x1024xf32, #tpu.memory_space<hbm>> -> memref<1x8x1024xf32, #tpu.memory_space<hbm>>
    %dma_wait3A_562 = tpu.memref_squeeze %dma_wait3A_561 : memref<1x8x1024xf32, #tpu.memory_space<hbm>> -> memref<8x1024xf32, #tpu.memory_space<hbm>>
    tpu.wait_dma2 semaphore(%arg17 : memref<!tpu.dma_semaphore, #tpu.memory_space<semaphore_mem>>) src(%arg7 : memref<8x1024xf32, #tpu.memory_space<vmem>>) dst(%dma_wait3A_562 : memref<8x1024xf32, #tpu.memory_space<hbm>>)
    %dma_wait3A_563 = arith.constant 0 : i32
    %dma_wait3A_564 = arith.constant 0 : i32
    %dma_wait3A_565 = arith.constant 0 : i32
    %dma_wait3A_566 = tpu.memref_slice %arg4[%dma_wait3A_563, %dma_wait3A_564, %dma_wait3A_565] : memref<4x4096x1024xf32, #tpu.memory_space<hbm>> -> memref<1x8x1024xf32, #tpu.memory_space<hbm>>
    %dma_wait3A_567 = tpu.memref_squeeze %dma_wait3A_566 : memref<1x8x1024xf32, #tpu.memory_space<hbm>> -> memref<8x1024xf32, #tpu.memory_space<hbm>>
    %dma_wait3A_568 = arith.constant 0 : i32
    %dma_wait3A_569 = arith.constant 0 : i32
    %dma_wait3A_570 = tpu.memref_slice %arg4[%dma_wait3A_563, %dma_wait3A_568, %dma_wait3A_569] : memref<4x4096x1024xf32, #tpu.memory_space<hbm>> -> memref<1x8x1024xf32, #tpu.memory_space<hbm>>
    %dma_wait3A_571 = tpu.memref_squeeze %dma_wait3A_570 : memref<1x8x1024xf32, #tpu.memory_space<hbm>> -> memref<8x1024xf32, #tpu.memory_space<hbm>>
    tpu.wait_dma2 semaphore(%arg17 : memref<!tpu.dma_semaphore, #tpu.memory_space<semaphore_mem>>) src(%arg8 : memref<8x1024xf32, #tpu.memory_space<vmem>>) dst(%dma_wait3A_571 : memref<8x1024xf32, #tpu.memory_space<hbm>>)
    %dma_wait3A_572 = arith.constant 0 : i32
    %dma_wait3A_573 = arith.constant 0 : i32
    %dma_wait3A_574 = arith.constant 0 : i32
    %dma_wait3A_575 = tpu.memref_slice %arg4[%dma_wait3A_572, %dma_wait3A_573, %dma_wait3A_574] : memref<4x4096x1024xf32, #tpu.memory_space<hbm>> -> memref<1x8x1024xf32, #tpu.memory_space<hbm>>
    %dma_wait3A_576 = tpu.memref_squeeze %dma_wait3A_575 : memref<1x8x1024xf32, #tpu.memory_space<hbm>> -> memref<8x1024xf32, #tpu.memory_space<hbm>>
    %dma_wait3A_577 = arith.constant 0 : i32
    %dma_wait3A_578 = arith.constant 0 : i32
    %dma_wait3A_579 = tpu.memref_slice %arg4[%dma_wait3A_572, %dma_wait3A_577, %dma_wait3A_578] : memref<4x4096x1024xf32, #tpu.memory_space<hbm>> -> memref<1x8x1024xf32, #tpu.memory_space<hbm>>
    %dma_wait3A_580 = tpu.memref_squeeze %dma_wait3A_579 : memref<1x8x1024xf32, #tpu.memory_space<hbm>> -> memref<8x1024xf32, #tpu.memory_space<hbm>>
    tpu.wait_dma2 semaphore(%arg17 : memref<!tpu.dma_semaphore, #tpu.memory_space<semaphore_mem>>) src(%arg9 : memref<8x1024xf32, #tpu.memory_space<vmem>>) dst(%dma_wait3A_580 : memref<8x1024xf32, #tpu.memory_space<hbm>>)
    %dma_wait3A_581 = arith.constant 0 : i32
    %dma_wait3A_582 = arith.constant 0 : i32
    %dma_wait3A_583 = arith.constant 0 : i32
    %dma_wait3A_584 = tpu.memref_slice %arg4[%dma_wait3A_581, %dma_wait3A_582, %dma_wait3A_583] : memref<4x4096x1024xf32, #tpu.memory_space<hbm>> -> memref<1x8x1024xf32, #tpu.memory_space<hbm>>
    %dma_wait3A_585 = tpu.memref_squeeze %dma_wait3A_584 : memref<1x8x1024xf32, #tpu.memory_space<hbm>> -> memref<8x1024xf32, #tpu.memory_space<hbm>>
    %dma_wait3A_586 = arith.constant 0 : i32
    %dma_wait3A_587 = arith.constant 0 : i32
    %dma_wait3A_588 = tpu.memref_slice %arg4[%dma_wait3A_581, %dma_wait3A_586, %dma_wait3A_587] : memref<4x4096x1024xf32, #tpu.memory_space<hbm>> -> memref<1x8x1024xf32, #tpu.memory_space<hbm>>
    %dma_wait3A_589 = tpu.memref_squeeze %dma_wait3A_588 : memref<1x8x1024xf32, #tpu.memory_space<hbm>> -> memref<8x1024xf32, #tpu.memory_space<hbm>>
    tpu.wait_dma2 semaphore(%arg17 : memref<!tpu.dma_semaphore, #tpu.memory_space<semaphore_mem>>) src(%arg10 : memref<8x1024xf32, #tpu.memory_space<vmem>>) dst(%dma_wait3A_589 : memref<8x1024xf32, #tpu.memory_space<hbm>>)
    %mul3A_590 = arith.constant 64 : i32
    %mul3A_591 = arith.muli %add3A, %mul3A_590 : i32
    %add3A_592 = arith.constant 32 : i32
    %add3A_593 = arith.addi %mul3A_591, %add3A_592 : i32
    %dma_start3A_594 = arith.constant 0 : i32
    %dma_start3A_595 = tpu.memref_slice %arg3[%add3A_593, %dma_start3A_594] : memref<4096x1024xf32, #tpu.memory_space<hbm>> -> memref<8x1024xf32, #tpu.memory_space<hbm>>
    %dma_start3A_596 = arith.constant 0 : i32
    %dma_start3A_597 = tpu.memref_slice %arg3[%add3A_593, %dma_start3A_596] : memref<4096x1024xf32, #tpu.memory_space<hbm>> -> memref<8x1024xf32, #tpu.memory_space<hbm>>
    tpu.enqueue_dma source(%dma_start3A_597 : memref<8x1024xf32, #tpu.memory_space<hbm>>) target(%arg5 : memref<8x1024xf32, #tpu.memory_space<vmem>>) target_semaphore(%arg15 : memref<!tpu.dma_semaphore, #tpu.memory_space<semaphore_mem>>)
    %mul3A_598 = arith.constant 64 : i32
    %mul3A_599 = arith.muli %add3A, %mul3A_598 : i32
    %add3A_600 = arith.constant 32 : i32
    %add3A_601 = arith.addi %mul3A_599, %add3A_600 : i32
    %dma_start3A_602 = arith.constant 0 : i32
    %dma_start3A_603 = arith.constant 0 : i32
    %dma_start3A_604 = tpu.memref_slice %arg2[%dma_start3A_602, %add3A_601, %dma_start3A_603] : memref<4x4096x1024xf32, #tpu.memory_space<hbm>> -> memref<1x8x1024xf32, #tpu.memory_space<hbm>>
    %dma_start3A_605 = tpu.memref_squeeze %dma_start3A_604 : memref<1x8x1024xf32, #tpu.memory_space<hbm>> -> memref<8x1024xf32, #tpu.memory_space<hbm>>
    %dma_start3A_606 = arith.constant 0 : i32
    %dma_start3A_607 = tpu.memref_slice %arg2[%dma_start3A_602, %add3A_601, %dma_start3A_606] : memref<4x4096x1024xf32, #tpu.memory_space<hbm>> -> memref<1x8x1024xf32, #tpu.memory_space<hbm>>
    %dma_start3A_608 = tpu.memref_squeeze %dma_start3A_607 : memref<1x8x1024xf32, #tpu.memory_space<hbm>> -> memref<8x1024xf32, #tpu.memory_space<hbm>>
    tpu.enqueue_dma source(%dma_start3A_608 : memref<8x1024xf32, #tpu.memory_space<hbm>>) target(%arg7 : memref<8x1024xf32, #tpu.memory_space<vmem>>) target_semaphore(%arg15 : memref<!tpu.dma_semaphore, #tpu.memory_space<semaphore_mem>>)
    %mul3A_609 = arith.constant 64 : i32
    %mul3A_610 = arith.muli %add3A, %mul3A_609 : i32
    %add3A_611 = arith.constant 32 : i32
    %add3A_612 = arith.addi %mul3A_610, %add3A_611 : i32
    %dma_start3A_613 = arith.constant 1 : i32
    %dma_start3A_614 = arith.constant 0 : i32
    %dma_start3A_615 = tpu.memref_slice %arg2[%dma_start3A_613, %add3A_612, %dma_start3A_614] : memref<4x4096x1024xf32, #tpu.memory_space<hbm>> -> memref<1x8x1024xf32, #tpu.memory_space<hbm>>
    %dma_start3A_616 = tpu.memref_squeeze %dma_start3A_615 : memref<1x8x1024xf32, #tpu.memory_space<hbm>> -> memref<8x1024xf32, #tpu.memory_space<hbm>>
    %dma_start3A_617 = arith.constant 0 : i32
    %dma_start3A_618 = tpu.memref_slice %arg2[%dma_start3A_613, %add3A_612, %dma_start3A_617] : memref<4x4096x1024xf32, #tpu.memory_space<hbm>> -> memref<1x8x1024xf32, #tpu.memory_space<hbm>>
    %dma_start3A_619 = tpu.memref_squeeze %dma_start3A_618 : memref<1x8x1024xf32, #tpu.memory_space<hbm>> -> memref<8x1024xf32, #tpu.memory_space<hbm>>
    tpu.enqueue_dma source(%dma_start3A_619 : memref<8x1024xf32, #tpu.memory_space<hbm>>) target(%arg8 : memref<8x1024xf32, #tpu.memory_space<vmem>>) target_semaphore(%arg15 : memref<!tpu.dma_semaphore, #tpu.memory_space<semaphore_mem>>)
    %mul3A_620 = arith.constant 64 : i32
    %mul3A_621 = arith.muli %add3A, %mul3A_620 : i32
    %add3A_622 = arith.constant 32 : i32
    %add3A_623 = arith.addi %mul3A_621, %add3A_622 : i32
    %dma_start3A_624 = arith.constant 2 : i32
    %dma_start3A_625 = arith.constant 0 : i32
    %dma_start3A_626 = tpu.memref_slice %arg2[%dma_start3A_624, %add3A_623, %dma_start3A_625] : memref<4x4096x1024xf32, #tpu.memory_space<hbm>> -> memref<1x8x1024xf32, #tpu.memory_space<hbm>>
    %dma_start3A_627 = tpu.memref_squeeze %dma_start3A_626 : memref<1x8x1024xf32, #tpu.memory_space<hbm>> -> memref<8x1024xf32, #tpu.memory_space<hbm>>
    %dma_start3A_628 = arith.constant 0 : i32
    %dma_start3A_629 = tpu.memref_slice %arg2[%dma_start3A_624, %add3A_623, %dma_start3A_628] : memref<4x4096x1024xf32, #tpu.memory_space<hbm>> -> memref<1x8x1024xf32, #tpu.memory_space<hbm>>
    %dma_start3A_630 = tpu.memref_squeeze %dma_start3A_629 : memref<1x8x1024xf32, #tpu.memory_space<hbm>> -> memref<8x1024xf32, #tpu.memory_space<hbm>>
    tpu.enqueue_dma source(%dma_start3A_630 : memref<8x1024xf32, #tpu.memory_space<hbm>>) target(%arg9 : memref<8x1024xf32, #tpu.memory_space<vmem>>) target_semaphore(%arg15 : memref<!tpu.dma_semaphore, #tpu.memory_space<semaphore_mem>>)
    %mul3A_631 = arith.constant 64 : i32
    %mul3A_632 = arith.muli %add3A, %mul3A_631 : i32
    %add3A_633 = arith.constant 32 : i32
    %add3A_634 = arith.addi %mul3A_632, %add3A_633 : i32
    %dma_start3A_635 = arith.constant 3 : i32
    %dma_start3A_636 = arith.constant 0 : i32
    %dma_start3A_637 = tpu.memref_slice %arg2[%dma_start3A_635, %add3A_634, %dma_start3A_636] : memref<4x4096x1024xf32, #tpu.memory_space<hbm>> -> memref<1x8x1024xf32, #tpu.memory_space<hbm>>
    %dma_start3A_638 = tpu.memref_squeeze %dma_start3A_637 : memref<1x8x1024xf32, #tpu.memory_space<hbm>> -> memref<8x1024xf32, #tpu.memory_space<hbm>>
    %dma_start3A_639 = arith.constant 0 : i32
    %dma_start3A_640 = tpu.memref_slice %arg2[%dma_start3A_635, %add3A_634, %dma_start3A_639] : memref<4x4096x1024xf32, #tpu.memory_space<hbm>> -> memref<1x8x1024xf32, #tpu.memory_space<hbm>>
    %dma_start3A_641 = tpu.memref_squeeze %dma_start3A_640 : memref<1x8x1024xf32, #tpu.memory_space<hbm>> -> memref<8x1024xf32, #tpu.memory_space<hbm>>
    tpu.enqueue_dma source(%dma_start3A_641 : memref<8x1024xf32, #tpu.memory_space<hbm>>) target(%arg10 : memref<8x1024xf32, #tpu.memory_space<vmem>>) target_semaphore(%arg15 : memref<!tpu.dma_semaphore, #tpu.memory_space<semaphore_mem>>)
    %dma_wait3A_642 = arith.constant 0 : i32
    %dma_wait3A_643 = arith.constant 0 : i32
    %dma_wait3A_644 = tpu.memref_slice %arg3[%dma_wait3A_642, %dma_wait3A_643] : memref<4096x1024xf32, #tpu.memory_space<hbm>> -> memref<8x1024xf32, #tpu.memory_space<hbm>>
    %dma_wait3A_645 = arith.constant 0 : i32
    %dma_wait3A_646 = arith.constant 0 : i32
    %dma_wait3A_647 = tpu.memref_slice %arg3[%dma_wait3A_645, %dma_wait3A_646] : memref<4096x1024xf32, #tpu.memory_space<hbm>> -> memref<8x1024xf32, #tpu.memory_space<hbm>>
    tpu.wait_dma2 semaphore(%arg16 : memref<!tpu.dma_semaphore, #tpu.memory_space<semaphore_mem>>) src(%dma_wait3A_647 : memref<8x1024xf32, #tpu.memory_space<hbm>>) dst(%arg6 : memref<8x1024xf32, #tpu.memory_space<vmem>>)
    %dma_wait3A_648 = arith.constant 0 : i32
    %dma_wait3A_649 = arith.constant 0 : i32
    %dma_wait3A_650 = arith.constant 0 : i32
    %dma_wait3A_651 = tpu.memref_slice %arg2[%dma_wait3A_648, %dma_wait3A_649, %dma_wait3A_650] : memref<4x4096x1024xf32, #tpu.memory_space<hbm>> -> memref<1x8x1024xf32, #tpu.memory_space<hbm>>
    %dma_wait3A_652 = tpu.memref_squeeze %dma_wait3A_651 : memref<1x8x1024xf32, #tpu.memory_space<hbm>> -> memref<8x1024xf32, #tpu.memory_space<hbm>>
    %dma_wait3A_653 = arith.constant 0 : i32
    %dma_wait3A_654 = arith.constant 0 : i32
    %dma_wait3A_655 = tpu.memref_slice %arg2[%dma_wait3A_648, %dma_wait3A_653, %dma_wait3A_654] : memref<4x4096x1024xf32, #tpu.memory_space<hbm>> -> memref<1x8x1024xf32, #tpu.memory_space<hbm>>
    %dma_wait3A_656 = tpu.memref_squeeze %dma_wait3A_655 : memref<1x8x1024xf32, #tpu.memory_space<hbm>> -> memref<8x1024xf32, #tpu.memory_space<hbm>>
    tpu.wait_dma2 semaphore(%arg16 : memref<!tpu.dma_semaphore, #tpu.memory_space<semaphore_mem>>) src(%dma_wait3A_656 : memref<8x1024xf32, #tpu.memory_space<hbm>>) dst(%arg11 : memref<8x1024xf32, #tpu.memory_space<vmem>>)
    %dma_wait3A_657 = arith.constant 0 : i32
    %dma_wait3A_658 = arith.constant 0 : i32
    %dma_wait3A_659 = arith.constant 0 : i32
    %dma_wait3A_660 = tpu.memref_slice %arg2[%dma_wait3A_657, %dma_wait3A_658, %dma_wait3A_659] : memref<4x4096x1024xf32, #tpu.memory_space<hbm>> -> memref<1x8x1024xf32, #tpu.memory_space<hbm>>
    %dma_wait3A_661 = tpu.memref_squeeze %dma_wait3A_660 : memref<1x8x1024xf32, #tpu.memory_space<hbm>> -> memref<8x1024xf32, #tpu.memory_space<hbm>>
    %dma_wait3A_662 = arith.constant 0 : i32
    %dma_wait3A_663 = arith.constant 0 : i32
    %dma_wait3A_664 = tpu.memref_slice %arg2[%dma_wait3A_657, %dma_wait3A_662, %dma_wait3A_663] : memref<4x4096x1024xf32, #tpu.memory_space<hbm>> -> memref<1x8x1024xf32, #tpu.memory_space<hbm>>
    %dma_wait3A_665 = tpu.memref_squeeze %dma_wait3A_664 : memref<1x8x1024xf32, #tpu.memory_space<hbm>> -> memref<8x1024xf32, #tpu.memory_space<hbm>>
    tpu.wait_dma2 semaphore(%arg16 : memref<!tpu.dma_semaphore, #tpu.memory_space<semaphore_mem>>) src(%dma_wait3A_665 : memref<8x1024xf32, #tpu.memory_space<hbm>>) dst(%arg12 : memref<8x1024xf32, #tpu.memory_space<vmem>>)
    %dma_wait3A_666 = arith.constant 0 : i32
    %dma_wait3A_667 = arith.constant 0 : i32
    %dma_wait3A_668 = arith.constant 0 : i32
    %dma_wait3A_669 = tpu.memref_slice %arg2[%dma_wait3A_666, %dma_wait3A_667, %dma_wait3A_668] : memref<4x4096x1024xf32, #tpu.memory_space<hbm>> -> memref<1x8x1024xf32, #tpu.memory_space<hbm>>
    %dma_wait3A_670 = tpu.memref_squeeze %dma_wait3A_669 : memref<1x8x1024xf32, #tpu.memory_space<hbm>> -> memref<8x1024xf32, #tpu.memory_space<hbm>>
    %dma_wait3A_671 = arith.constant 0 : i32
    %dma_wait3A_672 = arith.constant 0 : i32
    %dma_wait3A_673 = tpu.memref_slice %arg2[%dma_wait3A_666, %dma_wait3A_671, %dma_wait3A_672] : memref<4x4096x1024xf32, #tpu.memory_space<hbm>> -> memref<1x8x1024xf32, #tpu.memory_space<hbm>>
    %dma_wait3A_674 = tpu.memref_squeeze %dma_wait3A_673 : memref<1x8x1024xf32, #tpu.memory_space<hbm>> -> memref<8x1024xf32, #tpu.memory_space<hbm>>
    tpu.wait_dma2 semaphore(%arg16 : memref<!tpu.dma_semaphore, #tpu.memory_space<semaphore_mem>>) src(%dma_wait3A_674 : memref<8x1024xf32, #tpu.memory_space<hbm>>) dst(%arg13 : memref<8x1024xf32, #tpu.memory_space<vmem>>)
    %dma_wait3A_675 = arith.constant 0 : i32
    %dma_wait3A_676 = arith.constant 0 : i32
    %dma_wait3A_677 = arith.constant 0 : i32
    %dma_wait3A_678 = tpu.memref_slice %arg2[%dma_wait3A_675, %dma_wait3A_676, %dma_wait3A_677] : memref<4x4096x1024xf32, #tpu.memory_space<hbm>> -> memref<1x8x1024xf32, #tpu.memory_space<hbm>>
    %dma_wait3A_679 = tpu.memref_squeeze %dma_wait3A_678 : memref<1x8x1024xf32, #tpu.memory_space<hbm>> -> memref<8x1024xf32, #tpu.memory_space<hbm>>
    %dma_wait3A_680 = arith.constant 0 : i32
    %dma_wait3A_681 = arith.constant 0 : i32
    %dma_wait3A_682 = tpu.memref_slice %arg2[%dma_wait3A_675, %dma_wait3A_680, %dma_wait3A_681] : memref<4x4096x1024xf32, #tpu.memory_space<hbm>> -> memref<1x8x1024xf32, #tpu.memory_space<hbm>>
    %dma_wait3A_683 = tpu.memref_squeeze %dma_wait3A_682 : memref<1x8x1024xf32, #tpu.memory_space<hbm>> -> memref<8x1024xf32, #tpu.memory_space<hbm>>
    tpu.wait_dma2 semaphore(%arg16 : memref<!tpu.dma_semaphore, #tpu.memory_space<semaphore_mem>>) src(%dma_wait3A_683 : memref<8x1024xf32, #tpu.memory_space<hbm>>) dst(%arg14 : memref<8x1024xf32, #tpu.memory_space<vmem>>)
    %scan3A_684 = arith.constant 0 : i32
    %scan3A_685 = arith.constant 0 : i32
    %scan3A_686 = arith.constant 8 : i32
    %scan3A_687 = arith.addi %scan3A_685, %scan3A_686 : i32
    %scan3A_688 = arith.constant 1 : i32
    scf.for %scan3A_1438 = %scan3A_685 to %scan3A_687 step %scan3A_688  : i32 {
      %scan3A_1439 = arith.constant 0 : i32
      %scan3A_1440 = arith.constant 64 : i32
      %scan3A_1441 = arith.addi %scan3A_1439, %scan3A_1440 : i32
      %scan3A_1442 = arith.constant 8 : i32
      scf.for %scan3A_1444 = %scan3A_1439 to %scan3A_1441 step %scan3A_1442  : i32 {
        %mul3A_1445 = arith.constant 16 : i32
        %mul3A_1446 = arith.muli %scan3A_1444, %mul3A_1445 : i32
        %get3A = arith.index_cast %scan3A_1438 : i32 to index
        %get3A_1447 = arith.index_cast %mul3A_1446 : i32 to index
        %get3A_1448 = tpu.vector_load %arg6[%get3A, %get3A_1447] {strides = array<i32>} : memref<8x1024xf32, #tpu.memory_space<vmem>>, vector<1x16xf32>,
        %get3A_1449 = vector.shape_cast %get3A_1448 : vector<1x16xf32> to vector<16xf32>
        %swap3A = arith.index_cast %scan3A_1438 : i32 to index
        %swap3A_1450 = arith.index_cast %mul3A_1446 : i32 to index
        %swap3A_1451 = tpu.vector_load %arg11[%swap3A, %swap3A_1450] {strides = array<i32>} : memref<8x1024xf32, #tpu.memory_space<vmem>>, vector<1x16xf32>,
        %swap3A_1452 = vector.shape_cast %swap3A_1451 : vector<1x16xf32> to vector<16xf32>
        %swap3A_1453 = vector.shape_cast %get3A_1449 : vector<16xf32> to vector<1x16xf32>
        tpu.vector_store %arg11[%swap3A, %swap3A_1450], %swap3A_1453 {add = true, strides = array<i32>} : memref<8x1024xf32, #tpu.memory_space<vmem>>, vector<1x16xf32>,
        %swap3A_1454 = arith.index_cast %scan3A_1438 : i32 to index
        %swap3A_1455 = arith.index_cast %mul3A_1446 : i32 to index
        %swap3A_1456 = tpu.vector_load %arg12[%swap3A_1454, %swap3A_1455] {strides = array<i32>} : memref<8x1024xf32, #tpu.memory_space<vmem>>, vector<1x16xf32>,
        %swap3A_1457 = vector.shape_cast %swap3A_1456 : vector<1x16xf32> to vector<16xf32>
        %swap3A_1458 = vector.shape_cast %get3A_1449 : vector<16xf32> to vector<1x16xf32>
        tpu.vector_store %arg12[%swap3A_1454, %swap3A_1455], %swap3A_1458 {add = true, strides = array<i32>} : memref<8x1024xf32, #tpu.memory_space<vmem>>, vector<1x16xf32>,
        %swap3A_1459 = arith.index_cast %scan3A_1438 : i32 to index
        %swap3A_1460 = arith.index_cast %mul3A_1446 : i32 to index
        %swap3A_1461 = tpu.vector_load %arg13[%swap3A_1459, %swap3A_1460] {strides = array<i32>} : memref<8x1024xf32, #tpu.memory_space<vmem>>, vector<1x16xf32>,
        %swap3A_1462 = vector.shape_cast %swap3A_1461 : vector<1x16xf32> to vector<16xf32>
        %swap3A_1463 = vector.shape_cast %get3A_1449 : vector<16xf32> to vector<1x16xf32>
        tpu.vector_store %arg13[%swap3A_1459, %swap3A_1460], %swap3A_1463 {add = true, strides = array<i32>} : memref<8x1024xf32, #tpu.memory_space<vmem>>, vector<1x16xf32>,
        %swap3A_1464 = arith.index_cast %scan3A_1438 : i32 to index
        %swap3A_1465 = arith.index_cast %mul3A_1446 : i32 to index
        %swap3A_1466 = tpu.vector_load %arg14[%swap3A_1464, %swap3A_1465] {strides = array<i32>} : memref<8x1024xf32, #tpu.memory_space<vmem>>, vector<1x16xf32>,
        %swap3A_1467 = vector.shape_cast %swap3A_1466 : vector<1x16xf32> to vector<16xf32>
        %swap3A_1468 = vector.shape_cast %get3A_1449 : vector<16xf32> to vector<1x16xf32>
        tpu.vector_store %arg14[%swap3A_1464, %swap3A_1465], %swap3A_1468 {add = true, strides = array<i32>} : memref<8x1024xf32, #tpu.memory_space<vmem>>, vector<1x16xf32>,
        %scan3A_1469 = arith.constant 1 : i32
        %scan3A_1470 = arith.addi %scan3A_1444, %scan3A_1469 : i32
        %mul3A_1471 = arith.constant 16 : i32
        %mul3A_1472 = arith.muli %scan3A_1470, %mul3A_1471 : i32
        %get3A_1473 = arith.index_cast %scan3A_1438 : i32 to index
        %get3A_1474 = arith.index_cast %mul3A_1472 : i32 to index
        %get3A_1475 = tpu.vector_load %arg6[%get3A_1473, %get3A_1474] {strides = array<i32>} : memref<8x1024xf32, #tpu.memory_space<vmem>>, vector<1x16xf32>,
        %get3A_1476 = vector.shape_cast %get3A_1475 : vector<1x16xf32> to vector<16xf32>
        %swap3A_1477 = arith.index_cast %scan3A_1438 : i32 to index
        %swap3A_1478 = arith.index_cast %mul3A_1472 : i32 to index
        %swap3A_1479 = tpu.vector_load %arg11[%swap3A_1477, %swap3A_1478] {strides = array<i32>} : memref<8x1024xf32, #tpu.memory_space<vmem>>, vector<1x16xf32>,
        %swap3A_1480 = vector.shape_cast %swap3A_1479 : vector<1x16xf32> to vector<16xf32>
        %swap3A_1481 = vector.shape_cast %get3A_1476 : vector<16xf32> to vector<1x16xf32>
        tpu.vector_store %arg11[%swap3A_1477, %swap3A_1478], %swap3A_1481 {add = true, strides = array<i32>} : memref<8x1024xf32, #tpu.memory_space<vmem>>, vector<1x16xf32>,
        %swap3A_1482 = arith.index_cast %scan3A_1438 : i32 to index
        %swap3A_1483 = arith.index_cast %mul3A_1472 : i32 to index
        %swap3A_1484 = tpu.vector_load %arg12[%swap3A_1482, %swap3A_1483] {strides = array<i32>} : memref<8x1024xf32, #tpu.memory_space<vmem>>, vector<1x16xf32>,
        %swap3A_1485 = vector.shape_cast %swap3A_1484 : vector<1x16xf32> to vector<16xf32>
        %swap3A_1486 = vector.shape_cast %get3A_1476 : vector<16xf32> to vector<1x16xf32>
        tpu.vector_store %arg12[%swap3A_1482, %swap3A_1483], %swap3A_1486 {add = true, strides = array<i32>} : memref<8x1024xf32, #tpu.memory_space<vmem>>, vector<1x16xf32>,
        %swap3A_1487 = arith.index_cast %scan3A_1438 : i32 to index
        %swap3A_1488 = arith.index_cast %mul3A_1472 : i32 to index
        %swap3A_1489 = tpu.vector_load %arg13[%swap3A_1487, %swap3A_1488] {strides = array<i32>} : memref<8x1024xf32, #tpu.memory_space<vmem>>, vector<1x16xf32>,
        %swap3A_1490 = vector.shape_cast %swap3A_1489 : vector<1x16xf32> to vector<16xf32>
        %swap3A_1491 = vector.shape_cast %get3A_1476 : vector<16xf32> to vector<1x16xf32>
        tpu.vector_store %arg13[%swap3A_1487, %swap3A_1488], %swap3A_1491 {add = true, strides = array<i32>} : memref<8x1024xf32, #tpu.memory_space<vmem>>, vector<1x16xf32>,
        %swap3A_1492 = arith.index_cast %scan3A_1438 : i32 to index
        %swap3A_1493 = arith.index_cast %mul3A_1472 : i32 to index
        %swap3A_1494 = tpu.vector_load %arg14[%swap3A_1492, %swap3A_1493] {strides = array<i32>} : memref<8x1024xf32, #tpu.memory_space<vmem>>, vector<1x16xf32>,
        %swap3A_1495 = vector.shape_cast %swap3A_1494 : vector<1x16xf32> to vector<16xf32>
        %swap3A_1496 = vector.shape_cast %get3A_1476 : vector<16xf32> to vector<1x16xf32>
        tpu.vector_store %arg14[%swap3A_1492, %swap3A_1493], %swap3A_1496 {add = true, strides = array<i32>} : memref<8x1024xf32, #tpu.memory_space<vmem>>, vector<1x16xf32>,
        %scan3A_1497 = arith.constant 2 : i32
        %scan3A_1498 = arith.addi %scan3A_1444, %scan3A_1497 : i32
        %mul3A_1499 = arith.constant 16 : i32
        %mul3A_1500 = arith.muli %scan3A_1498, %mul3A_1499 : i32
        %get3A_1501 = arith.index_cast %scan3A_1438 : i32 to index
        %get3A_1502 = arith.index_cast %mul3A_1500 : i32 to index
        %get3A_1503 = tpu.vector_load %arg6[%get3A_1501, %get3A_1502] {strides = array<i32>} : memref<8x1024xf32, #tpu.memory_space<vmem>>, vector<1x16xf32>,
        %get3A_1504 = vector.shape_cast %get3A_1503 : vector<1x16xf32> to vector<16xf32>
        %swap3A_1505 = arith.index_cast %scan3A_1438 : i32 to index
        %swap3A_1506 = arith.index_cast %mul3A_1500 : i32 to index
        %swap3A_1507 = tpu.vector_load %arg11[%swap3A_1505, %swap3A_1506] {strides = array<i32>} : memref<8x1024xf32, #tpu.memory_space<vmem>>, vector<1x16xf32>,
        %swap3A_1508 = vector.shape_cast %swap3A_1507 : vector<1x16xf32> to vector<16xf32>
        %swap3A_1509 = vector.shape_cast %get3A_1504 : vector<16xf32> to vector<1x16xf32>
        tpu.vector_store %arg11[%swap3A_1505, %swap3A_1506], %swap3A_1509 {add = true, strides = array<i32>} : memref<8x1024xf32, #tpu.memory_space<vmem>>, vector<1x16xf32>,
        %swap3A_1510 = arith.index_cast %scan3A_1438 : i32 to index
        %swap3A_1511 = arith.index_cast %mul3A_1500 : i32 to index
        %swap3A_1512 = tpu.vector_load %arg12[%swap3A_1510, %swap3A_1511] {strides = array<i32>} : memref<8x1024xf32, #tpu.memory_space<vmem>>, vector<1x16xf32>,
        %swap3A_1513 = vector.shape_cast %swap3A_1512 : vector<1x16xf32> to vector<16xf32>
        %swap3A_1514 = vector.shape_cast %get3A_1504 : vector<16xf32> to vector<1x16xf32>
        tpu.vector_store %arg12[%swap3A_1510, %swap3A_1511], %swap3A_1514 {add = true, strides = array<i32>} : memref<8x1024xf32, #tpu.memory_space<vmem>>, vector<1x16xf32>,
        %swap3A_1515 = arith.index_cast %scan3A_1438 : i32 to index
        %swap3A_1516 = arith.index_cast %mul3A_1500 : i32 to index
        %swap3A_1517 = tpu.vector_load %arg13[%swap3A_1515, %swap3A_1516] {strides = array<i32>} : memref<8x1024xf32, #tpu.memory_space<vmem>>, vector<1x16xf32>,
        %swap3A_1518 = vector.shape_cast %swap3A_1517 : vector<1x16xf32> to vector<16xf32>
        %swap3A_1519 = vector.shape_cast %get3A_1504 : vector<16xf32> to vector<1x16xf32>
        tpu.vector_store %arg13[%swap3A_1515, %swap3A_1516], %swap3A_1519 {add = true, strides = array<i32>} : memref<8x1024xf32, #tpu.memory_space<vmem>>, vector<1x16xf32>,
        %swap3A_1520 = arith.index_cast %scan3A_1438 : i32 to index
        %swap3A_1521 = arith.index_cast %mul3A_1500 : i32 to index
        %swap3A_1522 = tpu.vector_load %arg14[%swap3A_1520, %swap3A_1521] {strides = array<i32>} : memref<8x1024xf32, #tpu.memory_space<vmem>>, vector<1x16xf32>,
        %swap3A_1523 = vector.shape_cast %swap3A_1522 : vector<1x16xf32> to vector<16xf32>
        %swap3A_1524 = vector.shape_cast %get3A_1504 : vector<16xf32> to vector<1x16xf32>
        tpu.vector_store %arg14[%swap3A_1520, %swap3A_1521], %swap3A_1524 {add = true, strides = array<i32>} : memref<8x1024xf32, #tpu.memory_space<vmem>>, vector<1x16xf32>,
        %scan3A_1525 = arith.constant 3 : i32
        %scan3A_1526 = arith.addi %scan3A_1444, %scan3A_1525 : i32
        %mul3A_1527 = arith.constant 16 : i32
        %mul3A_1528 = arith.muli %scan3A_1526, %mul3A_1527 : i32
        %get3A_1529 = arith.index_cast %scan3A_1438 : i32 to index
        %get3A_1530 = arith.index_cast %mul3A_1528 : i32 to index
        %get3A_1531 = tpu.vector_load %arg6[%get3A_1529, %get3A_1530] {strides = array<i32>} : memref<8x1024xf32, #tpu.memory_space<vmem>>, vector<1x16xf32>,
        %get3A_1532 = vector.shape_cast %get3A_1531 : vector<1x16xf32> to vector<16xf32>
        %swap3A_1533 = arith.index_cast %scan3A_1438 : i32 to index
        %swap3A_1534 = arith.index_cast %mul3A_1528 : i32 to index
        %swap3A_1535 = tpu.vector_load %arg11[%swap3A_1533, %swap3A_1534] {strides = array<i32>} : memref<8x1024xf32, #tpu.memory_space<vmem>>, vector<1x16xf32>,
        %swap3A_1536 = vector.shape_cast %swap3A_1535 : vector<1x16xf32> to vector<16xf32>
        %swap3A_1537 = vector.shape_cast %get3A_1532 : vector<16xf32> to vector<1x16xf32>
        tpu.vector_store %arg11[%swap3A_1533, %swap3A_1534], %swap3A_1537 {add = true, strides = array<i32>} : memref<8x1024xf32, #tpu.memory_space<vmem>>, vector<1x16xf32>,
        %swap3A_1538 = arith.index_cast %scan3A_1438 : i32 to index
        %swap3A_1539 = arith.index_cast %mul3A_1528 : i32 to index
        %swap3A_1540 = tpu.vector_load %arg12[%swap3A_1538, %swap3A_1539] {strides = array<i32>} : memref<8x1024xf32, #tpu.memory_space<vmem>>, vector<1x16xf32>,
        %swap3A_1541 = vector.shape_cast %swap3A_1540 : vector<1x16xf32> to vector<16xf32>
        %swap3A_1542 = vector.shape_cast %get3A_1532 : vector<16xf32> to vector<1x16xf32>
        tpu.vector_store %arg12[%swap3A_1538, %swap3A_1539], %swap3A_1542 {add = true, strides = array<i32>} : memref<8x1024xf32, #tpu.memory_space<vmem>>, vector<1x16xf32>,
        %swap3A_1543 = arith.index_cast %scan3A_1438 : i32 to index
        %swap3A_1544 = arith.index_cast %mul3A_1528 : i32 to index
        %swap3A_1545 = tpu.vector_load %arg13[%swap3A_1543, %swap3A_1544] {strides = array<i32>} : memref<8x1024xf32, #tpu.memory_space<vmem>>, vector<1x16xf32>,
        %swap3A_1546 = vector.shape_cast %swap3A_1545 : vector<1x16xf32> to vector<16xf32>
        %swap3A_1547 = vector.shape_cast %get3A_1532 : vector<16xf32> to vector<1x16xf32>
        tpu.vector_store %arg13[%swap3A_1543, %swap3A_1544], %swap3A_1547 {add = true, strides = array<i32>} : memref<8x1024xf32, #tpu.memory_space<vmem>>, vector<1x16xf32>,
        %swap3A_1548 = arith.index_cast %scan3A_1438 : i32 to index
        %swap3A_1549 = arith.index_cast %mul3A_1528 : i32 to index
        %swap3A_1550 = tpu.vector_load %arg14[%swap3A_1548, %swap3A_1549] {strides = array<i32>} : memref<8x1024xf32, #tpu.memory_space<vmem>>, vector<1x16xf32>,
        %swap3A_1551 = vector.shape_cast %swap3A_1550 : vector<1x16xf32> to vector<16xf32>
        %swap3A_1552 = vector.shape_cast %get3A_1532 : vector<16xf32> to vector<1x16xf32>
        tpu.vector_store %arg14[%swap3A_1548, %swap3A_1549], %swap3A_1552 {add = true, strides = array<i32>} : memref<8x1024xf32, #tpu.memory_space<vmem>>, vector<1x16xf32>,
        %scan3A_1553 = arith.constant 4 : i32
        %scan3A_1554 = arith.addi %scan3A_1444, %scan3A_1553 : i32
        %mul3A_1555 = arith.constant 16 : i32
        %mul3A_1556 = arith.muli %scan3A_1554, %mul3A_1555 : i32
        %get3A_1557 = arith.index_cast %scan3A_1438 : i32 to index
        %get3A_1558 = arith.index_cast %mul3A_1556 : i32 to index
        %get3A_1559 = tpu.vector_load %arg6[%get3A_1557, %get3A_1558] {strides = array<i32>} : memref<8x1024xf32, #tpu.memory_space<vmem>>, vector<1x16xf32>,
        %get3A_1560 = vector.shape_cast %get3A_1559 : vector<1x16xf32> to vector<16xf32>
        %swap3A_1561 = arith.index_cast %scan3A_1438 : i32 to index
        %swap3A_1562 = arith.index_cast %mul3A_1556 : i32 to index
        %swap3A_1563 = tpu.vector_load %arg11[%swap3A_1561, %swap3A_1562] {strides = array<i32>} : memref<8x1024xf32, #tpu.memory_space<vmem>>, vector<1x16xf32>,
        %swap3A_1564 = vector.shape_cast %swap3A_1563 : vector<1x16xf32> to vector<16xf32>
        %swap3A_1565 = vector.shape_cast %get3A_1560 : vector<16xf32> to vector<1x16xf32>
        tpu.vector_store %arg11[%swap3A_1561, %swap3A_1562], %swap3A_1565 {add = true, strides = array<i32>} : memref<8x1024xf32, #tpu.memory_space<vmem>>, vector<1x16xf32>,
        %swap3A_1566 = arith.index_cast %scan3A_1438 : i32 to index
        %swap3A_1567 = arith.index_cast %mul3A_1556 : i32 to index
        %swap3A_1568 = tpu.vector_load %arg12[%swap3A_1566, %swap3A_1567] {strides = array<i32>} : memref<8x1024xf32, #tpu.memory_space<vmem>>, vector<1x16xf32>,
        %swap3A_1569 = vector.shape_cast %swap3A_1568 : vector<1x16xf32> to vector<16xf32>
        %swap3A_1570 = vector.shape_cast %get3A_1560 : vector<16xf32> to vector<1x16xf32>
        tpu.vector_store %arg12[%swap3A_1566, %swap3A_1567], %swap3A_1570 {add = true, strides = array<i32>} : memref<8x1024xf32, #tpu.memory_space<vmem>>, vector<1x16xf32>,
        %swap3A_1571 = arith.index_cast %scan3A_1438 : i32 to index
        %swap3A_1572 = arith.index_cast %mul3A_1556 : i32 to index
        %swap3A_1573 = tpu.vector_load %arg13[%swap3A_1571, %swap3A_1572] {strides = array<i32>} : memref<8x1024xf32, #tpu.memory_space<vmem>>, vector<1x16xf32>,
        %swap3A_1574 = vector.shape_cast %swap3A_1573 : vector<1x16xf32> to vector<16xf32>
        %swap3A_1575 = vector.shape_cast %get3A_1560 : vector<16xf32> to vector<1x16xf32>
        tpu.vector_store %arg13[%swap3A_1571, %swap3A_1572], %swap3A_1575 {add = true, strides = array<i32>} : memref<8x1024xf32, #tpu.memory_space<vmem>>, vector<1x16xf32>,
        %swap3A_1576 = arith.index_cast %scan3A_1438 : i32 to index
        %swap3A_1577 = arith.index_cast %mul3A_1556 : i32 to index
        %swap3A_1578 = tpu.vector_load %arg14[%swap3A_1576, %swap3A_1577] {strides = array<i32>} : memref<8x1024xf32, #tpu.memory_space<vmem>>, vector<1x16xf32>,
        %swap3A_1579 = vector.shape_cast %swap3A_1578 : vector<1x16xf32> to vector<16xf32>
        %swap3A_1580 = vector.shape_cast %get3A_1560 : vector<16xf32> to vector<1x16xf32>
        tpu.vector_store %arg14[%swap3A_1576, %swap3A_1577], %swap3A_1580 {add = true, strides = array<i32>} : memref<8x1024xf32, #tpu.memory_space<vmem>>, vector<1x16xf32>,
        %scan3A_1581 = arith.constant 5 : i32
        %scan3A_1582 = arith.addi %scan3A_1444, %scan3A_1581 : i32
        %mul3A_1583 = arith.constant 16 : i32
        %mul3A_1584 = arith.muli %scan3A_1582, %mul3A_1583 : i32
        %get3A_1585 = arith.index_cast %scan3A_1438 : i32 to index
        %get3A_1586 = arith.index_cast %mul3A_1584 : i32 to index
        %get3A_1587 = tpu.vector_load %arg6[%get3A_1585, %get3A_1586] {strides = array<i32>} : memref<8x1024xf32, #tpu.memory_space<vmem>>, vector<1x16xf32>,
        %get3A_1588 = vector.shape_cast %get3A_1587 : vector<1x16xf32> to vector<16xf32>
        %swap3A_1589 = arith.index_cast %scan3A_1438 : i32 to index
        %swap3A_1590 = arith.index_cast %mul3A_1584 : i32 to index
        %swap3A_1591 = tpu.vector_load %arg11[%swap3A_1589, %swap3A_1590] {strides = array<i32>} : memref<8x1024xf32, #tpu.memory_space<vmem>>, vector<1x16xf32>,
        %swap3A_1592 = vector.shape_cast %swap3A_1591 : vector<1x16xf32> to vector<16xf32>
        %swap3A_1593 = vector.shape_cast %get3A_1588 : vector<16xf32> to vector<1x16xf32>
        tpu.vector_store %arg11[%swap3A_1589, %swap3A_1590], %swap3A_1593 {add = true, strides = array<i32>} : memref<8x1024xf32, #tpu.memory_space<vmem>>, vector<1x16xf32>,
        %swap3A_1594 = arith.index_cast %scan3A_1438 : i32 to index
        %swap3A_1595 = arith.index_cast %mul3A_1584 : i32 to index
        %swap3A_1596 = tpu.vector_load %arg12[%swap3A_1594, %swap3A_1595] {strides = array<i32>} : memref<8x1024xf32, #tpu.memory_space<vmem>>, vector<1x16xf32>,
        %swap3A_1597 = vector.shape_cast %swap3A_1596 : vector<1x16xf32> to vector<16xf32>
        %swap3A_1598 = vector.shape_cast %get3A_1588 : vector<16xf32> to vector<1x16xf32>
        tpu.vector_store %arg12[%swap3A_1594, %swap3A_1595], %swap3A_1598 {add = true, strides = array<i32>} : memref<8x1024xf32, #tpu.memory_space<vmem>>, vector<1x16xf32>,
        %swap3A_1599 = arith.index_cast %scan3A_1438 : i32 to index
        %swap3A_1600 = arith.index_cast %mul3A_1584 : i32 to index
        %swap3A_1601 = tpu.vector_load %arg13[%swap3A_1599, %swap3A_1600] {strides = array<i32>} : memref<8x1024xf32, #tpu.memory_space<vmem>>, vector<1x16xf32>,
        %swap3A_1602 = vector.shape_cast %swap3A_1601 : vector<1x16xf32> to vector<16xf32>
        %swap3A_1603 = vector.shape_cast %get3A_1588 : vector<16xf32> to vector<1x16xf32>
        tpu.vector_store %arg13[%swap3A_1599, %swap3A_1600], %swap3A_1603 {add = true, strides = array<i32>} : memref<8x1024xf32, #tpu.memory_space<vmem>>, vector<1x16xf32>,
        %swap3A_1604 = arith.index_cast %scan3A_1438 : i32 to index
        %swap3A_1605 = arith.index_cast %mul3A_1584 : i32 to index
        %swap3A_1606 = tpu.vector_load %arg14[%swap3A_1604, %swap3A_1605] {strides = array<i32>} : memref<8x1024xf32, #tpu.memory_space<vmem>>, vector<1x16xf32>,
        %swap3A_1607 = vector.shape_cast %swap3A_1606 : vector<1x16xf32> to vector<16xf32>
        %swap3A_1608 = vector.shape_cast %get3A_1588 : vector<16xf32> to vector<1x16xf32>
        tpu.vector_store %arg14[%swap3A_1604, %swap3A_1605], %swap3A_1608 {add = true, strides = array<i32>} : memref<8x1024xf32, #tpu.memory_space<vmem>>, vector<1x16xf32>,
        %scan3A_1609 = arith.constant 6 : i32
        %scan3A_1610 = arith.addi %scan3A_1444, %scan3A_1609 : i32
        %mul3A_1611 = arith.constant 16 : i32
        %mul3A_1612 = arith.muli %scan3A_1610, %mul3A_1611 : i32
        %get3A_1613 = arith.index_cast %scan3A_1438 : i32 to index
        %get3A_1614 = arith.index_cast %mul3A_1612 : i32 to index
        %get3A_1615 = tpu.vector_load %arg6[%get3A_1613, %get3A_1614] {strides = array<i32>} : memref<8x1024xf32, #tpu.memory_space<vmem>>, vector<1x16xf32>,
        %get3A_1616 = vector.shape_cast %get3A_1615 : vector<1x16xf32> to vector<16xf32>
        %swap3A_1617 = arith.index_cast %scan3A_1438 : i32 to index
        %swap3A_1618 = arith.index_cast %mul3A_1612 : i32 to index
        %swap3A_1619 = tpu.vector_load %arg11[%swap3A_1617, %swap3A_1618] {strides = array<i32>} : memref<8x1024xf32, #tpu.memory_space<vmem>>, vector<1x16xf32>,
        %swap3A_1620 = vector.shape_cast %swap3A_1619 : vector<1x16xf32> to vector<16xf32>
        %swap3A_1621 = vector.shape_cast %get3A_1616 : vector<16xf32> to vector<1x16xf32>
        tpu.vector_store %arg11[%swap3A_1617, %swap3A_1618], %swap3A_1621 {add = true, strides = array<i32>} : memref<8x1024xf32, #tpu.memory_space<vmem>>, vector<1x16xf32>,
        %swap3A_1622 = arith.index_cast %scan3A_1438 : i32 to index
        %swap3A_1623 = arith.index_cast %mul3A_1612 : i32 to index
        %swap3A_1624 = tpu.vector_load %arg12[%swap3A_1622, %swap3A_1623] {strides = array<i32>} : memref<8x1024xf32, #tpu.memory_space<vmem>>, vector<1x16xf32>,
        %swap3A_1625 = vector.shape_cast %swap3A_1624 : vector<1x16xf32> to vector<16xf32>
        %swap3A_1626 = vector.shape_cast %get3A_1616 : vector<16xf32> to vector<1x16xf32>
        tpu.vector_store %arg12[%swap3A_1622, %swap3A_1623], %swap3A_1626 {add = true, strides = array<i32>} : memref<8x1024xf32, #tpu.memory_space<vmem>>, vector<1x16xf32>,
        %swap3A_1627 = arith.index_cast %scan3A_1438 : i32 to index
        %swap3A_1628 = arith.index_cast %mul3A_1612 : i32 to index
        %swap3A_1629 = tpu.vector_load %arg13[%swap3A_1627, %swap3A_1628] {strides = array<i32>} : memref<8x1024xf32, #tpu.memory_space<vmem>>, vector<1x16xf32>,
        %swap3A_1630 = vector.shape_cast %swap3A_1629 : vector<1x16xf32> to vector<16xf32>
        %swap3A_1631 = vector.shape_cast %get3A_1616 : vector<16xf32> to vector<1x16xf32>
        tpu.vector_store %arg13[%swap3A_1627, %swap3A_1628], %swap3A_1631 {add = true, strides = array<i32>} : memref<8x1024xf32, #tpu.memory_space<vmem>>, vector<1x16xf32>,
        %swap3A_1632 = arith.index_cast %scan3A_1438 : i32 to index
        %swap3A_1633 = arith.index_cast %mul3A_1612 : i32 to index
        %swap3A_1634 = tpu.vector_load %arg14[%swap3A_1632, %swap3A_1633] {strides = array<i32>} : memref<8x1024xf32, #tpu.memory_space<vmem>>, vector<1x16xf32>,
        %swap3A_1635 = vector.shape_cast %swap3A_1634 : vector<1x16xf32> to vector<16xf32>
        %swap3A_1636 = vector.shape_cast %get3A_1616 : vector<16xf32> to vector<1x16xf32>
        tpu.vector_store %arg14[%swap3A_1632, %swap3A_1633], %swap3A_1636 {add = true, strides = array<i32>} : memref<8x1024xf32, #tpu.memory_space<vmem>>, vector<1x16xf32>,
        %scan3A_1637 = arith.constant 7 : i32
        %scan3A_1638 = arith.addi %scan3A_1444, %scan3A_1637 : i32
        %mul3A_1639 = arith.constant 16 : i32
        %mul3A_1640 = arith.muli %scan3A_1638, %mul3A_1639 : i32
        %get3A_1641 = arith.index_cast %scan3A_1438 : i32 to index
        %get3A_1642 = arith.index_cast %mul3A_1640 : i32 to index
        %get3A_1643 = tpu.vector_load %arg6[%get3A_1641, %get3A_1642] {strides = array<i32>} : memref<8x1024xf32, #tpu.memory_space<vmem>>, vector<1x16xf32>,
        %get3A_1644 = vector.shape_cast %get3A_1643 : vector<1x16xf32> to vector<16xf32>
        %swap3A_1645 = arith.index_cast %scan3A_1438 : i32 to index
        %swap3A_1646 = arith.index_cast %mul3A_1640 : i32 to index
        %swap3A_1647 = tpu.vector_load %arg11[%swap3A_1645, %swap3A_1646] {strides = array<i32>} : memref<8x1024xf32, #tpu.memory_space<vmem>>, vector<1x16xf32>,
        %swap3A_1648 = vector.shape_cast %swap3A_1647 : vector<1x16xf32> to vector<16xf32>
        %swap3A_1649 = vector.shape_cast %get3A_1644 : vector<16xf32> to vector<1x16xf32>
        tpu.vector_store %arg11[%swap3A_1645, %swap3A_1646], %swap3A_1649 {add = true, strides = array<i32>} : memref<8x1024xf32, #tpu.memory_space<vmem>>, vector<1x16xf32>,
        %swap3A_1650 = arith.index_cast %scan3A_1438 : i32 to index
        %swap3A_1651 = arith.index_cast %mul3A_1640 : i32 to index
        %swap3A_1652 = tpu.vector_load %arg12[%swap3A_1650, %swap3A_1651] {strides = array<i32>} : memref<8x1024xf32, #tpu.memory_space<vmem>>, vector<1x16xf32>,
        %swap3A_1653 = vector.shape_cast %swap3A_1652 : vector<1x16xf32> to vector<16xf32>
        %swap3A_1654 = vector.shape_cast %get3A_1644 : vector<16xf32> to vector<1x16xf32>
        tpu.vector_store %arg12[%swap3A_1650, %swap3A_1651], %swap3A_1654 {add = true, strides = array<i32>} : memref<8x1024xf32, #tpu.memory_space<vmem>>, vector<1x16xf32>,
        %swap3A_1655 = arith.index_cast %scan3A_1438 : i32 to index
        %swap3A_1656 = arith.index_cast %mul3A_1640 : i32 to index
        %swap3A_1657 = tpu.vector_load %arg13[%swap3A_1655, %swap3A_1656] {strides = array<i32>} : memref<8x1024xf32, #tpu.memory_space<vmem>>, vector<1x16xf32>,
        %swap3A_1658 = vector.shape_cast %swap3A_1657 : vector<1x16xf32> to vector<16xf32>
        %swap3A_1659 = vector.shape_cast %get3A_1644 : vector<16xf32> to vector<1x16xf32>
        tpu.vector_store %arg13[%swap3A_1655, %swap3A_1656], %swap3A_1659 {add = true, strides = array<i32>} : memref<8x1024xf32, #tpu.memory_space<vmem>>, vector<1x16xf32>,
        %swap3A_1660 = arith.index_cast %scan3A_1438 : i32 to index
        %swap3A_1661 = arith.index_cast %mul3A_1640 : i32 to index
        %swap3A_1662 = tpu.vector_load %arg14[%swap3A_1660, %swap3A_1661] {strides = array<i32>} : memref<8x1024xf32, #tpu.memory_space<vmem>>, vector<1x16xf32>,
        %swap3A_1663 = vector.shape_cast %swap3A_1662 : vector<1x16xf32> to vector<16xf32>
        %swap3A_1664 = vector.shape_cast %get3A_1644 : vector<16xf32> to vector<1x16xf32>
        tpu.vector_store %arg14[%swap3A_1660, %swap3A_1661], %swap3A_1664 {add = true, strides = array<i32>} : memref<8x1024xf32, #tpu.memory_space<vmem>>, vector<1x16xf32>,
      }
      %scan3A_1443 = arith.constant 64 : i32
    }
    %scan3A_689 = arith.constant 8 : i32
    %mul3A_690 = arith.constant 64 : i32
    %mul3A_691 = arith.muli %add3A, %mul3A_690 : i32
    %add3A_692 = arith.constant 24 : i32
    %add3A_693 = arith.addi %mul3A_691, %add3A_692 : i32
    %dma_start3A_694 = arith.constant 0 : i32
    %dma_start3A_695 = arith.constant 0 : i32
    %dma_start3A_696 = tpu.memref_slice %arg4[%dma_start3A_694, %add3A_693, %dma_start3A_695] : memref<4x4096x1024xf32, #tpu.memory_space<hbm>> -> memref<1x8x1024xf32, #tpu.memory_space<hbm>>
    %dma_start3A_697 = tpu.memref_squeeze %dma_start3A_696 : memref<1x8x1024xf32, #tpu.memory_space<hbm>> -> memref<8x1024xf32, #tpu.memory_space<hbm>>
    %dma_start3A_698 = arith.constant 0 : i32
    %dma_start3A_699 = tpu.memref_slice %arg4[%dma_start3A_694, %add3A_693, %dma_start3A_698] : memref<4x4096x1024xf32, #tpu.memory_space<hbm>> -> memref<1x8x1024xf32, #tpu.memory_space<hbm>>
    %dma_start3A_700 = tpu.memref_squeeze %dma_start3A_699 : memref<1x8x1024xf32, #tpu.memory_space<hbm>> -> memref<8x1024xf32, #tpu.memory_space<hbm>>
    tpu.enqueue_dma source(%arg11 : memref<8x1024xf32, #tpu.memory_space<vmem>>) target(%dma_start3A_700 : memref<8x1024xf32, #tpu.memory_space<hbm>>) target_semaphore(%arg18 : memref<!tpu.dma_semaphore, #tpu.memory_space<semaphore_mem>>)
    %mul3A_701 = arith.constant 64 : i32
    %mul3A_702 = arith.muli %add3A, %mul3A_701 : i32
    %add3A_703 = arith.constant 24 : i32
    %add3A_704 = arith.addi %mul3A_702, %add3A_703 : i32
    %dma_start3A_705 = arith.constant 1 : i32
    %dma_start3A_706 = arith.constant 0 : i32
    %dma_start3A_707 = tpu.memref_slice %arg4[%dma_start3A_705, %add3A_704, %dma_start3A_706] : memref<4x4096x1024xf32, #tpu.memory_space<hbm>> -> memref<1x8x1024xf32, #tpu.memory_space<hbm>>
    %dma_start3A_708 = tpu.memref_squeeze %dma_start3A_707 : memref<1x8x1024xf32, #tpu.memory_space<hbm>> -> memref<8x1024xf32, #tpu.memory_space<hbm>>
    %dma_start3A_709 = arith.constant 0 : i32
    %dma_start3A_710 = tpu.memref_slice %arg4[%dma_start3A_705, %add3A_704, %dma_start3A_709] : memref<4x4096x1024xf32, #tpu.memory_space<hbm>> -> memref<1x8x1024xf32, #tpu.memory_space<hbm>>
    %dma_start3A_711 = tpu.memref_squeeze %dma_start3A_710 : memref<1x8x1024xf32, #tpu.memory_space<hbm>> -> memref<8x1024xf32, #tpu.memory_space<hbm>>
    tpu.enqueue_dma source(%arg12 : memref<8x1024xf32, #tpu.memory_space<vmem>>) target(%dma_start3A_711 : memref<8x1024xf32, #tpu.memory_space<hbm>>) target_semaphore(%arg18 : memref<!tpu.dma_semaphore, #tpu.memory_space<semaphore_mem>>)
    %mul3A_712 = arith.constant 64 : i32
    %mul3A_713 = arith.muli %add3A, %mul3A_712 : i32
    %add3A_714 = arith.constant 24 : i32
    %add3A_715 = arith.addi %mul3A_713, %add3A_714 : i32
    %dma_start3A_716 = arith.constant 2 : i32
    %dma_start3A_717 = arith.constant 0 : i32
    %dma_start3A_718 = tpu.memref_slice %arg4[%dma_start3A_716, %add3A_715, %dma_start3A_717] : memref<4x4096x1024xf32, #tpu.memory_space<hbm>> -> memref<1x8x1024xf32, #tpu.memory_space<hbm>>
    %dma_start3A_719 = tpu.memref_squeeze %dma_start3A_718 : memref<1x8x1024xf32, #tpu.memory_space<hbm>> -> memref<8x1024xf32, #tpu.memory_space<hbm>>
    %dma_start3A_720 = arith.constant 0 : i32
    %dma_start3A_721 = tpu.memref_slice %arg4[%dma_start3A_716, %add3A_715, %dma_start3A_720] : memref<4x4096x1024xf32, #tpu.memory_space<hbm>> -> memref<1x8x1024xf32, #tpu.memory_space<hbm>>
    %dma_start3A_722 = tpu.memref_squeeze %dma_start3A_721 : memref<1x8x1024xf32, #tpu.memory_space<hbm>> -> memref<8x1024xf32, #tpu.memory_space<hbm>>
    tpu.enqueue_dma source(%arg13 : memref<8x1024xf32, #tpu.memory_space<vmem>>) target(%dma_start3A_722 : memref<8x1024xf32, #tpu.memory_space<hbm>>) target_semaphore(%arg18 : memref<!tpu.dma_semaphore, #tpu.memory_space<semaphore_mem>>)
    %mul3A_723 = arith.constant 64 : i32
    %mul3A_724 = arith.muli %add3A, %mul3A_723 : i32
    %add3A_725 = arith.constant 24 : i32
    %add3A_726 = arith.addi %mul3A_724, %add3A_725 : i32
    %dma_start3A_727 = arith.constant 3 : i32
    %dma_start3A_728 = arith.constant 0 : i32
    %dma_start3A_729 = tpu.memref_slice %arg4[%dma_start3A_727, %add3A_726, %dma_start3A_728] : memref<4x4096x1024xf32, #tpu.memory_space<hbm>> -> memref<1x8x1024xf32, #tpu.memory_space<hbm>>
    %dma_start3A_730 = tpu.memref_squeeze %dma_start3A_729 : memref<1x8x1024xf32, #tpu.memory_space<hbm>> -> memref<8x1024xf32, #tpu.memory_space<hbm>>
    %dma_start3A_731 = arith.constant 0 : i32
    %dma_start3A_732 = tpu.memref_slice %arg4[%dma_start3A_727, %add3A_726, %dma_start3A_731] : memref<4x4096x1024xf32, #tpu.memory_space<hbm>> -> memref<1x8x1024xf32, #tpu.memory_space<hbm>>
    %dma_start3A_733 = tpu.memref_squeeze %dma_start3A_732 : memref<1x8x1024xf32, #tpu.memory_space<hbm>> -> memref<8x1024xf32, #tpu.memory_space<hbm>>
    tpu.enqueue_dma source(%arg14 : memref<8x1024xf32, #tpu.memory_space<vmem>>) target(%dma_start3A_733 : memref<8x1024xf32, #tpu.memory_space<hbm>>) target_semaphore(%arg18 : memref<!tpu.dma_semaphore, #tpu.memory_space<semaphore_mem>>)
    %dma_wait3A_734 = arith.constant 0 : i32
    %dma_wait3A_735 = arith.constant 0 : i32
    %dma_wait3A_736 = arith.constant 0 : i32
    %dma_wait3A_737 = tpu.memref_slice %arg4[%dma_wait3A_734, %dma_wait3A_735, %dma_wait3A_736] : memref<4x4096x1024xf32, #tpu.memory_space<hbm>> -> memref<1x8x1024xf32, #tpu.memory_space<hbm>>
    %dma_wait3A_738 = tpu.memref_squeeze %dma_wait3A_737 : memref<1x8x1024xf32, #tpu.memory_space<hbm>> -> memref<8x1024xf32, #tpu.memory_space<hbm>>
    %dma_wait3A_739 = arith.constant 0 : i32
    %dma_wait3A_740 = arith.constant 0 : i32
    %dma_wait3A_741 = tpu.memref_slice %arg4[%dma_wait3A_734, %dma_wait3A_739, %dma_wait3A_740] : memref<4x4096x1024xf32, #tpu.memory_space<hbm>> -> memref<1x8x1024xf32, #tpu.memory_space<hbm>>
    %dma_wait3A_742 = tpu.memref_squeeze %dma_wait3A_741 : memref<1x8x1024xf32, #tpu.memory_space<hbm>> -> memref<8x1024xf32, #tpu.memory_space<hbm>>
    tpu.wait_dma2 semaphore(%arg18 : memref<!tpu.dma_semaphore, #tpu.memory_space<semaphore_mem>>) src(%arg11 : memref<8x1024xf32, #tpu.memory_space<vmem>>) dst(%dma_wait3A_742 : memref<8x1024xf32, #tpu.memory_space<hbm>>)
    %dma_wait3A_743 = arith.constant 0 : i32
    %dma_wait3A_744 = arith.constant 0 : i32
    %dma_wait3A_745 = arith.constant 0 : i32
    %dma_wait3A_746 = tpu.memref_slice %arg4[%dma_wait3A_743, %dma_wait3A_744, %dma_wait3A_745] : memref<4x4096x1024xf32, #tpu.memory_space<hbm>> -> memref<1x8x1024xf32, #tpu.memory_space<hbm>>
    %dma_wait3A_747 = tpu.memref_squeeze %dma_wait3A_746 : memref<1x8x1024xf32, #tpu.memory_space<hbm>> -> memref<8x1024xf32, #tpu.memory_space<hbm>>
    %dma_wait3A_748 = arith.constant 0 : i32
    %dma_wait3A_749 = arith.constant 0 : i32
    %dma_wait3A_750 = tpu.memref_slice %arg4[%dma_wait3A_743, %dma_wait3A_748, %dma_wait3A_749] : memref<4x4096x1024xf32, #tpu.memory_space<hbm>> -> memref<1x8x1024xf32, #tpu.memory_space<hbm>>
    %dma_wait3A_751 = tpu.memref_squeeze %dma_wait3A_750 : memref<1x8x1024xf32, #tpu.memory_space<hbm>> -> memref<8x1024xf32, #tpu.memory_space<hbm>>
    tpu.wait_dma2 semaphore(%arg18 : memref<!tpu.dma_semaphore, #tpu.memory_space<semaphore_mem>>) src(%arg12 : memref<8x1024xf32, #tpu.memory_space<vmem>>) dst(%dma_wait3A_751 : memref<8x1024xf32, #tpu.memory_space<hbm>>)
    %dma_wait3A_752 = arith.constant 0 : i32
    %dma_wait3A_753 = arith.constant 0 : i32
    %dma_wait3A_754 = arith.constant 0 : i32
    %dma_wait3A_755 = tpu.memref_slice %arg4[%dma_wait3A_752, %dma_wait3A_753, %dma_wait3A_754] : memref<4x4096x1024xf32, #tpu.memory_space<hbm>> -> memref<1x8x1024xf32, #tpu.memory_space<hbm>>
    %dma_wait3A_756 = tpu.memref_squeeze %dma_wait3A_755 : memref<1x8x1024xf32, #tpu.memory_space<hbm>> -> memref<8x1024xf32, #tpu.memory_space<hbm>>
    %dma_wait3A_757 = arith.constant 0 : i32
    %dma_wait3A_758 = arith.constant 0 : i32
    %dma_wait3A_759 = tpu.memref_slice %arg4[%dma_wait3A_752, %dma_wait3A_757, %dma_wait3A_758] : memref<4x4096x1024xf32, #tpu.memory_space<hbm>> -> memref<1x8x1024xf32, #tpu.memory_space<hbm>>
    %dma_wait3A_760 = tpu.memref_squeeze %dma_wait3A_759 : memref<1x8x1024xf32, #tpu.memory_space<hbm>> -> memref<8x1024xf32, #tpu.memory_space<hbm>>
    tpu.wait_dma2 semaphore(%arg18 : memref<!tpu.dma_semaphore, #tpu.memory_space<semaphore_mem>>) src(%arg13 : memref<8x1024xf32, #tpu.memory_space<vmem>>) dst(%dma_wait3A_760 : memref<8x1024xf32, #tpu.memory_space<hbm>>)
    %dma_wait3A_761 = arith.constant 0 : i32
    %dma_wait3A_762 = arith.constant 0 : i32
    %dma_wait3A_763 = arith.constant 0 : i32
    %dma_wait3A_764 = tpu.memref_slice %arg4[%dma_wait3A_761, %dma_wait3A_762, %dma_wait3A_763] : memref<4x4096x1024xf32, #tpu.memory_space<hbm>> -> memref<1x8x1024xf32, #tpu.memory_space<hbm>>
    %dma_wait3A_765 = tpu.memref_squeeze %dma_wait3A_764 : memref<1x8x1024xf32, #tpu.memory_space<hbm>> -> memref<8x1024xf32, #tpu.memory_space<hbm>>
    %dma_wait3A_766 = arith.constant 0 : i32
    %dma_wait3A_767 = arith.constant 0 : i32
    %dma_wait3A_768 = tpu.memref_slice %arg4[%dma_wait3A_761, %dma_wait3A_766, %dma_wait3A_767] : memref<4x4096x1024xf32, #tpu.memory_space<hbm>> -> memref<1x8x1024xf32, #tpu.memory_space<hbm>>
    %dma_wait3A_769 = tpu.memref_squeeze %dma_wait3A_768 : memref<1x8x1024xf32, #tpu.memory_space<hbm>> -> memref<8x1024xf32, #tpu.memory_space<hbm>>
    tpu.wait_dma2 semaphore(%arg18 : memref<!tpu.dma_semaphore, #tpu.memory_space<semaphore_mem>>) src(%arg14 : memref<8x1024xf32, #tpu.memory_space<vmem>>) dst(%dma_wait3A_769 : memref<8x1024xf32, #tpu.memory_space<hbm>>)
    %mul3A_770 = arith.constant 64 : i32
    %mul3A_771 = arith.muli %add3A, %mul3A_770 : i32
    %add3A_772 = arith.constant 40 : i32
    %add3A_773 = arith.addi %mul3A_771, %add3A_772 : i32
    %dma_start3A_774 = arith.constant 0 : i32
    %dma_start3A_775 = tpu.memref_slice %arg3[%add3A_773, %dma_start3A_774] : memref<4096x1024xf32, #tpu.memory_space<hbm>> -> memref<8x1024xf32, #tpu.memory_space<hbm>>
    %dma_start3A_776 = arith.constant 0 : i32
    %dma_start3A_777 = tpu.memref_slice %arg3[%add3A_773, %dma_start3A_776] : memref<4096x1024xf32, #tpu.memory_space<hbm>> -> memref<8x1024xf32, #tpu.memory_space<hbm>>
    tpu.enqueue_dma source(%dma_start3A_777 : memref<8x1024xf32, #tpu.memory_space<hbm>>) target(%arg6 : memref<8x1024xf32, #tpu.memory_space<vmem>>) target_semaphore(%arg16 : memref<!tpu.dma_semaphore, #tpu.memory_space<semaphore_mem>>)
    %mul3A_778 = arith.constant 64 : i32
    %mul3A_779 = arith.muli %add3A, %mul3A_778 : i32
    %add3A_780 = arith.constant 40 : i32
    %add3A_781 = arith.addi %mul3A_779, %add3A_780 : i32
    %dma_start3A_782 = arith.constant 0 : i32
    %dma_start3A_783 = arith.constant 0 : i32
    %dma_start3A_784 = tpu.memref_slice %arg2[%dma_start3A_782, %add3A_781, %dma_start3A_783] : memref<4x4096x1024xf32, #tpu.memory_space<hbm>> -> memref<1x8x1024xf32, #tpu.memory_space<hbm>>
    %dma_start3A_785 = tpu.memref_squeeze %dma_start3A_784 : memref<1x8x1024xf32, #tpu.memory_space<hbm>> -> memref<8x1024xf32, #tpu.memory_space<hbm>>
    %dma_start3A_786 = arith.constant 0 : i32
    %dma_start3A_787 = tpu.memref_slice %arg2[%dma_start3A_782, %add3A_781, %dma_start3A_786] : memref<4x4096x1024xf32, #tpu.memory_space<hbm>> -> memref<1x8x1024xf32, #tpu.memory_space<hbm>>
    %dma_start3A_788 = tpu.memref_squeeze %dma_start3A_787 : memref<1x8x1024xf32, #tpu.memory_space<hbm>> -> memref<8x1024xf32, #tpu.memory_space<hbm>>
    tpu.enqueue_dma source(%dma_start3A_788 : memref<8x1024xf32, #tpu.memory_space<hbm>>) target(%arg11 : memref<8x1024xf32, #tpu.memory_space<vmem>>) target_semaphore(%arg16 : memref<!tpu.dma_semaphore, #tpu.memory_space<semaphore_mem>>)
    %mul3A_789 = arith.constant 64 : i32
    %mul3A_790 = arith.muli %add3A, %mul3A_789 : i32
    %add3A_791 = arith.constant 40 : i32
    %add3A_792 = arith.addi %mul3A_790, %add3A_791 : i32
    %dma_start3A_793 = arith.constant 1 : i32
    %dma_start3A_794 = arith.constant 0 : i32
    %dma_start3A_795 = tpu.memref_slice %arg2[%dma_start3A_793, %add3A_792, %dma_start3A_794] : memref<4x4096x1024xf32, #tpu.memory_space<hbm>> -> memref<1x8x1024xf32, #tpu.memory_space<hbm>>
    %dma_start3A_796 = tpu.memref_squeeze %dma_start3A_795 : memref<1x8x1024xf32, #tpu.memory_space<hbm>> -> memref<8x1024xf32, #tpu.memory_space<hbm>>
    %dma_start3A_797 = arith.constant 0 : i32
    %dma_start3A_798 = tpu.memref_slice %arg2[%dma_start3A_793, %add3A_792, %dma_start3A_797] : memref<4x4096x1024xf32, #tpu.memory_space<hbm>> -> memref<1x8x1024xf32, #tpu.memory_space<hbm>>
    %dma_start3A_799 = tpu.memref_squeeze %dma_start3A_798 : memref<1x8x1024xf32, #tpu.memory_space<hbm>> -> memref<8x1024xf32, #tpu.memory_space<hbm>>
    tpu.enqueue_dma source(%dma_start3A_799 : memref<8x1024xf32, #tpu.memory_space<hbm>>) target(%arg12 : memref<8x1024xf32, #tpu.memory_space<vmem>>) target_semaphore(%arg16 : memref<!tpu.dma_semaphore, #tpu.memory_space<semaphore_mem>>)
    %mul3A_800 = arith.constant 64 : i32
    %mul3A_801 = arith.muli %add3A, %mul3A_800 : i32
    %add3A_802 = arith.constant 40 : i32
    %add3A_803 = arith.addi %mul3A_801, %add3A_802 : i32
    %dma_start3A_804 = arith.constant 2 : i32
    %dma_start3A_805 = arith.constant 0 : i32
    %dma_start3A_806 = tpu.memref_slice %arg2[%dma_start3A_804, %add3A_803, %dma_start3A_805] : memref<4x4096x1024xf32, #tpu.memory_space<hbm>> -> memref<1x8x1024xf32, #tpu.memory_space<hbm>>
    %dma_start3A_807 = tpu.memref_squeeze %dma_start3A_806 : memref<1x8x1024xf32, #tpu.memory_space<hbm>> -> memref<8x1024xf32, #tpu.memory_space<hbm>>
    %dma_start3A_808 = arith.constant 0 : i32
    %dma_start3A_809 = tpu.memref_slice %arg2[%dma_start3A_804, %add3A_803, %dma_start3A_808] : memref<4x4096x1024xf32, #tpu.memory_space<hbm>> -> memref<1x8x1024xf32, #tpu.memory_space<hbm>>
    %dma_start3A_810 = tpu.memref_squeeze %dma_start3A_809 : memref<1x8x1024xf32, #tpu.memory_space<hbm>> -> memref<8x1024xf32, #tpu.memory_space<hbm>>
    tpu.enqueue_dma source(%dma_start3A_810 : memref<8x1024xf32, #tpu.memory_space<hbm>>) target(%arg13 : memref<8x1024xf32, #tpu.memory_space<vmem>>) target_semaphore(%arg16 : memref<!tpu.dma_semaphore, #tpu.memory_space<semaphore_mem>>)
    %mul3A_811 = arith.constant 64 : i32
    %mul3A_812 = arith.muli %add3A, %mul3A_811 : i32
    %add3A_813 = arith.constant 40 : i32
    %add3A_814 = arith.addi %mul3A_812, %add3A_813 : i32
    %dma_start3A_815 = arith.constant 3 : i32
    %dma_start3A_816 = arith.constant 0 : i32
    %dma_start3A_817 = tpu.memref_slice %arg2[%dma_start3A_815, %add3A_814, %dma_start3A_816] : memref<4x4096x1024xf32, #tpu.memory_space<hbm>> -> memref<1x8x1024xf32, #tpu.memory_space<hbm>>
    %dma_start3A_818 = tpu.memref_squeeze %dma_start3A_817 : memref<1x8x1024xf32, #tpu.memory_space<hbm>> -> memref<8x1024xf32, #tpu.memory_space<hbm>>
    %dma_start3A_819 = arith.constant 0 : i32
    %dma_start3A_820 = tpu.memref_slice %arg2[%dma_start3A_815, %add3A_814, %dma_start3A_819] : memref<4x4096x1024xf32, #tpu.memory_space<hbm>> -> memref<1x8x1024xf32, #tpu.memory_space<hbm>>
    %dma_start3A_821 = tpu.memref_squeeze %dma_start3A_820 : memref<1x8x1024xf32, #tpu.memory_space<hbm>> -> memref<8x1024xf32, #tpu.memory_space<hbm>>
    tpu.enqueue_dma source(%dma_start3A_821 : memref<8x1024xf32, #tpu.memory_space<hbm>>) target(%arg14 : memref<8x1024xf32, #tpu.memory_space<vmem>>) target_semaphore(%arg16 : memref<!tpu.dma_semaphore, #tpu.memory_space<semaphore_mem>>)
    %dma_wait3A_822 = arith.constant 0 : i32
    %dma_wait3A_823 = arith.constant 0 : i32
    %dma_wait3A_824 = tpu.memref_slice %arg3[%dma_wait3A_822, %dma_wait3A_823] : memref<4096x1024xf32, #tpu.memory_space<hbm>> -> memref<8x1024xf32, #tpu.memory_space<hbm>>
    %dma_wait3A_825 = arith.constant 0 : i32
    %dma_wait3A_826 = arith.constant 0 : i32
    %dma_wait3A_827 = tpu.memref_slice %arg3[%dma_wait3A_825, %dma_wait3A_826] : memref<4096x1024xf32, #tpu.memory_space<hbm>> -> memref<8x1024xf32, #tpu.memory_space<hbm>>
    tpu.wait_dma2 semaphore(%arg15 : memref<!tpu.dma_semaphore, #tpu.memory_space<semaphore_mem>>) src(%dma_wait3A_827 : memref<8x1024xf32, #tpu.memory_space<hbm>>) dst(%arg5 : memref<8x1024xf32, #tpu.memory_space<vmem>>)
    %dma_wait3A_828 = arith.constant 0 : i32
    %dma_wait3A_829 = arith.constant 0 : i32
    %dma_wait3A_830 = arith.constant 0 : i32
    %dma_wait3A_831 = tpu.memref_slice %arg2[%dma_wait3A_828, %dma_wait3A_829, %dma_wait3A_830] : memref<4x4096x1024xf32, #tpu.memory_space<hbm>> -> memref<1x8x1024xf32, #tpu.memory_space<hbm>>
    %dma_wait3A_832 = tpu.memref_squeeze %dma_wait3A_831 : memref<1x8x1024xf32, #tpu.memory_space<hbm>> -> memref<8x1024xf32, #tpu.memory_space<hbm>>
    %dma_wait3A_833 = arith.constant 0 : i32
    %dma_wait3A_834 = arith.constant 0 : i32
    %dma_wait3A_835 = tpu.memref_slice %arg2[%dma_wait3A_828, %dma_wait3A_833, %dma_wait3A_834] : memref<4x4096x1024xf32, #tpu.memory_space<hbm>> -> memref<1x8x1024xf32, #tpu.memory_space<hbm>>
    %dma_wait3A_836 = tpu.memref_squeeze %dma_wait3A_835 : memref<1x8x1024xf32, #tpu.memory_space<hbm>> -> memref<8x1024xf32, #tpu.memory_space<hbm>>
    tpu.wait_dma2 semaphore(%arg15 : memref<!tpu.dma_semaphore, #tpu.memory_space<semaphore_mem>>) src(%dma_wait3A_836 : memref<8x1024xf32, #tpu.memory_space<hbm>>) dst(%arg7 : memref<8x1024xf32, #tpu.memory_space<vmem>>)
    %dma_wait3A_837 = arith.constant 0 : i32
    %dma_wait3A_838 = arith.constant 0 : i32
    %dma_wait3A_839 = arith.constant 0 : i32
    %dma_wait3A_840 = tpu.memref_slice %arg2[%dma_wait3A_837, %dma_wait3A_838, %dma_wait3A_839] : memref<4x4096x1024xf32, #tpu.memory_space<hbm>> -> memref<1x8x1024xf32, #tpu.memory_space<hbm>>
    %dma_wait3A_841 = tpu.memref_squeeze %dma_wait3A_840 : memref<1x8x1024xf32, #tpu.memory_space<hbm>> -> memref<8x1024xf32, #tpu.memory_space<hbm>>
    %dma_wait3A_842 = arith.constant 0 : i32
    %dma_wait3A_843 = arith.constant 0 : i32
    %dma_wait3A_844 = tpu.memref_slice %arg2[%dma_wait3A_837, %dma_wait3A_842, %dma_wait3A_843] : memref<4x4096x1024xf32, #tpu.memory_space<hbm>> -> memref<1x8x1024xf32, #tpu.memory_space<hbm>>
    %dma_wait3A_845 = tpu.memref_squeeze %dma_wait3A_844 : memref<1x8x1024xf32, #tpu.memory_space<hbm>> -> memref<8x1024xf32, #tpu.memory_space<hbm>>
    tpu.wait_dma2 semaphore(%arg15 : memref<!tpu.dma_semaphore, #tpu.memory_space<semaphore_mem>>) src(%dma_wait3A_845 : memref<8x1024xf32, #tpu.memory_space<hbm>>) dst(%arg8 : memref<8x1024xf32, #tpu.memory_space<vmem>>)
    %dma_wait3A_846 = arith.constant 0 : i32
    %dma_wait3A_847 = arith.constant 0 : i32
    %dma_wait3A_848 = arith.constant 0 : i32
    %dma_wait3A_849 = tpu.memref_slice %arg2[%dma_wait3A_846, %dma_wait3A_847, %dma_wait3A_848] : memref<4x4096x1024xf32, #tpu.memory_space<hbm>> -> memref<1x8x1024xf32, #tpu.memory_space<hbm>>
    %dma_wait3A_850 = tpu.memref_squeeze %dma_wait3A_849 : memref<1x8x1024xf32, #tpu.memory_space<hbm>> -> memref<8x1024xf32, #tpu.memory_space<hbm>>
    %dma_wait3A_851 = arith.constant 0 : i32
    %dma_wait3A_852 = arith.constant 0 : i32
    %dma_wait3A_853 = tpu.memref_slice %arg2[%dma_wait3A_846, %dma_wait3A_851, %dma_wait3A_852] : memref<4x4096x1024xf32, #tpu.memory_space<hbm>> -> memref<1x8x1024xf32, #tpu.memory_space<hbm>>
    %dma_wait3A_854 = tpu.memref_squeeze %dma_wait3A_853 : memref<1x8x1024xf32, #tpu.memory_space<hbm>> -> memref<8x1024xf32, #tpu.memory_space<hbm>>
    tpu.wait_dma2 semaphore(%arg15 : memref<!tpu.dma_semaphore, #tpu.memory_space<semaphore_mem>>) src(%dma_wait3A_854 : memref<8x1024xf32, #tpu.memory_space<hbm>>) dst(%arg9 : memref<8x1024xf32, #tpu.memory_space<vmem>>)
    %dma_wait3A_855 = arith.constant 0 : i32
    %dma_wait3A_856 = arith.constant 0 : i32
    %dma_wait3A_857 = arith.constant 0 : i32
    %dma_wait3A_858 = tpu.memref_slice %arg2[%dma_wait3A_855, %dma_wait3A_856, %dma_wait3A_857] : memref<4x4096x1024xf32, #tpu.memory_space<hbm>> -> memref<1x8x1024xf32, #tpu.memory_space<hbm>>
    %dma_wait3A_859 = tpu.memref_squeeze %dma_wait3A_858 : memref<1x8x1024xf32, #tpu.memory_space<hbm>> -> memref<8x1024xf32, #tpu.memory_space<hbm>>
    %dma_wait3A_860 = arith.constant 0 : i32
    %dma_wait3A_861 = arith.constant 0 : i32
    %dma_wait3A_862 = tpu.memref_slice %arg2[%dma_wait3A_855, %dma_wait3A_860, %dma_wait3A_861] : memref<4x4096x1024xf32, #tpu.memory_space<hbm>> -> memref<1x8x1024xf32, #tpu.memory_space<hbm>>
    %dma_wait3A_863 = tpu.memref_squeeze %dma_wait3A_862 : memref<1x8x1024xf32, #tpu.memory_space<hbm>> -> memref<8x1024xf32, #tpu.memory_space<hbm>>
    tpu.wait_dma2 semaphore(%arg15 : memref<!tpu.dma_semaphore, #tpu.memory_space<semaphore_mem>>) src(%dma_wait3A_863 : memref<8x1024xf32, #tpu.memory_space<hbm>>) dst(%arg10 : memref<8x1024xf32, #tpu.memory_space<vmem>>)
    %scan3A_864 = arith.constant 0 : i32
    %scan3A_865 = arith.constant 0 : i32
    %scan3A_866 = arith.constant 8 : i32
    %scan3A_867 = arith.addi %scan3A_865, %scan3A_866 : i32
    %scan3A_868 = arith.constant 1 : i32
    scf.for %scan3A_1438 = %scan3A_865 to %scan3A_867 step %scan3A_868  : i32 {
      %scan3A_1439 = arith.constant 0 : i32
      %scan3A_1440 = arith.constant 64 : i32
      %scan3A_1441 = arith.addi %scan3A_1439, %scan3A_1440 : i32
      %scan3A_1442 = arith.constant 8 : i32
      scf.for %scan3A_1444 = %scan3A_1439 to %scan3A_1441 step %scan3A_1442  : i32 {
        %mul3A_1445 = arith.constant 16 : i32
        %mul3A_1446 = arith.muli %scan3A_1444, %mul3A_1445 : i32
        %get3A = arith.index_cast %scan3A_1438 : i32 to index
        %get3A_1447 = arith.index_cast %mul3A_1446 : i32 to index
        %get3A_1448 = tpu.vector_load %arg5[%get3A, %get3A_1447] {strides = array<i32>} : memref<8x1024xf32, #tpu.memory_space<vmem>>, vector<1x16xf32>,
        %get3A_1449 = vector.shape_cast %get3A_1448 : vector<1x16xf32> to vector<16xf32>
        %swap3A = arith.index_cast %scan3A_1438 : i32 to index
        %swap3A_1450 = arith.index_cast %mul3A_1446 : i32 to index
        %swap3A_1451 = tpu.vector_load %arg7[%swap3A, %swap3A_1450] {strides = array<i32>} : memref<8x1024xf32, #tpu.memory_space<vmem>>, vector<1x16xf32>,
        %swap3A_1452 = vector.shape_cast %swap3A_1451 : vector<1x16xf32> to vector<16xf32>
        %swap3A_1453 = vector.shape_cast %get3A_1449 : vector<16xf32> to vector<1x16xf32>
        tpu.vector_store %arg7[%swap3A, %swap3A_1450], %swap3A_1453 {add = true, strides = array<i32>} : memref<8x1024xf32, #tpu.memory_space<vmem>>, vector<1x16xf32>,
        %swap3A_1454 = arith.index_cast %scan3A_1438 : i32 to index
        %swap3A_1455 = arith.index_cast %mul3A_1446 : i32 to index
        %swap3A_1456 = tpu.vector_load %arg8[%swap3A_1454, %swap3A_1455] {strides = array<i32>} : memref<8x1024xf32, #tpu.memory_space<vmem>>, vector<1x16xf32>,
        %swap3A_1457 = vector.shape_cast %swap3A_1456 : vector<1x16xf32> to vector<16xf32>
        %swap3A_1458 = vector.shape_cast %get3A_1449 : vector<16xf32> to vector<1x16xf32>
        tpu.vector_store %arg8[%swap3A_1454, %swap3A_1455], %swap3A_1458 {add = true, strides = array<i32>} : memref<8x1024xf32, #tpu.memory_space<vmem>>, vector<1x16xf32>,
        %swap3A_1459 = arith.index_cast %scan3A_1438 : i32 to index
        %swap3A_1460 = arith.index_cast %mul3A_1446 : i32 to index
        %swap3A_1461 = tpu.vector_load %arg9[%swap3A_1459, %swap3A_1460] {strides = array<i32>} : memref<8x1024xf32, #tpu.memory_space<vmem>>, vector<1x16xf32>,
        %swap3A_1462 = vector.shape_cast %swap3A_1461 : vector<1x16xf32> to vector<16xf32>
        %swap3A_1463 = vector.shape_cast %get3A_1449 : vector<16xf32> to vector<1x16xf32>
        tpu.vector_store %arg9[%swap3A_1459, %swap3A_1460], %swap3A_1463 {add = true, strides = array<i32>} : memref<8x1024xf32, #tpu.memory_space<vmem>>, vector<1x16xf32>,
        %swap3A_1464 = arith.index_cast %scan3A_1438 : i32 to index
        %swap3A_1465 = arith.index_cast %mul3A_1446 : i32 to index
        %swap3A_1466 = tpu.vector_load %arg10[%swap3A_1464, %swap3A_1465] {strides = array<i32>} : memref<8x1024xf32, #tpu.memory_space<vmem>>, vector<1x16xf32>,
        %swap3A_1467 = vector.shape_cast %swap3A_1466 : vector<1x16xf32> to vector<16xf32>
        %swap3A_1468 = vector.shape_cast %get3A_1449 : vector<16xf32> to vector<1x16xf32>
        tpu.vector_store %arg10[%swap3A_1464, %swap3A_1465], %swap3A_1468 {add = true, strides = array<i32>} : memref<8x1024xf32, #tpu.memory_space<vmem>>, vector<1x16xf32>,
        %scan3A_1469 = arith.constant 1 : i32
        %scan3A_1470 = arith.addi %scan3A_1444, %scan3A_1469 : i32
        %mul3A_1471 = arith.constant 16 : i32
        %mul3A_1472 = arith.muli %scan3A_1470, %mul3A_1471 : i32
        %get3A_1473 = arith.index_cast %scan3A_1438 : i32 to index
        %get3A_1474 = arith.index_cast %mul3A_1472 : i32 to index
        %get3A_1475 = tpu.vector_load %arg5[%get3A_1473, %get3A_1474] {strides = array<i32>} : memref<8x1024xf32, #tpu.memory_space<vmem>>, vector<1x16xf32>,
        %get3A_1476 = vector.shape_cast %get3A_1475 : vector<1x16xf32> to vector<16xf32>
        %swap3A_1477 = arith.index_cast %scan3A_1438 : i32 to index
        %swap3A_1478 = arith.index_cast %mul3A_1472 : i32 to index
        %swap3A_1479 = tpu.vector_load %arg7[%swap3A_1477, %swap3A_1478] {strides = array<i32>} : memref<8x1024xf32, #tpu.memory_space<vmem>>, vector<1x16xf32>,
        %swap3A_1480 = vector.shape_cast %swap3A_1479 : vector<1x16xf32> to vector<16xf32>
        %swap3A_1481 = vector.shape_cast %get3A_1476 : vector<16xf32> to vector<1x16xf32>
        tpu.vector_store %arg7[%swap3A_1477, %swap3A_1478], %swap3A_1481 {add = true, strides = array<i32>} : memref<8x1024xf32, #tpu.memory_space<vmem>>, vector<1x16xf32>,
        %swap3A_1482 = arith.index_cast %scan3A_1438 : i32 to index
        %swap3A_1483 = arith.index_cast %mul3A_1472 : i32 to index
        %swap3A_1484 = tpu.vector_load %arg8[%swap3A_1482, %swap3A_1483] {strides = array<i32>} : memref<8x1024xf32, #tpu.memory_space<vmem>>, vector<1x16xf32>,
        %swap3A_1485 = vector.shape_cast %swap3A_1484 : vector<1x16xf32> to vector<16xf32>
        %swap3A_1486 = vector.shape_cast %get3A_1476 : vector<16xf32> to vector<1x16xf32>
        tpu.vector_store %arg8[%swap3A_1482, %swap3A_1483], %swap3A_1486 {add = true, strides = array<i32>} : memref<8x1024xf32, #tpu.memory_space<vmem>>, vector<1x16xf32>,
        %swap3A_1487 = arith.index_cast %scan3A_1438 : i32 to index
        %swap3A_1488 = arith.index_cast %mul3A_1472 : i32 to index
        %swap3A_1489 = tpu.vector_load %arg9[%swap3A_1487, %swap3A_1488] {strides = array<i32>} : memref<8x1024xf32, #tpu.memory_space<vmem>>, vector<1x16xf32>,
        %swap3A_1490 = vector.shape_cast %swap3A_1489 : vector<1x16xf32> to vector<16xf32>
        %swap3A_1491 = vector.shape_cast %get3A_1476 : vector<16xf32> to vector<1x16xf32>
        tpu.vector_store %arg9[%swap3A_1487, %swap3A_1488], %swap3A_1491 {add = true, strides = array<i32>} : memref<8x1024xf32, #tpu.memory_space<vmem>>, vector<1x16xf32>,
        %swap3A_1492 = arith.index_cast %scan3A_1438 : i32 to index
        %swap3A_1493 = arith.index_cast %mul3A_1472 : i32 to index
        %swap3A_1494 = tpu.vector_load %arg10[%swap3A_1492, %swap3A_1493] {strides = array<i32>} : memref<8x1024xf32, #tpu.memory_space<vmem>>, vector<1x16xf32>,
        %swap3A_1495 = vector.shape_cast %swap3A_1494 : vector<1x16xf32> to vector<16xf32>
        %swap3A_1496 = vector.shape_cast %get3A_1476 : vector<16xf32> to vector<1x16xf32>
        tpu.vector_store %arg10[%swap3A_1492, %swap3A_1493], %swap3A_1496 {add = true, strides = array<i32>} : memref<8x1024xf32, #tpu.memory_space<vmem>>, vector<1x16xf32>,
        %scan3A_1497 = arith.constant 2 : i32
        %scan3A_1498 = arith.addi %scan3A_1444, %scan3A_1497 : i32
        %mul3A_1499 = arith.constant 16 : i32
        %mul3A_1500 = arith.muli %scan3A_1498, %mul3A_1499 : i32
        %get3A_1501 = arith.index_cast %scan3A_1438 : i32 to index
        %get3A_1502 = arith.index_cast %mul3A_1500 : i32 to index
        %get3A_1503 = tpu.vector_load %arg5[%get3A_1501, %get3A_1502] {strides = array<i32>} : memref<8x1024xf32, #tpu.memory_space<vmem>>, vector<1x16xf32>,
        %get3A_1504 = vector.shape_cast %get3A_1503 : vector<1x16xf32> to vector<16xf32>
        %swap3A_1505 = arith.index_cast %scan3A_1438 : i32 to index
        %swap3A_1506 = arith.index_cast %mul3A_1500 : i32 to index
        %swap3A_1507 = tpu.vector_load %arg7[%swap3A_1505, %swap3A_1506] {strides = array<i32>} : memref<8x1024xf32, #tpu.memory_space<vmem>>, vector<1x16xf32>,
        %swap3A_1508 = vector.shape_cast %swap3A_1507 : vector<1x16xf32> to vector<16xf32>
        %swap3A_1509 = vector.shape_cast %get3A_1504 : vector<16xf32> to vector<1x16xf32>
        tpu.vector_store %arg7[%swap3A_1505, %swap3A_1506], %swap3A_1509 {add = true, strides = array<i32>} : memref<8x1024xf32, #tpu.memory_space<vmem>>, vector<1x16xf32>,
        %swap3A_1510 = arith.index_cast %scan3A_1438 : i32 to index
        %swap3A_1511 = arith.index_cast %mul3A_1500 : i32 to index
        %swap3A_1512 = tpu.vector_load %arg8[%swap3A_1510, %swap3A_1511] {strides = array<i32>} : memref<8x1024xf32, #tpu.memory_space<vmem>>, vector<1x16xf32>,
        %swap3A_1513 = vector.shape_cast %swap3A_1512 : vector<1x16xf32> to vector<16xf32>
        %swap3A_1514 = vector.shape_cast %get3A_1504 : vector<16xf32> to vector<1x16xf32>
        tpu.vector_store %arg8[%swap3A_1510, %swap3A_1511], %swap3A_1514 {add = true, strides = array<i32>} : memref<8x1024xf32, #tpu.memory_space<vmem>>, vector<1x16xf32>,
        %swap3A_1515 = arith.index_cast %scan3A_1438 : i32 to index
        %swap3A_1516 = arith.index_cast %mul3A_1500 : i32 to index
        %swap3A_1517 = tpu.vector_load %arg9[%swap3A_1515, %swap3A_1516] {strides = array<i32>} : memref<8x1024xf32, #tpu.memory_space<vmem>>, vector<1x16xf32>,
        %swap3A_1518 = vector.shape_cast %swap3A_1517 : vector<1x16xf32> to vector<16xf32>
        %swap3A_1519 = vector.shape_cast %get3A_1504 : vector<16xf32> to vector<1x16xf32>
        tpu.vector_store %arg9[%swap3A_1515, %swap3A_1516], %swap3A_1519 {add = true, strides = array<i32>} : memref<8x1024xf32, #tpu.memory_space<vmem>>, vector<1x16xf32>,
        %swap3A_1520 = arith.index_cast %scan3A_1438 : i32 to index
        %swap3A_1521 = arith.index_cast %mul3A_1500 : i32 to index
        %swap3A_1522 = tpu.vector_load %arg10[%swap3A_1520, %swap3A_1521] {strides = array<i32>} : memref<8x1024xf32, #tpu.memory_space<vmem>>, vector<1x16xf32>,
        %swap3A_1523 = vector.shape_cast %swap3A_1522 : vector<1x16xf32> to vector<16xf32>
        %swap3A_1524 = vector.shape_cast %get3A_1504 : vector<16xf32> to vector<1x16xf32>
        tpu.vector_store %arg10[%swap3A_1520, %swap3A_1521], %swap3A_1524 {add = true, strides = array<i32>} : memref<8x1024xf32, #tpu.memory_space<vmem>>, vector<1x16xf32>,
        %scan3A_1525 = arith.constant 3 : i32
        %scan3A_1526 = arith.addi %scan3A_1444, %scan3A_1525 : i32
        %mul3A_1527 = arith.constant 16 : i32
        %mul3A_1528 = arith.muli %scan3A_1526, %mul3A_1527 : i32
        %get3A_1529 = arith.index_cast %scan3A_1438 : i32 to index
        %get3A_1530 = arith.index_cast %mul3A_1528 : i32 to index
        %get3A_1531 = tpu.vector_load %arg5[%get3A_1529, %get3A_1530] {strides = array<i32>} : memref<8x1024xf32, #tpu.memory_space<vmem>>, vector<1x16xf32>,
        %get3A_1532 = vector.shape_cast %get3A_1531 : vector<1x16xf32> to vector<16xf32>
        %swap3A_1533 = arith.index_cast %scan3A_1438 : i32 to index
        %swap3A_1534 = arith.index_cast %mul3A_1528 : i32 to index
        %swap3A_1535 = tpu.vector_load %arg7[%swap3A_1533, %swap3A_1534] {strides = array<i32>} : memref<8x1024xf32, #tpu.memory_space<vmem>>, vector<1x16xf32>,
        %swap3A_1536 = vector.shape_cast %swap3A_1535 : vector<1x16xf32> to vector<16xf32>
        %swap3A_1537 = vector.shape_cast %get3A_1532 : vector<16xf32> to vector<1x16xf32>
        tpu.vector_store %arg7[%swap3A_1533, %swap3A_1534], %swap3A_1537 {add = true, strides = array<i32>} : memref<8x1024xf32, #tpu.memory_space<vmem>>, vector<1x16xf32>,
        %swap3A_1538 = arith.index_cast %scan3A_1438 : i32 to index
        %swap3A_1539 = arith.index_cast %mul3A_1528 : i32 to index
        %swap3A_1540 = tpu.vector_load %arg8[%swap3A_1538, %swap3A_1539] {strides = array<i32>} : memref<8x1024xf32, #tpu.memory_space<vmem>>, vector<1x16xf32>,
        %swap3A_1541 = vector.shape_cast %swap3A_1540 : vector<1x16xf32> to vector<16xf32>
        %swap3A_1542 = vector.shape_cast %get3A_1532 : vector<16xf32> to vector<1x16xf32>
        tpu.vector_store %arg8[%swap3A_1538, %swap3A_1539], %swap3A_1542 {add = true, strides = array<i32>} : memref<8x1024xf32, #tpu.memory_space<vmem>>, vector<1x16xf32>,
        %swap3A_1543 = arith.index_cast %scan3A_1438 : i32 to index
        %swap3A_1544 = arith.index_cast %mul3A_1528 : i32 to index
        %swap3A_1545 = tpu.vector_load %arg9[%swap3A_1543, %swap3A_1544] {strides = array<i32>} : memref<8x1024xf32, #tpu.memory_space<vmem>>, vector<1x16xf32>,
        %swap3A_1546 = vector.shape_cast %swap3A_1545 : vector<1x16xf32> to vector<16xf32>
        %swap3A_1547 = vector.shape_cast %get3A_1532 : vector<16xf32> to vector<1x16xf32>
        tpu.vector_store %arg9[%swap3A_1543, %swap3A_1544], %swap3A_1547 {add = true, strides = array<i32>} : memref<8x1024xf32, #tpu.memory_space<vmem>>, vector<1x16xf32>,
        %swap3A_1548 = arith.index_cast %scan3A_1438 : i32 to index
        %swap3A_1549 = arith.index_cast %mul3A_1528 : i32 to index
        %swap3A_1550 = tpu.vector_load %arg10[%swap3A_1548, %swap3A_1549] {strides = array<i32>} : memref<8x1024xf32, #tpu.memory_space<vmem>>, vector<1x16xf32>,
        %swap3A_1551 = vector.shape_cast %swap3A_1550 : vector<1x16xf32> to vector<16xf32>
        %swap3A_1552 = vector.shape_cast %get3A_1532 : vector<16xf32> to vector<1x16xf32>
        tpu.vector_store %arg10[%swap3A_1548, %swap3A_1549], %swap3A_1552 {add = true, strides = array<i32>} : memref<8x1024xf32, #tpu.memory_space<vmem>>, vector<1x16xf32>,
        %scan3A_1553 = arith.constant 4 : i32
        %scan3A_1554 = arith.addi %scan3A_1444, %scan3A_1553 : i32
        %mul3A_1555 = arith.constant 16 : i32
        %mul3A_1556 = arith.muli %scan3A_1554, %mul3A_1555 : i32
        %get3A_1557 = arith.index_cast %scan3A_1438 : i32 to index
        %get3A_1558 = arith.index_cast %mul3A_1556 : i32 to index
        %get3A_1559 = tpu.vector_load %arg5[%get3A_1557, %get3A_1558] {strides = array<i32>} : memref<8x1024xf32, #tpu.memory_space<vmem>>, vector<1x16xf32>,
        %get3A_1560 = vector.shape_cast %get3A_1559 : vector<1x16xf32> to vector<16xf32>
        %swap3A_1561 = arith.index_cast %scan3A_1438 : i32 to index
        %swap3A_1562 = arith.index_cast %mul3A_1556 : i32 to index
        %swap3A_1563 = tpu.vector_load %arg7[%swap3A_1561, %swap3A_1562] {strides = array<i32>} : memref<8x1024xf32, #tpu.memory_space<vmem>>, vector<1x16xf32>,
        %swap3A_1564 = vector.shape_cast %swap3A_1563 : vector<1x16xf32> to vector<16xf32>
        %swap3A_1565 = vector.shape_cast %get3A_1560 : vector<16xf32> to vector<1x16xf32>
        tpu.vector_store %arg7[%swap3A_1561, %swap3A_1562], %swap3A_1565 {add = true, strides = array<i32>} : memref<8x1024xf32, #tpu.memory_space<vmem>>, vector<1x16xf32>,
        %swap3A_1566 = arith.index_cast %scan3A_1438 : i32 to index
        %swap3A_1567 = arith.index_cast %mul3A_1556 : i32 to index
        %swap3A_1568 = tpu.vector_load %arg8[%swap3A_1566, %swap3A_1567] {strides = array<i32>} : memref<8x1024xf32, #tpu.memory_space<vmem>>, vector<1x16xf32>,
        %swap3A_1569 = vector.shape_cast %swap3A_1568 : vector<1x16xf32> to vector<16xf32>
        %swap3A_1570 = vector.shape_cast %get3A_1560 : vector<16xf32> to vector<1x16xf32>
        tpu.vector_store %arg8[%swap3A_1566, %swap3A_1567], %swap3A_1570 {add = true, strides = array<i32>} : memref<8x1024xf32, #tpu.memory_space<vmem>>, vector<1x16xf32>,
        %swap3A_1571 = arith.index_cast %scan3A_1438 : i32 to index
        %swap3A_1572 = arith.index_cast %mul3A_1556 : i32 to index
        %swap3A_1573 = tpu.vector_load %arg9[%swap3A_1571, %swap3A_1572] {strides = array<i32>} : memref<8x1024xf32, #tpu.memory_space<vmem>>, vector<1x16xf32>,
        %swap3A_1574 = vector.shape_cast %swap3A_1573 : vector<1x16xf32> to vector<16xf32>
        %swap3A_1575 = vector.shape_cast %get3A_1560 : vector<16xf32> to vector<1x16xf32>
        tpu.vector_store %arg9[%swap3A_1571, %swap3A_1572], %swap3A_1575 {add = true, strides = array<i32>} : memref<8x1024xf32, #tpu.memory_space<vmem>>, vector<1x16xf32>,
        %swap3A_1576 = arith.index_cast %scan3A_1438 : i32 to index
        %swap3A_1577 = arith.index_cast %mul3A_1556 : i32 to index
        %swap3A_1578 = tpu.vector_load %arg10[%swap3A_1576, %swap3A_1577] {strides = array<i32>} : memref<8x1024xf32, #tpu.memory_space<vmem>>, vector<1x16xf32>,
        %swap3A_1579 = vector.shape_cast %swap3A_1578 : vector<1x16xf32> to vector<16xf32>
        %swap3A_1580 = vector.shape_cast %get3A_1560 : vector<16xf32> to vector<1x16xf32>
        tpu.vector_store %arg10[%swap3A_1576, %swap3A_1577], %swap3A_1580 {add = true, strides = array<i32>} : memref<8x1024xf32, #tpu.memory_space<vmem>>, vector<1x16xf32>,
        %scan3A_1581 = arith.constant 5 : i32
        %scan3A_1582 = arith.addi %scan3A_1444, %scan3A_1581 : i32
        %mul3A_1583 = arith.constant 16 : i32
        %mul3A_1584 = arith.muli %scan3A_1582, %mul3A_1583 : i32
        %get3A_1585 = arith.index_cast %scan3A_1438 : i32 to index
        %get3A_1586 = arith.index_cast %mul3A_1584 : i32 to index
        %get3A_1587 = tpu.vector_load %arg5[%get3A_1585, %get3A_1586] {strides = array<i32>} : memref<8x1024xf32, #tpu.memory_space<vmem>>, vector<1x16xf32>,
        %get3A_1588 = vector.shape_cast %get3A_1587 : vector<1x16xf32> to vector<16xf32>
        %swap3A_1589 = arith.index_cast %scan3A_1438 : i32 to index
        %swap3A_1590 = arith.index_cast %mul3A_1584 : i32 to index
        %swap3A_1591 = tpu.vector_load %arg7[%swap3A_1589, %swap3A_1590] {strides = array<i32>} : memref<8x1024xf32, #tpu.memory_space<vmem>>, vector<1x16xf32>,
        %swap3A_1592 = vector.shape_cast %swap3A_1591 : vector<1x16xf32> to vector<16xf32>
        %swap3A_1593 = vector.shape_cast %get3A_1588 : vector<16xf32> to vector<1x16xf32>
        tpu.vector_store %arg7[%swap3A_1589, %swap3A_1590], %swap3A_1593 {add = true, strides = array<i32>} : memref<8x1024xf32, #tpu.memory_space<vmem>>, vector<1x16xf32>,
        %swap3A_1594 = arith.index_cast %scan3A_1438 : i32 to index
        %swap3A_1595 = arith.index_cast %mul3A_1584 : i32 to index
        %swap3A_1596 = tpu.vector_load %arg8[%swap3A_1594, %swap3A_1595] {strides = array<i32>} : memref<8x1024xf32, #tpu.memory_space<vmem>>, vector<1x16xf32>,
        %swap3A_1597 = vector.shape_cast %swap3A_1596 : vector<1x16xf32> to vector<16xf32>
        %swap3A_1598 = vector.shape_cast %get3A_1588 : vector<16xf32> to vector<1x16xf32>
        tpu.vector_store %arg8[%swap3A_1594, %swap3A_1595], %swap3A_1598 {add = true, strides = array<i32>} : memref<8x1024xf32, #tpu.memory_space<vmem>>, vector<1x16xf32>,
        %swap3A_1599 = arith.index_cast %scan3A_1438 : i32 to index
        %swap3A_1600 = arith.index_cast %mul3A_1584 : i32 to index
        %swap3A_1601 = tpu.vector_load %arg9[%swap3A_1599, %swap3A_1600] {strides = array<i32>} : memref<8x1024xf32, #tpu.memory_space<vmem>>, vector<1x16xf32>,
        %swap3A_1602 = vector.shape_cast %swap3A_1601 : vector<1x16xf32> to vector<16xf32>
        %swap3A_1603 = vector.shape_cast %get3A_1588 : vector<16xf32> to vector<1x16xf32>
        tpu.vector_store %arg9[%swap3A_1599, %swap3A_1600], %swap3A_1603 {add = true, strides = array<i32>} : memref<8x1024xf32, #tpu.memory_space<vmem>>, vector<1x16xf32>,
        %swap3A_1604 = arith.index_cast %scan3A_1438 : i32 to index
        %swap3A_1605 = arith.index_cast %mul3A_1584 : i32 to index
        %swap3A_1606 = tpu.vector_load %arg10[%swap3A_1604, %swap3A_1605] {strides = array<i32>} : memref<8x1024xf32, #tpu.memory_space<vmem>>, vector<1x16xf32>,
        %swap3A_1607 = vector.shape_cast %swap3A_1606 : vector<1x16xf32> to vector<16xf32>
        %swap3A_1608 = vector.shape_cast %get3A_1588 : vector<16xf32> to vector<1x16xf32>
        tpu.vector_store %arg10[%swap3A_1604, %swap3A_1605], %swap3A_1608 {add = true, strides = array<i32>} : memref<8x1024xf32, #tpu.memory_space<vmem>>, vector<1x16xf32>,
        %scan3A_1609 = arith.constant 6 : i32
        %scan3A_1610 = arith.addi %scan3A_1444, %scan3A_1609 : i32
        %mul3A_1611 = arith.constant 16 : i32
        %mul3A_1612 = arith.muli %scan3A_1610, %mul3A_1611 : i32
        %get3A_1613 = arith.index_cast %scan3A_1438 : i32 to index
        %get3A_1614 = arith.index_cast %mul3A_1612 : i32 to index
        %get3A_1615 = tpu.vector_load %arg5[%get3A_1613, %get3A_1614] {strides = array<i32>} : memref<8x1024xf32, #tpu.memory_space<vmem>>, vector<1x16xf32>,
        %get3A_1616 = vector.shape_cast %get3A_1615 : vector<1x16xf32> to vector<16xf32>
        %swap3A_1617 = arith.index_cast %scan3A_1438 : i32 to index
        %swap3A_1618 = arith.index_cast %mul3A_1612 : i32 to index
        %swap3A_1619 = tpu.vector_load %arg7[%swap3A_1617, %swap3A_1618] {strides = array<i32>} : memref<8x1024xf32, #tpu.memory_space<vmem>>, vector<1x16xf32>,
        %swap3A_1620 = vector.shape_cast %swap3A_1619 : vector<1x16xf32> to vector<16xf32>
        %swap3A_1621 = vector.shape_cast %get3A_1616 : vector<16xf32> to vector<1x16xf32>
        tpu.vector_store %arg7[%swap3A_1617, %swap3A_1618], %swap3A_1621 {add = true, strides = array<i32>} : memref<8x1024xf32, #tpu.memory_space<vmem>>, vector<1x16xf32>,
        %swap3A_1622 = arith.index_cast %scan3A_1438 : i32 to index
        %swap3A_1623 = arith.index_cast %mul3A_1612 : i32 to index
        %swap3A_1624 = tpu.vector_load %arg8[%swap3A_1622, %swap3A_1623] {strides = array<i32>} : memref<8x1024xf32, #tpu.memory_space<vmem>>, vector<1x16xf32>,
        %swap3A_1625 = vector.shape_cast %swap3A_1624 : vector<1x16xf32> to vector<16xf32>
        %swap3A_1626 = vector.shape_cast %get3A_1616 : vector<16xf32> to vector<1x16xf32>
        tpu.vector_store %arg8[%swap3A_1622, %swap3A_1623], %swap3A_1626 {add = true, strides = array<i32>} : memref<8x1024xf32, #tpu.memory_space<vmem>>, vector<1x16xf32>,
        %swap3A_1627 = arith.index_cast %scan3A_1438 : i32 to index
        %swap3A_1628 = arith.index_cast %mul3A_1612 : i32 to index
        %swap3A_1629 = tpu.vector_load %arg9[%swap3A_1627, %swap3A_1628] {strides = array<i32>} : memref<8x1024xf32, #tpu.memory_space<vmem>>, vector<1x16xf32>,
        %swap3A_1630 = vector.shape_cast %swap3A_1629 : vector<1x16xf32> to vector<16xf32>
        %swap3A_1631 = vector.shape_cast %get3A_1616 : vector<16xf32> to vector<1x16xf32>
        tpu.vector_store %arg9[%swap3A_1627, %swap3A_1628], %swap3A_1631 {add = true, strides = array<i32>} : memref<8x1024xf32, #tpu.memory_space<vmem>>, vector<1x16xf32>,
        %swap3A_1632 = arith.index_cast %scan3A_1438 : i32 to index
        %swap3A_1633 = arith.index_cast %mul3A_1612 : i32 to index
        %swap3A_1634 = tpu.vector_load %arg10[%swap3A_1632, %swap3A_1633] {strides = array<i32>} : memref<8x1024xf32, #tpu.memory_space<vmem>>, vector<1x16xf32>,
        %swap3A_1635 = vector.shape_cast %swap3A_1634 : vector<1x16xf32> to vector<16xf32>
        %swap3A_1636 = vector.shape_cast %get3A_1616 : vector<16xf32> to vector<1x16xf32>
        tpu.vector_store %arg10[%swap3A_1632, %swap3A_1633], %swap3A_1636 {add = true, strides = array<i32>} : memref<8x1024xf32, #tpu.memory_space<vmem>>, vector<1x16xf32>,
        %scan3A_1637 = arith.constant 7 : i32
        %scan3A_1638 = arith.addi %scan3A_1444, %scan3A_1637 : i32
        %mul3A_1639 = arith.constant 16 : i32
        %mul3A_1640 = arith.muli %scan3A_1638, %mul3A_1639 : i32
        %get3A_1641 = arith.index_cast %scan3A_1438 : i32 to index
        %get3A_1642 = arith.index_cast %mul3A_1640 : i32 to index
        %get3A_1643 = tpu.vector_load %arg5[%get3A_1641, %get3A_1642] {strides = array<i32>} : memref<8x1024xf32, #tpu.memory_space<vmem>>, vector<1x16xf32>,
        %get3A_1644 = vector.shape_cast %get3A_1643 : vector<1x16xf32> to vector<16xf32>
        %swap3A_1645 = arith.index_cast %scan3A_1438 : i32 to index
        %swap3A_1646 = arith.index_cast %mul3A_1640 : i32 to index
        %swap3A_1647 = tpu.vector_load %arg7[%swap3A_1645, %swap3A_1646] {strides = array<i32>} : memref<8x1024xf32, #tpu.memory_space<vmem>>, vector<1x16xf32>,
        %swap3A_1648 = vector.shape_cast %swap3A_1647 : vector<1x16xf32> to vector<16xf32>
        %swap3A_1649 = vector.shape_cast %get3A_1644 : vector<16xf32> to vector<1x16xf32>
        tpu.vector_store %arg7[%swap3A_1645, %swap3A_1646], %swap3A_1649 {add = true, strides = array<i32>} : memref<8x1024xf32, #tpu.memory_space<vmem>>, vector<1x16xf32>,
        %swap3A_1650 = arith.index_cast %scan3A_1438 : i32 to index
        %swap3A_1651 = arith.index_cast %mul3A_1640 : i32 to index
        %swap3A_1652 = tpu.vector_load %arg8[%swap3A_1650, %swap3A_1651] {strides = array<i32>} : memref<8x1024xf32, #tpu.memory_space<vmem>>, vector<1x16xf32>,
        %swap3A_1653 = vector.shape_cast %swap3A_1652 : vector<1x16xf32> to vector<16xf32>
        %swap3A_1654 = vector.shape_cast %get3A_1644 : vector<16xf32> to vector<1x16xf32>
        tpu.vector_store %arg8[%swap3A_1650, %swap3A_1651], %swap3A_1654 {add = true, strides = array<i32>} : memref<8x1024xf32, #tpu.memory_space<vmem>>, vector<1x16xf32>,
        %swap3A_1655 = arith.index_cast %scan3A_1438 : i32 to index
        %swap3A_1656 = arith.index_cast %mul3A_1640 : i32 to index
        %swap3A_1657 = tpu.vector_load %arg9[%swap3A_1655, %swap3A_1656] {strides = array<i32>} : memref<8x1024xf32, #tpu.memory_space<vmem>>, vector<1x16xf32>,
        %swap3A_1658 = vector.shape_cast %swap3A_1657 : vector<1x16xf32> to vector<16xf32>
        %swap3A_1659 = vector.shape_cast %get3A_1644 : vector<16xf32> to vector<1x16xf32>
        tpu.vector_store %arg9[%swap3A_1655, %swap3A_1656], %swap3A_1659 {add = true, strides = array<i32>} : memref<8x1024xf32, #tpu.memory_space<vmem>>, vector<1x16xf32>,
        %swap3A_1660 = arith.index_cast %scan3A_1438 : i32 to index
        %swap3A_1661 = arith.index_cast %mul3A_1640 : i32 to index
        %swap3A_1662 = tpu.vector_load %arg10[%swap3A_1660, %swap3A_1661] {strides = array<i32>} : memref<8x1024xf32, #tpu.memory_space<vmem>>, vector<1x16xf32>,
        %swap3A_1663 = vector.shape_cast %swap3A_1662 : vector<1x16xf32> to vector<16xf32>
        %swap3A_1664 = vector.shape_cast %get3A_1644 : vector<16xf32> to vector<1x16xf32>
        tpu.vector_store %arg10[%swap3A_1660, %swap3A_1661], %swap3A_1664 {add = true, strides = array<i32>} : memref<8x1024xf32, #tpu.memory_space<vmem>>, vector<1x16xf32>,
      }
      %scan3A_1443 = arith.constant 64 : i32
    }
    %scan3A_869 = arith.constant 8 : i32
    %mul3A_870 = arith.constant 64 : i32
    %mul3A_871 = arith.muli %add3A, %mul3A_870 : i32
    %add3A_872 = arith.constant 32 : i32
    %add3A_873 = arith.addi %mul3A_871, %add3A_872 : i32
    %dma_start3A_874 = arith.constant 0 : i32
    %dma_start3A_875 = arith.constant 0 : i32
    %dma_start3A_876 = tpu.memref_slice %arg4[%dma_start3A_874, %add3A_873, %dma_start3A_875] : memref<4x4096x1024xf32, #tpu.memory_space<hbm>> -> memref<1x8x1024xf32, #tpu.memory_space<hbm>>
    %dma_start3A_877 = tpu.memref_squeeze %dma_start3A_876 : memref<1x8x1024xf32, #tpu.memory_space<hbm>> -> memref<8x1024xf32, #tpu.memory_space<hbm>>
    %dma_start3A_878 = arith.constant 0 : i32
    %dma_start3A_879 = tpu.memref_slice %arg4[%dma_start3A_874, %add3A_873, %dma_start3A_878] : memref<4x4096x1024xf32, #tpu.memory_space<hbm>> -> memref<1x8x1024xf32, #tpu.memory_space<hbm>>
    %dma_start3A_880 = tpu.memref_squeeze %dma_start3A_879 : memref<1x8x1024xf32, #tpu.memory_space<hbm>> -> memref<8x1024xf32, #tpu.memory_space<hbm>>
    tpu.enqueue_dma source(%arg7 : memref<8x1024xf32, #tpu.memory_space<vmem>>) target(%dma_start3A_880 : memref<8x1024xf32, #tpu.memory_space<hbm>>) target_semaphore(%arg17 : memref<!tpu.dma_semaphore, #tpu.memory_space<semaphore_mem>>)
    %mul3A_881 = arith.constant 64 : i32
    %mul3A_882 = arith.muli %add3A, %mul3A_881 : i32
    %add3A_883 = arith.constant 32 : i32
    %add3A_884 = arith.addi %mul3A_882, %add3A_883 : i32
    %dma_start3A_885 = arith.constant 1 : i32
    %dma_start3A_886 = arith.constant 0 : i32
    %dma_start3A_887 = tpu.memref_slice %arg4[%dma_start3A_885, %add3A_884, %dma_start3A_886] : memref<4x4096x1024xf32, #tpu.memory_space<hbm>> -> memref<1x8x1024xf32, #tpu.memory_space<hbm>>
    %dma_start3A_888 = tpu.memref_squeeze %dma_start3A_887 : memref<1x8x1024xf32, #tpu.memory_space<hbm>> -> memref<8x1024xf32, #tpu.memory_space<hbm>>
    %dma_start3A_889 = arith.constant 0 : i32
    %dma_start3A_890 = tpu.memref_slice %arg4[%dma_start3A_885, %add3A_884, %dma_start3A_889] : memref<4x4096x1024xf32, #tpu.memory_space<hbm>> -> memref<1x8x1024xf32, #tpu.memory_space<hbm>>
    %dma_start3A_891 = tpu.memref_squeeze %dma_start3A_890 : memref<1x8x1024xf32, #tpu.memory_space<hbm>> -> memref<8x1024xf32, #tpu.memory_space<hbm>>
    tpu.enqueue_dma source(%arg8 : memref<8x1024xf32, #tpu.memory_space<vmem>>) target(%dma_start3A_891 : memref<8x1024xf32, #tpu.memory_space<hbm>>) target_semaphore(%arg17 : memref<!tpu.dma_semaphore, #tpu.memory_space<semaphore_mem>>)
    %mul3A_892 = arith.constant 64 : i32
    %mul3A_893 = arith.muli %add3A, %mul3A_892 : i32
    %add3A_894 = arith.constant 32 : i32
    %add3A_895 = arith.addi %mul3A_893, %add3A_894 : i32
    %dma_start3A_896 = arith.constant 2 : i32
    %dma_start3A_897 = arith.constant 0 : i32
    %dma_start3A_898 = tpu.memref_slice %arg4[%dma_start3A_896, %add3A_895, %dma_start3A_897] : memref<4x4096x1024xf32, #tpu.memory_space<hbm>> -> memref<1x8x1024xf32, #tpu.memory_space<hbm>>
    %dma_start3A_899 = tpu.memref_squeeze %dma_start3A_898 : memref<1x8x1024xf32, #tpu.memory_space<hbm>> -> memref<8x1024xf32, #tpu.memory_space<hbm>>
    %dma_start3A_900 = arith.constant 0 : i32
    %dma_start3A_901 = tpu.memref_slice %arg4[%dma_start3A_896, %add3A_895, %dma_start3A_900] : memref<4x4096x1024xf32, #tpu.memory_space<hbm>> -> memref<1x8x1024xf32, #tpu.memory_space<hbm>>
    %dma_start3A_902 = tpu.memref_squeeze %dma_start3A_901 : memref<1x8x1024xf32, #tpu.memory_space<hbm>> -> memref<8x1024xf32, #tpu.memory_space<hbm>>
    tpu.enqueue_dma source(%arg9 : memref<8x1024xf32, #tpu.memory_space<vmem>>) target(%dma_start3A_902 : memref<8x1024xf32, #tpu.memory_space<hbm>>) target_semaphore(%arg17 : memref<!tpu.dma_semaphore, #tpu.memory_space<semaphore_mem>>)
    %mul3A_903 = arith.constant 64 : i32
    %mul3A_904 = arith.muli %add3A, %mul3A_903 : i32
    %add3A_905 = arith.constant 32 : i32
    %add3A_906 = arith.addi %mul3A_904, %add3A_905 : i32
    %dma_start3A_907 = arith.constant 3 : i32
    %dma_start3A_908 = arith.constant 0 : i32
    %dma_start3A_909 = tpu.memref_slice %arg4[%dma_start3A_907, %add3A_906, %dma_start3A_908] : memref<4x4096x1024xf32, #tpu.memory_space<hbm>> -> memref<1x8x1024xf32, #tpu.memory_space<hbm>>
    %dma_start3A_910 = tpu.memref_squeeze %dma_start3A_909 : memref<1x8x1024xf32, #tpu.memory_space<hbm>> -> memref<8x1024xf32, #tpu.memory_space<hbm>>
    %dma_start3A_911 = arith.constant 0 : i32
    %dma_start3A_912 = tpu.memref_slice %arg4[%dma_start3A_907, %add3A_906, %dma_start3A_911] : memref<4x4096x1024xf32, #tpu.memory_space<hbm>> -> memref<1x8x1024xf32, #tpu.memory_space<hbm>>
    %dma_start3A_913 = tpu.memref_squeeze %dma_start3A_912 : memref<1x8x1024xf32, #tpu.memory_space<hbm>> -> memref<8x1024xf32, #tpu.memory_space<hbm>>
    tpu.enqueue_dma source(%arg10 : memref<8x1024xf32, #tpu.memory_space<vmem>>) target(%dma_start3A_913 : memref<8x1024xf32, #tpu.memory_space<hbm>>) target_semaphore(%arg17 : memref<!tpu.dma_semaphore, #tpu.memory_space<semaphore_mem>>)
    %dma_wait3A_914 = arith.constant 0 : i32
    %dma_wait3A_915 = arith.constant 0 : i32
    %dma_wait3A_916 = arith.constant 0 : i32
    %dma_wait3A_917 = tpu.memref_slice %arg4[%dma_wait3A_914, %dma_wait3A_915, %dma_wait3A_916] : memref<4x4096x1024xf32, #tpu.memory_space<hbm>> -> memref<1x8x1024xf32, #tpu.memory_space<hbm>>
    %dma_wait3A_918 = tpu.memref_squeeze %dma_wait3A_917 : memref<1x8x1024xf32, #tpu.memory_space<hbm>> -> memref<8x1024xf32, #tpu.memory_space<hbm>>
    %dma_wait3A_919 = arith.constant 0 : i32
    %dma_wait3A_920 = arith.constant 0 : i32
    %dma_wait3A_921 = tpu.memref_slice %arg4[%dma_wait3A_914, %dma_wait3A_919, %dma_wait3A_920] : memref<4x4096x1024xf32, #tpu.memory_space<hbm>> -> memref<1x8x1024xf32, #tpu.memory_space<hbm>>
    %dma_wait3A_922 = tpu.memref_squeeze %dma_wait3A_921 : memref<1x8x1024xf32, #tpu.memory_space<hbm>> -> memref<8x1024xf32, #tpu.memory_space<hbm>>
    tpu.wait_dma2 semaphore(%arg17 : memref<!tpu.dma_semaphore, #tpu.memory_space<semaphore_mem>>) src(%arg7 : memref<8x1024xf32, #tpu.memory_space<vmem>>) dst(%dma_wait3A_922 : memref<8x1024xf32, #tpu.memory_space<hbm>>)
    %dma_wait3A_923 = arith.constant 0 : i32
    %dma_wait3A_924 = arith.constant 0 : i32
    %dma_wait3A_925 = arith.constant 0 : i32
    %dma_wait3A_926 = tpu.memref_slice %arg4[%dma_wait3A_923, %dma_wait3A_924, %dma_wait3A_925] : memref<4x4096x1024xf32, #tpu.memory_space<hbm>> -> memref<1x8x1024xf32, #tpu.memory_space<hbm>>
    %dma_wait3A_927 = tpu.memref_squeeze %dma_wait3A_926 : memref<1x8x1024xf32, #tpu.memory_space<hbm>> -> memref<8x1024xf32, #tpu.memory_space<hbm>>
    %dma_wait3A_928 = arith.constant 0 : i32
    %dma_wait3A_929 = arith.constant 0 : i32
    %dma_wait3A_930 = tpu.memref_slice %arg4[%dma_wait3A_923, %dma_wait3A_928, %dma_wait3A_929] : memref<4x4096x1024xf32, #tpu.memory_space<hbm>> -> memref<1x8x1024xf32, #tpu.memory_space<hbm>>
    %dma_wait3A_931 = tpu.memref_squeeze %dma_wait3A_930 : memref<1x8x1024xf32, #tpu.memory_space<hbm>> -> memref<8x1024xf32, #tpu.memory_space<hbm>>
    tpu.wait_dma2 semaphore(%arg17 : memref<!tpu.dma_semaphore, #tpu.memory_space<semaphore_mem>>) src(%arg8 : memref<8x1024xf32, #tpu.memory_space<vmem>>) dst(%dma_wait3A_931 : memref<8x1024xf32, #tpu.memory_space<hbm>>)
    %dma_wait3A_932 = arith.constant 0 : i32
    %dma_wait3A_933 = arith.constant 0 : i32
    %dma_wait3A_934 = arith.constant 0 : i32
    %dma_wait3A_935 = tpu.memref_slice %arg4[%dma_wait3A_932, %dma_wait3A_933, %dma_wait3A_934] : memref<4x4096x1024xf32, #tpu.memory_space<hbm>> -> memref<1x8x1024xf32, #tpu.memory_space<hbm>>
    %dma_wait3A_936 = tpu.memref_squeeze %dma_wait3A_935 : memref<1x8x1024xf32, #tpu.memory_space<hbm>> -> memref<8x1024xf32, #tpu.memory_space<hbm>>
    %dma_wait3A_937 = arith.constant 0 : i32
    %dma_wait3A_938 = arith.constant 0 : i32
    %dma_wait3A_939 = tpu.memref_slice %arg4[%dma_wait3A_932, %dma_wait3A_937, %dma_wait3A_938] : memref<4x4096x1024xf32, #tpu.memory_space<hbm>> -> memref<1x8x1024xf32, #tpu.memory_space<hbm>>
    %dma_wait3A_940 = tpu.memref_squeeze %dma_wait3A_939 : memref<1x8x1024xf32, #tpu.memory_space<hbm>> -> memref<8x1024xf32, #tpu.memory_space<hbm>>
    tpu.wait_dma2 semaphore(%arg17 : memref<!tpu.dma_semaphore, #tpu.memory_space<semaphore_mem>>) src(%arg9 : memref<8x1024xf32, #tpu.memory_space<vmem>>) dst(%dma_wait3A_940 : memref<8x1024xf32, #tpu.memory_space<hbm>>)
    %dma_wait3A_941 = arith.constant 0 : i32
    %dma_wait3A_942 = arith.constant 0 : i32
    %dma_wait3A_943 = arith.constant 0 : i32
    %dma_wait3A_944 = tpu.memref_slice %arg4[%dma_wait3A_941, %dma_wait3A_942, %dma_wait3A_943] : memref<4x4096x1024xf32, #tpu.memory_space<hbm>> -> memref<1x8x1024xf32, #tpu.memory_space<hbm>>
    %dma_wait3A_945 = tpu.memref_squeeze %dma_wait3A_944 : memref<1x8x1024xf32, #tpu.memory_space<hbm>> -> memref<8x1024xf32, #tpu.memory_space<hbm>>
    %dma_wait3A_946 = arith.constant 0 : i32
    %dma_wait3A_947 = arith.constant 0 : i32
    %dma_wait3A_948 = tpu.memref_slice %arg4[%dma_wait3A_941, %dma_wait3A_946, %dma_wait3A_947] : memref<4x4096x1024xf32, #tpu.memory_space<hbm>> -> memref<1x8x1024xf32, #tpu.memory_space<hbm>>
    %dma_wait3A_949 = tpu.memref_squeeze %dma_wait3A_948 : memref<1x8x1024xf32, #tpu.memory_space<hbm>> -> memref<8x1024xf32, #tpu.memory_space<hbm>>
    tpu.wait_dma2 semaphore(%arg17 : memref<!tpu.dma_semaphore, #tpu.memory_space<semaphore_mem>>) src(%arg10 : memref<8x1024xf32, #tpu.memory_space<vmem>>) dst(%dma_wait3A_949 : memref<8x1024xf32, #tpu.memory_space<hbm>>)
    %mul3A_950 = arith.constant 64 : i32
    %mul3A_951 = arith.muli %add3A, %mul3A_950 : i32
    %add3A_952 = arith.constant 48 : i32
    %add3A_953 = arith.addi %mul3A_951, %add3A_952 : i32
    %dma_start3A_954 = arith.constant 0 : i32
    %dma_start3A_955 = tpu.memref_slice %arg3[%add3A_953, %dma_start3A_954] : memref<4096x1024xf32, #tpu.memory_space<hbm>> -> memref<8x1024xf32, #tpu.memory_space<hbm>>
    %dma_start3A_956 = arith.constant 0 : i32
    %dma_start3A_957 = tpu.memref_slice %arg3[%add3A_953, %dma_start3A_956] : memref<4096x1024xf32, #tpu.memory_space<hbm>> -> memref<8x1024xf32, #tpu.memory_space<hbm>>
    tpu.enqueue_dma source(%dma_start3A_957 : memref<8x1024xf32, #tpu.memory_space<hbm>>) target(%arg5 : memref<8x1024xf32, #tpu.memory_space<vmem>>) target_semaphore(%arg15 : memref<!tpu.dma_semaphore, #tpu.memory_space<semaphore_mem>>)
    %mul3A_958 = arith.constant 64 : i32
    %mul3A_959 = arith.muli %add3A, %mul3A_958 : i32
    %add3A_960 = arith.constant 48 : i32
    %add3A_961 = arith.addi %mul3A_959, %add3A_960 : i32
    %dma_start3A_962 = arith.constant 0 : i32
    %dma_start3A_963 = arith.constant 0 : i32
    %dma_start3A_964 = tpu.memref_slice %arg2[%dma_start3A_962, %add3A_961, %dma_start3A_963] : memref<4x4096x1024xf32, #tpu.memory_space<hbm>> -> memref<1x8x1024xf32, #tpu.memory_space<hbm>>
    %dma_start3A_965 = tpu.memref_squeeze %dma_start3A_964 : memref<1x8x1024xf32, #tpu.memory_space<hbm>> -> memref<8x1024xf32, #tpu.memory_space<hbm>>
    %dma_start3A_966 = arith.constant 0 : i32
    %dma_start3A_967 = tpu.memref_slice %arg2[%dma_start3A_962, %add3A_961, %dma_start3A_966] : memref<4x4096x1024xf32, #tpu.memory_space<hbm>> -> memref<1x8x1024xf32, #tpu.memory_space<hbm>>
    %dma_start3A_968 = tpu.memref_squeeze %dma_start3A_967 : memref<1x8x1024xf32, #tpu.memory_space<hbm>> -> memref<8x1024xf32, #tpu.memory_space<hbm>>
    tpu.enqueue_dma source(%dma_start3A_968 : memref<8x1024xf32, #tpu.memory_space<hbm>>) target(%arg7 : memref<8x1024xf32, #tpu.memory_space<vmem>>) target_semaphore(%arg15 : memref<!tpu.dma_semaphore, #tpu.memory_space<semaphore_mem>>)
    %mul3A_969 = arith.constant 64 : i32
    %mul3A_970 = arith.muli %add3A, %mul3A_969 : i32
    %add3A_971 = arith.constant 48 : i32
    %add3A_972 = arith.addi %mul3A_970, %add3A_971 : i32
    %dma_start3A_973 = arith.constant 1 : i32
    %dma_start3A_974 = arith.constant 0 : i32
    %dma_start3A_975 = tpu.memref_slice %arg2[%dma_start3A_973, %add3A_972, %dma_start3A_974] : memref<4x4096x1024xf32, #tpu.memory_space<hbm>> -> memref<1x8x1024xf32, #tpu.memory_space<hbm>>
    %dma_start3A_976 = tpu.memref_squeeze %dma_start3A_975 : memref<1x8x1024xf32, #tpu.memory_space<hbm>> -> memref<8x1024xf32, #tpu.memory_space<hbm>>
    %dma_start3A_977 = arith.constant 0 : i32
    %dma_start3A_978 = tpu.memref_slice %arg2[%dma_start3A_973, %add3A_972, %dma_start3A_977] : memref<4x4096x1024xf32, #tpu.memory_space<hbm>> -> memref<1x8x1024xf32, #tpu.memory_space<hbm>>
    %dma_start3A_979 = tpu.memref_squeeze %dma_start3A_978 : memref<1x8x1024xf32, #tpu.memory_space<hbm>> -> memref<8x1024xf32, #tpu.memory_space<hbm>>
    tpu.enqueue_dma source(%dma_start3A_979 : memref<8x1024xf32, #tpu.memory_space<hbm>>) target(%arg8 : memref<8x1024xf32, #tpu.memory_space<vmem>>) target_semaphore(%arg15 : memref<!tpu.dma_semaphore, #tpu.memory_space<semaphore_mem>>)
    %mul3A_980 = arith.constant 64 : i32
    %mul3A_981 = arith.muli %add3A, %mul3A_980 : i32
    %add3A_982 = arith.constant 48 : i32
    %add3A_983 = arith.addi %mul3A_981, %add3A_982 : i32
    %dma_start3A_984 = arith.constant 2 : i32
    %dma_start3A_985 = arith.constant 0 : i32
    %dma_start3A_986 = tpu.memref_slice %arg2[%dma_start3A_984, %add3A_983, %dma_start3A_985] : memref<4x4096x1024xf32, #tpu.memory_space<hbm>> -> memref<1x8x1024xf32, #tpu.memory_space<hbm>>
    %dma_start3A_987 = tpu.memref_squeeze %dma_start3A_986 : memref<1x8x1024xf32, #tpu.memory_space<hbm>> -> memref<8x1024xf32, #tpu.memory_space<hbm>>
    %dma_start3A_988 = arith.constant 0 : i32
    %dma_start3A_989 = tpu.memref_slice %arg2[%dma_start3A_984, %add3A_983, %dma_start3A_988] : memref<4x4096x1024xf32, #tpu.memory_space<hbm>> -> memref<1x8x1024xf32, #tpu.memory_space<hbm>>
    %dma_start3A_990 = tpu.memref_squeeze %dma_start3A_989 : memref<1x8x1024xf32, #tpu.memory_space<hbm>> -> memref<8x1024xf32, #tpu.memory_space<hbm>>
    tpu.enqueue_dma source(%dma_start3A_990 : memref<8x1024xf32, #tpu.memory_space<hbm>>) target(%arg9 : memref<8x1024xf32, #tpu.memory_space<vmem>>) target_semaphore(%arg15 : memref<!tpu.dma_semaphore, #tpu.memory_space<semaphore_mem>>)
    %mul3A_991 = arith.constant 64 : i32
    %mul3A_992 = arith.muli %add3A, %mul3A_991 : i32
    %add3A_993 = arith.constant 48 : i32
    %add3A_994 = arith.addi %mul3A_992, %add3A_993 : i32
    %dma_start3A_995 = arith.constant 3 : i32
    %dma_start3A_996 = arith.constant 0 : i32
    %dma_start3A_997 = tpu.memref_slice %arg2[%dma_start3A_995, %add3A_994, %dma_start3A_996] : memref<4x4096x1024xf32, #tpu.memory_space<hbm>> -> memref<1x8x1024xf32, #tpu.memory_space<hbm>>
    %dma_start3A_998 = tpu.memref_squeeze %dma_start3A_997 : memref<1x8x1024xf32, #tpu.memory_space<hbm>> -> memref<8x1024xf32, #tpu.memory_space<hbm>>
    %dma_start3A_999 = arith.constant 0 : i32
    %dma_start3A_1000 = tpu.memref_slice %arg2[%dma_start3A_995, %add3A_994, %dma_start3A_999] : memref<4x4096x1024xf32, #tpu.memory_space<hbm>> -> memref<1x8x1024xf32, #tpu.memory_space<hbm>>
    %dma_start3A_1001 = tpu.memref_squeeze %dma_start3A_1000 : memref<1x8x1024xf32, #tpu.memory_space<hbm>> -> memref<8x1024xf32, #tpu.memory_space<hbm>>
    tpu.enqueue_dma source(%dma_start3A_1001 : memref<8x1024xf32, #tpu.memory_space<hbm>>) target(%arg10 : memref<8x1024xf32, #tpu.memory_space<vmem>>) target_semaphore(%arg15 : memref<!tpu.dma_semaphore, #tpu.memory_space<semaphore_mem>>)
    %dma_wait3A_1002 = arith.constant 0 : i32
    %dma_wait3A_1003 = arith.constant 0 : i32
    %dma_wait3A_1004 = tpu.memref_slice %arg3[%dma_wait3A_1002, %dma_wait3A_1003] : memref<4096x1024xf32, #tpu.memory_space<hbm>> -> memref<8x1024xf32, #tpu.memory_space<hbm>>
    %dma_wait3A_1005 = arith.constant 0 : i32
    %dma_wait3A_1006 = arith.constant 0 : i32
    %dma_wait3A_1007 = tpu.memref_slice %arg3[%dma_wait3A_1005, %dma_wait3A_1006] : memref<4096x1024xf32, #tpu.memory_space<hbm>> -> memref<8x1024xf32, #tpu.memory_space<hbm>>
    tpu.wait_dma2 semaphore(%arg16 : memref<!tpu.dma_semaphore, #tpu.memory_space<semaphore_mem>>) src(%dma_wait3A_1007 : memref<8x1024xf32, #tpu.memory_space<hbm>>) dst(%arg6 : memref<8x1024xf32, #tpu.memory_space<vmem>>)
    %dma_wait3A_1008 = arith.constant 0 : i32
    %dma_wait3A_1009 = arith.constant 0 : i32
    %dma_wait3A_1010 = arith.constant 0 : i32
    %dma_wait3A_1011 = tpu.memref_slice %arg2[%dma_wait3A_1008, %dma_wait3A_1009, %dma_wait3A_1010] : memref<4x4096x1024xf32, #tpu.memory_space<hbm>> -> memref<1x8x1024xf32, #tpu.memory_space<hbm>>
    %dma_wait3A_1012 = tpu.memref_squeeze %dma_wait3A_1011 : memref<1x8x1024xf32, #tpu.memory_space<hbm>> -> memref<8x1024xf32, #tpu.memory_space<hbm>>
    %dma_wait3A_1013 = arith.constant 0 : i32
    %dma_wait3A_1014 = arith.constant 0 : i32
    %dma_wait3A_1015 = tpu.memref_slice %arg2[%dma_wait3A_1008, %dma_wait3A_1013, %dma_wait3A_1014] : memref<4x4096x1024xf32, #tpu.memory_space<hbm>> -> memref<1x8x1024xf32, #tpu.memory_space<hbm>>
    %dma_wait3A_1016 = tpu.memref_squeeze %dma_wait3A_1015 : memref<1x8x1024xf32, #tpu.memory_space<hbm>> -> memref<8x1024xf32, #tpu.memory_space<hbm>>
    tpu.wait_dma2 semaphore(%arg16 : memref<!tpu.dma_semaphore, #tpu.memory_space<semaphore_mem>>) src(%dma_wait3A_1016 : memref<8x1024xf32, #tpu.memory_space<hbm>>) dst(%arg11 : memref<8x1024xf32, #tpu.memory_space<vmem>>)
    %dma_wait3A_1017 = arith.constant 0 : i32
    %dma_wait3A_1018 = arith.constant 0 : i32
    %dma_wait3A_1019 = arith.constant 0 : i32
    %dma_wait3A_1020 = tpu.memref_slice %arg2[%dma_wait3A_1017, %dma_wait3A_1018, %dma_wait3A_1019] : memref<4x4096x1024xf32, #tpu.memory_space<hbm>> -> memref<1x8x1024xf32, #tpu.memory_space<hbm>>
    %dma_wait3A_1021 = tpu.memref_squeeze %dma_wait3A_1020 : memref<1x8x1024xf32, #tpu.memory_space<hbm>> -> memref<8x1024xf32, #tpu.memory_space<hbm>>
    %dma_wait3A_1022 = arith.constant 0 : i32
    %dma_wait3A_1023 = arith.constant 0 : i32
    %dma_wait3A_1024 = tpu.memref_slice %arg2[%dma_wait3A_1017, %dma_wait3A_1022, %dma_wait3A_1023] : memref<4x4096x1024xf32, #tpu.memory_space<hbm>> -> memref<1x8x1024xf32, #tpu.memory_space<hbm>>
    %dma_wait3A_1025 = tpu.memref_squeeze %dma_wait3A_1024 : memref<1x8x1024xf32, #tpu.memory_space<hbm>> -> memref<8x1024xf32, #tpu.memory_space<hbm>>
    tpu.wait_dma2 semaphore(%arg16 : memref<!tpu.dma_semaphore, #tpu.memory_space<semaphore_mem>>) src(%dma_wait3A_1025 : memref<8x1024xf32, #tpu.memory_space<hbm>>) dst(%arg12 : memref<8x1024xf32, #tpu.memory_space<vmem>>)
    %dma_wait3A_1026 = arith.constant 0 : i32
    %dma_wait3A_1027 = arith.constant 0 : i32
    %dma_wait3A_1028 = arith.constant 0 : i32
    %dma_wait3A_1029 = tpu.memref_slice %arg2[%dma_wait3A_1026, %dma_wait3A_1027, %dma_wait3A_1028] : memref<4x4096x1024xf32, #tpu.memory_space<hbm>> -> memref<1x8x1024xf32, #tpu.memory_space<hbm>>
    %dma_wait3A_1030 = tpu.memref_squeeze %dma_wait3A_1029 : memref<1x8x1024xf32, #tpu.memory_space<hbm>> -> memref<8x1024xf32, #tpu.memory_space<hbm>>
    %dma_wait3A_1031 = arith.constant 0 : i32
    %dma_wait3A_1032 = arith.constant 0 : i32
    %dma_wait3A_1033 = tpu.memref_slice %arg2[%dma_wait3A_1026, %dma_wait3A_1031, %dma_wait3A_1032] : memref<4x4096x1024xf32, #tpu.memory_space<hbm>> -> memref<1x8x1024xf32, #tpu.memory_space<hbm>>
    %dma_wait3A_1034 = tpu.memref_squeeze %dma_wait3A_1033 : memref<1x8x1024xf32, #tpu.memory_space<hbm>> -> memref<8x1024xf32, #tpu.memory_space<hbm>>
    tpu.wait_dma2 semaphore(%arg16 : memref<!tpu.dma_semaphore, #tpu.memory_space<semaphore_mem>>) src(%dma_wait3A_1034 : memref<8x1024xf32, #tpu.memory_space<hbm>>) dst(%arg13 : memref<8x1024xf32, #tpu.memory_space<vmem>>)
    %dma_wait3A_1035 = arith.constant 0 : i32
    %dma_wait3A_1036 = arith.constant 0 : i32
    %dma_wait3A_1037 = arith.constant 0 : i32
    %dma_wait3A_1038 = tpu.memref_slice %arg2[%dma_wait3A_1035, %dma_wait3A_1036, %dma_wait3A_1037] : memref<4x4096x1024xf32, #tpu.memory_space<hbm>> -> memref<1x8x1024xf32, #tpu.memory_space<hbm>>
    %dma_wait3A_1039 = tpu.memref_squeeze %dma_wait3A_1038 : memref<1x8x1024xf32, #tpu.memory_space<hbm>> -> memref<8x1024xf32, #tpu.memory_space<hbm>>
    %dma_wait3A_1040 = arith.constant 0 : i32
    %dma_wait3A_1041 = arith.constant 0 : i32
    %dma_wait3A_1042 = tpu.memref_slice %arg2[%dma_wait3A_1035, %dma_wait3A_1040, %dma_wait3A_1041] : memref<4x4096x1024xf32, #tpu.memory_space<hbm>> -> memref<1x8x1024xf32, #tpu.memory_space<hbm>>
    %dma_wait3A_1043 = tpu.memref_squeeze %dma_wait3A_1042 : memref<1x8x1024xf32, #tpu.memory_space<hbm>> -> memref<8x1024xf32, #tpu.memory_space<hbm>>
    tpu.wait_dma2 semaphore(%arg16 : memref<!tpu.dma_semaphore, #tpu.memory_space<semaphore_mem>>) src(%dma_wait3A_1043 : memref<8x1024xf32, #tpu.memory_space<hbm>>) dst(%arg14 : memref<8x1024xf32, #tpu.memory_space<vmem>>)
    %scan3A_1044 = arith.constant 0 : i32
    %scan3A_1045 = arith.constant 0 : i32
    %scan3A_1046 = arith.constant 8 : i32
    %scan3A_1047 = arith.addi %scan3A_1045, %scan3A_1046 : i32
    %scan3A_1048 = arith.constant 1 : i32
    scf.for %scan3A_1438 = %scan3A_1045 to %scan3A_1047 step %scan3A_1048  : i32 {
      %scan3A_1439 = arith.constant 0 : i32
      %scan3A_1440 = arith.constant 64 : i32
      %scan3A_1441 = arith.addi %scan3A_1439, %scan3A_1440 : i32
      %scan3A_1442 = arith.constant 8 : i32
      scf.for %scan3A_1444 = %scan3A_1439 to %scan3A_1441 step %scan3A_1442  : i32 {
        %mul3A_1445 = arith.constant 16 : i32
        %mul3A_1446 = arith.muli %scan3A_1444, %mul3A_1445 : i32
        %get3A = arith.index_cast %scan3A_1438 : i32 to index
        %get3A_1447 = arith.index_cast %mul3A_1446 : i32 to index
        %get3A_1448 = tpu.vector_load %arg6[%get3A, %get3A_1447] {strides = array<i32>} : memref<8x1024xf32, #tpu.memory_space<vmem>>, vector<1x16xf32>,
        %get3A_1449 = vector.shape_cast %get3A_1448 : vector<1x16xf32> to vector<16xf32>
        %swap3A = arith.index_cast %scan3A_1438 : i32 to index
        %swap3A_1450 = arith.index_cast %mul3A_1446 : i32 to index
        %swap3A_1451 = tpu.vector_load %arg11[%swap3A, %swap3A_1450] {strides = array<i32>} : memref<8x1024xf32, #tpu.memory_space<vmem>>, vector<1x16xf32>,
        %swap3A_1452 = vector.shape_cast %swap3A_1451 : vector<1x16xf32> to vector<16xf32>
        %swap3A_1453 = vector.shape_cast %get3A_1449 : vector<16xf32> to vector<1x16xf32>
        tpu.vector_store %arg11[%swap3A, %swap3A_1450], %swap3A_1453 {add = true, strides = array<i32>} : memref<8x1024xf32, #tpu.memory_space<vmem>>, vector<1x16xf32>,
        %swap3A_1454 = arith.index_cast %scan3A_1438 : i32 to index
        %swap3A_1455 = arith.index_cast %mul3A_1446 : i32 to index
        %swap3A_1456 = tpu.vector_load %arg12[%swap3A_1454, %swap3A_1455] {strides = array<i32>} : memref<8x1024xf32, #tpu.memory_space<vmem>>, vector<1x16xf32>,
        %swap3A_1457 = vector.shape_cast %swap3A_1456 : vector<1x16xf32> to vector<16xf32>
        %swap3A_1458 = vector.shape_cast %get3A_1449 : vector<16xf32> to vector<1x16xf32>
        tpu.vector_store %arg12[%swap3A_1454, %swap3A_1455], %swap3A_1458 {add = true, strides = array<i32>} : memref<8x1024xf32, #tpu.memory_space<vmem>>, vector<1x16xf32>,
        %swap3A_1459 = arith.index_cast %scan3A_1438 : i32 to index
        %swap3A_1460 = arith.index_cast %mul3A_1446 : i32 to index
        %swap3A_1461 = tpu.vector_load %arg13[%swap3A_1459, %swap3A_1460] {strides = array<i32>} : memref<8x1024xf32, #tpu.memory_space<vmem>>, vector<1x16xf32>,
        %swap3A_1462 = vector.shape_cast %swap3A_1461 : vector<1x16xf32> to vector<16xf32>
        %swap3A_1463 = vector.shape_cast %get3A_1449 : vector<16xf32> to vector<1x16xf32>
        tpu.vector_store %arg13[%swap3A_1459, %swap3A_1460], %swap3A_1463 {add = true, strides = array<i32>} : memref<8x1024xf32, #tpu.memory_space<vmem>>, vector<1x16xf32>,
        %swap3A_1464 = arith.index_cast %scan3A_1438 : i32 to index
        %swap3A_1465 = arith.index_cast %mul3A_1446 : i32 to index
        %swap3A_1466 = tpu.vector_load %arg14[%swap3A_1464, %swap3A_1465] {strides = array<i32>} : memref<8x1024xf32, #tpu.memory_space<vmem>>, vector<1x16xf32>,
        %swap3A_1467 = vector.shape_cast %swap3A_1466 : vector<1x16xf32> to vector<16xf32>
        %swap3A_1468 = vector.shape_cast %get3A_1449 : vector<16xf32> to vector<1x16xf32>
        tpu.vector_store %arg14[%swap3A_1464, %swap3A_1465], %swap3A_1468 {add = true, strides = array<i32>} : memref<8x1024xf32, #tpu.memory_space<vmem>>, vector<1x16xf32>,
        %scan3A_1469 = arith.constant 1 : i32
        %scan3A_1470 = arith.addi %scan3A_1444, %scan3A_1469 : i32
        %mul3A_1471 = arith.constant 16 : i32
        %mul3A_1472 = arith.muli %scan3A_1470, %mul3A_1471 : i32
        %get3A_1473 = arith.index_cast %scan3A_1438 : i32 to index
        %get3A_1474 = arith.index_cast %mul3A_1472 : i32 to index
        %get3A_1475 = tpu.vector_load %arg6[%get3A_1473, %get3A_1474] {strides = array<i32>} : memref<8x1024xf32, #tpu.memory_space<vmem>>, vector<1x16xf32>,
        %get3A_1476 = vector.shape_cast %get3A_1475 : vector<1x16xf32> to vector<16xf32>
        %swap3A_1477 = arith.index_cast %scan3A_1438 : i32 to index
        %swap3A_1478 = arith.index_cast %mul3A_1472 : i32 to index
        %swap3A_1479 = tpu.vector_load %arg11[%swap3A_1477, %swap3A_1478] {strides = array<i32>} : memref<8x1024xf32, #tpu.memory_space<vmem>>, vector<1x16xf32>,
        %swap3A_1480 = vector.shape_cast %swap3A_1479 : vector<1x16xf32> to vector<16xf32>
        %swap3A_1481 = vector.shape_cast %get3A_1476 : vector<16xf32> to vector<1x16xf32>
        tpu.vector_store %arg11[%swap3A_1477, %swap3A_1478], %swap3A_1481 {add = true, strides = array<i32>} : memref<8x1024xf32, #tpu.memory_space<vmem>>, vector<1x16xf32>,
        %swap3A_1482 = arith.index_cast %scan3A_1438 : i32 to index
        %swap3A_1483 = arith.index_cast %mul3A_1472 : i32 to index
        %swap3A_1484 = tpu.vector_load %arg12[%swap3A_1482, %swap3A_1483] {strides = array<i32>} : memref<8x1024xf32, #tpu.memory_space<vmem>>, vector<1x16xf32>,
        %swap3A_1485 = vector.shape_cast %swap3A_1484 : vector<1x16xf32> to vector<16xf32>
        %swap3A_1486 = vector.shape_cast %get3A_1476 : vector<16xf32> to vector<1x16xf32>
        tpu.vector_store %arg12[%swap3A_1482, %swap3A_1483], %swap3A_1486 {add = true, strides = array<i32>} : memref<8x1024xf32, #tpu.memory_space<vmem>>, vector<1x16xf32>,
        %swap3A_1487 = arith.index_cast %scan3A_1438 : i32 to index
        %swap3A_1488 = arith.index_cast %mul3A_1472 : i32 to index
        %swap3A_1489 = tpu.vector_load %arg13[%swap3A_1487, %swap3A_1488] {strides = array<i32>} : memref<8x1024xf32, #tpu.memory_space<vmem>>, vector<1x16xf32>,
        %swap3A_1490 = vector.shape_cast %swap3A_1489 : vector<1x16xf32> to vector<16xf32>
        %swap3A_1491 = vector.shape_cast %get3A_1476 : vector<16xf32> to vector<1x16xf32>
        tpu.vector_store %arg13[%swap3A_1487, %swap3A_1488], %swap3A_1491 {add = true, strides = array<i32>} : memref<8x1024xf32, #tpu.memory_space<vmem>>, vector<1x16xf32>,
        %swap3A_1492 = arith.index_cast %scan3A_1438 : i32 to index
        %swap3A_1493 = arith.index_cast %mul3A_1472 : i32 to index
        %swap3A_1494 = tpu.vector_load %arg14[%swap3A_1492, %swap3A_1493] {strides = array<i32>} : memref<8x1024xf32, #tpu.memory_space<vmem>>, vector<1x16xf32>,
        %swap3A_1495 = vector.shape_cast %swap3A_1494 : vector<1x16xf32> to vector<16xf32>
        %swap3A_1496 = vector.shape_cast %get3A_1476 : vector<16xf32> to vector<1x16xf32>
        tpu.vector_store %arg14[%swap3A_1492, %swap3A_1493], %swap3A_1496 {add = true, strides = array<i32>} : memref<8x1024xf32, #tpu.memory_space<vmem>>, vector<1x16xf32>,
        %scan3A_1497 = arith.constant 2 : i32
        %scan3A_1498 = arith.addi %scan3A_1444, %scan3A_1497 : i32
        %mul3A_1499 = arith.constant 16 : i32
        %mul3A_1500 = arith.muli %scan3A_1498, %mul3A_1499 : i32
        %get3A_1501 = arith.index_cast %scan3A_1438 : i32 to index
        %get3A_1502 = arith.index_cast %mul3A_1500 : i32 to index
        %get3A_1503 = tpu.vector_load %arg6[%get3A_1501, %get3A_1502] {strides = array<i32>} : memref<8x1024xf32, #tpu.memory_space<vmem>>, vector<1x16xf32>,
        %get3A_1504 = vector.shape_cast %get3A_1503 : vector<1x16xf32> to vector<16xf32>
        %swap3A_1505 = arith.index_cast %scan3A_1438 : i32 to index
        %swap3A_1506 = arith.index_cast %mul3A_1500 : i32 to index
        %swap3A_1507 = tpu.vector_load %arg11[%swap3A_1505, %swap3A_1506] {strides = array<i32>} : memref<8x1024xf32, #tpu.memory_space<vmem>>, vector<1x16xf32>,
        %swap3A_1508 = vector.shape_cast %swap3A_1507 : vector<1x16xf32> to vector<16xf32>
        %swap3A_1509 = vector.shape_cast %get3A_1504 : vector<16xf32> to vector<1x16xf32>
        tpu.vector_store %arg11[%swap3A_1505, %swap3A_1506], %swap3A_1509 {add = true, strides = array<i32>} : memref<8x1024xf32, #tpu.memory_space<vmem>>, vector<1x16xf32>,
        %swap3A_1510 = arith.index_cast %scan3A_1438 : i32 to index
        %swap3A_1511 = arith.index_cast %mul3A_1500 : i32 to index
        %swap3A_1512 = tpu.vector_load %arg12[%swap3A_1510, %swap3A_1511] {strides = array<i32>} : memref<8x1024xf32, #tpu.memory_space<vmem>>, vector<1x16xf32>,
        %swap3A_1513 = vector.shape_cast %swap3A_1512 : vector<1x16xf32> to vector<16xf32>
        %swap3A_1514 = vector.shape_cast %get3A_1504 : vector<16xf32> to vector<1x16xf32>
        tpu.vector_store %arg12[%swap3A_1510, %swap3A_1511], %swap3A_1514 {add = true, strides = array<i32>} : memref<8x1024xf32, #tpu.memory_space<vmem>>, vector<1x16xf32>,
        %swap3A_1515 = arith.index_cast %scan3A_1438 : i32 to index
        %swap3A_1516 = arith.index_cast %mul3A_1500 : i32 to index
        %swap3A_1517 = tpu.vector_load %arg13[%swap3A_1515, %swap3A_1516] {strides = array<i32>} : memref<8x1024xf32, #tpu.memory_space<vmem>>, vector<1x16xf32>,
        %swap3A_1518 = vector.shape_cast %swap3A_1517 : vector<1x16xf32> to vector<16xf32>
        %swap3A_1519 = vector.shape_cast %get3A_1504 : vector<16xf32> to vector<1x16xf32>
        tpu.vector_store %arg13[%swap3A_1515, %swap3A_1516], %swap3A_1519 {add = true, strides = array<i32>} : memref<8x1024xf32, #tpu.memory_space<vmem>>, vector<1x16xf32>,
        %swap3A_1520 = arith.index_cast %scan3A_1438 : i32 to index
        %swap3A_1521 = arith.index_cast %mul3A_1500 : i32 to index
        %swap3A_1522 = tpu.vector_load %arg14[%swap3A_1520, %swap3A_1521] {strides = array<i32>} : memref<8x1024xf32, #tpu.memory_space<vmem>>, vector<1x16xf32>,
        %swap3A_1523 = vector.shape_cast %swap3A_1522 : vector<1x16xf32> to vector<16xf32>
        %swap3A_1524 = vector.shape_cast %get3A_1504 : vector<16xf32> to vector<1x16xf32>
        tpu.vector_store %arg14[%swap3A_1520, %swap3A_1521], %swap3A_1524 {add = true, strides = array<i32>} : memref<8x1024xf32, #tpu.memory_space<vmem>>, vector<1x16xf32>,
        %scan3A_1525 = arith.constant 3 : i32
        %scan3A_1526 = arith.addi %scan3A_1444, %scan3A_1525 : i32
        %mul3A_1527 = arith.constant 16 : i32
        %mul3A_1528 = arith.muli %scan3A_1526, %mul3A_1527 : i32
        %get3A_1529 = arith.index_cast %scan3A_1438 : i32 to index
        %get3A_1530 = arith.index_cast %mul3A_1528 : i32 to index
        %get3A_1531 = tpu.vector_load %arg6[%get3A_1529, %get3A_1530] {strides = array<i32>} : memref<8x1024xf32, #tpu.memory_space<vmem>>, vector<1x16xf32>,
        %get3A_1532 = vector.shape_cast %get3A_1531 : vector<1x16xf32> to vector<16xf32>
        %swap3A_1533 = arith.index_cast %scan3A_1438 : i32 to index
        %swap3A_1534 = arith.index_cast %mul3A_1528 : i32 to index
        %swap3A_1535 = tpu.vector_load %arg11[%swap3A_1533, %swap3A_1534] {strides = array<i32>} : memref<8x1024xf32, #tpu.memory_space<vmem>>, vector<1x16xf32>,
        %swap3A_1536 = vector.shape_cast %swap3A_1535 : vector<1x16xf32> to vector<16xf32>
        %swap3A_1537 = vector.shape_cast %get3A_1532 : vector<16xf32> to vector<1x16xf32>
        tpu.vector_store %arg11[%swap3A_1533, %swap3A_1534], %swap3A_1537 {add = true, strides = array<i32>} : memref<8x1024xf32, #tpu.memory_space<vmem>>, vector<1x16xf32>,
        %swap3A_1538 = arith.index_cast %scan3A_1438 : i32 to index
        %swap3A_1539 = arith.index_cast %mul3A_1528 : i32 to index
        %swap3A_1540 = tpu.vector_load %arg12[%swap3A_1538, %swap3A_1539] {strides = array<i32>} : memref<8x1024xf32, #tpu.memory_space<vmem>>, vector<1x16xf32>,
        %swap3A_1541 = vector.shape_cast %swap3A_1540 : vector<1x16xf32> to vector<16xf32>
        %swap3A_1542 = vector.shape_cast %get3A_1532 : vector<16xf32> to vector<1x16xf32>
        tpu.vector_store %arg12[%swap3A_1538, %swap3A_1539], %swap3A_1542 {add = true, strides = array<i32>} : memref<8x1024xf32, #tpu.memory_space<vmem>>, vector<1x16xf32>,
        %swap3A_1543 = arith.index_cast %scan3A_1438 : i32 to index
        %swap3A_1544 = arith.index_cast %mul3A_1528 : i32 to index
        %swap3A_1545 = tpu.vector_load %arg13[%swap3A_1543, %swap3A_1544] {strides = array<i32>} : memref<8x1024xf32, #tpu.memory_space<vmem>>, vector<1x16xf32>,
        %swap3A_1546 = vector.shape_cast %swap3A_1545 : vector<1x16xf32> to vector<16xf32>
        %swap3A_1547 = vector.shape_cast %get3A_1532 : vector<16xf32> to vector<1x16xf32>
        tpu.vector_store %arg13[%swap3A_1543, %swap3A_1544], %swap3A_1547 {add = true, strides = array<i32>} : memref<8x1024xf32, #tpu.memory_space<vmem>>, vector<1x16xf32>,
        %swap3A_1548 = arith.index_cast %scan3A_1438 : i32 to index
        %swap3A_1549 = arith.index_cast %mul3A_1528 : i32 to index
        %swap3A_1550 = tpu.vector_load %arg14[%swap3A_1548, %swap3A_1549] {strides = array<i32>} : memref<8x1024xf32, #tpu.memory_space<vmem>>, vector<1x16xf32>,
        %swap3A_1551 = vector.shape_cast %swap3A_1550 : vector<1x16xf32> to vector<16xf32>
        %swap3A_1552 = vector.shape_cast %get3A_1532 : vector<16xf32> to vector<1x16xf32>
        tpu.vector_store %arg14[%swap3A_1548, %swap3A_1549], %swap3A_1552 {add = true, strides = array<i32>} : memref<8x1024xf32, #tpu.memory_space<vmem>>, vector<1x16xf32>,
        %scan3A_1553 = arith.constant 4 : i32
        %scan3A_1554 = arith.addi %scan3A_1444, %scan3A_1553 : i32
        %mul3A_1555 = arith.constant 16 : i32
        %mul3A_1556 = arith.muli %scan3A_1554, %mul3A_1555 : i32
        %get3A_1557 = arith.index_cast %scan3A_1438 : i32 to index
        %get3A_1558 = arith.index_cast %mul3A_1556 : i32 to index
        %get3A_1559 = tpu.vector_load %arg6[%get3A_1557, %get3A_1558] {strides = array<i32>} : memref<8x1024xf32, #tpu.memory_space<vmem>>, vector<1x16xf32>,
        %get3A_1560 = vector.shape_cast %get3A_1559 : vector<1x16xf32> to vector<16xf32>
        %swap3A_1561 = arith.index_cast %scan3A_1438 : i32 to index
        %swap3A_1562 = arith.index_cast %mul3A_1556 : i32 to index
        %swap3A_1563 = tpu.vector_load %arg11[%swap3A_1561, %swap3A_1562] {strides = array<i32>} : memref<8x1024xf32, #tpu.memory_space<vmem>>, vector<1x16xf32>,
        %swap3A_1564 = vector.shape_cast %swap3A_1563 : vector<1x16xf32> to vector<16xf32>
        %swap3A_1565 = vector.shape_cast %get3A_1560 : vector<16xf32> to vector<1x16xf32>
        tpu.vector_store %arg11[%swap3A_1561, %swap3A_1562], %swap3A_1565 {add = true, strides = array<i32>} : memref<8x1024xf32, #tpu.memory_space<vmem>>, vector<1x16xf32>,
        %swap3A_1566 = arith.index_cast %scan3A_1438 : i32 to index
        %swap3A_1567 = arith.index_cast %mul3A_1556 : i32 to index
        %swap3A_1568 = tpu.vector_load %arg12[%swap3A_1566, %swap3A_1567] {strides = array<i32>} : memref<8x1024xf32, #tpu.memory_space<vmem>>, vector<1x16xf32>,
        %swap3A_1569 = vector.shape_cast %swap3A_1568 : vector<1x16xf32> to vector<16xf32>
        %swap3A_1570 = vector.shape_cast %get3A_1560 : vector<16xf32> to vector<1x16xf32>
        tpu.vector_store %arg12[%swap3A_1566, %swap3A_1567], %swap3A_1570 {add = true, strides = array<i32>} : memref<8x1024xf32, #tpu.memory_space<vmem>>, vector<1x16xf32>,
        %swap3A_1571 = arith.index_cast %scan3A_1438 : i32 to index
        %swap3A_1572 = arith.index_cast %mul3A_1556 : i32 to index
        %swap3A_1573 = tpu.vector_load %arg13[%swap3A_1571, %swap3A_1572] {strides = array<i32>} : memref<8x1024xf32, #tpu.memory_space<vmem>>, vector<1x16xf32>,
        %swap3A_1574 = vector.shape_cast %swap3A_1573 : vector<1x16xf32> to vector<16xf32>
        %swap3A_1575 = vector.shape_cast %get3A_1560 : vector<16xf32> to vector<1x16xf32>
        tpu.vector_store %arg13[%swap3A_1571, %swap3A_1572], %swap3A_1575 {add = true, strides = array<i32>} : memref<8x1024xf32, #tpu.memory_space<vmem>>, vector<1x16xf32>,
        %swap3A_1576 = arith.index_cast %scan3A_1438 : i32 to index
        %swap3A_1577 = arith.index_cast %mul3A_1556 : i32 to index
        %swap3A_1578 = tpu.vector_load %arg14[%swap3A_1576, %swap3A_1577] {strides = array<i32>} : memref<8x1024xf32, #tpu.memory_space<vmem>>, vector<1x16xf32>,
        %swap3A_1579 = vector.shape_cast %swap3A_1578 : vector<1x16xf32> to vector<16xf32>
        %swap3A_1580 = vector.shape_cast %get3A_1560 : vector<16xf32> to vector<1x16xf32>
        tpu.vector_store %arg14[%swap3A_1576, %swap3A_1577], %swap3A_1580 {add = true, strides = array<i32>} : memref<8x1024xf32, #tpu.memory_space<vmem>>, vector<1x16xf32>,
        %scan3A_1581 = arith.constant 5 : i32
        %scan3A_1582 = arith.addi %scan3A_1444, %scan3A_1581 : i32
        %mul3A_1583 = arith.constant 16 : i32
        %mul3A_1584 = arith.muli %scan3A_1582, %mul3A_1583 : i32
        %get3A_1585 = arith.index_cast %scan3A_1438 : i32 to index
        %get3A_1586 = arith.index_cast %mul3A_1584 : i32 to index
        %get3A_1587 = tpu.vector_load %arg6[%get3A_1585, %get3A_1586] {strides = array<i32>} : memref<8x1024xf32, #tpu.memory_space<vmem>>, vector<1x16xf32>,
        %get3A_1588 = vector.shape_cast %get3A_1587 : vector<1x16xf32> to vector<16xf32>
        %swap3A_1589 = arith.index_cast %scan3A_1438 : i32 to index
        %swap3A_1590 = arith.index_cast %mul3A_1584 : i32 to index
        %swap3A_1591 = tpu.vector_load %arg11[%swap3A_1589, %swap3A_1590] {strides = array<i32>} : memref<8x1024xf32, #tpu.memory_space<vmem>>, vector<1x16xf32>,
        %swap3A_1592 = vector.shape_cast %swap3A_1591 : vector<1x16xf32> to vector<16xf32>
        %swap3A_1593 = vector.shape_cast %get3A_1588 : vector<16xf32> to vector<1x16xf32>
        tpu.vector_store %arg11[%swap3A_1589, %swap3A_1590], %swap3A_1593 {add = true, strides = array<i32>} : memref<8x1024xf32, #tpu.memory_space<vmem>>, vector<1x16xf32>,
        %swap3A_1594 = arith.index_cast %scan3A_1438 : i32 to index
        %swap3A_1595 = arith.index_cast %mul3A_1584 : i32 to index
        %swap3A_1596 = tpu.vector_load %arg12[%swap3A_1594, %swap3A_1595] {strides = array<i32>} : memref<8x1024xf32, #tpu.memory_space<vmem>>, vector<1x16xf32>,
        %swap3A_1597 = vector.shape_cast %swap3A_1596 : vector<1x16xf32> to vector<16xf32>
        %swap3A_1598 = vector.shape_cast %get3A_1588 : vector<16xf32> to vector<1x16xf32>
        tpu.vector_store %arg12[%swap3A_1594, %swap3A_1595], %swap3A_1598 {add = true, strides = array<i32>} : memref<8x1024xf32, #tpu.memory_space<vmem>>, vector<1x16xf32>,
        %swap3A_1599 = arith.index_cast %scan3A_1438 : i32 to index
        %swap3A_1600 = arith.index_cast %mul3A_1584 : i32 to index
        %swap3A_1601 = tpu.vector_load %arg13[%swap3A_1599, %swap3A_1600] {strides = array<i32>} : memref<8x1024xf32, #tpu.memory_space<vmem>>, vector<1x16xf32>,
        %swap3A_1602 = vector.shape_cast %swap3A_1601 : vector<1x16xf32> to vector<16xf32>
        %swap3A_1603 = vector.shape_cast %get3A_1588 : vector<16xf32> to vector<1x16xf32>
        tpu.vector_store %arg13[%swap3A_1599, %swap3A_1600], %swap3A_1603 {add = true, strides = array<i32>} : memref<8x1024xf32, #tpu.memory_space<vmem>>, vector<1x16xf32>,
        %swap3A_1604 = arith.index_cast %scan3A_1438 : i32 to index
        %swap3A_1605 = arith.index_cast %mul3A_1584 : i32 to index
        %swap3A_1606 = tpu.vector_load %arg14[%swap3A_1604, %swap3A_1605] {strides = array<i32>} : memref<8x1024xf32, #tpu.memory_space<vmem>>, vector<1x16xf32>,
        %swap3A_1607 = vector.shape_cast %swap3A_1606 : vector<1x16xf32> to vector<16xf32>
        %swap3A_1608 = vector.shape_cast %get3A_1588 : vector<16xf32> to vector<1x16xf32>
        tpu.vector_store %arg14[%swap3A_1604, %swap3A_1605], %swap3A_1608 {add = true, strides = array<i32>} : memref<8x1024xf32, #tpu.memory_space<vmem>>, vector<1x16xf32>,
        %scan3A_1609 = arith.constant 6 : i32
        %scan3A_1610 = arith.addi %scan3A_1444, %scan3A_1609 : i32
        %mul3A_1611 = arith.constant 16 : i32
        %mul3A_1612 = arith.muli %scan3A_1610, %mul3A_1611 : i32
        %get3A_1613 = arith.index_cast %scan3A_1438 : i32 to index
        %get3A_1614 = arith.index_cast %mul3A_1612 : i32 to index
        %get3A_1615 = tpu.vector_load %arg6[%get3A_1613, %get3A_1614] {strides = array<i32>} : memref<8x1024xf32, #tpu.memory_space<vmem>>, vector<1x16xf32>,
        %get3A_1616 = vector.shape_cast %get3A_1615 : vector<1x16xf32> to vector<16xf32>
        %swap3A_1617 = arith.index_cast %scan3A_1438 : i32 to index
        %swap3A_1618 = arith.index_cast %mul3A_1612 : i32 to index
        %swap3A_1619 = tpu.vector_load %arg11[%swap3A_1617, %swap3A_1618] {strides = array<i32>} : memref<8x1024xf32, #tpu.memory_space<vmem>>, vector<1x16xf32>,
        %swap3A_1620 = vector.shape_cast %swap3A_1619 : vector<1x16xf32> to vector<16xf32>
        %swap3A_1621 = vector.shape_cast %get3A_1616 : vector<16xf32> to vector<1x16xf32>
        tpu.vector_store %arg11[%swap3A_1617, %swap3A_1618], %swap3A_1621 {add = true, strides = array<i32>} : memref<8x1024xf32, #tpu.memory_space<vmem>>, vector<1x16xf32>,
        %swap3A_1622 = arith.index_cast %scan3A_1438 : i32 to index
        %swap3A_1623 = arith.index_cast %mul3A_1612 : i32 to index
        %swap3A_1624 = tpu.vector_load %arg12[%swap3A_1622, %swap3A_1623] {strides = array<i32>} : memref<8x1024xf32, #tpu.memory_space<vmem>>, vector<1x16xf32>,
        %swap3A_1625 = vector.shape_cast %swap3A_1624 : vector<1x16xf32> to vector<16xf32>
        %swap3A_1626 = vector.shape_cast %get3A_1616 : vector<16xf32> to vector<1x16xf32>
        tpu.vector_store %arg12[%swap3A_1622, %swap3A_1623], %swap3A_1626 {add = true, strides = array<i32>} : memref<8x1024xf32, #tpu.memory_space<vmem>>, vector<1x16xf32>,
        %swap3A_1627 = arith.index_cast %scan3A_1438 : i32 to index
        %swap3A_1628 = arith.index_cast %mul3A_1612 : i32 to index
        %swap3A_1629 = tpu.vector_load %arg13[%swap3A_1627, %swap3A_1628] {strides = array<i32>} : memref<8x1024xf32, #tpu.memory_space<vmem>>, vector<1x16xf32>,
        %swap3A_1630 = vector.shape_cast %swap3A_1629 : vector<1x16xf32> to vector<16xf32>
        %swap3A_1631 = vector.shape_cast %get3A_1616 : vector<16xf32> to vector<1x16xf32>
        tpu.vector_store %arg13[%swap3A_1627, %swap3A_1628], %swap3A_1631 {add = true, strides = array<i32>} : memref<8x1024xf32, #tpu.memory_space<vmem>>, vector<1x16xf32>,
        %swap3A_1632 = arith.index_cast %scan3A_1438 : i32 to index
        %swap3A_1633 = arith.index_cast %mul3A_1612 : i32 to index
        %swap3A_1634 = tpu.vector_load %arg14[%swap3A_1632, %swap3A_1633] {strides = array<i32>} : memref<8x1024xf32, #tpu.memory_space<vmem>>, vector<1x16xf32>,
        %swap3A_1635 = vector.shape_cast %swap3A_1634 : vector<1x16xf32> to vector<16xf32>
        %swap3A_1636 = vector.shape_cast %get3A_1616 : vector<16xf32> to vector<1x16xf32>
        tpu.vector_store %arg14[%swap3A_1632, %swap3A_1633], %swap3A_1636 {add = true, strides = array<i32>} : memref<8x1024xf32, #tpu.memory_space<vmem>>, vector<1x16xf32>,
        %scan3A_1637 = arith.constant 7 : i32
        %scan3A_1638 = arith.addi %scan3A_1444, %scan3A_1637 : i32
        %mul3A_1639 = arith.constant 16 : i32
        %mul3A_1640 = arith.muli %scan3A_1638, %mul3A_1639 : i32
        %get3A_1641 = arith.index_cast %scan3A_1438 : i32 to index
        %get3A_1642 = arith.index_cast %mul3A_1640 : i32 to index
        %get3A_1643 = tpu.vector_load %arg6[%get3A_1641, %get3A_1642] {strides = array<i32>} : memref<8x1024xf32, #tpu.memory_space<vmem>>, vector<1x16xf32>,
        %get3A_1644 = vector.shape_cast %get3A_1643 : vector<1x16xf32> to vector<16xf32>
        %swap3A_1645 = arith.index_cast %scan3A_1438 : i32 to index
        %swap3A_1646 = arith.index_cast %mul3A_1640 : i32 to index
        %swap3A_1647 = tpu.vector_load %arg11[%swap3A_1645, %swap3A_1646] {strides = array<i32>} : memref<8x1024xf32, #tpu.memory_space<vmem>>, vector<1x16xf32>,
        %swap3A_1648 = vector.shape_cast %swap3A_1647 : vector<1x16xf32> to vector<16xf32>
        %swap3A_1649 = vector.shape_cast %get3A_1644 : vector<16xf32> to vector<1x16xf32>
        tpu.vector_store %arg11[%swap3A_1645, %swap3A_1646], %swap3A_1649 {add = true, strides = array<i32>} : memref<8x1024xf32, #tpu.memory_space<vmem>>, vector<1x16xf32>,
        %swap3A_1650 = arith.index_cast %scan3A_1438 : i32 to index
        %swap3A_1651 = arith.index_cast %mul3A_1640 : i32 to index
        %swap3A_1652 = tpu.vector_load %arg12[%swap3A_1650, %swap3A_1651] {strides = array<i32>} : memref<8x1024xf32, #tpu.memory_space<vmem>>, vector<1x16xf32>,
        %swap3A_1653 = vector.shape_cast %swap3A_1652 : vector<1x16xf32> to vector<16xf32>
        %swap3A_1654 = vector.shape_cast %get3A_1644 : vector<16xf32> to vector<1x16xf32>
        tpu.vector_store %arg12[%swap3A_1650, %swap3A_1651], %swap3A_1654 {add = true, strides = array<i32>} : memref<8x1024xf32, #tpu.memory_space<vmem>>, vector<1x16xf32>,
        %swap3A_1655 = arith.index_cast %scan3A_1438 : i32 to index
        %swap3A_1656 = arith.index_cast %mul3A_1640 : i32 to index
        %swap3A_1657 = tpu.vector_load %arg13[%swap3A_1655, %swap3A_1656] {strides = array<i32>} : memref<8x1024xf32, #tpu.memory_space<vmem>>, vector<1x16xf32>,
        %swap3A_1658 = vector.shape_cast %swap3A_1657 : vector<1x16xf32> to vector<16xf32>
        %swap3A_1659 = vector.shape_cast %get3A_1644 : vector<16xf32> to vector<1x16xf32>
        tpu.vector_store %arg13[%swap3A_1655, %swap3A_1656], %swap3A_1659 {add = true, strides = array<i32>} : memref<8x1024xf32, #tpu.memory_space<vmem>>, vector<1x16xf32>,
        %swap3A_1660 = arith.index_cast %scan3A_1438 : i32 to index
        %swap3A_1661 = arith.index_cast %mul3A_1640 : i32 to index
        %swap3A_1662 = tpu.vector_load %arg14[%swap3A_1660, %swap3A_1661] {strides = array<i32>} : memref<8x1024xf32, #tpu.memory_space<vmem>>, vector<1x16xf32>,
        %swap3A_1663 = vector.shape_cast %swap3A_1662 : vector<1x16xf32> to vector<16xf32>
        %swap3A_1664 = vector.shape_cast %get3A_1644 : vector<16xf32> to vector<1x16xf32>
        tpu.vector_store %arg14[%swap3A_1660, %swap3A_1661], %swap3A_1664 {add = true, strides = array<i32>} : memref<8x1024xf32, #tpu.memory_space<vmem>>, vector<1x16xf32>,
      }
      %scan3A_1443 = arith.constant 64 : i32
    }
    %scan3A_1049 = arith.constant 8 : i32
    %mul3A_1050 = arith.constant 64 : i32
    %mul3A_1051 = arith.muli %add3A, %mul3A_1050 : i32
    %add3A_1052 = arith.constant 40 : i32
    %add3A_1053 = arith.addi %mul3A_1051, %add3A_1052 : i32
    %dma_start3A_1054 = arith.constant 0 : i32
    %dma_start3A_1055 = arith.constant 0 : i32
    %dma_start3A_1056 = tpu.memref_slice %arg4[%dma_start3A_1054, %add3A_1053, %dma_start3A_1055] : memref<4x4096x1024xf32, #tpu.memory_space<hbm>> -> memref<1x8x1024xf32, #tpu.memory_space<hbm>>
    %dma_start3A_1057 = tpu.memref_squeeze %dma_start3A_1056 : memref<1x8x1024xf32, #tpu.memory_space<hbm>> -> memref<8x1024xf32, #tpu.memory_space<hbm>>
    %dma_start3A_1058 = arith.constant 0 : i32
    %dma_start3A_1059 = tpu.memref_slice %arg4[%dma_start3A_1054, %add3A_1053, %dma_start3A_1058] : memref<4x4096x1024xf32, #tpu.memory_space<hbm>> -> memref<1x8x1024xf32, #tpu.memory_space<hbm>>
    %dma_start3A_1060 = tpu.memref_squeeze %dma_start3A_1059 : memref<1x8x1024xf32, #tpu.memory_space<hbm>> -> memref<8x1024xf32, #tpu.memory_space<hbm>>
    tpu.enqueue_dma source(%arg11 : memref<8x1024xf32, #tpu.memory_space<vmem>>) target(%dma_start3A_1060 : memref<8x1024xf32, #tpu.memory_space<hbm>>) target_semaphore(%arg18 : memref<!tpu.dma_semaphore, #tpu.memory_space<semaphore_mem>>)
    %mul3A_1061 = arith.constant 64 : i32
    %mul3A_1062 = arith.muli %add3A, %mul3A_1061 : i32
    %add3A_1063 = arith.constant 40 : i32
    %add3A_1064 = arith.addi %mul3A_1062, %add3A_1063 : i32
    %dma_start3A_1065 = arith.constant 1 : i32
    %dma_start3A_1066 = arith.constant 0 : i32
    %dma_start3A_1067 = tpu.memref_slice %arg4[%dma_start3A_1065, %add3A_1064, %dma_start3A_1066] : memref<4x4096x1024xf32, #tpu.memory_space<hbm>> -> memref<1x8x1024xf32, #tpu.memory_space<hbm>>
    %dma_start3A_1068 = tpu.memref_squeeze %dma_start3A_1067 : memref<1x8x1024xf32, #tpu.memory_space<hbm>> -> memref<8x1024xf32, #tpu.memory_space<hbm>>
    %dma_start3A_1069 = arith.constant 0 : i32
    %dma_start3A_1070 = tpu.memref_slice %arg4[%dma_start3A_1065, %add3A_1064, %dma_start3A_1069] : memref<4x4096x1024xf32, #tpu.memory_space<hbm>> -> memref<1x8x1024xf32, #tpu.memory_space<hbm>>
    %dma_start3A_1071 = tpu.memref_squeeze %dma_start3A_1070 : memref<1x8x1024xf32, #tpu.memory_space<hbm>> -> memref<8x1024xf32, #tpu.memory_space<hbm>>
    tpu.enqueue_dma source(%arg12 : memref<8x1024xf32, #tpu.memory_space<vmem>>) target(%dma_start3A_1071 : memref<8x1024xf32, #tpu.memory_space<hbm>>) target_semaphore(%arg18 : memref<!tpu.dma_semaphore, #tpu.memory_space<semaphore_mem>>)
    %mul3A_1072 = arith.constant 64 : i32
    %mul3A_1073 = arith.muli %add3A, %mul3A_1072 : i32
    %add3A_1074 = arith.constant 40 : i32
    %add3A_1075 = arith.addi %mul3A_1073, %add3A_1074 : i32
    %dma_start3A_1076 = arith.constant 2 : i32
    %dma_start3A_1077 = arith.constant 0 : i32
    %dma_start3A_1078 = tpu.memref_slice %arg4[%dma_start3A_1076, %add3A_1075, %dma_start3A_1077] : memref<4x4096x1024xf32, #tpu.memory_space<hbm>> -> memref<1x8x1024xf32, #tpu.memory_space<hbm>>
    %dma_start3A_1079 = tpu.memref_squeeze %dma_start3A_1078 : memref<1x8x1024xf32, #tpu.memory_space<hbm>> -> memref<8x1024xf32, #tpu.memory_space<hbm>>
    %dma_start3A_1080 = arith.constant 0 : i32
    %dma_start3A_1081 = tpu.memref_slice %arg4[%dma_start3A_1076, %add3A_1075, %dma_start3A_1080] : memref<4x4096x1024xf32, #tpu.memory_space<hbm>> -> memref<1x8x1024xf32, #tpu.memory_space<hbm>>
    %dma_start3A_1082 = tpu.memref_squeeze %dma_start3A_1081 : memref<1x8x1024xf32, #tpu.memory_space<hbm>> -> memref<8x1024xf32, #tpu.memory_space<hbm>>
    tpu.enqueue_dma source(%arg13 : memref<8x1024xf32, #tpu.memory_space<vmem>>) target(%dma_start3A_1082 : memref<8x1024xf32, #tpu.memory_space<hbm>>) target_semaphore(%arg18 : memref<!tpu.dma_semaphore, #tpu.memory_space<semaphore_mem>>)
    %mul3A_1083 = arith.constant 64 : i32
    %mul3A_1084 = arith.muli %add3A, %mul3A_1083 : i32
    %add3A_1085 = arith.constant 40 : i32
    %add3A_1086 = arith.addi %mul3A_1084, %add3A_1085 : i32
    %dma_start3A_1087 = arith.constant 3 : i32
    %dma_start3A_1088 = arith.constant 0 : i32
    %dma_start3A_1089 = tpu.memref_slice %arg4[%dma_start3A_1087, %add3A_1086, %dma_start3A_1088] : memref<4x4096x1024xf32, #tpu.memory_space<hbm>> -> memref<1x8x1024xf32, #tpu.memory_space<hbm>>
    %dma_start3A_1090 = tpu.memref_squeeze %dma_start3A_1089 : memref<1x8x1024xf32, #tpu.memory_space<hbm>> -> memref<8x1024xf32, #tpu.memory_space<hbm>>
    %dma_start3A_1091 = arith.constant 0 : i32
    %dma_start3A_1092 = tpu.memref_slice %arg4[%dma_start3A_1087, %add3A_1086, %dma_start3A_1091] : memref<4x4096x1024xf32, #tpu.memory_space<hbm>> -> memref<1x8x1024xf32, #tpu.memory_space<hbm>>
    %dma_start3A_1093 = tpu.memref_squeeze %dma_start3A_1092 : memref<1x8x1024xf32, #tpu.memory_space<hbm>> -> memref<8x1024xf32, #tpu.memory_space<hbm>>
    tpu.enqueue_dma source(%arg14 : memref<8x1024xf32, #tpu.memory_space<vmem>>) target(%dma_start3A_1093 : memref<8x1024xf32, #tpu.memory_space<hbm>>) target_semaphore(%arg18 : memref<!tpu.dma_semaphore, #tpu.memory_space<semaphore_mem>>)
    %dma_wait3A_1094 = arith.constant 0 : i32
    %dma_wait3A_1095 = arith.constant 0 : i32
    %dma_wait3A_1096 = arith.constant 0 : i32
    %dma_wait3A_1097 = tpu.memref_slice %arg4[%dma_wait3A_1094, %dma_wait3A_1095, %dma_wait3A_1096] : memref<4x4096x1024xf32, #tpu.memory_space<hbm>> -> memref<1x8x1024xf32, #tpu.memory_space<hbm>>
    %dma_wait3A_1098 = tpu.memref_squeeze %dma_wait3A_1097 : memref<1x8x1024xf32, #tpu.memory_space<hbm>> -> memref<8x1024xf32, #tpu.memory_space<hbm>>
    %dma_wait3A_1099 = arith.constant 0 : i32
    %dma_wait3A_1100 = arith.constant 0 : i32
    %dma_wait3A_1101 = tpu.memref_slice %arg4[%dma_wait3A_1094, %dma_wait3A_1099, %dma_wait3A_1100] : memref<4x4096x1024xf32, #tpu.memory_space<hbm>> -> memref<1x8x1024xf32, #tpu.memory_space<hbm>>
    %dma_wait3A_1102 = tpu.memref_squeeze %dma_wait3A_1101 : memref<1x8x1024xf32, #tpu.memory_space<hbm>> -> memref<8x1024xf32, #tpu.memory_space<hbm>>
    tpu.wait_dma2 semaphore(%arg18 : memref<!tpu.dma_semaphore, #tpu.memory_space<semaphore_mem>>) src(%arg11 : memref<8x1024xf32, #tpu.memory_space<vmem>>) dst(%dma_wait3A_1102 : memref<8x1024xf32, #tpu.memory_space<hbm>>)
    %dma_wait3A_1103 = arith.constant 0 : i32
    %dma_wait3A_1104 = arith.constant 0 : i32
    %dma_wait3A_1105 = arith.constant 0 : i32
    %dma_wait3A_1106 = tpu.memref_slice %arg4[%dma_wait3A_1103, %dma_wait3A_1104, %dma_wait3A_1105] : memref<4x4096x1024xf32, #tpu.memory_space<hbm>> -> memref<1x8x1024xf32, #tpu.memory_space<hbm>>
    %dma_wait3A_1107 = tpu.memref_squeeze %dma_wait3A_1106 : memref<1x8x1024xf32, #tpu.memory_space<hbm>> -> memref<8x1024xf32, #tpu.memory_space<hbm>>
    %dma_wait3A_1108 = arith.constant 0 : i32
    %dma_wait3A_1109 = arith.constant 0 : i32
    %dma_wait3A_1110 = tpu.memref_slice %arg4[%dma_wait3A_1103, %dma_wait3A_1108, %dma_wait3A_1109] : memref<4x4096x1024xf32, #tpu.memory_space<hbm>> -> memref<1x8x1024xf32, #tpu.memory_space<hbm>>
    %dma_wait3A_1111 = tpu.memref_squeeze %dma_wait3A_1110 : memref<1x8x1024xf32, #tpu.memory_space<hbm>> -> memref<8x1024xf32, #tpu.memory_space<hbm>>
    tpu.wait_dma2 semaphore(%arg18 : memref<!tpu.dma_semaphore, #tpu.memory_space<semaphore_mem>>) src(%arg12 : memref<8x1024xf32, #tpu.memory_space<vmem>>) dst(%dma_wait3A_1111 : memref<8x1024xf32, #tpu.memory_space<hbm>>)
    %dma_wait3A_1112 = arith.constant 0 : i32
    %dma_wait3A_1113 = arith.constant 0 : i32
    %dma_wait3A_1114 = arith.constant 0 : i32
    %dma_wait3A_1115 = tpu.memref_slice %arg4[%dma_wait3A_1112, %dma_wait3A_1113, %dma_wait3A_1114] : memref<4x4096x1024xf32, #tpu.memory_space<hbm>> -> memref<1x8x1024xf32, #tpu.memory_space<hbm>>
    %dma_wait3A_1116 = tpu.memref_squeeze %dma_wait3A_1115 : memref<1x8x1024xf32, #tpu.memory_space<hbm>> -> memref<8x1024xf32, #tpu.memory_space<hbm>>
    %dma_wait3A_1117 = arith.constant 0 : i32
    %dma_wait3A_1118 = arith.constant 0 : i32
    %dma_wait3A_1119 = tpu.memref_slice %arg4[%dma_wait3A_1112, %dma_wait3A_1117, %dma_wait3A_1118] : memref<4x4096x1024xf32, #tpu.memory_space<hbm>> -> memref<1x8x1024xf32, #tpu.memory_space<hbm>>
    %dma_wait3A_1120 = tpu.memref_squeeze %dma_wait3A_1119 : memref<1x8x1024xf32, #tpu.memory_space<hbm>> -> memref<8x1024xf32, #tpu.memory_space<hbm>>
    tpu.wait_dma2 semaphore(%arg18 : memref<!tpu.dma_semaphore, #tpu.memory_space<semaphore_mem>>) src(%arg13 : memref<8x1024xf32, #tpu.memory_space<vmem>>) dst(%dma_wait3A_1120 : memref<8x1024xf32, #tpu.memory_space<hbm>>)
    %dma_wait3A_1121 = arith.constant 0 : i32
    %dma_wait3A_1122 = arith.constant 0 : i32
    %dma_wait3A_1123 = arith.constant 0 : i32
    %dma_wait3A_1124 = tpu.memref_slice %arg4[%dma_wait3A_1121, %dma_wait3A_1122, %dma_wait3A_1123] : memref<4x4096x1024xf32, #tpu.memory_space<hbm>> -> memref<1x8x1024xf32, #tpu.memory_space<hbm>>
    %dma_wait3A_1125 = tpu.memref_squeeze %dma_wait3A_1124 : memref<1x8x1024xf32, #tpu.memory_space<hbm>> -> memref<8x1024xf32, #tpu.memory_space<hbm>>
    %dma_wait3A_1126 = arith.constant 0 : i32
    %dma_wait3A_1127 = arith.constant 0 : i32
    %dma_wait3A_1128 = tpu.memref_slice %arg4[%dma_wait3A_1121, %dma_wait3A_1126, %dma_wait3A_1127] : memref<4x4096x1024xf32, #tpu.memory_space<hbm>> -> memref<1x8x1024xf32, #tpu.memory_space<hbm>>
    %dma_wait3A_1129 = tpu.memref_squeeze %dma_wait3A_1128 : memref<1x8x1024xf32, #tpu.memory_space<hbm>> -> memref<8x1024xf32, #tpu.memory_space<hbm>>
    tpu.wait_dma2 semaphore(%arg18 : memref<!tpu.dma_semaphore, #tpu.memory_space<semaphore_mem>>) src(%arg14 : memref<8x1024xf32, #tpu.memory_space<vmem>>) dst(%dma_wait3A_1129 : memref<8x1024xf32, #tpu.memory_space<hbm>>)
    %mul3A_1130 = arith.constant 64 : i32
    %mul3A_1131 = arith.muli %add3A, %mul3A_1130 : i32
    %add3A_1132 = arith.constant 56 : i32
    %add3A_1133 = arith.addi %mul3A_1131, %add3A_1132 : i32
    %dma_start3A_1134 = arith.constant 0 : i32
    %dma_start3A_1135 = tpu.memref_slice %arg3[%add3A_1133, %dma_start3A_1134] : memref<4096x1024xf32, #tpu.memory_space<hbm>> -> memref<8x1024xf32, #tpu.memory_space<hbm>>
    %dma_start3A_1136 = arith.constant 0 : i32
    %dma_start3A_1137 = tpu.memref_slice %arg3[%add3A_1133, %dma_start3A_1136] : memref<4096x1024xf32, #tpu.memory_space<hbm>> -> memref<8x1024xf32, #tpu.memory_space<hbm>>
    tpu.enqueue_dma source(%dma_start3A_1137 : memref<8x1024xf32, #tpu.memory_space<hbm>>) target(%arg6 : memref<8x1024xf32, #tpu.memory_space<vmem>>) target_semaphore(%arg16 : memref<!tpu.dma_semaphore, #tpu.memory_space<semaphore_mem>>)
    %mul3A_1138 = arith.constant 64 : i32
    %mul3A_1139 = arith.muli %add3A, %mul3A_1138 : i32
    %add3A_1140 = arith.constant 56 : i32
    %add3A_1141 = arith.addi %mul3A_1139, %add3A_1140 : i32
    %dma_start3A_1142 = arith.constant 0 : i32
    %dma_start3A_1143 = arith.constant 0 : i32
    %dma_start3A_1144 = tpu.memref_slice %arg2[%dma_start3A_1142, %add3A_1141, %dma_start3A_1143] : memref<4x4096x1024xf32, #tpu.memory_space<hbm>> -> memref<1x8x1024xf32, #tpu.memory_space<hbm>>
    %dma_start3A_1145 = tpu.memref_squeeze %dma_start3A_1144 : memref<1x8x1024xf32, #tpu.memory_space<hbm>> -> memref<8x1024xf32, #tpu.memory_space<hbm>>
    %dma_start3A_1146 = arith.constant 0 : i32
    %dma_start3A_1147 = tpu.memref_slice %arg2[%dma_start3A_1142, %add3A_1141, %dma_start3A_1146] : memref<4x4096x1024xf32, #tpu.memory_space<hbm>> -> memref<1x8x1024xf32, #tpu.memory_space<hbm>>
    %dma_start3A_1148 = tpu.memref_squeeze %dma_start3A_1147 : memref<1x8x1024xf32, #tpu.memory_space<hbm>> -> memref<8x1024xf32, #tpu.memory_space<hbm>>
    tpu.enqueue_dma source(%dma_start3A_1148 : memref<8x1024xf32, #tpu.memory_space<hbm>>) target(%arg11 : memref<8x1024xf32, #tpu.memory_space<vmem>>) target_semaphore(%arg16 : memref<!tpu.dma_semaphore, #tpu.memory_space<semaphore_mem>>)
    %mul3A_1149 = arith.constant 64 : i32
    %mul3A_1150 = arith.muli %add3A, %mul3A_1149 : i32
    %add3A_1151 = arith.constant 56 : i32
    %add3A_1152 = arith.addi %mul3A_1150, %add3A_1151 : i32
    %dma_start3A_1153 = arith.constant 1 : i32
    %dma_start3A_1154 = arith.constant 0 : i32
    %dma_start3A_1155 = tpu.memref_slice %arg2[%dma_start3A_1153, %add3A_1152, %dma_start3A_1154] : memref<4x4096x1024xf32, #tpu.memory_space<hbm>> -> memref<1x8x1024xf32, #tpu.memory_space<hbm>>
    %dma_start3A_1156 = tpu.memref_squeeze %dma_start3A_1155 : memref<1x8x1024xf32, #tpu.memory_space<hbm>> -> memref<8x1024xf32, #tpu.memory_space<hbm>>
    %dma_start3A_1157 = arith.constant 0 : i32
    %dma_start3A_1158 = tpu.memref_slice %arg2[%dma_start3A_1153, %add3A_1152, %dma_start3A_1157] : memref<4x4096x1024xf32, #tpu.memory_space<hbm>> -> memref<1x8x1024xf32, #tpu.memory_space<hbm>>
    %dma_start3A_1159 = tpu.memref_squeeze %dma_start3A_1158 : memref<1x8x1024xf32, #tpu.memory_space<hbm>> -> memref<8x1024xf32, #tpu.memory_space<hbm>>
    tpu.enqueue_dma source(%dma_start3A_1159 : memref<8x1024xf32, #tpu.memory_space<hbm>>) target(%arg12 : memref<8x1024xf32, #tpu.memory_space<vmem>>) target_semaphore(%arg16 : memref<!tpu.dma_semaphore, #tpu.memory_space<semaphore_mem>>)
    %mul3A_1160 = arith.constant 64 : i32
    %mul3A_1161 = arith.muli %add3A, %mul3A_1160 : i32
    %add3A_1162 = arith.constant 56 : i32
    %add3A_1163 = arith.addi %mul3A_1161, %add3A_1162 : i32
    %dma_start3A_1164 = arith.constant 2 : i32
    %dma_start3A_1165 = arith.constant 0 : i32
    %dma_start3A_1166 = tpu.memref_slice %arg2[%dma_start3A_1164, %add3A_1163, %dma_start3A_1165] : memref<4x4096x1024xf32, #tpu.memory_space<hbm>> -> memref<1x8x1024xf32, #tpu.memory_space<hbm>>
    %dma_start3A_1167 = tpu.memref_squeeze %dma_start3A_1166 : memref<1x8x1024xf32, #tpu.memory_space<hbm>> -> memref<8x1024xf32, #tpu.memory_space<hbm>>
    %dma_start3A_1168 = arith.constant 0 : i32
    %dma_start3A_1169 = tpu.memref_slice %arg2[%dma_start3A_1164, %add3A_1163, %dma_start3A_1168] : memref<4x4096x1024xf32, #tpu.memory_space<hbm>> -> memref<1x8x1024xf32, #tpu.memory_space<hbm>>
    %dma_start3A_1170 = tpu.memref_squeeze %dma_start3A_1169 : memref<1x8x1024xf32, #tpu.memory_space<hbm>> -> memref<8x1024xf32, #tpu.memory_space<hbm>>
    tpu.enqueue_dma source(%dma_start3A_1170 : memref<8x1024xf32, #tpu.memory_space<hbm>>) target(%arg13 : memref<8x1024xf32, #tpu.memory_space<vmem>>) target_semaphore(%arg16 : memref<!tpu.dma_semaphore, #tpu.memory_space<semaphore_mem>>)
    %mul3A_1171 = arith.constant 64 : i32
    %mul3A_1172 = arith.muli %add3A, %mul3A_1171 : i32
    %add3A_1173 = arith.constant 56 : i32
    %add3A_1174 = arith.addi %mul3A_1172, %add3A_1173 : i32
    %dma_start3A_1175 = arith.constant 3 : i32
    %dma_start3A_1176 = arith.constant 0 : i32
    %dma_start3A_1177 = tpu.memref_slice %arg2[%dma_start3A_1175, %add3A_1174, %dma_start3A_1176] : memref<4x4096x1024xf32, #tpu.memory_space<hbm>> -> memref<1x8x1024xf32, #tpu.memory_space<hbm>>
    %dma_start3A_1178 = tpu.memref_squeeze %dma_start3A_1177 : memref<1x8x1024xf32, #tpu.memory_space<hbm>> -> memref<8x1024xf32, #tpu.memory_space<hbm>>
    %dma_start3A_1179 = arith.constant 0 : i32
    %dma_start3A_1180 = tpu.memref_slice %arg2[%dma_start3A_1175, %add3A_1174, %dma_start3A_1179] : memref<4x4096x1024xf32, #tpu.memory_space<hbm>> -> memref<1x8x1024xf32, #tpu.memory_space<hbm>>
    %dma_start3A_1181 = tpu.memref_squeeze %dma_start3A_1180 : memref<1x8x1024xf32, #tpu.memory_space<hbm>> -> memref<8x1024xf32, #tpu.memory_space<hbm>>
    tpu.enqueue_dma source(%dma_start3A_1181 : memref<8x1024xf32, #tpu.memory_space<hbm>>) target(%arg14 : memref<8x1024xf32, #tpu.memory_space<vmem>>) target_semaphore(%arg16 : memref<!tpu.dma_semaphore, #tpu.memory_space<semaphore_mem>>)
    %dma_wait3A_1182 = arith.constant 0 : i32
    %dma_wait3A_1183 = arith.constant 0 : i32
    %dma_wait3A_1184 = tpu.memref_slice %arg3[%dma_wait3A_1182, %dma_wait3A_1183] : memref<4096x1024xf32, #tpu.memory_space<hbm>> -> memref<8x1024xf32, #tpu.memory_space<hbm>>
    %dma_wait3A_1185 = arith.constant 0 : i32
    %dma_wait3A_1186 = arith.constant 0 : i32
    %dma_wait3A_1187 = tpu.memref_slice %arg3[%dma_wait3A_1185, %dma_wait3A_1186] : memref<4096x1024xf32, #tpu.memory_space<hbm>> -> memref<8x1024xf32, #tpu.memory_space<hbm>>
    tpu.wait_dma2 semaphore(%arg15 : memref<!tpu.dma_semaphore, #tpu.memory_space<semaphore_mem>>) src(%dma_wait3A_1187 : memref<8x1024xf32, #tpu.memory_space<hbm>>) dst(%arg5 : memref<8x1024xf32, #tpu.memory_space<vmem>>)
    %dma_wait3A_1188 = arith.constant 0 : i32
    %dma_wait3A_1189 = arith.constant 0 : i32
    %dma_wait3A_1190 = arith.constant 0 : i32
    %dma_wait3A_1191 = tpu.memref_slice %arg2[%dma_wait3A_1188, %dma_wait3A_1189, %dma_wait3A_1190] : memref<4x4096x1024xf32, #tpu.memory_space<hbm>> -> memref<1x8x1024xf32, #tpu.memory_space<hbm>>
    %dma_wait3A_1192 = tpu.memref_squeeze %dma_wait3A_1191 : memref<1x8x1024xf32, #tpu.memory_space<hbm>> -> memref<8x1024xf32, #tpu.memory_space<hbm>>
    %dma_wait3A_1193 = arith.constant 0 : i32
    %dma_wait3A_1194 = arith.constant 0 : i32
    %dma_wait3A_1195 = tpu.memref_slice %arg2[%dma_wait3A_1188, %dma_wait3A_1193, %dma_wait3A_1194] : memref<4x4096x1024xf32, #tpu.memory_space<hbm>> -> memref<1x8x1024xf32, #tpu.memory_space<hbm>>
    %dma_wait3A_1196 = tpu.memref_squeeze %dma_wait3A_1195 : memref<1x8x1024xf32, #tpu.memory_space<hbm>> -> memref<8x1024xf32, #tpu.memory_space<hbm>>
    tpu.wait_dma2 semaphore(%arg15 : memref<!tpu.dma_semaphore, #tpu.memory_space<semaphore_mem>>) src(%dma_wait3A_1196 : memref<8x1024xf32, #tpu.memory_space<hbm>>) dst(%arg7 : memref<8x1024xf32, #tpu.memory_space<vmem>>)
    %dma_wait3A_1197 = arith.constant 0 : i32
    %dma_wait3A_1198 = arith.constant 0 : i32
    %dma_wait3A_1199 = arith.constant 0 : i32
    %dma_wait3A_1200 = tpu.memref_slice %arg2[%dma_wait3A_1197, %dma_wait3A_1198, %dma_wait3A_1199] : memref<4x4096x1024xf32, #tpu.memory_space<hbm>> -> memref<1x8x1024xf32, #tpu.memory_space<hbm>>
    %dma_wait3A_1201 = tpu.memref_squeeze %dma_wait3A_1200 : memref<1x8x1024xf32, #tpu.memory_space<hbm>> -> memref<8x1024xf32, #tpu.memory_space<hbm>>
    %dma_wait3A_1202 = arith.constant 0 : i32
    %dma_wait3A_1203 = arith.constant 0 : i32
    %dma_wait3A_1204 = tpu.memref_slice %arg2[%dma_wait3A_1197, %dma_wait3A_1202, %dma_wait3A_1203] : memref<4x4096x1024xf32, #tpu.memory_space<hbm>> -> memref<1x8x1024xf32, #tpu.memory_space<hbm>>
    %dma_wait3A_1205 = tpu.memref_squeeze %dma_wait3A_1204 : memref<1x8x1024xf32, #tpu.memory_space<hbm>> -> memref<8x1024xf32, #tpu.memory_space<hbm>>
    tpu.wait_dma2 semaphore(%arg15 : memref<!tpu.dma_semaphore, #tpu.memory_space<semaphore_mem>>) src(%dma_wait3A_1205 : memref<8x1024xf32, #tpu.memory_space<hbm>>) dst(%arg8 : memref<8x1024xf32, #tpu.memory_space<vmem>>)
    %dma_wait3A_1206 = arith.constant 0 : i32
    %dma_wait3A_1207 = arith.constant 0 : i32
    %dma_wait3A_1208 = arith.constant 0 : i32
    %dma_wait3A_1209 = tpu.memref_slice %arg2[%dma_wait3A_1206, %dma_wait3A_1207, %dma_wait3A_1208] : memref<4x4096x1024xf32, #tpu.memory_space<hbm>> -> memref<1x8x1024xf32, #tpu.memory_space<hbm>>
    %dma_wait3A_1210 = tpu.memref_squeeze %dma_wait3A_1209 : memref<1x8x1024xf32, #tpu.memory_space<hbm>> -> memref<8x1024xf32, #tpu.memory_space<hbm>>
    %dma_wait3A_1211 = arith.constant 0 : i32
    %dma_wait3A_1212 = arith.constant 0 : i32
    %dma_wait3A_1213 = tpu.memref_slice %arg2[%dma_wait3A_1206, %dma_wait3A_1211, %dma_wait3A_1212] : memref<4x4096x1024xf32, #tpu.memory_space<hbm>> -> memref<1x8x1024xf32, #tpu.memory_space<hbm>>
    %dma_wait3A_1214 = tpu.memref_squeeze %dma_wait3A_1213 : memref<1x8x1024xf32, #tpu.memory_space<hbm>> -> memref<8x1024xf32, #tpu.memory_space<hbm>>
    tpu.wait_dma2 semaphore(%arg15 : memref<!tpu.dma_semaphore, #tpu.memory_space<semaphore_mem>>) src(%dma_wait3A_1214 : memref<8x1024xf32, #tpu.memory_space<hbm>>) dst(%arg9 : memref<8x1024xf32, #tpu.memory_space<vmem>>)
    %dma_wait3A_1215 = arith.constant 0 : i32
    %dma_wait3A_1216 = arith.constant 0 : i32
    %dma_wait3A_1217 = arith.constant 0 : i32
    %dma_wait3A_1218 = tpu.memref_slice %arg2[%dma_wait3A_1215, %dma_wait3A_1216, %dma_wait3A_1217] : memref<4x4096x1024xf32, #tpu.memory_space<hbm>> -> memref<1x8x1024xf32, #tpu.memory_space<hbm>>
    %dma_wait3A_1219 = tpu.memref_squeeze %dma_wait3A_1218 : memref<1x8x1024xf32, #tpu.memory_space<hbm>> -> memref<8x1024xf32, #tpu.memory_space<hbm>>
    %dma_wait3A_1220 = arith.constant 0 : i32
    %dma_wait3A_1221 = arith.constant 0 : i32
    %dma_wait3A_1222 = tpu.memref_slice %arg2[%dma_wait3A_1215, %dma_wait3A_1220, %dma_wait3A_1221] : memref<4x4096x1024xf32, #tpu.memory_space<hbm>> -> memref<1x8x1024xf32, #tpu.memory_space<hbm>>
    %dma_wait3A_1223 = tpu.memref_squeeze %dma_wait3A_1222 : memref<1x8x1024xf32, #tpu.memory_space<hbm>> -> memref<8x1024xf32, #tpu.memory_space<hbm>>
    tpu.wait_dma2 semaphore(%arg15 : memref<!tpu.dma_semaphore, #tpu.memory_space<semaphore_mem>>) src(%dma_wait3A_1223 : memref<8x1024xf32, #tpu.memory_space<hbm>>) dst(%arg10 : memref<8x1024xf32, #tpu.memory_space<vmem>>)
    %scan3A_1224 = arith.constant 0 : i32
    %scan3A_1225 = arith.constant 0 : i32
    %scan3A_1226 = arith.constant 8 : i32
    %scan3A_1227 = arith.addi %scan3A_1225, %scan3A_1226 : i32
    %scan3A_1228 = arith.constant 1 : i32
    scf.for %scan3A_1438 = %scan3A_1225 to %scan3A_1227 step %scan3A_1228  : i32 {
      %scan3A_1439 = arith.constant 0 : i32
      %scan3A_1440 = arith.constant 64 : i32
      %scan3A_1441 = arith.addi %scan3A_1439, %scan3A_1440 : i32
      %scan3A_1442 = arith.constant 8 : i32
      scf.for %scan3A_1444 = %scan3A_1439 to %scan3A_1441 step %scan3A_1442  : i32 {
        %mul3A_1445 = arith.constant 16 : i32
        %mul3A_1446 = arith.muli %scan3A_1444, %mul3A_1445 : i32
        %get3A = arith.index_cast %scan3A_1438 : i32 to index
        %get3A_1447 = arith.index_cast %mul3A_1446 : i32 to index
        %get3A_1448 = tpu.vector_load %arg5[%get3A, %get3A_1447] {strides = array<i32>} : memref<8x1024xf32, #tpu.memory_space<vmem>>, vector<1x16xf32>,
        %get3A_1449 = vector.shape_cast %get3A_1448 : vector<1x16xf32> to vector<16xf32>
        %swap3A = arith.index_cast %scan3A_1438 : i32 to index
        %swap3A_1450 = arith.index_cast %mul3A_1446 : i32 to index
        %swap3A_1451 = tpu.vector_load %arg7[%swap3A, %swap3A_1450] {strides = array<i32>} : memref<8x1024xf32, #tpu.memory_space<vmem>>, vector<1x16xf32>,
        %swap3A_1452 = vector.shape_cast %swap3A_1451 : vector<1x16xf32> to vector<16xf32>
        %swap3A_1453 = vector.shape_cast %get3A_1449 : vector<16xf32> to vector<1x16xf32>
        tpu.vector_store %arg7[%swap3A, %swap3A_1450], %swap3A_1453 {add = true, strides = array<i32>} : memref<8x1024xf32, #tpu.memory_space<vmem>>, vector<1x16xf32>,
        %swap3A_1454 = arith.index_cast %scan3A_1438 : i32 to index
        %swap3A_1455 = arith.index_cast %mul3A_1446 : i32 to index
        %swap3A_1456 = tpu.vector_load %arg8[%swap3A_1454, %swap3A_1455] {strides = array<i32>} : memref<8x1024xf32, #tpu.memory_space<vmem>>, vector<1x16xf32>,
        %swap3A_1457 = vector.shape_cast %swap3A_1456 : vector<1x16xf32> to vector<16xf32>
        %swap3A_1458 = vector.shape_cast %get3A_1449 : vector<16xf32> to vector<1x16xf32>
        tpu.vector_store %arg8[%swap3A_1454, %swap3A_1455], %swap3A_1458 {add = true, strides = array<i32>} : memref<8x1024xf32, #tpu.memory_space<vmem>>, vector<1x16xf32>,
        %swap3A_1459 = arith.index_cast %scan3A_1438 : i32 to index
        %swap3A_1460 = arith.index_cast %mul3A_1446 : i32 to index
        %swap3A_1461 = tpu.vector_load %arg9[%swap3A_1459, %swap3A_1460] {strides = array<i32>} : memref<8x1024xf32, #tpu.memory_space<vmem>>, vector<1x16xf32>,
        %swap3A_1462 = vector.shape_cast %swap3A_1461 : vector<1x16xf32> to vector<16xf32>
        %swap3A_1463 = vector.shape_cast %get3A_1449 : vector<16xf32> to vector<1x16xf32>
        tpu.vector_store %arg9[%swap3A_1459, %swap3A_1460], %swap3A_1463 {add = true, strides = array<i32>} : memref<8x1024xf32, #tpu.memory_space<vmem>>, vector<1x16xf32>,
        %swap3A_1464 = arith.index_cast %scan3A_1438 : i32 to index
        %swap3A_1465 = arith.index_cast %mul3A_1446 : i32 to index
        %swap3A_1466 = tpu.vector_load %arg10[%swap3A_1464, %swap3A_1465] {strides = array<i32>} : memref<8x1024xf32, #tpu.memory_space<vmem>>, vector<1x16xf32>,
        %swap3A_1467 = vector.shape_cast %swap3A_1466 : vector<1x16xf32> to vector<16xf32>
        %swap3A_1468 = vector.shape_cast %get3A_1449 : vector<16xf32> to vector<1x16xf32>
        tpu.vector_store %arg10[%swap3A_1464, %swap3A_1465], %swap3A_1468 {add = true, strides = array<i32>} : memref<8x1024xf32, #tpu.memory_space<vmem>>, vector<1x16xf32>,
        %scan3A_1469 = arith.constant 1 : i32
        %scan3A_1470 = arith.addi %scan3A_1444, %scan3A_1469 : i32
        %mul3A_1471 = arith.constant 16 : i32
        %mul3A_1472 = arith.muli %scan3A_1470, %mul3A_1471 : i32
        %get3A_1473 = arith.index_cast %scan3A_1438 : i32 to index
        %get3A_1474 = arith.index_cast %mul3A_1472 : i32 to index
        %get3A_1475 = tpu.vector_load %arg5[%get3A_1473, %get3A_1474] {strides = array<i32>} : memref<8x1024xf32, #tpu.memory_space<vmem>>, vector<1x16xf32>,
        %get3A_1476 = vector.shape_cast %get3A_1475 : vector<1x16xf32> to vector<16xf32>
        %swap3A_1477 = arith.index_cast %scan3A_1438 : i32 to index
        %swap3A_1478 = arith.index_cast %mul3A_1472 : i32 to index
        %swap3A_1479 = tpu.vector_load %arg7[%swap3A_1477, %swap3A_1478] {strides = array<i32>} : memref<8x1024xf32, #tpu.memory_space<vmem>>, vector<1x16xf32>,
        %swap3A_1480 = vector.shape_cast %swap3A_1479 : vector<1x16xf32> to vector<16xf32>
        %swap3A_1481 = vector.shape_cast %get3A_1476 : vector<16xf32> to vector<1x16xf32>
        tpu.vector_store %arg7[%swap3A_1477, %swap3A_1478], %swap3A_1481 {add = true, strides = array<i32>} : memref<8x1024xf32, #tpu.memory_space<vmem>>, vector<1x16xf32>,
        %swap3A_1482 = arith.index_cast %scan3A_1438 : i32 to index
        %swap3A_1483 = arith.index_cast %mul3A_1472 : i32 to index
        %swap3A_1484 = tpu.vector_load %arg8[%swap3A_1482, %swap3A_1483] {strides = array<i32>} : memref<8x1024xf32, #tpu.memory_space<vmem>>, vector<1x16xf32>,
        %swap3A_1485 = vector.shape_cast %swap3A_1484 : vector<1x16xf32> to vector<16xf32>
        %swap3A_1486 = vector.shape_cast %get3A_1476 : vector<16xf32> to vector<1x16xf32>
        tpu.vector_store %arg8[%swap3A_1482, %swap3A_1483], %swap3A_1486 {add = true, strides = array<i32>} : memref<8x1024xf32, #tpu.memory_space<vmem>>, vector<1x16xf32>,
        %swap3A_1487 = arith.index_cast %scan3A_1438 : i32 to index
        %swap3A_1488 = arith.index_cast %mul3A_1472 : i32 to index
        %swap3A_1489 = tpu.vector_load %arg9[%swap3A_1487, %swap3A_1488] {strides = array<i32>} : memref<8x1024xf32, #tpu.memory_space<vmem>>, vector<1x16xf32>,
        %swap3A_1490 = vector.shape_cast %swap3A_1489 : vector<1x16xf32> to vector<16xf32>
        %swap3A_1491 = vector.shape_cast %get3A_1476 : vector<16xf32> to vector<1x16xf32>
        tpu.vector_store %arg9[%swap3A_1487, %swap3A_1488], %swap3A_1491 {add = true, strides = array<i32>} : memref<8x1024xf32, #tpu.memory_space<vmem>>, vector<1x16xf32>,
        %swap3A_1492 = arith.index_cast %scan3A_1438 : i32 to index
        %swap3A_1493 = arith.index_cast %mul3A_1472 : i32 to index
        %swap3A_1494 = tpu.vector_load %arg10[%swap3A_1492, %swap3A_1493] {strides = array<i32>} : memref<8x1024xf32, #tpu.memory_space<vmem>>, vector<1x16xf32>,
        %swap3A_1495 = vector.shape_cast %swap3A_1494 : vector<1x16xf32> to vector<16xf32>
        %swap3A_1496 = vector.shape_cast %get3A_1476 : vector<16xf32> to vector<1x16xf32>
        tpu.vector_store %arg10[%swap3A_1492, %swap3A_1493], %swap3A_1496 {add = true, strides = array<i32>} : memref<8x1024xf32, #tpu.memory_space<vmem>>, vector<1x16xf32>,
        %scan3A_1497 = arith.constant 2 : i32
        %scan3A_1498 = arith.addi %scan3A_1444, %scan3A_1497 : i32
        %mul3A_1499 = arith.constant 16 : i32
        %mul3A_1500 = arith.muli %scan3A_1498, %mul3A_1499 : i32
        %get3A_1501 = arith.index_cast %scan3A_1438 : i32 to index
        %get3A_1502 = arith.index_cast %mul3A_1500 : i32 to index
        %get3A_1503 = tpu.vector_load %arg5[%get3A_1501, %get3A_1502] {strides = array<i32>} : memref<8x1024xf32, #tpu.memory_space<vmem>>, vector<1x16xf32>,
        %get3A_1504 = vector.shape_cast %get3A_1503 : vector<1x16xf32> to vector<16xf32>
        %swap3A_1505 = arith.index_cast %scan3A_1438 : i32 to index
        %swap3A_1506 = arith.index_cast %mul3A_1500 : i32 to index
        %swap3A_1507 = tpu.vector_load %arg7[%swap3A_1505, %swap3A_1506] {strides = array<i32>} : memref<8x1024xf32, #tpu.memory_space<vmem>>, vector<1x16xf32>,
        %swap3A_1508 = vector.shape_cast %swap3A_1507 : vector<1x16xf32> to vector<16xf32>
        %swap3A_1509 = vector.shape_cast %get3A_1504 : vector<16xf32> to vector<1x16xf32>
        tpu.vector_store %arg7[%swap3A_1505, %swap3A_1506], %swap3A_1509 {add = true, strides = array<i32>} : memref<8x1024xf32, #tpu.memory_space<vmem>>, vector<1x16xf32>,
        %swap3A_1510 = arith.index_cast %scan3A_1438 : i32 to index
        %swap3A_1511 = arith.index_cast %mul3A_1500 : i32 to index
        %swap3A_1512 = tpu.vector_load %arg8[%swap3A_1510, %swap3A_1511] {strides = array<i32>} : memref<8x1024xf32, #tpu.memory_space<vmem>>, vector<1x16xf32>,
        %swap3A_1513 = vector.shape_cast %swap3A_1512 : vector<1x16xf32> to vector<16xf32>
        %swap3A_1514 = vector.shape_cast %get3A_1504 : vector<16xf32> to vector<1x16xf32>
        tpu.vector_store %arg8[%swap3A_1510, %swap3A_1511], %swap3A_1514 {add = true, strides = array<i32>} : memref<8x1024xf32, #tpu.memory_space<vmem>>, vector<1x16xf32>,
        %swap3A_1515 = arith.index_cast %scan3A_1438 : i32 to index
        %swap3A_1516 = arith.index_cast %mul3A_1500 : i32 to index
        %swap3A_1517 = tpu.vector_load %arg9[%swap3A_1515, %swap3A_1516] {strides = array<i32>} : memref<8x1024xf32, #tpu.memory_space<vmem>>, vector<1x16xf32>,
        %swap3A_1518 = vector.shape_cast %swap3A_1517 : vector<1x16xf32> to vector<16xf32>
        %swap3A_1519 = vector.shape_cast %get3A_1504 : vector<16xf32> to vector<1x16xf32>
        tpu.vector_store %arg9[%swap3A_1515, %swap3A_1516], %swap3A_1519 {add = true, strides = array<i32>} : memref<8x1024xf32, #tpu.memory_space<vmem>>, vector<1x16xf32>,
        %swap3A_1520 = arith.index_cast %scan3A_1438 : i32 to index
        %swap3A_1521 = arith.index_cast %mul3A_1500 : i32 to index
        %swap3A_1522 = tpu.vector_load %arg10[%swap3A_1520, %swap3A_1521] {strides = array<i32>} : memref<8x1024xf32, #tpu.memory_space<vmem>>, vector<1x16xf32>,
        %swap3A_1523 = vector.shape_cast %swap3A_1522 : vector<1x16xf32> to vector<16xf32>
        %swap3A_1524 = vector.shape_cast %get3A_1504 : vector<16xf32> to vector<1x16xf32>
        tpu.vector_store %arg10[%swap3A_1520, %swap3A_1521], %swap3A_1524 {add = true, strides = array<i32>} : memref<8x1024xf32, #tpu.memory_space<vmem>>, vector<1x16xf32>,
        %scan3A_1525 = arith.constant 3 : i32
        %scan3A_1526 = arith.addi %scan3A_1444, %scan3A_1525 : i32
        %mul3A_1527 = arith.constant 16 : i32
        %mul3A_1528 = arith.muli %scan3A_1526, %mul3A_1527 : i32
        %get3A_1529 = arith.index_cast %scan3A_1438 : i32 to index
        %get3A_1530 = arith.index_cast %mul3A_1528 : i32 to index
        %get3A_1531 = tpu.vector_load %arg5[%get3A_1529, %get3A_1530] {strides = array<i32>} : memref<8x1024xf32, #tpu.memory_space<vmem>>, vector<1x16xf32>,
        %get3A_1532 = vector.shape_cast %get3A_1531 : vector<1x16xf32> to vector<16xf32>
        %swap3A_1533 = arith.index_cast %scan3A_1438 : i32 to index
        %swap3A_1534 = arith.index_cast %mul3A_1528 : i32 to index
        %swap3A_1535 = tpu.vector_load %arg7[%swap3A_1533, %swap3A_1534] {strides = array<i32>} : memref<8x1024xf32, #tpu.memory_space<vmem>>, vector<1x16xf32>,
        %swap3A_1536 = vector.shape_cast %swap3A_1535 : vector<1x16xf32> to vector<16xf32>
        %swap3A_1537 = vector.shape_cast %get3A_1532 : vector<16xf32> to vector<1x16xf32>
        tpu.vector_store %arg7[%swap3A_1533, %swap3A_1534], %swap3A_1537 {add = true, strides = array<i32>} : memref<8x1024xf32, #tpu.memory_space<vmem>>, vector<1x16xf32>,
        %swap3A_1538 = arith.index_cast %scan3A_1438 : i32 to index
        %swap3A_1539 = arith.index_cast %mul3A_1528 : i32 to index
        %swap3A_1540 = tpu.vector_load %arg8[%swap3A_1538, %swap3A_1539] {strides = array<i32>} : memref<8x1024xf32, #tpu.memory_space<vmem>>, vector<1x16xf32>,
        %swap3A_1541 = vector.shape_cast %swap3A_1540 : vector<1x16xf32> to vector<16xf32>
        %swap3A_1542 = vector.shape_cast %get3A_1532 : vector<16xf32> to vector<1x16xf32>
        tpu.vector_store %arg8[%swap3A_1538, %swap3A_1539], %swap3A_1542 {add = true, strides = array<i32>} : memref<8x1024xf32, #tpu.memory_space<vmem>>, vector<1x16xf32>,
        %swap3A_1543 = arith.index_cast %scan3A_1438 : i32 to index
        %swap3A_1544 = arith.index_cast %mul3A_1528 : i32 to index
        %swap3A_1545 = tpu.vector_load %arg9[%swap3A_1543, %swap3A_1544] {strides = array<i32>} : memref<8x1024xf32, #tpu.memory_space<vmem>>, vector<1x16xf32>,
        %swap3A_1546 = vector.shape_cast %swap3A_1545 : vector<1x16xf32> to vector<16xf32>
        %swap3A_1547 = vector.shape_cast %get3A_1532 : vector<16xf32> to vector<1x16xf32>
        tpu.vector_store %arg9[%swap3A_1543, %swap3A_1544], %swap3A_1547 {add = true, strides = array<i32>} : memref<8x1024xf32, #tpu.memory_space<vmem>>, vector<1x16xf32>,
        %swap3A_1548 = arith.index_cast %scan3A_1438 : i32 to index
        %swap3A_1549 = arith.index_cast %mul3A_1528 : i32 to index
        %swap3A_1550 = tpu.vector_load %arg10[%swap3A_1548, %swap3A_1549] {strides = array<i32>} : memref<8x1024xf32, #tpu.memory_space<vmem>>, vector<1x16xf32>,
        %swap3A_1551 = vector.shape_cast %swap3A_1550 : vector<1x16xf32> to vector<16xf32>
        %swap3A_1552 = vector.shape_cast %get3A_1532 : vector<16xf32> to vector<1x16xf32>
        tpu.vector_store %arg10[%swap3A_1548, %swap3A_1549], %swap3A_1552 {add = true, strides = array<i32>} : memref<8x1024xf32, #tpu.memory_space<vmem>>, vector<1x16xf32>,
        %scan3A_1553 = arith.constant 4 : i32
        %scan3A_1554 = arith.addi %scan3A_1444, %scan3A_1553 : i32
        %mul3A_1555 = arith.constant 16 : i32
        %mul3A_1556 = arith.muli %scan3A_1554, %mul3A_1555 : i32
        %get3A_1557 = arith.index_cast %scan3A_1438 : i32 to index
        %get3A_1558 = arith.index_cast %mul3A_1556 : i32 to index
        %get3A_1559 = tpu.vector_load %arg5[%get3A_1557, %get3A_1558] {strides = array<i32>} : memref<8x1024xf32, #tpu.memory_space<vmem>>, vector<1x16xf32>,
        %get3A_1560 = vector.shape_cast %get3A_1559 : vector<1x16xf32> to vector<16xf32>
        %swap3A_1561 = arith.index_cast %scan3A_1438 : i32 to index
        %swap3A_1562 = arith.index_cast %mul3A_1556 : i32 to index
        %swap3A_1563 = tpu.vector_load %arg7[%swap3A_1561, %swap3A_1562] {strides = array<i32>} : memref<8x1024xf32, #tpu.memory_space<vmem>>, vector<1x16xf32>,
        %swap3A_1564 = vector.shape_cast %swap3A_1563 : vector<1x16xf32> to vector<16xf32>
        %swap3A_1565 = vector.shape_cast %get3A_1560 : vector<16xf32> to vector<1x16xf32>
        tpu.vector_store %arg7[%swap3A_1561, %swap3A_1562], %swap3A_1565 {add = true, strides = array<i32>} : memref<8x1024xf32, #tpu.memory_space<vmem>>, vector<1x16xf32>,
        %swap3A_1566 = arith.index_cast %scan3A_1438 : i32 to index
        %swap3A_1567 = arith.index_cast %mul3A_1556 : i32 to index
        %swap3A_1568 = tpu.vector_load %arg8[%swap3A_1566, %swap3A_1567] {strides = array<i32>} : memref<8x1024xf32, #tpu.memory_space<vmem>>, vector<1x16xf32>,
        %swap3A_1569 = vector.shape_cast %swap3A_1568 : vector<1x16xf32> to vector<16xf32>
        %swap3A_1570 = vector.shape_cast %get3A_1560 : vector<16xf32> to vector<1x16xf32>
        tpu.vector_store %arg8[%swap3A_1566, %swap3A_1567], %swap3A_1570 {add = true, strides = array<i32>} : memref<8x1024xf32, #tpu.memory_space<vmem>>, vector<1x16xf32>,
        %swap3A_1571 = arith.index_cast %scan3A_1438 : i32 to index
        %swap3A_1572 = arith.index_cast %mul3A_1556 : i32 to index
        %swap3A_1573 = tpu.vector_load %arg9[%swap3A_1571, %swap3A_1572] {strides = array<i32>} : memref<8x1024xf32, #tpu.memory_space<vmem>>, vector<1x16xf32>,
        %swap3A_1574 = vector.shape_cast %swap3A_1573 : vector<1x16xf32> to vector<16xf32>
        %swap3A_1575 = vector.shape_cast %get3A_1560 : vector<16xf32> to vector<1x16xf32>
        tpu.vector_store %arg9[%swap3A_1571, %swap3A_1572], %swap3A_1575 {add = true, strides = array<i32>} : memref<8x1024xf32, #tpu.memory_space<vmem>>, vector<1x16xf32>,
        %swap3A_1576 = arith.index_cast %scan3A_1438 : i32 to index
        %swap3A_1577 = arith.index_cast %mul3A_1556 : i32 to index
        %swap3A_1578 = tpu.vector_load %arg10[%swap3A_1576, %swap3A_1577] {strides = array<i32>} : memref<8x1024xf32, #tpu.memory_space<vmem>>, vector<1x16xf32>,
        %swap3A_1579 = vector.shape_cast %swap3A_1578 : vector<1x16xf32> to vector<16xf32>
        %swap3A_1580 = vector.shape_cast %get3A_1560 : vector<16xf32> to vector<1x16xf32>
        tpu.vector_store %arg10[%swap3A_1576, %swap3A_1577], %swap3A_1580 {add = true, strides = array<i32>} : memref<8x1024xf32, #tpu.memory_space<vmem>>, vector<1x16xf32>,
        %scan3A_1581 = arith.constant 5 : i32
        %scan3A_1582 = arith.addi %scan3A_1444, %scan3A_1581 : i32
        %mul3A_1583 = arith.constant 16 : i32
        %mul3A_1584 = arith.muli %scan3A_1582, %mul3A_1583 : i32
        %get3A_1585 = arith.index_cast %scan3A_1438 : i32 to index
        %get3A_1586 = arith.index_cast %mul3A_1584 : i32 to index
        %get3A_1587 = tpu.vector_load %arg5[%get3A_1585, %get3A_1586] {strides = array<i32>} : memref<8x1024xf32, #tpu.memory_space<vmem>>, vector<1x16xf32>,
        %get3A_1588 = vector.shape_cast %get3A_1587 : vector<1x16xf32> to vector<16xf32>
        %swap3A_1589 = arith.index_cast %scan3A_1438 : i32 to index
        %swap3A_1590 = arith.index_cast %mul3A_1584 : i32 to index
        %swap3A_1591 = tpu.vector_load %arg7[%swap3A_1589, %swap3A_1590] {strides = array<i32>} : memref<8x1024xf32, #tpu.memory_space<vmem>>, vector<1x16xf32>,
        %swap3A_1592 = vector.shape_cast %swap3A_1591 : vector<1x16xf32> to vector<16xf32>
        %swap3A_1593 = vector.shape_cast %get3A_1588 : vector<16xf32> to vector<1x16xf32>
        tpu.vector_store %arg7[%swap3A_1589, %swap3A_1590], %swap3A_1593 {add = true, strides = array<i32>} : memref<8x1024xf32, #tpu.memory_space<vmem>>, vector<1x16xf32>,
        %swap3A_1594 = arith.index_cast %scan3A_1438 : i32 to index
        %swap3A_1595 = arith.index_cast %mul3A_1584 : i32 to index
        %swap3A_1596 = tpu.vector_load %arg8[%swap3A_1594, %swap3A_1595] {strides = array<i32>} : memref<8x1024xf32, #tpu.memory_space<vmem>>, vector<1x16xf32>,
        %swap3A_1597 = vector.shape_cast %swap3A_1596 : vector<1x16xf32> to vector<16xf32>
        %swap3A_1598 = vector.shape_cast %get3A_1588 : vector<16xf32> to vector<1x16xf32>
        tpu.vector_store %arg8[%swap3A_1594, %swap3A_1595], %swap3A_1598 {add = true, strides = array<i32>} : memref<8x1024xf32, #tpu.memory_space<vmem>>, vector<1x16xf32>,
        %swap3A_1599 = arith.index_cast %scan3A_1438 : i32 to index
        %swap3A_1600 = arith.index_cast %mul3A_1584 : i32 to index
        %swap3A_1601 = tpu.vector_load %arg9[%swap3A_1599, %swap3A_1600] {strides = array<i32>} : memref<8x1024xf32, #tpu.memory_space<vmem>>, vector<1x16xf32>,
        %swap3A_1602 = vector.shape_cast %swap3A_1601 : vector<1x16xf32> to vector<16xf32>
        %swap3A_1603 = vector.shape_cast %get3A_1588 : vector<16xf32> to vector<1x16xf32>
        tpu.vector_store %arg9[%swap3A_1599, %swap3A_1600], %swap3A_1603 {add = true, strides = array<i32>} : memref<8x1024xf32, #tpu.memory_space<vmem>>, vector<1x16xf32>,
        %swap3A_1604 = arith.index_cast %scan3A_1438 : i32 to index
        %swap3A_1605 = arith.index_cast %mul3A_1584 : i32 to index
        %swap3A_1606 = tpu.vector_load %arg10[%swap3A_1604, %swap3A_1605] {strides = array<i32>} : memref<8x1024xf32, #tpu.memory_space<vmem>>, vector<1x16xf32>,
        %swap3A_1607 = vector.shape_cast %swap3A_1606 : vector<1x16xf32> to vector<16xf32>
        %swap3A_1608 = vector.shape_cast %get3A_1588 : vector<16xf32> to vector<1x16xf32>
        tpu.vector_store %arg10[%swap3A_1604, %swap3A_1605], %swap3A_1608 {add = true, strides = array<i32>} : memref<8x1024xf32, #tpu.memory_space<vmem>>, vector<1x16xf32>,
        %scan3A_1609 = arith.constant 6 : i32
        %scan3A_1610 = arith.addi %scan3A_1444, %scan3A_1609 : i32
        %mul3A_1611 = arith.constant 16 : i32
        %mul3A_1612 = arith.muli %scan3A_1610, %mul3A_1611 : i32
        %get3A_1613 = arith.index_cast %scan3A_1438 : i32 to index
        %get3A_1614 = arith.index_cast %mul3A_1612 : i32 to index
        %get3A_1615 = tpu.vector_load %arg5[%get3A_1613, %get3A_1614] {strides = array<i32>} : memref<8x1024xf32, #tpu.memory_space<vmem>>, vector<1x16xf32>,
        %get3A_1616 = vector.shape_cast %get3A_1615 : vector<1x16xf32> to vector<16xf32>
        %swap3A_1617 = arith.index_cast %scan3A_1438 : i32 to index
        %swap3A_1618 = arith.index_cast %mul3A_1612 : i32 to index
        %swap3A_1619 = tpu.vector_load %arg7[%swap3A_1617, %swap3A_1618] {strides = array<i32>} : memref<8x1024xf32, #tpu.memory_space<vmem>>, vector<1x16xf32>,
        %swap3A_1620 = vector.shape_cast %swap3A_1619 : vector<1x16xf32> to vector<16xf32>
        %swap3A_1621 = vector.shape_cast %get3A_1616 : vector<16xf32> to vector<1x16xf32>
        tpu.vector_store %arg7[%swap3A_1617, %swap3A_1618], %swap3A_1621 {add = true, strides = array<i32>} : memref<8x1024xf32, #tpu.memory_space<vmem>>, vector<1x16xf32>,
        %swap3A_1622 = arith.index_cast %scan3A_1438 : i32 to index
        %swap3A_1623 = arith.index_cast %mul3A_1612 : i32 to index
        %swap3A_1624 = tpu.vector_load %arg8[%swap3A_1622, %swap3A_1623] {strides = array<i32>} : memref<8x1024xf32, #tpu.memory_space<vmem>>, vector<1x16xf32>,
        %swap3A_1625 = vector.shape_cast %swap3A_1624 : vector<1x16xf32> to vector<16xf32>
        %swap3A_1626 = vector.shape_cast %get3A_1616 : vector<16xf32> to vector<1x16xf32>
        tpu.vector_store %arg8[%swap3A_1622, %swap3A_1623], %swap3A_1626 {add = true, strides = array<i32>} : memref<8x1024xf32, #tpu.memory_space<vmem>>, vector<1x16xf32>,
        %swap3A_1627 = arith.index_cast %scan3A_1438 : i32 to index
        %swap3A_1628 = arith.index_cast %mul3A_1612 : i32 to index
        %swap3A_1629 = tpu.vector_load %arg9[%swap3A_1627, %swap3A_1628] {strides = array<i32>} : memref<8x1024xf32, #tpu.memory_space<vmem>>, vector<1x16xf32>,
        %swap3A_1630 = vector.shape_cast %swap3A_1629 : vector<1x16xf32> to vector<16xf32>
        %swap3A_1631 = vector.shape_cast %get3A_1616 : vector<16xf32> to vector<1x16xf32>
        tpu.vector_store %arg9[%swap3A_1627, %swap3A_1628], %swap3A_1631 {add = true, strides = array<i32>} : memref<8x1024xf32, #tpu.memory_space<vmem>>, vector<1x16xf32>,
        %swap3A_1632 = arith.index_cast %scan3A_1438 : i32 to index
        %swap3A_1633 = arith.index_cast %mul3A_1612 : i32 to index
        %swap3A_1634 = tpu.vector_load %arg10[%swap3A_1632, %swap3A_1633] {strides = array<i32>} : memref<8x1024xf32, #tpu.memory_space<vmem>>, vector<1x16xf32>,
        %swap3A_1635 = vector.shape_cast %swap3A_1634 : vector<1x16xf32> to vector<16xf32>
        %swap3A_1636 = vector.shape_cast %get3A_1616 : vector<16xf32> to vector<1x16xf32>
        tpu.vector_store %arg10[%swap3A_1632, %swap3A_1633], %swap3A_1636 {add = true, strides = array<i32>} : memref<8x1024xf32, #tpu.memory_space<vmem>>, vector<1x16xf32>,
        %scan3A_1637 = arith.constant 7 : i32
        %scan3A_1638 = arith.addi %scan3A_1444, %scan3A_1637 : i32
        %mul3A_1639 = arith.constant 16 : i32
        %mul3A_1640 = arith.muli %scan3A_1638, %mul3A_1639 : i32
        %get3A_1641 = arith.index_cast %scan3A_1438 : i32 to index
        %get3A_1642 = arith.index_cast %mul3A_1640 : i32 to index
        %get3A_1643 = tpu.vector_load %arg5[%get3A_1641, %get3A_1642] {strides = array<i32>} : memref<8x1024xf32, #tpu.memory_space<vmem>>, vector<1x16xf32>,
        %get3A_1644 = vector.shape_cast %get3A_1643 : vector<1x16xf32> to vector<16xf32>
        %swap3A_1645 = arith.index_cast %scan3A_1438 : i32 to index
        %swap3A_1646 = arith.index_cast %mul3A_1640 : i32 to index
        %swap3A_1647 = tpu.vector_load %arg7[%swap3A_1645, %swap3A_1646] {strides = array<i32>} : memref<8x1024xf32, #tpu.memory_space<vmem>>, vector<1x16xf32>,
        %swap3A_1648 = vector.shape_cast %swap3A_1647 : vector<1x16xf32> to vector<16xf32>
        %swap3A_1649 = vector.shape_cast %get3A_1644 : vector<16xf32> to vector<1x16xf32>
        tpu.vector_store %arg7[%swap3A_1645, %swap3A_1646], %swap3A_1649 {add = true, strides = array<i32>} : memref<8x1024xf32, #tpu.memory_space<vmem>>, vector<1x16xf32>,
        %swap3A_1650 = arith.index_cast %scan3A_1438 : i32 to index
        %swap3A_1651 = arith.index_cast %mul3A_1640 : i32 to index
        %swap3A_1652 = tpu.vector_load %arg8[%swap3A_1650, %swap3A_1651] {strides = array<i32>} : memref<8x1024xf32, #tpu.memory_space<vmem>>, vector<1x16xf32>,
        %swap3A_1653 = vector.shape_cast %swap3A_1652 : vector<1x16xf32> to vector<16xf32>
        %swap3A_1654 = vector.shape_cast %get3A_1644 : vector<16xf32> to vector<1x16xf32>
        tpu.vector_store %arg8[%swap3A_1650, %swap3A_1651], %swap3A_1654 {add = true, strides = array<i32>} : memref<8x1024xf32, #tpu.memory_space<vmem>>, vector<1x16xf32>,
        %swap3A_1655 = arith.index_cast %scan3A_1438 : i32 to index
        %swap3A_1656 = arith.index_cast %mul3A_1640 : i32 to index
        %swap3A_1657 = tpu.vector_load %arg9[%swap3A_1655, %swap3A_1656] {strides = array<i32>} : memref<8x1024xf32, #tpu.memory_space<vmem>>, vector<1x16xf32>,
        %swap3A_1658 = vector.shape_cast %swap3A_1657 : vector<1x16xf32> to vector<16xf32>
        %swap3A_1659 = vector.shape_cast %get3A_1644 : vector<16xf32> to vector<1x16xf32>
        tpu.vector_store %arg9[%swap3A_1655, %swap3A_1656], %swap3A_1659 {add = true, strides = array<i32>} : memref<8x1024xf32, #tpu.memory_space<vmem>>, vector<1x16xf32>,
        %swap3A_1660 = arith.index_cast %scan3A_1438 : i32 to index
        %swap3A_1661 = arith.index_cast %mul3A_1640 : i32 to index
        %swap3A_1662 = tpu.vector_load %arg10[%swap3A_1660, %swap3A_1661] {strides = array<i32>} : memref<8x1024xf32, #tpu.memory_space<vmem>>, vector<1x16xf32>,
        %swap3A_1663 = vector.shape_cast %swap3A_1662 : vector<1x16xf32> to vector<16xf32>
        %swap3A_1664 = vector.shape_cast %get3A_1644 : vector<16xf32> to vector<1x16xf32>
        tpu.vector_store %arg10[%swap3A_1660, %swap3A_1661], %swap3A_1664 {add = true, strides = array<i32>} : memref<8x1024xf32, #tpu.memory_space<vmem>>, vector<1x16xf32>,
      }
      %scan3A_1443 = arith.constant 64 : i32
    }
    %scan3A_1229 = arith.constant 8 : i32
    %mul3A_1230 = arith.constant 64 : i32
    %mul3A_1231 = arith.muli %add3A, %mul3A_1230 : i32
    %add3A_1232 = arith.constant 48 : i32
    %add3A_1233 = arith.addi %mul3A_1231, %add3A_1232 : i32
    %dma_start3A_1234 = arith.constant 0 : i32
    %dma_start3A_1235 = arith.constant 0 : i32
    %dma_start3A_1236 = tpu.memref_slice %arg4[%dma_start3A_1234, %add3A_1233, %dma_start3A_1235] : memref<4x4096x1024xf32, #tpu.memory_space<hbm>> -> memref<1x8x1024xf32, #tpu.memory_space<hbm>>
    %dma_start3A_1237 = tpu.memref_squeeze %dma_start3A_1236 : memref<1x8x1024xf32, #tpu.memory_space<hbm>> -> memref<8x1024xf32, #tpu.memory_space<hbm>>
    %dma_start3A_1238 = arith.constant 0 : i32
    %dma_start3A_1239 = tpu.memref_slice %arg4[%dma_start3A_1234, %add3A_1233, %dma_start3A_1238] : memref<4x4096x1024xf32, #tpu.memory_space<hbm>> -> memref<1x8x1024xf32, #tpu.memory_space<hbm>>
    %dma_start3A_1240 = tpu.memref_squeeze %dma_start3A_1239 : memref<1x8x1024xf32, #tpu.memory_space<hbm>> -> memref<8x1024xf32, #tpu.memory_space<hbm>>
    tpu.enqueue_dma source(%arg7 : memref<8x1024xf32, #tpu.memory_space<vmem>>) target(%dma_start3A_1240 : memref<8x1024xf32, #tpu.memory_space<hbm>>) target_semaphore(%arg17 : memref<!tpu.dma_semaphore, #tpu.memory_space<semaphore_mem>>)
    %mul3A_1241 = arith.constant 64 : i32
    %mul3A_1242 = arith.muli %add3A, %mul3A_1241 : i32
    %add3A_1243 = arith.constant 48 : i32
    %add3A_1244 = arith.addi %mul3A_1242, %add3A_1243 : i32
    %dma_start3A_1245 = arith.constant 1 : i32
    %dma_start3A_1246 = arith.constant 0 : i32
    %dma_start3A_1247 = tpu.memref_slice %arg4[%dma_start3A_1245, %add3A_1244, %dma_start3A_1246] : memref<4x4096x1024xf32, #tpu.memory_space<hbm>> -> memref<1x8x1024xf32, #tpu.memory_space<hbm>>
    %dma_start3A_1248 = tpu.memref_squeeze %dma_start3A_1247 : memref<1x8x1024xf32, #tpu.memory_space<hbm>> -> memref<8x1024xf32, #tpu.memory_space<hbm>>
    %dma_start3A_1249 = arith.constant 0 : i32
    %dma_start3A_1250 = tpu.memref_slice %arg4[%dma_start3A_1245, %add3A_1244, %dma_start3A_1249] : memref<4x4096x1024xf32, #tpu.memory_space<hbm>> -> memref<1x8x1024xf32, #tpu.memory_space<hbm>>
    %dma_start3A_1251 = tpu.memref_squeeze %dma_start3A_1250 : memref<1x8x1024xf32, #tpu.memory_space<hbm>> -> memref<8x1024xf32, #tpu.memory_space<hbm>>
    tpu.enqueue_dma source(%arg8 : memref<8x1024xf32, #tpu.memory_space<vmem>>) target(%dma_start3A_1251 : memref<8x1024xf32, #tpu.memory_space<hbm>>) target_semaphore(%arg17 : memref<!tpu.dma_semaphore, #tpu.memory_space<semaphore_mem>>)
    %mul3A_1252 = arith.constant 64 : i32
    %mul3A_1253 = arith.muli %add3A, %mul3A_1252 : i32
    %add3A_1254 = arith.constant 48 : i32
    %add3A_1255 = arith.addi %mul3A_1253, %add3A_1254 : i32
    %dma_start3A_1256 = arith.constant 2 : i32
    %dma_start3A_1257 = arith.constant 0 : i32
    %dma_start3A_1258 = tpu.memref_slice %arg4[%dma_start3A_1256, %add3A_1255, %dma_start3A_1257] : memref<4x4096x1024xf32, #tpu.memory_space<hbm>> -> memref<1x8x1024xf32, #tpu.memory_space<hbm>>
    %dma_start3A_1259 = tpu.memref_squeeze %dma_start3A_1258 : memref<1x8x1024xf32, #tpu.memory_space<hbm>> -> memref<8x1024xf32, #tpu.memory_space<hbm>>
    %dma_start3A_1260 = arith.constant 0 : i32
    %dma_start3A_1261 = tpu.memref_slice %arg4[%dma_start3A_1256, %add3A_1255, %dma_start3A_1260] : memref<4x4096x1024xf32, #tpu.memory_space<hbm>> -> memref<1x8x1024xf32, #tpu.memory_space<hbm>>
    %dma_start3A_1262 = tpu.memref_squeeze %dma_start3A_1261 : memref<1x8x1024xf32, #tpu.memory_space<hbm>> -> memref<8x1024xf32, #tpu.memory_space<hbm>>
    tpu.enqueue_dma source(%arg9 : memref<8x1024xf32, #tpu.memory_space<vmem>>) target(%dma_start3A_1262 : memref<8x1024xf32, #tpu.memory_space<hbm>>) target_semaphore(%arg17 : memref<!tpu.dma_semaphore, #tpu.memory_space<semaphore_mem>>)
    %mul3A_1263 = arith.constant 64 : i32
    %mul3A_1264 = arith.muli %add3A, %mul3A_1263 : i32
    %add3A_1265 = arith.constant 48 : i32
    %add3A_1266 = arith.addi %mul3A_1264, %add3A_1265 : i32
    %dma_start3A_1267 = arith.constant 3 : i32
    %dma_start3A_1268 = arith.constant 0 : i32
    %dma_start3A_1269 = tpu.memref_slice %arg4[%dma_start3A_1267, %add3A_1266, %dma_start3A_1268] : memref<4x4096x1024xf32, #tpu.memory_space<hbm>> -> memref<1x8x1024xf32, #tpu.memory_space<hbm>>
    %dma_start3A_1270 = tpu.memref_squeeze %dma_start3A_1269 : memref<1x8x1024xf32, #tpu.memory_space<hbm>> -> memref<8x1024xf32, #tpu.memory_space<hbm>>
    %dma_start3A_1271 = arith.constant 0 : i32
    %dma_start3A_1272 = tpu.memref_slice %arg4[%dma_start3A_1267, %add3A_1266, %dma_start3A_1271] : memref<4x4096x1024xf32, #tpu.memory_space<hbm>> -> memref<1x8x1024xf32, #tpu.memory_space<hbm>>
    %dma_start3A_1273 = tpu.memref_squeeze %dma_start3A_1272 : memref<1x8x1024xf32, #tpu.memory_space<hbm>> -> memref<8x1024xf32, #tpu.memory_space<hbm>>
    tpu.enqueue_dma source(%arg10 : memref<8x1024xf32, #tpu.memory_space<vmem>>) target(%dma_start3A_1273 : memref<8x1024xf32, #tpu.memory_space<hbm>>) target_semaphore(%arg17 : memref<!tpu.dma_semaphore, #tpu.memory_space<semaphore_mem>>)
    %dma_wait3A_1274 = arith.constant 0 : i32
    %dma_wait3A_1275 = arith.constant 0 : i32
    %dma_wait3A_1276 = tpu.memref_slice %arg3[%dma_wait3A_1274, %dma_wait3A_1275] : memref<4096x1024xf32, #tpu.memory_space<hbm>> -> memref<8x1024xf32, #tpu.memory_space<hbm>>
    %dma_wait3A_1277 = arith.constant 0 : i32
    %dma_wait3A_1278 = arith.constant 0 : i32
    %dma_wait3A_1279 = tpu.memref_slice %arg3[%dma_wait3A_1277, %dma_wait3A_1278] : memref<4096x1024xf32, #tpu.memory_space<hbm>> -> memref<8x1024xf32, #tpu.memory_space<hbm>>
    tpu.wait_dma2 semaphore(%arg16 : memref<!tpu.dma_semaphore, #tpu.memory_space<semaphore_mem>>) src(%dma_wait3A_1279 : memref<8x1024xf32, #tpu.memory_space<hbm>>) dst(%arg6 : memref<8x1024xf32, #tpu.memory_space<vmem>>)
    %dma_wait3A_1280 = arith.constant 0 : i32
    %dma_wait3A_1281 = arith.constant 0 : i32
    %dma_wait3A_1282 = arith.constant 0 : i32
    %dma_wait3A_1283 = tpu.memref_slice %arg2[%dma_wait3A_1280, %dma_wait3A_1281, %dma_wait3A_1282] : memref<4x4096x1024xf32, #tpu.memory_space<hbm>> -> memref<1x8x1024xf32, #tpu.memory_space<hbm>>
    %dma_wait3A_1284 = tpu.memref_squeeze %dma_wait3A_1283 : memref<1x8x1024xf32, #tpu.memory_space<hbm>> -> memref<8x1024xf32, #tpu.memory_space<hbm>>
    %dma_wait3A_1285 = arith.constant 0 : i32
    %dma_wait3A_1286 = arith.constant 0 : i32
    %dma_wait3A_1287 = tpu.memref_slice %arg2[%dma_wait3A_1280, %dma_wait3A_1285, %dma_wait3A_1286] : memref<4x4096x1024xf32, #tpu.memory_space<hbm>> -> memref<1x8x1024xf32, #tpu.memory_space<hbm>>
    %dma_wait3A_1288 = tpu.memref_squeeze %dma_wait3A_1287 : memref<1x8x1024xf32, #tpu.memory_space<hbm>> -> memref<8x1024xf32, #tpu.memory_space<hbm>>
    tpu.wait_dma2 semaphore(%arg16 : memref<!tpu.dma_semaphore, #tpu.memory_space<semaphore_mem>>) src(%dma_wait3A_1288 : memref<8x1024xf32, #tpu.memory_space<hbm>>) dst(%arg11 : memref<8x1024xf32, #tpu.memory_space<vmem>>)
    %dma_wait3A_1289 = arith.constant 0 : i32
    %dma_wait3A_1290 = arith.constant 0 : i32
    %dma_wait3A_1291 = arith.constant 0 : i32
    %dma_wait3A_1292 = tpu.memref_slice %arg2[%dma_wait3A_1289, %dma_wait3A_1290, %dma_wait3A_1291] : memref<4x4096x1024xf32, #tpu.memory_space<hbm>> -> memref<1x8x1024xf32, #tpu.memory_space<hbm>>
    %dma_wait3A_1293 = tpu.memref_squeeze %dma_wait3A_1292 : memref<1x8x1024xf32, #tpu.memory_space<hbm>> -> memref<8x1024xf32, #tpu.memory_space<hbm>>
    %dma_wait3A_1294 = arith.constant 0 : i32
    %dma_wait3A_1295 = arith.constant 0 : i32
    %dma_wait3A_1296 = tpu.memref_slice %arg2[%dma_wait3A_1289, %dma_wait3A_1294, %dma_wait3A_1295] : memref<4x4096x1024xf32, #tpu.memory_space<hbm>> -> memref<1x8x1024xf32, #tpu.memory_space<hbm>>
    %dma_wait3A_1297 = tpu.memref_squeeze %dma_wait3A_1296 : memref<1x8x1024xf32, #tpu.memory_space<hbm>> -> memref<8x1024xf32, #tpu.memory_space<hbm>>
    tpu.wait_dma2 semaphore(%arg16 : memref<!tpu.dma_semaphore, #tpu.memory_space<semaphore_mem>>) src(%dma_wait3A_1297 : memref<8x1024xf32, #tpu.memory_space<hbm>>) dst(%arg12 : memref<8x1024xf32, #tpu.memory_space<vmem>>)
    %dma_wait3A_1298 = arith.constant 0 : i32
    %dma_wait3A_1299 = arith.constant 0 : i32
    %dma_wait3A_1300 = arith.constant 0 : i32
    %dma_wait3A_1301 = tpu.memref_slice %arg2[%dma_wait3A_1298, %dma_wait3A_1299, %dma_wait3A_1300] : memref<4x4096x1024xf32, #tpu.memory_space<hbm>> -> memref<1x8x1024xf32, #tpu.memory_space<hbm>>
    %dma_wait3A_1302 = tpu.memref_squeeze %dma_wait3A_1301 : memref<1x8x1024xf32, #tpu.memory_space<hbm>> -> memref<8x1024xf32, #tpu.memory_space<hbm>>
    %dma_wait3A_1303 = arith.constant 0 : i32
    %dma_wait3A_1304 = arith.constant 0 : i32
    %dma_wait3A_1305 = tpu.memref_slice %arg2[%dma_wait3A_1298, %dma_wait3A_1303, %dma_wait3A_1304] : memref<4x4096x1024xf32, #tpu.memory_space<hbm>> -> memref<1x8x1024xf32, #tpu.memory_space<hbm>>
    %dma_wait3A_1306 = tpu.memref_squeeze %dma_wait3A_1305 : memref<1x8x1024xf32, #tpu.memory_space<hbm>> -> memref<8x1024xf32, #tpu.memory_space<hbm>>
    tpu.wait_dma2 semaphore(%arg16 : memref<!tpu.dma_semaphore, #tpu.memory_space<semaphore_mem>>) src(%dma_wait3A_1306 : memref<8x1024xf32, #tpu.memory_space<hbm>>) dst(%arg13 : memref<8x1024xf32, #tpu.memory_space<vmem>>)
    %dma_wait3A_1307 = arith.constant 0 : i32
    %dma_wait3A_1308 = arith.constant 0 : i32
    %dma_wait3A_1309 = arith.constant 0 : i32
    %dma_wait3A_1310 = tpu.memref_slice %arg2[%dma_wait3A_1307, %dma_wait3A_1308, %dma_wait3A_1309] : memref<4x4096x1024xf32, #tpu.memory_space<hbm>> -> memref<1x8x1024xf32, #tpu.memory_space<hbm>>
    %dma_wait3A_1311 = tpu.memref_squeeze %dma_wait3A_1310 : memref<1x8x1024xf32, #tpu.memory_space<hbm>> -> memref<8x1024xf32, #tpu.memory_space<hbm>>
    %dma_wait3A_1312 = arith.constant 0 : i32
    %dma_wait3A_1313 = arith.constant 0 : i32
    %dma_wait3A_1314 = tpu.memref_slice %arg2[%dma_wait3A_1307, %dma_wait3A_1312, %dma_wait3A_1313] : memref<4x4096x1024xf32, #tpu.memory_space<hbm>> -> memref<1x8x1024xf32, #tpu.memory_space<hbm>>
    %dma_wait3A_1315 = tpu.memref_squeeze %dma_wait3A_1314 : memref<1x8x1024xf32, #tpu.memory_space<hbm>> -> memref<8x1024xf32, #tpu.memory_space<hbm>>
    tpu.wait_dma2 semaphore(%arg16 : memref<!tpu.dma_semaphore, #tpu.memory_space<semaphore_mem>>) src(%dma_wait3A_1315 : memref<8x1024xf32, #tpu.memory_space<hbm>>) dst(%arg14 : memref<8x1024xf32, #tpu.memory_space<vmem>>)
    %scan3A_1316 = arith.constant 0 : i32
    %scan3A_1317 = arith.constant 0 : i32
    %scan3A_1318 = arith.constant 8 : i32
    %scan3A_1319 = arith.addi %scan3A_1317, %scan3A_1318 : i32
    %scan3A_1320 = arith.constant 1 : i32
    scf.for %scan3A_1438 = %scan3A_1317 to %scan3A_1319 step %scan3A_1320  : i32 {
      %scan3A_1439 = arith.constant 0 : i32
      %scan3A_1440 = arith.constant 64 : i32
      %scan3A_1441 = arith.addi %scan3A_1439, %scan3A_1440 : i32
      %scan3A_1442 = arith.constant 8 : i32
      scf.for %scan3A_1444 = %scan3A_1439 to %scan3A_1441 step %scan3A_1442  : i32 {
        %mul3A_1445 = arith.constant 16 : i32
        %mul3A_1446 = arith.muli %scan3A_1444, %mul3A_1445 : i32
        %get3A = arith.index_cast %scan3A_1438 : i32 to index
        %get3A_1447 = arith.index_cast %mul3A_1446 : i32 to index
        %get3A_1448 = tpu.vector_load %arg6[%get3A, %get3A_1447] {strides = array<i32>} : memref<8x1024xf32, #tpu.memory_space<vmem>>, vector<1x16xf32>,
        %get3A_1449 = vector.shape_cast %get3A_1448 : vector<1x16xf32> to vector<16xf32>
        %swap3A = arith.index_cast %scan3A_1438 : i32 to index
        %swap3A_1450 = arith.index_cast %mul3A_1446 : i32 to index
        %swap3A_1451 = tpu.vector_load %arg11[%swap3A, %swap3A_1450] {strides = array<i32>} : memref<8x1024xf32, #tpu.memory_space<vmem>>, vector<1x16xf32>,
        %swap3A_1452 = vector.shape_cast %swap3A_1451 : vector<1x16xf32> to vector<16xf32>
        %swap3A_1453 = vector.shape_cast %get3A_1449 : vector<16xf32> to vector<1x16xf32>
        tpu.vector_store %arg11[%swap3A, %swap3A_1450], %swap3A_1453 {add = true, strides = array<i32>} : memref<8x1024xf32, #tpu.memory_space<vmem>>, vector<1x16xf32>,
        %swap3A_1454 = arith.index_cast %scan3A_1438 : i32 to index
        %swap3A_1455 = arith.index_cast %mul3A_1446 : i32 to index
        %swap3A_1456 = tpu.vector_load %arg12[%swap3A_1454, %swap3A_1455] {strides = array<i32>} : memref<8x1024xf32, #tpu.memory_space<vmem>>, vector<1x16xf32>,
        %swap3A_1457 = vector.shape_cast %swap3A_1456 : vector<1x16xf32> to vector<16xf32>
        %swap3A_1458 = vector.shape_cast %get3A_1449 : vector<16xf32> to vector<1x16xf32>
        tpu.vector_store %arg12[%swap3A_1454, %swap3A_1455], %swap3A_1458 {add = true, strides = array<i32>} : memref<8x1024xf32, #tpu.memory_space<vmem>>, vector<1x16xf32>,
        %swap3A_1459 = arith.index_cast %scan3A_1438 : i32 to index
        %swap3A_1460 = arith.index_cast %mul3A_1446 : i32 to index
        %swap3A_1461 = tpu.vector_load %arg13[%swap3A_1459, %swap3A_1460] {strides = array<i32>} : memref<8x1024xf32, #tpu.memory_space<vmem>>, vector<1x16xf32>,
        %swap3A_1462 = vector.shape_cast %swap3A_1461 : vector<1x16xf32> to vector<16xf32>
        %swap3A_1463 = vector.shape_cast %get3A_1449 : vector<16xf32> to vector<1x16xf32>
        tpu.vector_store %arg13[%swap3A_1459, %swap3A_1460], %swap3A_1463 {add = true, strides = array<i32>} : memref<8x1024xf32, #tpu.memory_space<vmem>>, vector<1x16xf32>,
        %swap3A_1464 = arith.index_cast %scan3A_1438 : i32 to index
        %swap3A_1465 = arith.index_cast %mul3A_1446 : i32 to index
        %swap3A_1466 = tpu.vector_load %arg14[%swap3A_1464, %swap3A_1465] {strides = array<i32>} : memref<8x1024xf32, #tpu.memory_space<vmem>>, vector<1x16xf32>,
        %swap3A_1467 = vector.shape_cast %swap3A_1466 : vector<1x16xf32> to vector<16xf32>
        %swap3A_1468 = vector.shape_cast %get3A_1449 : vector<16xf32> to vector<1x16xf32>
        tpu.vector_store %arg14[%swap3A_1464, %swap3A_1465], %swap3A_1468 {add = true, strides = array<i32>} : memref<8x1024xf32, #tpu.memory_space<vmem>>, vector<1x16xf32>,
        %scan3A_1469 = arith.constant 1 : i32
        %scan3A_1470 = arith.addi %scan3A_1444, %scan3A_1469 : i32
        %mul3A_1471 = arith.constant 16 : i32
        %mul3A_1472 = arith.muli %scan3A_1470, %mul3A_1471 : i32
        %get3A_1473 = arith.index_cast %scan3A_1438 : i32 to index
        %get3A_1474 = arith.index_cast %mul3A_1472 : i32 to index
        %get3A_1475 = tpu.vector_load %arg6[%get3A_1473, %get3A_1474] {strides = array<i32>} : memref<8x1024xf32, #tpu.memory_space<vmem>>, vector<1x16xf32>,
        %get3A_1476 = vector.shape_cast %get3A_1475 : vector<1x16xf32> to vector<16xf32>
        %swap3A_1477 = arith.index_cast %scan3A_1438 : i32 to index
        %swap3A_1478 = arith.index_cast %mul3A_1472 : i32 to index
        %swap3A_1479 = tpu.vector_load %arg11[%swap3A_1477, %swap3A_1478] {strides = array<i32>} : memref<8x1024xf32, #tpu.memory_space<vmem>>, vector<1x16xf32>,
        %swap3A_1480 = vector.shape_cast %swap3A_1479 : vector<1x16xf32> to vector<16xf32>
        %swap3A_1481 = vector.shape_cast %get3A_1476 : vector<16xf32> to vector<1x16xf32>
        tpu.vector_store %arg11[%swap3A_1477, %swap3A_1478], %swap3A_1481 {add = true, strides = array<i32>} : memref<8x1024xf32, #tpu.memory_space<vmem>>, vector<1x16xf32>,
        %swap3A_1482 = arith.index_cast %scan3A_1438 : i32 to index
        %swap3A_1483 = arith.index_cast %mul3A_1472 : i32 to index
        %swap3A_1484 = tpu.vector_load %arg12[%swap3A_1482, %swap3A_1483] {strides = array<i32>} : memref<8x1024xf32, #tpu.memory_space<vmem>>, vector<1x16xf32>,
        %swap3A_1485 = vector.shape_cast %swap3A_1484 : vector<1x16xf32> to vector<16xf32>
        %swap3A_1486 = vector.shape_cast %get3A_1476 : vector<16xf32> to vector<1x16xf32>
        tpu.vector_store %arg12[%swap3A_1482, %swap3A_1483], %swap3A_1486 {add = true, strides = array<i32>} : memref<8x1024xf32, #tpu.memory_space<vmem>>, vector<1x16xf32>,
        %swap3A_1487 = arith.index_cast %scan3A_1438 : i32 to index
        %swap3A_1488 = arith.index_cast %mul3A_1472 : i32 to index
        %swap3A_1489 = tpu.vector_load %arg13[%swap3A_1487, %swap3A_1488] {strides = array<i32>} : memref<8x1024xf32, #tpu.memory_space<vmem>>, vector<1x16xf32>,
        %swap3A_1490 = vector.shape_cast %swap3A_1489 : vector<1x16xf32> to vector<16xf32>
        %swap3A_1491 = vector.shape_cast %get3A_1476 : vector<16xf32> to vector<1x16xf32>
        tpu.vector_store %arg13[%swap3A_1487, %swap3A_1488], %swap3A_1491 {add = true, strides = array<i32>} : memref<8x1024xf32, #tpu.memory_space<vmem>>, vector<1x16xf32>,
        %swap3A_1492 = arith.index_cast %scan3A_1438 : i32 to index
        %swap3A_1493 = arith.index_cast %mul3A_1472 : i32 to index
        %swap3A_1494 = tpu.vector_load %arg14[%swap3A_1492, %swap3A_1493] {strides = array<i32>} : memref<8x1024xf32, #tpu.memory_space<vmem>>, vector<1x16xf32>,
        %swap3A_1495 = vector.shape_cast %swap3A_1494 : vector<1x16xf32> to vector<16xf32>
        %swap3A_1496 = vector.shape_cast %get3A_1476 : vector<16xf32> to vector<1x16xf32>
        tpu.vector_store %arg14[%swap3A_1492, %swap3A_1493], %swap3A_1496 {add = true, strides = array<i32>} : memref<8x1024xf32, #tpu.memory_space<vmem>>, vector<1x16xf32>,
        %scan3A_1497 = arith.constant 2 : i32
        %scan3A_1498 = arith.addi %scan3A_1444, %scan3A_1497 : i32
        %mul3A_1499 = arith.constant 16 : i32
        %mul3A_1500 = arith.muli %scan3A_1498, %mul3A_1499 : i32
        %get3A_1501 = arith.index_cast %scan3A_1438 : i32 to index
        %get3A_1502 = arith.index_cast %mul3A_1500 : i32 to index
        %get3A_1503 = tpu.vector_load %arg6[%get3A_1501, %get3A_1502] {strides = array<i32>} : memref<8x1024xf32, #tpu.memory_space<vmem>>, vector<1x16xf32>,
        %get3A_1504 = vector.shape_cast %get3A_1503 : vector<1x16xf32> to vector<16xf32>
        %swap3A_1505 = arith.index_cast %scan3A_1438 : i32 to index
        %swap3A_1506 = arith.index_cast %mul3A_1500 : i32 to index
        %swap3A_1507 = tpu.vector_load %arg11[%swap3A_1505, %swap3A_1506] {strides = array<i32>} : memref<8x1024xf32, #tpu.memory_space<vmem>>, vector<1x16xf32>,
        %swap3A_1508 = vector.shape_cast %swap3A_1507 : vector<1x16xf32> to vector<16xf32>
        %swap3A_1509 = vector.shape_cast %get3A_1504 : vector<16xf32> to vector<1x16xf32>
        tpu.vector_store %arg11[%swap3A_1505, %swap3A_1506], %swap3A_1509 {add = true, strides = array<i32>} : memref<8x1024xf32, #tpu.memory_space<vmem>>, vector<1x16xf32>,
        %swap3A_1510 = arith.index_cast %scan3A_1438 : i32 to index
        %swap3A_1511 = arith.index_cast %mul3A_1500 : i32 to index
        %swap3A_1512 = tpu.vector_load %arg12[%swap3A_1510, %swap3A_1511] {strides = array<i32>} : memref<8x1024xf32, #tpu.memory_space<vmem>>, vector<1x16xf32>,
        %swap3A_1513 = vector.shape_cast %swap3A_1512 : vector<1x16xf32> to vector<16xf32>
        %swap3A_1514 = vector.shape_cast %get3A_1504 : vector<16xf32> to vector<1x16xf32>
        tpu.vector_store %arg12[%swap3A_1510, %swap3A_1511], %swap3A_1514 {add = true, strides = array<i32>} : memref<8x1024xf32, #tpu.memory_space<vmem>>, vector<1x16xf32>,
        %swap3A_1515 = arith.index_cast %scan3A_1438 : i32 to index
        %swap3A_1516 = arith.index_cast %mul3A_1500 : i32 to index
        %swap3A_1517 = tpu.vector_load %arg13[%swap3A_1515, %swap3A_1516] {strides = array<i32>} : memref<8x1024xf32, #tpu.memory_space<vmem>>, vector<1x16xf32>,
        %swap3A_1518 = vector.shape_cast %swap3A_1517 : vector<1x16xf32> to vector<16xf32>
        %swap3A_1519 = vector.shape_cast %get3A_1504 : vector<16xf32> to vector<1x16xf32>
        tpu.vector_store %arg13[%swap3A_1515, %swap3A_1516], %swap3A_1519 {add = true, strides = array<i32>} : memref<8x1024xf32, #tpu.memory_space<vmem>>, vector<1x16xf32>,
        %swap3A_1520 = arith.index_cast %scan3A_1438 : i32 to index
        %swap3A_1521 = arith.index_cast %mul3A_1500 : i32 to index
        %swap3A_1522 = tpu.vector_load %arg14[%swap3A_1520, %swap3A_1521] {strides = array<i32>} : memref<8x1024xf32, #tpu.memory_space<vmem>>, vector<1x16xf32>,
        %swap3A_1523 = vector.shape_cast %swap3A_1522 : vector<1x16xf32> to vector<16xf32>
        %swap3A_1524 = vector.shape_cast %get3A_1504 : vector<16xf32> to vector<1x16xf32>
        tpu.vector_store %arg14[%swap3A_1520, %swap3A_1521], %swap3A_1524 {add = true, strides = array<i32>} : memref<8x1024xf32, #tpu.memory_space<vmem>>, vector<1x16xf32>,
        %scan3A_1525 = arith.constant 3 : i32
        %scan3A_1526 = arith.addi %scan3A_1444, %scan3A_1525 : i32
        %mul3A_1527 = arith.constant 16 : i32
        %mul3A_1528 = arith.muli %scan3A_1526, %mul3A_1527 : i32
        %get3A_1529 = arith.index_cast %scan3A_1438 : i32 to index
        %get3A_1530 = arith.index_cast %mul3A_1528 : i32 to index
        %get3A_1531 = tpu.vector_load %arg6[%get3A_1529, %get3A_1530] {strides = array<i32>} : memref<8x1024xf32, #tpu.memory_space<vmem>>, vector<1x16xf32>,
        %get3A_1532 = vector.shape_cast %get3A_1531 : vector<1x16xf32> to vector<16xf32>
        %swap3A_1533 = arith.index_cast %scan3A_1438 : i32 to index
        %swap3A_1534 = arith.index_cast %mul3A_1528 : i32 to index
        %swap3A_1535 = tpu.vector_load %arg11[%swap3A_1533, %swap3A_1534] {strides = array<i32>} : memref<8x1024xf32, #tpu.memory_space<vmem>>, vector<1x16xf32>,
        %swap3A_1536 = vector.shape_cast %swap3A_1535 : vector<1x16xf32> to vector<16xf32>
        %swap3A_1537 = vector.shape_cast %get3A_1532 : vector<16xf32> to vector<1x16xf32>
        tpu.vector_store %arg11[%swap3A_1533, %swap3A_1534], %swap3A_1537 {add = true, strides = array<i32>} : memref<8x1024xf32, #tpu.memory_space<vmem>>, vector<1x16xf32>,
        %swap3A_1538 = arith.index_cast %scan3A_1438 : i32 to index
        %swap3A_1539 = arith.index_cast %mul3A_1528 : i32 to index
        %swap3A_1540 = tpu.vector_load %arg12[%swap3A_1538, %swap3A_1539] {strides = array<i32>} : memref<8x1024xf32, #tpu.memory_space<vmem>>, vector<1x16xf32>,
        %swap3A_1541 = vector.shape_cast %swap3A_1540 : vector<1x16xf32> to vector<16xf32>
        %swap3A_1542 = vector.shape_cast %get3A_1532 : vector<16xf32> to vector<1x16xf32>
        tpu.vector_store %arg12[%swap3A_1538, %swap3A_1539], %swap3A_1542 {add = true, strides = array<i32>} : memref<8x1024xf32, #tpu.memory_space<vmem>>, vector<1x16xf32>,
        %swap3A_1543 = arith.index_cast %scan3A_1438 : i32 to index
        %swap3A_1544 = arith.index_cast %mul3A_1528 : i32 to index
        %swap3A_1545 = tpu.vector_load %arg13[%swap3A_1543, %swap3A_1544] {strides = array<i32>} : memref<8x1024xf32, #tpu.memory_space<vmem>>, vector<1x16xf32>,
        %swap3A_1546 = vector.shape_cast %swap3A_1545 : vector<1x16xf32> to vector<16xf32>
        %swap3A_1547 = vector.shape_cast %get3A_1532 : vector<16xf32> to vector<1x16xf32>
        tpu.vector_store %arg13[%swap3A_1543, %swap3A_1544], %swap3A_1547 {add = true, strides = array<i32>} : memref<8x1024xf32, #tpu.memory_space<vmem>>, vector<1x16xf32>,
        %swap3A_1548 = arith.index_cast %scan3A_1438 : i32 to index
        %swap3A_1549 = arith.index_cast %mul3A_1528 : i32 to index
        %swap3A_1550 = tpu.vector_load %arg14[%swap3A_1548, %swap3A_1549] {strides = array<i32>} : memref<8x1024xf32, #tpu.memory_space<vmem>>, vector<1x16xf32>,
        %swap3A_1551 = vector.shape_cast %swap3A_1550 : vector<1x16xf32> to vector<16xf32>
        %swap3A_1552 = vector.shape_cast %get3A_1532 : vector<16xf32> to vector<1x16xf32>
        tpu.vector_store %arg14[%swap3A_1548, %swap3A_1549], %swap3A_1552 {add = true, strides = array<i32>} : memref<8x1024xf32, #tpu.memory_space<vmem>>, vector<1x16xf32>,
        %scan3A_1553 = arith.constant 4 : i32
        %scan3A_1554 = arith.addi %scan3A_1444, %scan3A_1553 : i32
        %mul3A_1555 = arith.constant 16 : i32
        %mul3A_1556 = arith.muli %scan3A_1554, %mul3A_1555 : i32
        %get3A_1557 = arith.index_cast %scan3A_1438 : i32 to index
        %get3A_1558 = arith.index_cast %mul3A_1556 : i32 to index
        %get3A_1559 = tpu.vector_load %arg6[%get3A_1557, %get3A_1558] {strides = array<i32>} : memref<8x1024xf32, #tpu.memory_space<vmem>>, vector<1x16xf32>,
        %get3A_1560 = vector.shape_cast %get3A_1559 : vector<1x16xf32> to vector<16xf32>
        %swap3A_1561 = arith.index_cast %scan3A_1438 : i32 to index
        %swap3A_1562 = arith.index_cast %mul3A_1556 : i32 to index
        %swap3A_1563 = tpu.vector_load %arg11[%swap3A_1561, %swap3A_1562] {strides = array<i32>} : memref<8x1024xf32, #tpu.memory_space<vmem>>, vector<1x16xf32>,
        %swap3A_1564 = vector.shape_cast %swap3A_1563 : vector<1x16xf32> to vector<16xf32>
        %swap3A_1565 = vector.shape_cast %get3A_1560 : vector<16xf32> to vector<1x16xf32>
        tpu.vector_store %arg11[%swap3A_1561, %swap3A_1562], %swap3A_1565 {add = true, strides = array<i32>} : memref<8x1024xf32, #tpu.memory_space<vmem>>, vector<1x16xf32>,
        %swap3A_1566 = arith.index_cast %scan3A_1438 : i32 to index
        %swap3A_1567 = arith.index_cast %mul3A_1556 : i32 to index
        %swap3A_1568 = tpu.vector_load %arg12[%swap3A_1566, %swap3A_1567] {strides = array<i32>} : memref<8x1024xf32, #tpu.memory_space<vmem>>, vector<1x16xf32>,
        %swap3A_1569 = vector.shape_cast %swap3A_1568 : vector<1x16xf32> to vector<16xf32>
        %swap3A_1570 = vector.shape_cast %get3A_1560 : vector<16xf32> to vector<1x16xf32>
        tpu.vector_store %arg12[%swap3A_1566, %swap3A_1567], %swap3A_1570 {add = true, strides = array<i32>} : memref<8x1024xf32, #tpu.memory_space<vmem>>, vector<1x16xf32>,
        %swap3A_1571 = arith.index_cast %scan3A_1438 : i32 to index
        %swap3A_1572 = arith.index_cast %mul3A_1556 : i32 to index
        %swap3A_1573 = tpu.vector_load %arg13[%swap3A_1571, %swap3A_1572] {strides = array<i32>} : memref<8x1024xf32, #tpu.memory_space<vmem>>, vector<1x16xf32>,
        %swap3A_1574 = vector.shape_cast %swap3A_1573 : vector<1x16xf32> to vector<16xf32>
        %swap3A_1575 = vector.shape_cast %get3A_1560 : vector<16xf32> to vector<1x16xf32>
        tpu.vector_store %arg13[%swap3A_1571, %swap3A_1572], %swap3A_1575 {add = true, strides = array<i32>} : memref<8x1024xf32, #tpu.memory_space<vmem>>, vector<1x16xf32>,
        %swap3A_1576 = arith.index_cast %scan3A_1438 : i32 to index
        %swap3A_1577 = arith.index_cast %mul3A_1556 : i32 to index
        %swap3A_1578 = tpu.vector_load %arg14[%swap3A_1576, %swap3A_1577] {strides = array<i32>} : memref<8x1024xf32, #tpu.memory_space<vmem>>, vector<1x16xf32>,
        %swap3A_1579 = vector.shape_cast %swap3A_1578 : vector<1x16xf32> to vector<16xf32>
        %swap3A_1580 = vector.shape_cast %get3A_1560 : vector<16xf32> to vector<1x16xf32>
        tpu.vector_store %arg14[%swap3A_1576, %swap3A_1577], %swap3A_1580 {add = true, strides = array<i32>} : memref<8x1024xf32, #tpu.memory_space<vmem>>, vector<1x16xf32>,
        %scan3A_1581 = arith.constant 5 : i32
        %scan3A_1582 = arith.addi %scan3A_1444, %scan3A_1581 : i32
        %mul3A_1583 = arith.constant 16 : i32
        %mul3A_1584 = arith.muli %scan3A_1582, %mul3A_1583 : i32
        %get3A_1585 = arith.index_cast %scan3A_1438 : i32 to index
        %get3A_1586 = arith.index_cast %mul3A_1584 : i32 to index
        %get3A_1587 = tpu.vector_load %arg6[%get3A_1585, %get3A_1586] {strides = array<i32>} : memref<8x1024xf32, #tpu.memory_space<vmem>>, vector<1x16xf32>,
        %get3A_1588 = vector.shape_cast %get3A_1587 : vector<1x16xf32> to vector<16xf32>
        %swap3A_1589 = arith.index_cast %scan3A_1438 : i32 to index
        %swap3A_1590 = arith.index_cast %mul3A_1584 : i32 to index
        %swap3A_1591 = tpu.vector_load %arg11[%swap3A_1589, %swap3A_1590] {strides = array<i32>} : memref<8x1024xf32, #tpu.memory_space<vmem>>, vector<1x16xf32>,
        %swap3A_1592 = vector.shape_cast %swap3A_1591 : vector<1x16xf32> to vector<16xf32>
        %swap3A_1593 = vector.shape_cast %get3A_1588 : vector<16xf32> to vector<1x16xf32>
        tpu.vector_store %arg11[%swap3A_1589, %swap3A_1590], %swap3A_1593 {add = true, strides = array<i32>} : memref<8x1024xf32, #tpu.memory_space<vmem>>, vector<1x16xf32>,
        %swap3A_1594 = arith.index_cast %scan3A_1438 : i32 to index
        %swap3A_1595 = arith.index_cast %mul3A_1584 : i32 to index
        %swap3A_1596 = tpu.vector_load %arg12[%swap3A_1594, %swap3A_1595] {strides = array<i32>} : memref<8x1024xf32, #tpu.memory_space<vmem>>, vector<1x16xf32>,
        %swap3A_1597 = vector.shape_cast %swap3A_1596 : vector<1x16xf32> to vector<16xf32>
        %swap3A_1598 = vector.shape_cast %get3A_1588 : vector<16xf32> to vector<1x16xf32>
        tpu.vector_store %arg12[%swap3A_1594, %swap3A_1595], %swap3A_1598 {add = true, strides = array<i32>} : memref<8x1024xf32, #tpu.memory_space<vmem>>, vector<1x16xf32>,
        %swap3A_1599 = arith.index_cast %scan3A_1438 : i32 to index
        %swap3A_1600 = arith.index_cast %mul3A_1584 : i32 to index
        %swap3A_1601 = tpu.vector_load %arg13[%swap3A_1599, %swap3A_1600] {strides = array<i32>} : memref<8x1024xf32, #tpu.memory_space<vmem>>, vector<1x16xf32>,
        %swap3A_1602 = vector.shape_cast %swap3A_1601 : vector<1x16xf32> to vector<16xf32>
        %swap3A_1603 = vector.shape_cast %get3A_1588 : vector<16xf32> to vector<1x16xf32>
        tpu.vector_store %arg13[%swap3A_1599, %swap3A_1600], %swap3A_1603 {add = true, strides = array<i32>} : memref<8x1024xf32, #tpu.memory_space<vmem>>, vector<1x16xf32>,
        %swap3A_1604 = arith.index_cast %scan3A_1438 : i32 to index
        %swap3A_1605 = arith.index_cast %mul3A_1584 : i32 to index
        %swap3A_1606 = tpu.vector_load %arg14[%swap3A_1604, %swap3A_1605] {strides = array<i32>} : memref<8x1024xf32, #tpu.memory_space<vmem>>, vector<1x16xf32>,
        %swap3A_1607 = vector.shape_cast %swap3A_1606 : vector<1x16xf32> to vector<16xf32>
        %swap3A_1608 = vector.shape_cast %get3A_1588 : vector<16xf32> to vector<1x16xf32>
        tpu.vector_store %arg14[%swap3A_1604, %swap3A_1605], %swap3A_1608 {add = true, strides = array<i32>} : memref<8x1024xf32, #tpu.memory_space<vmem>>, vector<1x16xf32>,
        %scan3A_1609 = arith.constant 6 : i32
        %scan3A_1610 = arith.addi %scan3A_1444, %scan3A_1609 : i32
        %mul3A_1611 = arith.constant 16 : i32
        %mul3A_1612 = arith.muli %scan3A_1610, %mul3A_1611 : i32
        %get3A_1613 = arith.index_cast %scan3A_1438 : i32 to index
        %get3A_1614 = arith.index_cast %mul3A_1612 : i32 to index
        %get3A_1615 = tpu.vector_load %arg6[%get3A_1613, %get3A_1614] {strides = array<i32>} : memref<8x1024xf32, #tpu.memory_space<vmem>>, vector<1x16xf32>,
        %get3A_1616 = vector.shape_cast %get3A_1615 : vector<1x16xf32> to vector<16xf32>
        %swap3A_1617 = arith.index_cast %scan3A_1438 : i32 to index
        %swap3A_1618 = arith.index_cast %mul3A_1612 : i32 to index
        %swap3A_1619 = tpu.vector_load %arg11[%swap3A_1617, %swap3A_1618] {strides = array<i32>} : memref<8x1024xf32, #tpu.memory_space<vmem>>, vector<1x16xf32>,
        %swap3A_1620 = vector.shape_cast %swap3A_1619 : vector<1x16xf32> to vector<16xf32>
        %swap3A_1621 = vector.shape_cast %get3A_1616 : vector<16xf32> to vector<1x16xf32>
        tpu.vector_store %arg11[%swap3A_1617, %swap3A_1618], %swap3A_1621 {add = true, strides = array<i32>} : memref<8x1024xf32, #tpu.memory_space<vmem>>, vector<1x16xf32>,
        %swap3A_1622 = arith.index_cast %scan3A_1438 : i32 to index
        %swap3A_1623 = arith.index_cast %mul3A_1612 : i32 to index
        %swap3A_1624 = tpu.vector_load %arg12[%swap3A_1622, %swap3A_1623] {strides = array<i32>} : memref<8x1024xf32, #tpu.memory_space<vmem>>, vector<1x16xf32>,
        %swap3A_1625 = vector.shape_cast %swap3A_1624 : vector<1x16xf32> to vector<16xf32>
        %swap3A_1626 = vector.shape_cast %get3A_1616 : vector<16xf32> to vector<1x16xf32>
        tpu.vector_store %arg12[%swap3A_1622, %swap3A_1623], %swap3A_1626 {add = true, strides = array<i32>} : memref<8x1024xf32, #tpu.memory_space<vmem>>, vector<1x16xf32>,
        %swap3A_1627 = arith.index_cast %scan3A_1438 : i32 to index
        %swap3A_1628 = arith.index_cast %mul3A_1612 : i32 to index
        %swap3A_1629 = tpu.vector_load %arg13[%swap3A_1627, %swap3A_1628] {strides = array<i32>} : memref<8x1024xf32, #tpu.memory_space<vmem>>, vector<1x16xf32>,
        %swap3A_1630 = vector.shape_cast %swap3A_1629 : vector<1x16xf32> to vector<16xf32>
        %swap3A_1631 = vector.shape_cast %get3A_1616 : vector<16xf32> to vector<1x16xf32>
        tpu.vector_store %arg13[%swap3A_1627, %swap3A_1628], %swap3A_1631 {add = true, strides = array<i32>} : memref<8x1024xf32, #tpu.memory_space<vmem>>, vector<1x16xf32>,
        %swap3A_1632 = arith.index_cast %scan3A_1438 : i32 to index
        %swap3A_1633 = arith.index_cast %mul3A_1612 : i32 to index
        %swap3A_1634 = tpu.vector_load %arg14[%swap3A_1632, %swap3A_1633] {strides = array<i32>} : memref<8x1024xf32, #tpu.memory_space<vmem>>, vector<1x16xf32>,
        %swap3A_1635 = vector.shape_cast %swap3A_1634 : vector<1x16xf32> to vector<16xf32>
        %swap3A_1636 = vector.shape_cast %get3A_1616 : vector<16xf32> to vector<1x16xf32>
        tpu.vector_store %arg14[%swap3A_1632, %swap3A_1633], %swap3A_1636 {add = true, strides = array<i32>} : memref<8x1024xf32, #tpu.memory_space<vmem>>, vector<1x16xf32>,
        %scan3A_1637 = arith.constant 7 : i32
        %scan3A_1638 = arith.addi %scan3A_1444, %scan3A_1637 : i32
        %mul3A_1639 = arith.constant 16 : i32
        %mul3A_1640 = arith.muli %scan3A_1638, %mul3A_1639 : i32
        %get3A_1641 = arith.index_cast %scan3A_1438 : i32 to index
        %get3A_1642 = arith.index_cast %mul3A_1640 : i32 to index
        %get3A_1643 = tpu.vector_load %arg6[%get3A_1641, %get3A_1642] {strides = array<i32>} : memref<8x1024xf32, #tpu.memory_space<vmem>>, vector<1x16xf32>,
        %get3A_1644 = vector.shape_cast %get3A_1643 : vector<1x16xf32> to vector<16xf32>
        %swap3A_1645 = arith.index_cast %scan3A_1438 : i32 to index
        %swap3A_1646 = arith.index_cast %mul3A_1640 : i32 to index
        %swap3A_1647 = tpu.vector_load %arg11[%swap3A_1645, %swap3A_1646] {strides = array<i32>} : memref<8x1024xf32, #tpu.memory_space<vmem>>, vector<1x16xf32>,
        %swap3A_1648 = vector.shape_cast %swap3A_1647 : vector<1x16xf32> to vector<16xf32>
        %swap3A_1649 = vector.shape_cast %get3A_1644 : vector<16xf32> to vector<1x16xf32>
        tpu.vector_store %arg11[%swap3A_1645, %swap3A_1646], %swap3A_1649 {add = true, strides = array<i32>} : memref<8x1024xf32, #tpu.memory_space<vmem>>, vector<1x16xf32>,
        %swap3A_1650 = arith.index_cast %scan3A_1438 : i32 to index
        %swap3A_1651 = arith.index_cast %mul3A_1640 : i32 to index
        %swap3A_1652 = tpu.vector_load %arg12[%swap3A_1650, %swap3A_1651] {strides = array<i32>} : memref<8x1024xf32, #tpu.memory_space<vmem>>, vector<1x16xf32>,
        %swap3A_1653 = vector.shape_cast %swap3A_1652 : vector<1x16xf32> to vector<16xf32>
        %swap3A_1654 = vector.shape_cast %get3A_1644 : vector<16xf32> to vector<1x16xf32>
        tpu.vector_store %arg12[%swap3A_1650, %swap3A_1651], %swap3A_1654 {add = true, strides = array<i32>} : memref<8x1024xf32, #tpu.memory_space<vmem>>, vector<1x16xf32>,
        %swap3A_1655 = arith.index_cast %scan3A_1438 : i32 to index
        %swap3A_1656 = arith.index_cast %mul3A_1640 : i32 to index
        %swap3A_1657 = tpu.vector_load %arg13[%swap3A_1655, %swap3A_1656] {strides = array<i32>} : memref<8x1024xf32, #tpu.memory_space<vmem>>, vector<1x16xf32>,
        %swap3A_1658 = vector.shape_cast %swap3A_1657 : vector<1x16xf32> to vector<16xf32>
        %swap3A_1659 = vector.shape_cast %get3A_1644 : vector<16xf32> to vector<1x16xf32>
        tpu.vector_store %arg13[%swap3A_1655, %swap3A_1656], %swap3A_1659 {add = true, strides = array<i32>} : memref<8x1024xf32, #tpu.memory_space<vmem>>, vector<1x16xf32>,
        %swap3A_1660 = arith.index_cast %scan3A_1438 : i32 to index
        %swap3A_1661 = arith.index_cast %mul3A_1640 : i32 to index
        %swap3A_1662 = tpu.vector_load %arg14[%swap3A_1660, %swap3A_1661] {strides = array<i32>} : memref<8x1024xf32, #tpu.memory_space<vmem>>, vector<1x16xf32>,
        %swap3A_1663 = vector.shape_cast %swap3A_1662 : vector<1x16xf32> to vector<16xf32>
        %swap3A_1664 = vector.shape_cast %get3A_1644 : vector<16xf32> to vector<1x16xf32>
        tpu.vector_store %arg14[%swap3A_1660, %swap3A_1661], %swap3A_1664 {add = true, strides = array<i32>} : memref<8x1024xf32, #tpu.memory_space<vmem>>, vector<1x16xf32>,
      }
      %scan3A_1443 = arith.constant 64 : i32
    }
    %scan3A_1321 = arith.constant 8 : i32
    %mul3A_1322 = arith.constant 64 : i32
    %mul3A_1323 = arith.muli %add3A, %mul3A_1322 : i32
    %add3A_1324 = arith.constant 56 : i32
    %add3A_1325 = arith.addi %mul3A_1323, %add3A_1324 : i32
    %dma_start3A_1326 = arith.constant 0 : i32
    %dma_start3A_1327 = arith.constant 0 : i32
    %dma_start3A_1328 = tpu.memref_slice %arg4[%dma_start3A_1326, %add3A_1325, %dma_start3A_1327] : memref<4x4096x1024xf32, #tpu.memory_space<hbm>> -> memref<1x8x1024xf32, #tpu.memory_space<hbm>>
    %dma_start3A_1329 = tpu.memref_squeeze %dma_start3A_1328 : memref<1x8x1024xf32, #tpu.memory_space<hbm>> -> memref<8x1024xf32, #tpu.memory_space<hbm>>
    %dma_start3A_1330 = arith.constant 0 : i32
    %dma_start3A_1331 = tpu.memref_slice %arg4[%dma_start3A_1326, %add3A_1325, %dma_start3A_1330] : memref<4x4096x1024xf32, #tpu.memory_space<hbm>> -> memref<1x8x1024xf32, #tpu.memory_space<hbm>>
    %dma_start3A_1332 = tpu.memref_squeeze %dma_start3A_1331 : memref<1x8x1024xf32, #tpu.memory_space<hbm>> -> memref<8x1024xf32, #tpu.memory_space<hbm>>
    tpu.enqueue_dma source(%arg11 : memref<8x1024xf32, #tpu.memory_space<vmem>>) target(%dma_start3A_1332 : memref<8x1024xf32, #tpu.memory_space<hbm>>) target_semaphore(%arg18 : memref<!tpu.dma_semaphore, #tpu.memory_space<semaphore_mem>>)
    %mul3A_1333 = arith.constant 64 : i32
    %mul3A_1334 = arith.muli %add3A, %mul3A_1333 : i32
    %add3A_1335 = arith.constant 56 : i32
    %add3A_1336 = arith.addi %mul3A_1334, %add3A_1335 : i32
    %dma_start3A_1337 = arith.constant 1 : i32
    %dma_start3A_1338 = arith.constant 0 : i32
    %dma_start3A_1339 = tpu.memref_slice %arg4[%dma_start3A_1337, %add3A_1336, %dma_start3A_1338] : memref<4x4096x1024xf32, #tpu.memory_space<hbm>> -> memref<1x8x1024xf32, #tpu.memory_space<hbm>>
    %dma_start3A_1340 = tpu.memref_squeeze %dma_start3A_1339 : memref<1x8x1024xf32, #tpu.memory_space<hbm>> -> memref<8x1024xf32, #tpu.memory_space<hbm>>
    %dma_start3A_1341 = arith.constant 0 : i32
    %dma_start3A_1342 = tpu.memref_slice %arg4[%dma_start3A_1337, %add3A_1336, %dma_start3A_1341] : memref<4x4096x1024xf32, #tpu.memory_space<hbm>> -> memref<1x8x1024xf32, #tpu.memory_space<hbm>>
    %dma_start3A_1343 = tpu.memref_squeeze %dma_start3A_1342 : memref<1x8x1024xf32, #tpu.memory_space<hbm>> -> memref<8x1024xf32, #tpu.memory_space<hbm>>
    tpu.enqueue_dma source(%arg12 : memref<8x1024xf32, #tpu.memory_space<vmem>>) target(%dma_start3A_1343 : memref<8x1024xf32, #tpu.memory_space<hbm>>) target_semaphore(%arg18 : memref<!tpu.dma_semaphore, #tpu.memory_space<semaphore_mem>>)
    %mul3A_1344 = arith.constant 64 : i32
    %mul3A_1345 = arith.muli %add3A, %mul3A_1344 : i32
    %add3A_1346 = arith.constant 56 : i32
    %add3A_1347 = arith.addi %mul3A_1345, %add3A_1346 : i32
    %dma_start3A_1348 = arith.constant 2 : i32
    %dma_start3A_1349 = arith.constant 0 : i32
    %dma_start3A_1350 = tpu.memref_slice %arg4[%dma_start3A_1348, %add3A_1347, %dma_start3A_1349] : memref<4x4096x1024xf32, #tpu.memory_space<hbm>> -> memref<1x8x1024xf32, #tpu.memory_space<hbm>>
    %dma_start3A_1351 = tpu.memref_squeeze %dma_start3A_1350 : memref<1x8x1024xf32, #tpu.memory_space<hbm>> -> memref<8x1024xf32, #tpu.memory_space<hbm>>
    %dma_start3A_1352 = arith.constant 0 : i32
    %dma_start3A_1353 = tpu.memref_slice %arg4[%dma_start3A_1348, %add3A_1347, %dma_start3A_1352] : memref<4x4096x1024xf32, #tpu.memory_space<hbm>> -> memref<1x8x1024xf32, #tpu.memory_space<hbm>>
    %dma_start3A_1354 = tpu.memref_squeeze %dma_start3A_1353 : memref<1x8x1024xf32, #tpu.memory_space<hbm>> -> memref<8x1024xf32, #tpu.memory_space<hbm>>
    tpu.enqueue_dma source(%arg13 : memref<8x1024xf32, #tpu.memory_space<vmem>>) target(%dma_start3A_1354 : memref<8x1024xf32, #tpu.memory_space<hbm>>) target_semaphore(%arg18 : memref<!tpu.dma_semaphore, #tpu.memory_space<semaphore_mem>>)
    %mul3A_1355 = arith.constant 64 : i32
    %mul3A_1356 = arith.muli %add3A, %mul3A_1355 : i32
    %add3A_1357 = arith.constant 56 : i32
    %add3A_1358 = arith.addi %mul3A_1356, %add3A_1357 : i32
    %dma_start3A_1359 = arith.constant 3 : i32
    %dma_start3A_1360 = arith.constant 0 : i32
    %dma_start3A_1361 = tpu.memref_slice %arg4[%dma_start3A_1359, %add3A_1358, %dma_start3A_1360] : memref<4x4096x1024xf32, #tpu.memory_space<hbm>> -> memref<1x8x1024xf32, #tpu.memory_space<hbm>>
    %dma_start3A_1362 = tpu.memref_squeeze %dma_start3A_1361 : memref<1x8x1024xf32, #tpu.memory_space<hbm>> -> memref<8x1024xf32, #tpu.memory_space<hbm>>
    %dma_start3A_1363 = arith.constant 0 : i32
    %dma_start3A_1364 = tpu.memref_slice %arg4[%dma_start3A_1359, %add3A_1358, %dma_start3A_1363] : memref<4x4096x1024xf32, #tpu.memory_space<hbm>> -> memref<1x8x1024xf32, #tpu.memory_space<hbm>>
    %dma_start3A_1365 = tpu.memref_squeeze %dma_start3A_1364 : memref<1x8x1024xf32, #tpu.memory_space<hbm>> -> memref<8x1024xf32, #tpu.memory_space<hbm>>
    tpu.enqueue_dma source(%arg14 : memref<8x1024xf32, #tpu.memory_space<vmem>>) target(%dma_start3A_1365 : memref<8x1024xf32, #tpu.memory_space<hbm>>) target_semaphore(%arg18 : memref<!tpu.dma_semaphore, #tpu.memory_space<semaphore_mem>>)
    %dma_wait3A_1366 = arith.constant 0 : i32
    %dma_wait3A_1367 = arith.constant 0 : i32
    %dma_wait3A_1368 = arith.constant 0 : i32
    %dma_wait3A_1369 = tpu.memref_slice %arg4[%dma_wait3A_1366, %dma_wait3A_1367, %dma_wait3A_1368] : memref<4x4096x1024xf32, #tpu.memory_space<hbm>> -> memref<1x8x1024xf32, #tpu.memory_space<hbm>>
    %dma_wait3A_1370 = tpu.memref_squeeze %dma_wait3A_1369 : memref<1x8x1024xf32, #tpu.memory_space<hbm>> -> memref<8x1024xf32, #tpu.memory_space<hbm>>
    %dma_wait3A_1371 = arith.constant 0 : i32
    %dma_wait3A_1372 = arith.constant 0 : i32
    %dma_wait3A_1373 = tpu.memref_slice %arg4[%dma_wait3A_1366, %dma_wait3A_1371, %dma_wait3A_1372] : memref<4x4096x1024xf32, #tpu.memory_space<hbm>> -> memref<1x8x1024xf32, #tpu.memory_space<hbm>>
    %dma_wait3A_1374 = tpu.memref_squeeze %dma_wait3A_1373 : memref<1x8x1024xf32, #tpu.memory_space<hbm>> -> memref<8x1024xf32, #tpu.memory_space<hbm>>
    tpu.wait_dma2 semaphore(%arg17 : memref<!tpu.dma_semaphore, #tpu.memory_space<semaphore_mem>>) src(%arg7 : memref<8x1024xf32, #tpu.memory_space<vmem>>) dst(%dma_wait3A_1374 : memref<8x1024xf32, #tpu.memory_space<hbm>>)
    %dma_wait3A_1375 = arith.constant 0 : i32
    %dma_wait3A_1376 = arith.constant 0 : i32
    %dma_wait3A_1377 = arith.constant 0 : i32
    %dma_wait3A_1378 = tpu.memref_slice %arg4[%dma_wait3A_1375, %dma_wait3A_1376, %dma_wait3A_1377] : memref<4x4096x1024xf32, #tpu.memory_space<hbm>> -> memref<1x8x1024xf32, #tpu.memory_space<hbm>>
    %dma_wait3A_1379 = tpu.memref_squeeze %dma_wait3A_1378 : memref<1x8x1024xf32, #tpu.memory_space<hbm>> -> memref<8x1024xf32, #tpu.memory_space<hbm>>
    %dma_wait3A_1380 = arith.constant 0 : i32
    %dma_wait3A_1381 = arith.constant 0 : i32
    %dma_wait3A_1382 = tpu.memref_slice %arg4[%dma_wait3A_1375, %dma_wait3A_1380, %dma_wait3A_1381] : memref<4x4096x1024xf32, #tpu.memory_space<hbm>> -> memref<1x8x1024xf32, #tpu.memory_space<hbm>>
    %dma_wait3A_1383 = tpu.memref_squeeze %dma_wait3A_1382 : memref<1x8x1024xf32, #tpu.memory_space<hbm>> -> memref<8x1024xf32, #tpu.memory_space<hbm>>
    tpu.wait_dma2 semaphore(%arg17 : memref<!tpu.dma_semaphore, #tpu.memory_space<semaphore_mem>>) src(%arg8 : memref<8x1024xf32, #tpu.memory_space<vmem>>) dst(%dma_wait3A_1383 : memref<8x1024xf32, #tpu.memory_space<hbm>>)
    %dma_wait3A_1384 = arith.constant 0 : i32
    %dma_wait3A_1385 = arith.constant 0 : i32
    %dma_wait3A_1386 = arith.constant 0 : i32
    %dma_wait3A_1387 = tpu.memref_slice %arg4[%dma_wait3A_1384, %dma_wait3A_1385, %dma_wait3A_1386] : memref<4x4096x1024xf32, #tpu.memory_space<hbm>> -> memref<1x8x1024xf32, #tpu.memory_space<hbm>>
    %dma_wait3A_1388 = tpu.memref_squeeze %dma_wait3A_1387 : memref<1x8x1024xf32, #tpu.memory_space<hbm>> -> memref<8x1024xf32, #tpu.memory_space<hbm>>
    %dma_wait3A_1389 = arith.constant 0 : i32
    %dma_wait3A_1390 = arith.constant 0 : i32
    %dma_wait3A_1391 = tpu.memref_slice %arg4[%dma_wait3A_1384, %dma_wait3A_1389, %dma_wait3A_1390] : memref<4x4096x1024xf32, #tpu.memory_space<hbm>> -> memref<1x8x1024xf32, #tpu.memory_space<hbm>>
    %dma_wait3A_1392 = tpu.memref_squeeze %dma_wait3A_1391 : memref<1x8x1024xf32, #tpu.memory_space<hbm>> -> memref<8x1024xf32, #tpu.memory_space<hbm>>
    tpu.wait_dma2 semaphore(%arg17 : memref<!tpu.dma_semaphore, #tpu.memory_space<semaphore_mem>>) src(%arg9 : memref<8x1024xf32, #tpu.memory_space<vmem>>) dst(%dma_wait3A_1392 : memref<8x1024xf32, #tpu.memory_space<hbm>>)
    %dma_wait3A_1393 = arith.constant 0 : i32
    %dma_wait3A_1394 = arith.constant 0 : i32
    %dma_wait3A_1395 = arith.constant 0 : i32
    %dma_wait3A_1396 = tpu.memref_slice %arg4[%dma_wait3A_1393, %dma_wait3A_1394, %dma_wait3A_1395] : memref<4x4096x1024xf32, #tpu.memory_space<hbm>> -> memref<1x8x1024xf32, #tpu.memory_space<hbm>>
    %dma_wait3A_1397 = tpu.memref_squeeze %dma_wait3A_1396 : memref<1x8x1024xf32, #tpu.memory_space<hbm>> -> memref<8x1024xf32, #tpu.memory_space<hbm>>
    %dma_wait3A_1398 = arith.constant 0 : i32
    %dma_wait3A_1399 = arith.constant 0 : i32
    %dma_wait3A_1400 = tpu.memref_slice %arg4[%dma_wait3A_1393, %dma_wait3A_1398, %dma_wait3A_1399] : memref<4x4096x1024xf32, #tpu.memory_space<hbm>> -> memref<1x8x1024xf32, #tpu.memory_space<hbm>>
    %dma_wait3A_1401 = tpu.memref_squeeze %dma_wait3A_1400 : memref<1x8x1024xf32, #tpu.memory_space<hbm>> -> memref<8x1024xf32, #tpu.memory_space<hbm>>
    tpu.wait_dma2 semaphore(%arg17 : memref<!tpu.dma_semaphore, #tpu.memory_space<semaphore_mem>>) src(%arg10 : memref<8x1024xf32, #tpu.memory_space<vmem>>) dst(%dma_wait3A_1401 : memref<8x1024xf32, #tpu.memory_space<hbm>>)
    %dma_wait3A_1402 = arith.constant 0 : i32
    %dma_wait3A_1403 = arith.constant 0 : i32
    %dma_wait3A_1404 = arith.constant 0 : i32
    %dma_wait3A_1405 = tpu.memref_slice %arg4[%dma_wait3A_1402, %dma_wait3A_1403, %dma_wait3A_1404] : memref<4x4096x1024xf32, #tpu.memory_space<hbm>> -> memref<1x8x1024xf32, #tpu.memory_space<hbm>>
    %dma_wait3A_1406 = tpu.memref_squeeze %dma_wait3A_1405 : memref<1x8x1024xf32, #tpu.memory_space<hbm>> -> memref<8x1024xf32, #tpu.memory_space<hbm>>
    %dma_wait3A_1407 = arith.constant 0 : i32
    %dma_wait3A_1408 = arith.constant 0 : i32
    %dma_wait3A_1409 = tpu.memref_slice %arg4[%dma_wait3A_1402, %dma_wait3A_1407, %dma_wait3A_1408] : memref<4x4096x1024xf32, #tpu.memory_space<hbm>> -> memref<1x8x1024xf32, #tpu.memory_space<hbm>>
    %dma_wait3A_1410 = tpu.memref_squeeze %dma_wait3A_1409 : memref<1x8x1024xf32, #tpu.memory_space<hbm>> -> memref<8x1024xf32, #tpu.memory_space<hbm>>
    tpu.wait_dma2 semaphore(%arg18 : memref<!tpu.dma_semaphore, #tpu.memory_space<semaphore_mem>>) src(%arg11 : memref<8x1024xf32, #tpu.memory_space<vmem>>) dst(%dma_wait3A_1410 : memref<8x1024xf32, #tpu.memory_space<hbm>>)
    %dma_wait3A_1411 = arith.constant 0 : i32
    %dma_wait3A_1412 = arith.constant 0 : i32
    %dma_wait3A_1413 = arith.constant 0 : i32
    %dma_wait3A_1414 = tpu.memref_slice %arg4[%dma_wait3A_1411, %dma_wait3A_1412, %dma_wait3A_1413] : memref<4x4096x1024xf32, #tpu.memory_space<hbm>> -> memref<1x8x1024xf32, #tpu.memory_space<hbm>>
    %dma_wait3A_1415 = tpu.memref_squeeze %dma_wait3A_1414 : memref<1x8x1024xf32, #tpu.memory_space<hbm>> -> memref<8x1024xf32, #tpu.memory_space<hbm>>
    %dma_wait3A_1416 = arith.constant 0 : i32
    %dma_wait3A_1417 = arith.constant 0 : i32
    %dma_wait3A_1418 = tpu.memref_slice %arg4[%dma_wait3A_1411, %dma_wait3A_1416, %dma_wait3A_1417] : memref<4x4096x1024xf32, #tpu.memory_space<hbm>> -> memref<1x8x1024xf32, #tpu.memory_space<hbm>>
    %dma_wait3A_1419 = tpu.memref_squeeze %dma_wait3A_1418 : memref<1x8x1024xf32, #tpu.memory_space<hbm>> -> memref<8x1024xf32, #tpu.memory_space<hbm>>
    tpu.wait_dma2 semaphore(%arg18 : memref<!tpu.dma_semaphore, #tpu.memory_space<semaphore_mem>>) src(%arg12 : memref<8x1024xf32, #tpu.memory_space<vmem>>) dst(%dma_wait3A_1419 : memref<8x1024xf32, #tpu.memory_space<hbm>>)
    %dma_wait3A_1420 = arith.constant 0 : i32
    %dma_wait3A_1421 = arith.constant 0 : i32
    %dma_wait3A_1422 = arith.constant 0 : i32
    %dma_wait3A_1423 = tpu.memref_slice %arg4[%dma_wait3A_1420, %dma_wait3A_1421, %dma_wait3A_1422] : memref<4x4096x1024xf32, #tpu.memory_space<hbm>> -> memref<1x8x1024xf32, #tpu.memory_space<hbm>>
    %dma_wait3A_1424 = tpu.memref_squeeze %dma_wait3A_1423 : memref<1x8x1024xf32, #tpu.memory_space<hbm>> -> memref<8x1024xf32, #tpu.memory_space<hbm>>
    %dma_wait3A_1425 = arith.constant 0 : i32
    %dma_wait3A_1426 = arith.constant 0 : i32
    %dma_wait3A_1427 = tpu.memref_slice %arg4[%dma_wait3A_1420, %dma_wait3A_1425, %dma_wait3A_1426] : memref<4x4096x1024xf32, #tpu.memory_space<hbm>> -> memref<1x8x1024xf32, #tpu.memory_space<hbm>>
    %dma_wait3A_1428 = tpu.memref_squeeze %dma_wait3A_1427 : memref<1x8x1024xf32, #tpu.memory_space<hbm>> -> memref<8x1024xf32, #tpu.memory_space<hbm>>
    tpu.wait_dma2 semaphore(%arg18 : memref<!tpu.dma_semaphore, #tpu.memory_space<semaphore_mem>>) src(%arg13 : memref<8x1024xf32, #tpu.memory_space<vmem>>) dst(%dma_wait3A_1428 : memref<8x1024xf32, #tpu.memory_space<hbm>>)
    %dma_wait3A_1429 = arith.constant 0 : i32
    %dma_wait3A_1430 = arith.constant 0 : i32
    %dma_wait3A_1431 = arith.constant 0 : i32
    %dma_wait3A_1432 = tpu.memref_slice %arg4[%dma_wait3A_1429, %dma_wait3A_1430, %dma_wait3A_1431] : memref<4x4096x1024xf32, #tpu.memory_space<hbm>> -> memref<1x8x1024xf32, #tpu.memory_space<hbm>>
    %dma_wait3A_1433 = tpu.memref_squeeze %dma_wait3A_1432 : memref<1x8x1024xf32, #tpu.memory_space<hbm>> -> memref<8x1024xf32, #tpu.memory_space<hbm>>
    %dma_wait3A_1434 = arith.constant 0 : i32
    %dma_wait3A_1435 = arith.constant 0 : i32
    %dma_wait3A_1436 = tpu.memref_slice %arg4[%dma_wait3A_1429, %dma_wait3A_1434, %dma_wait3A_1435] : memref<4x4096x1024xf32, #tpu.memory_space<hbm>> -> memref<1x8x1024xf32, #tpu.memory_space<hbm>>
    %dma_wait3A_1437 = tpu.memref_squeeze %dma_wait3A_1436 : memref<1x8x1024xf32, #tpu.memory_space<hbm>> -> memref<8x1024xf32, #tpu.memory_space<hbm>>
    tpu.wait_dma2 semaphore(%arg18 : memref<!tpu.dma_semaphore, #tpu.memory_space<semaphore_mem>>) src(%arg14 : memref<8x1024xf32, #tpu.memory_space<vmem>>) dst(%dma_wait3A_1437 : memref<8x1024xf32, #tpu.memory_space<hbm>>)
    return
  }
}

module attributes {stable_mosaic.version = 14 : i64} {
  func.func @_tc_body(%arg0: i32, %arg1: i32, %arg2: memref<1x2048x1024xf32, #tpu.memory_space<vmem>>, %arg3: memref<2048x1024xf32, #tpu.memory_space<vmem>>, %arg4: memref<4x4096x1024xf32, #tpu.memory_space<any>>, %arg5: memref<1x2048x1024xf32, #tpu.memory_space<vmem>>) attributes {dimension_semantics = [#tpu.dimension_semantics<arbitrary>, #tpu.dimension_semantics<arbitrary>], iteration_bounds = array<i64: 1, 4>, scalar_prefetch = 0 : i64, scratch_operands = 0 : i64, tpu.core_type = #tpu.core_type<tc>, window_params = [{transform_indices = @transform_0, window_bounds = array<i64: 1, 2048, 1024>}, {transform_indices = @transform_1, window_bounds = array<i64: 2048, 1024>}, {}, {transform_indices = @transform_3, window_bounds = array<i64: 1, 2048, 1024>}]} {
    %get3A = arith.constant 0 : index
    %get3A_0 = arith.constant 0 : index
    %get3A_1 = arith.constant 0 : index
    %get3A_2 = vector.load %arg2[%get3A, %get3A_0, %get3A_1] : memref<1x2048x1024xf32, #tpu.memory_space<vmem>>, vector<1x2048x1024xf32>
    %get3A_3 = arith.constant 0 : index
    %get3A_4 = arith.constant 0 : index
    %get3A_5 = vector.load %arg3[%get3A_3, %get3A_4] : memref<2048x1024xf32, #tpu.memory_space<vmem>>, vector<2048x1024xf32>
    %broadcast_in_dim3A = vector.shape_cast %get3A_5 : vector<2048x1024xf32> to vector<1x2048x1024xf32>
    %add3A = arith.addf %get3A_2, %broadcast_in_dim3A : vector<1x2048x1024xf32>
    %swap3A = arith.constant 0 : index
    %swap3A_6 = arith.constant 0 : index
    %swap3A_7 = arith.constant 0 : index
    %swap3A_8 = vector.load %arg5[%swap3A, %swap3A_6, %swap3A_7] : memref<1x2048x1024xf32, #tpu.memory_space<vmem>>, vector<1x2048x1024xf32>
    tpu.vector_store %arg5[%swap3A, %swap3A_6, %swap3A_7], %add3A {strides = array<i32>} : memref<1x2048x1024xf32, #tpu.memory_space<vmem>>, vector<1x2048x1024xf32>,
    return
  }
  func.func @transform_0(%arg0: i32, %arg1: i32) -> (i32, i32, i32) {
    %add3A = arith.constant 1 : i32
    %add3A_0 = arith.addi %arg0, %add3A : i32
    %c0_i32 = arith.constant 0 : i32
    %c0_i32_1 = arith.constant 0 : i32
    return %arg1, %add3A_0, %c0_i32 : i32, i32, i32
  }
  func.func @transform_1(%arg0: i32, %arg1: i32) -> (i32, i32) {
    %add3A = arith.constant 1 : i32
    %add3A_0 = arith.addi %arg0, %add3A : i32
    %c0_i32 = arith.constant 0 : i32
    %c0_i32_1 = arith.constant 0 : i32
    return %add3A_0, %c0_i32 : i32, i32
  }
  func.func @transform_3(%arg0: i32, %arg1: i32) -> (i32, i32, i32) {
    %add3A = arith.constant 1 : i32
    %add3A_0 = arith.addi %arg0, %add3A : i32
    %c0_i32 = arith.constant 0 : i32
    %c0_i32_1 = arith.constant 0 : i32
    return %arg1, %add3A_0, %c0_i32 : i32, i32, i32
  }
}

</mosaic_0001>

<sc_bundles>
// kernel: kernel.4.cloned.1.call-start
scs
__scs_entry_jumppad:
0x0: {  	(pc) =	sbr.rel $0x88, $3  }
0x1: {  	(tag) =	ssettag $0x0;
	lr =	simm.s32 $0x1  }
0x2: {  	[smem:$0x3F9F] =	sst lr;
	_ =	strace $0xD0000000  }
0x3: {  	_ = 	snop  }
0x4: {  	_ = 	snop  }
0x5: {  	_ = 	snop  }
0x6: {  	_ = 	snop  }
0x7: {  	_ = 	snop  }
__scs_overlays_trampoline_lowered:
0x8: {  	[smem:$0x3FAE] =	sst s0  }
0x9: {  	[smem:$0x3FAF] =	sst s1  }
0xa: {  	[smem:$0x3FB0] =	sst s2  }
0xb: {  	[smem:$0x3FB1] =	sst s3  }
0xc: {  	[smem:$0x3FB2] =	sst s4  }
0xd: {  	[smem:$0x3FB3] =	sst s5  }
0xe: {  	[smem:$0x3FB4] =	sst s6  }
0xf: {  	[smem:$0x3FB5] =	sst s7  }
0x10: {  	[smem:$0x3FB6] =	sst s8  }
0x11: {  	[smem:$0x3FB7] =	sst s9;
	s0 =	simm.s32 @!p0 $0x0  }
0x12: {  	s1 =	sld [smem:$0x3F9D];
	s0 =	simm.s32 @p0 $0x1  }
0x13: {  	[smem:$0x3FB8] =	sst s0;
	s0 =	simm.s32 @!p1 $0x0  }
0x14: {  	s2 =	sld [smem:$0x3F9C];
	s0 =	simm.s32 @p1 $0x1  }
0x15: {  	[smem:$0x3FB9] =	sst s0;
	s0 =	simm.s32 @!p2 $0x0  }
0x16: {  	s3 =	sld [smem:$0x3FDB];
	s0 =	simm.s32 @p2 $0x1  }
0x17: {  	s4 =	simm.s32 $0x1BF5;
	[smem:$0x3FBB] =	sst s0  }
0x18: {  	s0 =	sld [smem:$0x3F9E];
	_ =	swait.ge [sflag:s4], $0x0  }
0x19: {  	s7 =	sld [smem:$0x3F9F]  }
0x1a: {  	s8 =	sadd.s32 $0xFFFFE003, lr  }
0x1b: {  	s9 =	sadd.s32 $0xFFFFFEF7, lr;
	s5 =	simm.s32 $0xFFFFFFFF;
	p2 =	slt.u32 s8, $0xFFFFF086  }
0x1c: {  	p1 =	slt.u32 s9, $0xF7A;
	s5 =	simm.s32 @!p2 $0x0  }
0x1d: {  	s5 =	simm.s32 @p1 $0x1;
	p0 =	seq.s32 s7, s2  }
0x1e: {  	s7 =	smul.u32 @!p0 $0xF7A, s2;
	p2 =	seq.s32 @!p0 s5, $0x0  }
0x1f: {  	s9 =	smul.u32 $0xF7A, s1;
	s8 =	simm.s32 @!p0 $0x1BF5;
	p2 =	por !p2, p0  }
0x20: {  	[sflag:s8] =	ssyncset.s32 @!p0 $0xFFFFF086;
	s6 =	sadd.s32 @!p0 s3, s7;
	s7 =	simm.s32 @!p0 $0x108  }
0x21: {  	s3 =	sadd.s32 s3, s9;
	s6 =	sadd.s32 @!p0 $0x88, s6;
	s7 =	simm.s32 @p2 $0x1082  }
0x22: {  	[simem:s7], [sflag:s8] =	dma.local @!p0 [hbm:s6], $0xF7A  }
0x23: {  	s9 =	sor.u32 $0xD0000000, s2;
	s6 =	simm.s32 $0x108;
	_ =	swait.ge @!p0 [sflag:s8], $0x0  }
0x24: {  	s3 =	sadd.s32 $0x88, s3;
	s6 =	simm.s32 @!p1 $0x1082;
	[sflag:s4] =	ssyncset.s32 $0xFFFFF086  }
0x25: {  	[simem:s6], [sflag:s4] =	dma.local [hbm:s3], $0xF7A  }
0x26: {  	[smem:$0x3F9F] =	sst s1;
	(tag) =	ssettag s2;
	_ =	strace s9  }
0x27: {  	s1 =	sld [smem:$0x3FAF]  }
0x28: {  	s2 =	sld [smem:$0x3FB0]  }
0x29: {  	s4 =	sld [smem:$0x3FB2]  }
0x2a: {  	p0 =	seq.s32 s5, $0x0;
	s5 =	sld [smem:$0x3FB3]  }
0x2b: {  	s6 =	sld [smem:$0x3FB4]  }
0x2c: {  	s7 =	sld [smem:$0x3FB5]  }
0x2d: {  	s3 =	simm.s32 $0x108;
	s8 =	sld [smem:$0x3FB6]  }
0x2e: {  	s3 =	simm.s32 @!p0 $0x1082;
	s9 =	sld [smem:$0x3FB7]  }
0x2f: {  	lr =	sadd.s32 s0, s3;
	s0 =	sld [smem:$0x3FAE]  }
0x30: {  	s3 =	sld [smem:$0x3FB1]  }
0x31: {  	[smem:$0x3FBA] =	sst s10  }
0x32: {  	s10 =	sld [smem:$0x3FB8];
	_ =	sdelay $0x3  }
0x33: {  	p0 =	seq.s32 s10, $0x1;
	s10 =	sld [smem:$0x3FBA];
	_ =	sdelay $0x3  }
0x34: {  	[smem:$0x3FBA] =	sst s10  }
0x35: {  	s10 =	sld [smem:$0x3FB9];
	_ =	sdelay $0x3  }
0x36: {  	p1 =	seq.s32 s10, $0x1;
	s10 =	sld [smem:$0x3FBA];
	_ =	sdelay $0x3  }
0x37: {  	[smem:$0x3FBA] =	sst s10  }
0x38: {  	s10 =	sld [smem:$0x3FBB]  }
0x39: {  	_ = 	snop;
	(pc) =	sbr.ind lr, $3  }
0x3a: {  	_ = 	snop  }
0x3b: {  	_ = 	snop  }
0x3c: {  	p2 =	seq.s32 s10, $0x1;
	s10 =	sld [smem:$0x3FBA]  }
0x3d: {  	_ =	shalt  }
0x3e: {  	_ =	shalt  }
0x3f: {  	_ =	shalt  }
0x40: {  	_ =	shalt  }
0x41: {  	_ =	shalt  }
0x42: {  	_ =	shalt  }
0x43: {  	_ =	shalt  }
0x44: {  	_ =	shalt  }
0x45: {  	_ =	shalt  }
0x46: {  	_ =	shalt  }
0x47: {  	_ =	shalt  }
0x48: {  	_ =	shalt  }
0x49: {  	_ =	shalt  }
0x4a: {  	_ =	shalt  }
0x4b: {  	_ =	shalt  }
0x4c: {  	_ =	shalt  }
0x4d: {  	_ =	shalt  }
0x4e: {  	_ =	shalt  }
0x4f: {  	_ =	shalt  }
0x50: {  	_ =	shalt  }
0x51: {  	_ =	shalt  }
0x52: {  	_ =	shalt  }
0x53: {  	_ =	shalt  }
0x54: {  	_ =	shalt  }
0x55: {  	_ =	shalt  }
0x56: {  	_ =	shalt  }
0x57: {  	_ =	shalt  }
0x58: {  	_ =	shalt  }
0x59: {  	_ =	shalt  }
0x5a: {  	_ =	shalt  }
0x5b: {  	_ =	shalt  }
0x5c: {  	_ =	shalt  }
0x5d: {  	_ =	shalt  }
0x5e: {  	_ =	shalt  }
0x5f: {  	_ =	shalt  }
0x60: {  	_ =	shalt  }
0x61: {  	_ =	shalt  }
0x62: {  	_ =	shalt  }
0x63: {  	_ =	shalt  }
0x64: {  	_ =	shalt  }
0x65: {  	_ =	shalt  }
0x66: {  	_ =	shalt  }
0x67: {  	_ =	shalt  }
0x68: {  	_ =	shalt  }
0x69: {  	_ =	shalt  }
0x6a: {  	_ =	shalt  }
0x6b: {  	_ =	shalt  }
0x6c: {  	_ =	shalt  }
0x6d: {  	_ =	shalt  }
0x6e: {  	_ =	shalt  }
0x6f: {  	_ =	shalt  }
0x70: {  	_ =	shalt  }
0x71: {  	_ =	shalt  }
0x72: {  	_ =	shalt  }
0x73: {  	_ =	shalt  }
0x74: {  	_ =	shalt  }
0x75: {  	_ =	shalt  }
0x76: {  	_ =	shalt  }
0x77: {  	_ =	shalt  }
0x78: {  	_ =	shalt  }
0x79: {  	_ =	shalt  }
0x7a: {  	_ =	shalt  }
0x7b: {  	_ =	shalt  }
0x7c: {  	_ =	shalt  }
0x7d: {  	_ =	shalt  }
0x7e: {  	_ =	shalt  }
0x7f: {  	_ =	shalt  }
0x80: {  	_ =	shalt  }
0x81: {  	_ =	shalt  }
0x82: {  	_ =	shalt  }
0x83: {  	_ =	shalt  }
0x84: {  	_ =	shalt  }
0x85: {  	_ =	shalt  }
0x86: {  	_ =	shalt  }
0x87: {  	_ =	shalt  }
.Lfunc_end0:
.L_simem_size_0:
called_computation_lowered:
.L_overlay_start_0:
0x88: {  	s2 =	sld [smem:$0x3FD9]  }
0x89: {  	s3 =	sld [smem:$0x3FFE];
	_ =	sdelay $0x1  }
0x8a: {  	s1 =	srdreg.scid  }
0x8b: {  	s0 =	sand.u32 $0x1, s1  }
0x8c: {  	s18 =	sshll.u32 s0, $0xA;
	s2 =	sadd.s32 s3, s2  }
0x8d: {  	s2 =	sadd.s32 s2, s18  }
0x8e: {  	[smem:$0x3FC6] =	sst s2  }
0x8f: {  	_ = 	snop  }
0x90: {  	s2 =	sld [smem:$0x3FC9]  }
0x91: {  	s19 =	sld [smem:$0x3FC8]  }
0x92: {  	s4 =	sld [smem:$0x3FD0];
	(tm) =	ssettm $0x1  }
0x93: {  	s5 =	sld [smem:$0x3FFB];
	_ =	sdelay $0x3  }
0x94: {  	_ =	strace s5  }
0x95: {  	s5 =	sld [smem:$0x3FFC];
	_ =	sdelay $0x3  }
0x96: {  	_ =	strace s5  }
0x97: {  	s5 =	sld [smem:$0x3FFD];
	_ =	sdelay $0x3  }
0x98: {  	_ =	strace s5  }
0x99: {  	_ =	strace $0x8FFFFFFF  }
0x9a: {  	s20 =	sld [smem:$0x3FDB];
	_ =	sdelay $0x1  }
0x9b: {  	s6 =	simm.s32 $_scs_section_size  }
0x9c: {  	s7 =	simm.s32 $_size__tile_overlayer_lowered;
	s8 =	simm.s32 $_tile_overlayer_lowered  }
0x9d: {  	s23 =	simm.s32 $0x1BFF;
	s22 =	sshll.u32 s8, $0x1;
	s5 =	sadd.s32 s6, s20  }
0x9e: {  	s9 =	simm.s32 $0x0;
	s21 =	sshll.u32 s7, $0x1;
	s7 =	sadd.s32 s22, s5  }
0x9f: {  	[timem:s9], [sflag:s23] =	dma.local [hbm:s7], s21  }
0xa0: {  	_ =	swait.ge [sflag:s23], s21  }
0xa1: {  	s6 =	ssub.s32 $0x0, s21;
	[sflag:s23] =	ssyncset.done $0x0  }
0xa2: {  	[sflag:s23] =	ssyncadd.s32 s6;
	_ =	sdelay $0x1  }
0xa3: {  	s24 =	simm.s32 $0x1B8B  }
0xa4: {  	_ =	swait.ge [sflag:s24], $0x1  }
0xa5: {  	[sflag:s24] =	ssyncset.done $0x0  }
0xa6: {  	s25 =	simm.s32 $0x1B8E;
	[sflag:s24] =	ssyncadd.s32 $0xFFFFFFFF  }
0xa7: {  	s26 =	simm.s32 $execute0_lowered;
	[smem:$0x3FD2] =	sst s25  }
0xa8: {  	s6 =	sshll.u32 s26, $0x1;
	_ =	strace $0x80000046;
	[dreg:$0x1] =	wrdreg $0xFFFFFFFF  }
0xa9: {  	s28 =	simm.s32 $_size_execute0_lowered;
	s5 =	sadd.s32 s5, s6;
	[dreg:$0x0] =	wrdreg $0x0  }
0xaa: {  	s6 =	sshll.u32 s28, $0x1;
	[dreg:$0x2] =	wrdreg s5  }
0xab: {  	[dreg:$0x3] =	wrdreg s6  }
0xac: {  	[dreg:$0x4] =	wrdreg $0xC0  }
0xad: {  	_ =	task [dreg:s9], $0x5FFFF  }
0xae: {  	[dreg:$0x1] =	wrdreg $0xFFFFFFFF  }
0xaf: {  	[dreg:$0x0] =	wrdreg $0x60  }
0xb0: {  	[dreg:$0x2] =	wrdreg s2  }
0xb1: {  	[dreg:$0x3] =	wrdreg s19  }
0xb2: {  	[dreg:$0x4] =	wrdreg s4  }
0xb3: {  	[dreg:$0x5] =	wrdreg $0x9  }
0xb4: {  	_ =	task.clear_ibuf [dreg:s9], $0x6FFFF;
	_ =	strace $0x90000046  }
0xb5: {  	s29 =	simm.s32 $0x9;
	_ =	strace $0x80000048  }
0xb6: {  	_ =	swait.ge [sflag:s29], $0x1  }
0xb7: {  	[sflag:s29] =	ssyncadd.s32 $0xFFFFFFFF  }
0xb8: {  	_ =	strace $0x90000048  }
0xb9: {  	_ =	sfence  }
0xba: {  	s30 =	sld [smem:$0x0];
	_ =	sdelay $0x2  }
0xbb: {  	s31 =	sshll.u32 s1, $0xD;
	s1 =	sshrl.u32 s1, $0x2  }
0xbc: {  	s3 =	sand.u32 $0x4000, s31;
	s1 =	sadd.s32 s1, s30  }
0xbd: {  	s0 =	sor.u32 s3, s0;
	s1 =	sshll.u32 s1, $0x11  }
0xbe: {  	s0 =	sor.u32 s1, s0  }
0xbf: {  	s0 =	sadd.s32 $0x8F2B, s0  }
0xc0: {  	[sflag:s0] =	ssyncadd.remote.s32 $0x1  }
0xc1: {  	_ =	sfence.sel $0xFFFF  }
0xc2: {  	[dreg:$0x0] =	wrdreg $0xFFFFFFFF;
	(pc) =	sbr.abs _section_cstart, $3  }
0xc3: {  	[dreg:$0x1] =	wrdreg $0xFFFFFFFF  }
0xc4: {  	_ =	task.clear_ibuf [dreg:s9], $0x2FFFF;
	_ =	strace $0x9FFFFFFF  }
0xc5: {  	(tm) =	ssettm $0x7FFFFFFF  }
tec
execute0_lowered:
.L_overlay_start_1:
0x0: {  	(tag) =	ssettag $0x1  }
0x1: {  	s0 =	srdreg.scid  }
0x2: {  	s1 =	stileid.u32;
	s3 =	sand.u32 $0x1, s0  }
0x3: {  	s5 =	rddreg [dreg:$0x0];
	s6 =	sshll.u32 s1, $0xD;
	s4 =	sshll.u32 s3, $0x11  }
0x4: {  	s2 =	rddreg [dreg:$0x1];
	s7 =	ssub.s32 $0x2, s3;
	s3 =	sor.u32 s6, s4  }
0x5: {  	s0 =	rddreg [dreg:$0x2];
	s1 =	simm.s32 $0x0;
	s6 =	sor.u32 $0x80000, s3  }
0x6: {  	[smem:$0x7FF] =	sst s1;
	s19 =	sor.u32 $0x100000, s3;
	s18 =	sadd.s32 s5, s6  }
0x7: {  	s21 =	sor.u32 $0x180000, s3;
	s20 =	sadd.s32 s5, s19;
	[dreg:$0x4] =	wrdreg s18  }
0x8: {  	s8 =	sor.u32 $0x400, s3;
	s9 =	sadd.s32 s5, s21;
	[dreg:$0x5] =	wrdreg s20  }
0x9: {  	s22 =	sadd.s32 s2, s8;
	[dreg:$0x6] =	wrdreg s9  }
0xa: {  	s23 =	sor.u32 $0x80400, s3;
	s10 =	sadd.s32 s5, s8;
	[dreg:$0x7] =	wrdreg s22  }
0xb: {  	s24 =	sor.u32 $0x100400, s3;
	s12 =	sadd.s32 s5, s23;
	[dreg:$0x8] =	wrdreg s10  }
0xc: {  	s11 =	sor.u32 $0x180400, s3;
	s25 =	sadd.s32 s5, s24;
	[dreg:$0x9] =	wrdreg s12  }
0xd: {  	s26 =	sadd.s32 s5, s11;
	[dreg:$0xa] =	wrdreg s25  }
0xe: {  	s6 =	sadd.s32 s0, s6;
	[dreg:$0xb] =	wrdreg s26  }
0xf: {  	s17 =	sshrl.u32 s7, $0x1;
	s4 =	sadd.s32 s0, s19;
	[dreg:$0xc] =	wrdreg s6  }
0x10: {  	s30 =	sor.u32 $0x800, s3;
	s31 =	sadd.s32 s0, s21;
	[dreg:$0xd] =	wrdreg s4  }
0x11: {  	s14 =	ssub.s32 s7, s17;
	s7 =	sadd.s32 s2, s30;
	[dreg:$0xe] =	wrdreg s31  }
0x12: {  	s15 =	sadd.s32 s0, s8;
	[dreg:$0xf] =	wrdreg s7  }
0x13: {  	s16 =	sadd.s32 s0, s23;
	[dreg:$0x11] =	wrdreg s15  }
0x14: {  	s13 =	sor.u32 $0x80800, s3;
	s17 =	sadd.s32 s0, s24;
	[dreg:$0x12] =	wrdreg s16  }
0x15: {  	s19 =	sadd.s32 s5, s13;
	[dreg:$0x13] =	wrdreg s17  }
0x16: {  	s12 =	sadd.s32 s5, s30;
	[dreg:$0x16] =	wrdreg s19  }
0x17: {  	s18 =	sadd.s32 s0, s11;
	[dreg:$0x10] =	wrdreg s12  }
0x18: {  	s4 =	sadd.s32 s0, s30;
	[dreg:$0x14] =	wrdreg s18  }
0x19: {  	s21 =	sor.u32 $0x100800, s3;
	s20 =	sadd.s32 s0, s13;
	[dreg:$0x15] =	wrdreg s4  }
0x1a: {  	s23 =	sor.u32 $0x180800, s3;
	s22 =	sadd.s32 s5, s21;
	[dreg:$0x17] =	wrdreg s20  }
0x1b: {  	s8 =	sor.u32 $0x100C00, s3;
	s24 =	sadd.s32 s5, s23;
	[dreg:$0x18] =	wrdreg s22  }
0x1c: {  	s9 =	sadd.s32 s5, s8;
	[dreg:$0x1a] =	wrdreg s24  }
0x1d: {  	s25 =	sor.u32 $0xC00, s3;
	s4 =	sadd.s32 s0, s21;
	[smem:$0x7DD] =	sst s9  }
0x1e: {  	s26 =	sadd.s32 s2, s25;
	[dreg:$0x19] =	wrdreg s4  }
0x1f: {  	s31 =	sor.u32 $0x80C00, s3;
	s30 =	sadd.s32 s5, s25;
	[dreg:$0x1c] =	wrdreg s26  }
0x20: {  	s7 =	sadd.s32 s5, s31;
	[dreg:$0x1d] =	wrdreg s30  }
0x21: {  	s10 =	sor.u32 $0x180C00, s3;
	s6 =	sadd.s32 s0, s31;
	[dreg:$0x1f] =	wrdreg s7  }
0x22: {  	s16 =	sor.u32 $0x81000, s3;
	s11 =	sadd.s32 s5, s10;
	[smem:$0x7DC] =	sst s6  }
0x23: {  	s17 =	sor.u32 $0x101000, s3;
	s18 =	sadd.s32 s5, s16;
	[smem:$0x7DF] =	sst s11  }
0x24: {  	s28 =	simm.s32 $0x4;
	s19 =	sadd.s32 s5, s17;
	[smem:$0x7E4] =	sst s18  }
0x25: {  	s29 =	simm.s32 $0x0;
	s20 =	sadd.s32 s0, s17;
	[smem:$0x7E6] =	sst s19  }
0x26: {  	s14 =	smax.u32 s14, $0x1;
	s4 =	sadd.s32 s0, s23;
	[smem:$0x7E7] =	sst s20  }
0x27: {  	s12 =	sor.u32 $0x1000, s3;
	s6 =	sadd.s32 s0, s10;
	[dreg:$0x1b] =	wrdreg s4  }
0x28: {  	s21 =	sor.u32 $0x181000, s3;
	s13 =	sadd.s32 s2, s12;
	[smem:$0x7E0] =	sst s6  }
0x29: {  	s22 =	sor.u32 $0x1400, s3;
	s15 =	sadd.s32 s5, s12;
	[smem:$0x7E1] =	sst s13  }
0x2a: {  	s9 =	sor.u32 $0x181400, s3;
	s23 =	sadd.s32 s5, s21;
	[smem:$0x7E2] =	sst s15  }
0x2b: {  	s17 =	sor.u32 $0x101800, s3;
	s24 =	sadd.s32 s2, s22;
	[smem:$0x7E8] =	sst s23  }
0x2c: {  	s26 =	sadd.s32 s0, s22;
	s30 =	sor.u32 $0x81400, s3;
	[smem:$0x7EA] =	sst s24  }
0x2d: {  	s7 =	sor.u32 $0x101400, s3;
	s10 =	sadd.s32 s5, s9;
	[smem:$0x7EC] =	sst s26  }
0x2e: {  	s11 =	sor.u32 $0x1800, s3;
	s4 =	sadd.s32 s0, s25;
	[smem:$0x7F1] =	sst s10  }
0x2f: {  	s18 =	sor.u32 $0x81800, s3;
	s25 =	sadd.s32 s5, s22;
	[dreg:$0x1e] =	wrdreg s4  }
0x30: {  	s19 =	sor.u32 $0x181800, s3;
	s31 =	sadd.s32 s5, s30;
	[smem:$0x7EB] =	sst s25  }
0x31: {  	s20 =	sor.u32 $0x81C00, s3;
	s13 =	sadd.s32 s2, s11;
	[smem:$0x7ED] =	sst s31  }
0x32: {  	s15 =	sor.u32 $0x1C00, s3;
	s23 =	sadd.s32 s5, s11;
	[smem:$0x7F4] =	sst s13  }
0x33: {  	s22 =	sor.u32 $0x101C00, s3;
	s24 =	sadd.s32 s5, s18;
	[smem:$0x7F8] =	sst s23  }
0x34: {  	s26 =	sadd.s32 s5, s19;
	s6 =	sadd.s32 s0, s11;
	[smem:$0x7F9] =	sst s24  }
0x35: {  	s11 =	sadd.s32 s0, s20;
	s4 =	sadd.s32 s0, s8;
	[smem:$0x7FB] =	sst s26  }
0x36: {  	s8 =	sadd.s32 s5, s7;
	s25 =	sadd.s32 s5, s17;
	[smem:$0x7DE] =	sst s4  }
0x37: {  	s31 =	sadd.s32 s5, s20;
	s10 =	sadd.s32 s0, s15;
	[smem:$0x7EF] =	sst s8  }
0x38: {  	s20 =	simm.s32 $0xC000;
	s23 =	simm.s32 $0x12000;
	[smem:$0x7FA] =	sst s25  }
0x39: {  	s24 =	simm.s32 $0x1;
	s4 =	sadd.s32 s0, s12;
	[smem:$0x7FD] =	sst s31  }
0x3a: {  	s26 =	simm.s32 $0x2;
	s12 =	sadd.s32 s2, s3;
	[smem:$0x7E3] =	sst s4  }
0x3b: {  	s2 =	sadd.s32 s2, s15;
	s8 =	sadd.s32 s0, s17;
	[smem:$0x7F3] =	sst s12  }
0x3c: {  	s17 =	simm.s32 $0x8000;
	s4 =	sadd.s32 s0, s16;
	[smem:$0x7F5] =	sst s2  }
0x3d: {  	s25 =	simm.s32 $0x3;
	s16 =	sadd.s32 s5, s3;
	[smem:$0x7E5] =	sst s4  }
0x3e: {  	s12 =	sadd.s32 s0, s22;
	s4 =	sadd.s32 s0, s21;
	[smem:$0x7F6] =	sst s16  }
0x3f: {  	s21 =	sadd.s32 s0, s3;
	s3 =	sor.u32 $0x181C00, s3;
	[smem:$0x7E9] =	sst s4  }
0x40: {  	s16 =	simm.s32 $0x6000;
	s4 =	sadd.s32 s0, s30;
	[smem:$0x7F7] =	sst s21  }
0x41: {  	s30 =	sadd.s32 s5, s15;
	s13 =	sadd.s32 s0, s3;
	s15 =	simm.s32 $0x4000  }
0x42: {  	s21 =	simm.s32 $0xE000;
	[smem:$0x7EE] =	sst s4;
	s4 =	sadd.s32 s0, s7  }
0x43: {  	[smem:$0x7FC] =	sst s30;
	s7 =	sadd.s32 s0, s18;
	s18 =	simm.s32 $0xA000  }
0x44: {  	[smem:$0x7F0] =	sst s4;
	s4 =	sadd.s32 s0, s9;
	s9 =	sadd.s32 s0, s19  }
0x45: {  	s19 =	simm.s32 $0x2000;
	[smem:$0x7F2] =	sst s4;
	s4 =	sadd.s32 s5, s22  }
0x46: {  	s5 =	sadd.s32 s5, s3;
	s22 =	simm.s32 $0x10000;
	_ =	strace $0x80000047  }
.LBB2_1:
0x47: {  	s0 =	sld [smem:$0x7F3];
	_ =	sdelay $0x1  }
0x48: {  	s3 =	sld [smem:$0x7F6]  }
0x49: {  	[tilespmem:s1], [sflag:$0x1] =	stream.linear.gather [hbm4b:s0+s1], $0x2000, $0x38;
	[tilespmem:$0x14000] =	vst v63  }
0x4a: {  	_ = 	snop  }
0x4b: {  	[tilespmem:s15], [sflag:$0x1] =	stream.linear.gather [hbm4b:s3+s1], $0x2000, $0x38;
	[tilespmem:$0x14000] =	vst v63  }
0x4c: {  	s2 =	rddreg [dreg:$0x4]  }
0x4d: {  	[tilespmem:s16], [sflag:$0x1] =	stream.linear.gather [hbm4b:s2+s1], $0x2000, $0x38;
	[tilespmem:$0x14000] =	vst v63  }
0x4e: {  	s3 =	rddreg [dreg:$0x5]  }
0x4f: {  	[tilespmem:s17], [sflag:$0x1] =	stream.linear.gather [hbm4b:s3+s1], $0x2000, $0x38;
	[tilespmem:$0x14000] =	vst v63  }
0x50: {  	s2 =	rddreg [dreg:$0x6]  }
0x51: {  	[tilespmem:s18], [sflag:$0x1] =	stream.linear.gather [hbm4b:s2+s1], $0x2000, $0x38;
	[tilespmem:$0x14000] =	vst v63  }
0x52: {  	s3 =	rddreg [dreg:$0x7]  }
0x53: {  	[tilespmem:s19], [sflag:$0x2] =	stream.linear.gather [hbm4b:s3+s1], $0x2000, $0x38;
	[tilespmem:$0x14000] =	vst v63  }
0x54: {  	s2 =	rddreg [dreg:$0x8]  }
0x55: {  	[tilespmem:s20], [sflag:$0x2] =	stream.linear.gather [hbm4b:s2+s1], $0x2000, $0x38;
	[tilespmem:$0x14000] =	vst v63  }
0x56: {  	s3 =	rddreg [dreg:$0x9]  }
0x57: {  	[tilespmem:s21], [sflag:$0x2] =	stream.linear.gather [hbm4b:s3+s1], $0x2000, $0x38;
	[tilespmem:$0x14000] =	vst v63  }
0x58: {  	s2 =	rddreg [dreg:$0xa]  }
0x59: {  	[tilespmem:s22], [sflag:$0x2] =	stream.linear.gather [hbm4b:s2+s1], $0x2000, $0x38;
	[tilespmem:$0x14000] =	vst v63  }
0x5a: {  	s3 =	rddreg [dreg:$0xb]  }
0x5b: {  	[tilespmem:s23], [sflag:$0x2] =	stream.linear.gather [hbm4b:s3+s1], $0x2000, $0x38;
	[tilespmem:$0x14000] =	vst v63  }
0x5c: {  	_ =	swait.ge [sflag:s24], $0x2000  }
0x5d: {  	[sflag:s24] =	ssyncset.done $0x0  }
0x5e: {  	[sflag:s24] =	ssyncadd.s32 $0xFFFFE000  }
0x5f: {  	_ =	swait.ge [sflag:s24], $0x2000  }
0x60: {  	[sflag:s24] =	ssyncset.done $0x0  }
0x61: {  	[sflag:s24] =	ssyncadd.s32 $0xFFFFE000  }
0x62: {  	_ =	swait.ge [sflag:s24], $0x2000  }
0x63: {  	[sflag:s24] =	ssyncset.done $0x0  }
0x64: {  	[sflag:s24] =	ssyncadd.s32 $0xFFFFE000  }
0x65: {  	_ =	swait.ge [sflag:s24], $0x2000  }
0x66: {  	[sflag:s24] =	ssyncset.done $0x0  }
0x67: {  	[sflag:s24] =	ssyncadd.s32 $0xFFFFE000  }
0x68: {  	_ =	swait.ge [sflag:s24], $0x2000  }
0x69: {  	[sflag:s24] =	ssyncset.done $0x0  }
0x6a: {  	s30 =	simm.s32 $0x0;
	s31 =	simm.s32 $0x0;
	[sflag:s24] =	ssyncadd.s32 $0xFFFFE000  }
.LBB2_2:
0x6b: {  	s0 =	sshra.s32 s30, $0x2  }
0x6c: {  	v0 =	vld [tilespmem:s0+$0x70]  }
0x6d: {  	v1 =	vld [tilespmem:s0+$0x0]  }
0x6e: {  	v2 =	vld [tilespmem:s0+$0x10]  }
0x6f: {  	v3 =	vld [tilespmem:s0+$0x20]  }
0x70: {  	v4 =	vld [tilespmem:s0+$0x30]  }
0x71: {  	v5 =	vld [tilespmem:s0+$0x40]  }
0x72: {  	v6 =	vld [tilespmem:s0+$0x50]  }
0x73: {  	v7 =	vld [tilespmem:s0+$0x60]  }
0x74: {  	[tilespmem:s0+$0xA070] =	vst.add.f32.msk $0xffff, v0  }
0x75: {  	[tilespmem:s0+$0x4000] =	vst.add.f32.msk $0xffff, v1  }
0x76: {  	[tilespmem:s0+$0x6000] =	vst.add.f32.msk $0xffff, v1  }
0x77: {  	[tilespmem:s0+$0x8000] =	vst.add.f32.msk $0xffff, v1  }
0x78: {  	[tilespmem:s0+$0xA000] =	vst.add.f32.msk $0xffff, v1  }
0x79: {  	[tilespmem:s0+$0x4010] =	vst.add.f32.msk $0xffff, v2  }
0x7a: {  	[tilespmem:s0+$0x6010] =	vst.add.f32.msk $0xffff, v2  }
0x7b: {  	[tilespmem:s0+$0x8010] =	vst.add.f32.msk $0xffff, v2  }
0x7c: {  	[tilespmem:s0+$0xA010] =	vst.add.f32.msk $0xffff, v2  }
0x7d: {  	[tilespmem:s0+$0x4020] =	vst.add.f32.msk $0xffff, v3  }
0x7e: {  	[tilespmem:s0+$0x6020] =	vst.add.f32.msk $0xffff, v3  }
0x7f: {  	[tilespmem:s0+$0x8020] =	vst.add.f32.msk $0xffff, v3  }
0x80: {  	[tilespmem:s0+$0xA020] =	vst.add.f32.msk $0xffff, v3  }
0x81: {  	[tilespmem:s0+$0x4030] =	vst.add.f32.msk $0xffff, v4  }
0x82: {  	[tilespmem:s0+$0x6030] =	vst.add.f32.msk $0xffff, v4  }
0x83: {  	[tilespmem:s0+$0x8030] =	vst.add.f32.msk $0xffff, v4  }
0x84: {  	[tilespmem:s0+$0xA030] =	vst.add.f32.msk $0xffff, v4  }
0x85: {  	[tilespmem:s0+$0x4040] =	vst.add.f32.msk $0xffff, v5  }
0x86: {  	[tilespmem:s0+$0x6040] =	vst.add.f32.msk $0xffff, v5  }
0x87: {  	[tilespmem:s0+$0x8040] =	vst.add.f32.msk $0xffff, v5  }
0x88: {  	[tilespmem:s0+$0xA040] =	vst.add.f32.msk $0xffff, v5  }
0x89: {  	[tilespmem:s0+$0x4050] =	vst.add.f32.msk $0xffff, v6  }
0x8a: {  	[tilespmem:s0+$0x6050] =	vst.add.f32.msk $0xffff, v6  }
0x8b: {  	[tilespmem:s0+$0x8050] =	vst.add.f32.msk $0xffff, v6  }
0x8c: {  	[tilespmem:s0+$0xA050] =	vst.add.f32.msk $0xffff, v6  }
0x8d: {  	[tilespmem:s0+$0x4060] =	vst.add.f32.msk $0xffff, v7  }
0x8e: {  	[tilespmem:s0+$0x6060] =	vst.add.f32.msk $0xffff, v7  }
0x8f: {  	[tilespmem:s0+$0x8060] =	vst.add.f32.msk $0xffff, v7  }
0x90: {  	[tilespmem:s0+$0xA060] =	vst.add.f32.msk $0xffff, v7  }
0x91: {  	[tilespmem:s0+$0x4070] =	vst.add.f32.msk $0xffff, v0  }
0x92: {  	s2 =	simm.s32 $0x0;
	s3 =	sadd.s32 $0x1000, s30;
	[tilespmem:s0+$0x6070] =	vst.add.f32.msk $0xffff, v0  }
.LBB2_3:
0x93: {  	s2 =	sadd.s32 $0x8, s2;
	[tilespmem:s0+$0x8070] =	vst.add.f32.msk $0xffff, v0;
	s0 =	sshra.s32 s3, $0x2  }
0x94: {  	v0 =	vld [tilespmem:s0+$0x70];
	p0 =	slt.u32 s2, $0x38  }
0x95: {  	v1 =	vld [tilespmem:s0+$0x0]  }
0x96: {  	v2 =	vld [tilespmem:s0+$0x10]  }
0x97: {  	v3 =	vld [tilespmem:s0+$0x20]  }
0x98: {  	v4 =	vld [tilespmem:s0+$0x30]  }
0x99: {  	[tilespmem:s0+$0xA070] =	vst.add.f32.msk $0xffff, v0  }
0x9a: {  	v5 =	vld [tilespmem:s0+$0x40]  }
0x9b: {  	v6 =	vld [tilespmem:s0+$0x50]  }
0x9c: {  	v7 =	vld [tilespmem:s0+$0x60]  }
0x9d: {  	[tilespmem:s0+$0x4000] =	vst.add.f32.msk $0xffff, v1  }
0x9e: {  	[tilespmem:s0+$0x6000] =	vst.add.f32.msk $0xffff, v1  }
0x9f: {  	[tilespmem:s0+$0x8000] =	vst.add.f32.msk $0xffff, v1  }
0xa0: {  	[tilespmem:s0+$0xA000] =	vst.add.f32.msk $0xffff, v1  }
0xa1: {  	[tilespmem:s0+$0x4010] =	vst.add.f32.msk $0xffff, v2  }
0xa2: {  	[tilespmem:s0+$0x6010] =	vst.add.f32.msk $0xffff, v2  }
0xa3: {  	[tilespmem:s0+$0x8010] =	vst.add.f32.msk $0xffff, v2  }
0xa4: {  	[tilespmem:s0+$0xA010] =	vst.add.f32.msk $0xffff, v2  }
0xa5: {  	[tilespmem:s0+$0x4020] =	vst.add.f32.msk $0xffff, v3  }
0xa6: {  	[tilespmem:s0+$0x6020] =	vst.add.f32.msk $0xffff, v3  }
0xa7: {  	[tilespmem:s0+$0x8020] =	vst.add.f32.msk $0xffff, v3  }
0xa8: {  	[tilespmem:s0+$0xA020] =	vst.add.f32.msk $0xffff, v3  }
0xa9: {  	[tilespmem:s0+$0x4030] =	vst.add.f32.msk $0xffff, v4  }
0xaa: {  	[tilespmem:s0+$0x6030] =	vst.add.f32.msk $0xffff, v4  }
0xab: {  	[tilespmem:s0+$0x8030] =	vst.add.f32.msk $0xffff, v4  }
0xac: {  	[tilespmem:s0+$0xA030] =	vst.add.f32.msk $0xffff, v4  }
0xad: {  	[tilespmem:s0+$0x4040] =	vst.add.f32.msk $0xffff, v5  }
0xae: {  	[tilespmem:s0+$0x6040] =	vst.add.f32.msk $0xffff, v5  }
0xaf: {  	[tilespmem:s0+$0x8040] =	vst.add.f32.msk $0xffff, v5  }
0xb0: {  	[tilespmem:s0+$0xA040] =	vst.add.f32.msk $0xffff, v5  }
0xb1: {  	[tilespmem:s0+$0x4050] =	vst.add.f32.msk $0xffff, v6  }
0xb2: {  	[tilespmem:s0+$0x6050] =	vst.add.f32.msk $0xffff, v6  }
0xb3: {  	[tilespmem:s0+$0x8050] =	vst.add.f32.msk $0xffff, v6  }
0xb4: {  	[tilespmem:s0+$0xA050] =	vst.add.f32.msk $0xffff, v6  }
0xb5: {  	[tilespmem:s0+$0x4060] =	vst.add.f32.msk $0xffff, v7  }
.Ltmp0:
0xb6: {  	[tilespmem:s0+$0x6060] =	vst.add.f32.msk $0xffff, v7;
	(pc) =	sbr.rel @p0 .LBB2_3-.Ltmp0, $4  }
0xb7: {  	[tilespmem:s0+$0x8060] =	vst.add.f32.msk $0xffff, v7  }
0xb8: {  	[tilespmem:s0+$0xA060] =	vst.add.f32.msk $0xffff, v7  }
0xb9: {  	[tilespmem:s0+$0x4070] =	vst.add.f32.msk $0xffff, v0  }
0xba: {  	s3 =	sadd.s32 $0x1000, s3;
	[tilespmem:s0+$0x6070] =	vst.add.f32.msk $0xffff, v0  }
0xbb: {  	s31 =	sadd.s32 $0x1, s31  }
0xbc: {  	p0 =	sne.s32 s31, $0x8  }
.Ltmp1:
0xbd: {  	_ = 	snop;
	(pc) =	sbr.rel @p0 .LBB2_2-.Ltmp1, $2  }
0xbe: {  	_ =	sdelay $0x2  }
0xbf: {  	[tilespmem:s0+$0x8070] =	vst.add.f32.msk $0xffff, v0;
	s30 =	sadd.s32 $0x200, s30  }
0xc0: {  	s0 =	sld [smem:$0x7F7];
	_ =	sdelay $0x1  }
0xc1: {  	s30 =	simm.s32 $0x0  }
0xc2: {  	[hbm4b:s0+s30] =	stream.linear.scatter [tilespmem:s15], [sflag:$0x3], $0x2000, $0x38;
	[tilespmem:$0x14000] =	vst v63  }
0xc3: {  	s2 =	rddreg [dreg:$0xc]  }
0xc4: {  	[hbm4b:s2+s30] =	stream.linear.scatter [tilespmem:s16], [sflag:$0x3], $0x2000, $0x38;
	[tilespmem:$0x14000] =	vst v63  }
0xc5: {  	s3 =	rddreg [dreg:$0xd]  }
0xc6: {  	[hbm4b:s3+s30] =	stream.linear.scatter [tilespmem:s17], [sflag:$0x3], $0x2000, $0x38;
	[tilespmem:$0x14000] =	vst v63  }
0xc7: {  	s2 =	rddreg [dreg:$0xe]  }
0xc8: {  	[hbm4b:s2+s30] =	stream.linear.scatter [tilespmem:s18], [sflag:$0x3], $0x2000, $0x38;
	[tilespmem:$0x14000] =	vst v63  }
0xc9: {  	_ =	swait.ge [sflag:s25], $0x2000  }
0xca: {  	[sflag:s25] =	ssyncset.done $0x0  }
0xcb: {  	[sflag:s25] =	ssyncadd.s32 $0xFFFFE000  }
0xcc: {  	_ =	swait.ge [sflag:s25], $0x2000  }
0xcd: {  	[sflag:s25] =	ssyncset.done $0x0  }
0xce: {  	[sflag:s25] =	ssyncadd.s32 $0xFFFFE000  }
0xcf: {  	_ =	swait.ge [sflag:s25], $0x2000  }
0xd0: {  	[sflag:s25] =	ssyncset.done $0x0  }
0xd1: {  	[sflag:s25] =	ssyncadd.s32 $0xFFFFE000  }
0xd2: {  	_ =	swait.ge [sflag:s25], $0x2000  }
0xd3: {  	[sflag:s25] =	ssyncset.done $0x0  }
0xd4: {  	s3 =	rddreg [dreg:$0xf];
	[sflag:s25] =	ssyncadd.s32 $0xFFFFE000  }
0xd5: {  	[tilespmem:s30], [sflag:$0x1] =	stream.linear.gather [hbm4b:s3+s30], $0x2000, $0x38;
	[tilespmem:$0x14000] =	vst v63  }
0xd6: {  	s2 =	rddreg [dreg:$0x10]  }
0xd7: {  	[tilespmem:s15], [sflag:$0x1] =	stream.linear.gather [hbm4b:s2+s30], $0x2000, $0x38;
	[tilespmem:$0x14000] =	vst v63  }
0xd8: {  	s3 =	rddreg [dreg:$0x16]  }
0xd9: {  	[tilespmem:s16], [sflag:$0x1] =	stream.linear.gather [hbm4b:s3+s30], $0x2000, $0x38;
	[tilespmem:$0x14000] =	vst v63  }
0xda: {  	s2 =	rddreg [dreg:$0x18]  }
0xdb: {  	[tilespmem:s17], [sflag:$0x1] =	stream.linear.gather [hbm4b:s2+s30], $0x2000, $0x38;
	[tilespmem:$0x14000] =	vst v63  }
0xdc: {  	s3 =	rddreg [dreg:$0x1a]  }
0xdd: {  	[tilespmem:s18], [sflag:$0x1] =	stream.linear.gather [hbm4b:s3+s30], $0x2000, $0x38;
	[tilespmem:$0x14000] =	vst v63  }
0xde: {  	_ =	swait.ge [sflag:s26], $0x2000  }
0xdf: {  	[sflag:s26] =	ssyncset.done $0x0  }
0xe0: {  	[sflag:s26] =	ssyncadd.s32 $0xFFFFE000  }
0xe1: {  	_ =	swait.ge [sflag:s26], $0x2000  }
0xe2: {  	[sflag:s26] =	ssyncset.done $0x0  }
0xe3: {  	[sflag:s26] =	ssyncadd.s32 $0xFFFFE000  }
0xe4: {  	_ =	swait.ge [sflag:s26], $0x2000  }
0xe5: {  	[sflag:s26] =	ssyncset.done $0x0  }
0xe6: {  	[sflag:s26] =	ssyncadd.s32 $0xFFFFE000  }
0xe7: {  	_ =	swait.ge [sflag:s26], $0x2000  }
0xe8: {  	[sflag:s26] =	ssyncset.done $0x0  }
0xe9: {  	[sflag:s26] =	ssyncadd.s32 $0xFFFFE000  }
0xea: {  	_ =	swait.ge [sflag:s26], $0x2000  }
0xeb: {  	[sflag:s26] =	ssyncset.done $0x0  }
0xec: {  	s31 =	simm.s32 $0x0;
	[sflag:s26] =	ssyncadd.s32 $0xFFFFE000  }
.LBB2_6:
0xed: {  	s0 =	sshra.s32 s30, $0x2  }
0xee: {  	v0 =	vld [tilespmem:s0+$0x2070]  }
0xef: {  	v1 =	vld [tilespmem:s0+$0x2000]  }
0xf0: {  	v2 =	vld [tilespmem:s0+$0x2010]  }
0xf1: {  	v3 =	vld [tilespmem:s0+$0x2020]  }
0xf2: {  	v4 =	vld [tilespmem:s0+$0x2030]  }
0xf3: {  	v5 =	vld [tilespmem:s0+$0x2040]  }
0xf4: {  	v6 =	vld [tilespmem:s0+$0x2050]  }
0xf5: {  	v7 =	vld [tilespmem:s0+$0x2060]  }
0xf6: {  	[tilespmem:s0+$0x12070] =	vst.add.f32.msk $0xffff, v0  }
0xf7: {  	[tilespmem:s0+$0xC000] =	vst.add.f32.msk $0xffff, v1  }
0xf8: {  	[tilespmem:s0+$0xE000] =	vst.add.f32.msk $0xffff, v1  }
0xf9: {  	[tilespmem:s0+$0x10000] =	vst.add.f32.msk $0xffff, v1  }
0xfa: {  	[tilespmem:s0+$0x12000] =	vst.add.f32.msk $0xffff, v1  }
0xfb: {  	[tilespmem:s0+$0xC010] =	vst.add.f32.msk $0xffff, v2  }
0xfc: {  	[tilespmem:s0+$0xE010] =	vst.add.f32.msk $0xffff, v2  }
0xfd: {  	[tilespmem:s0+$0x10010] =	vst.add.f32.msk $0xffff, v2  }
0xfe: {  	[tilespmem:s0+$0x12010] =	vst.add.f32.msk $0xffff, v2  }
0xff: {  	[tilespmem:s0+$0xC020] =	vst.add.f32.msk $0xffff, v3  }
0x100: {  	[tilespmem:s0+$0xE020] =	vst.add.f32.msk $0xffff, v3  }
0x101: {  	[tilespmem:s0+$0x10020] =	vst.add.f32.msk $0xffff, v3  }
0x102: {  	[tilespmem:s0+$0x12020] =	vst.add.f32.msk $0xffff, v3  }
0x103: {  	[tilespmem:s0+$0xC030] =	vst.add.f32.msk $0xffff, v4  }
0x104: {  	[tilespmem:s0+$0xE030] =	vst.add.f32.msk $0xffff, v4  }
0x105: {  	[tilespmem:s0+$0x10030] =	vst.add.f32.msk $0xffff, v4  }
0x106: {  	[tilespmem:s0+$0x12030] =	vst.add.f32.msk $0xffff, v4  }
0x107: {  	[tilespmem:s0+$0xC040] =	vst.add.f32.msk $0xffff, v5  }
0x108: {  	[tilespmem:s0+$0xE040] =	vst.add.f32.msk $0xffff, v5  }
0x109: {  	[tilespmem:s0+$0x10040] =	vst.add.f32.msk $0xffff, v5  }
0x10a: {  	[tilespmem:s0+$0x12040] =	vst.add.f32.msk $0xffff, v5  }
0x10b: {  	[tilespmem:s0+$0xC050] =	vst.add.f32.msk $0xffff, v6  }
0x10c: {  	[tilespmem:s0+$0xE050] =	vst.add.f32.msk $0xffff, v6  }
0x10d: {  	[tilespmem:s0+$0x10050] =	vst.add.f32.msk $0xffff, v6  }
0x10e: {  	[tilespmem:s0+$0x12050] =	vst.add.f32.msk $0xffff, v6  }
0x10f: {  	[tilespmem:s0+$0xC060] =	vst.add.f32.msk $0xffff, v7  }
0x110: {  	[tilespmem:s0+$0xE060] =	vst.add.f32.msk $0xffff, v7  }
0x111: {  	[tilespmem:s0+$0x10060] =	vst.add.f32.msk $0xffff, v7  }
0x112: {  	[tilespmem:s0+$0x12060] =	vst.add.f32.msk $0xffff, v7  }
0x113: {  	[tilespmem:s0+$0xC070] =	vst.add.f32.msk $0xffff, v0  }
0x114: {  	s2 =	simm.s32 $0x0;
	s3 =	sadd.s32 $0x1000, s30;
	[tilespmem:s0+$0xE070] =	vst.add.f32.msk $0xffff, v0  }
.LBB2_7:
0x115: {  	s2 =	sadd.s32 $0x8, s2;
	[tilespmem:s0+$0x10070] =	vst.add.f32.msk $0xffff, v0;
	s0 =	sshra.s32 s3, $0x2  }
0x116: {  	v0 =	vld [tilespmem:s0+$0x2070];
	p0 =	slt.u32 s2, $0x38  }
0x117: {  	v1 =	vld [tilespmem:s0+$0x2000]  }
0x118: {  	v2 =	vld [tilespmem:s0+$0x2010]  }
0x119: {  	v3 =	vld [tilespmem:s0+$0x2020]  }
0x11a: {  	v4 =	vld [tilespmem:s0+$0x2030]  }
0x11b: {  	[tilespmem:s0+$0x12070] =	vst.add.f32.msk $0xffff, v0  }
0x11c: {  	v5 =	vld [tilespmem:s0+$0x2040]  }
0x11d: {  	v6 =	vld [tilespmem:s0+$0x2050]  }
0x11e: {  	v7 =	vld [tilespmem:s0+$0x2060]  }
0x11f: {  	[tilespmem:s0+$0xC000] =	vst.add.f32.msk $0xffff, v1  }
0x120: {  	[tilespmem:s0+$0xE000] =	vst.add.f32.msk $0xffff, v1  }
0x121: {  	[tilespmem:s0+$0x10000] =	vst.add.f32.msk $0xffff, v1  }
0x122: {  	[tilespmem:s0+$0x12000] =	vst.add.f32.msk $0xffff, v1  }
0x123: {  	[tilespmem:s0+$0xC010] =	vst.add.f32.msk $0xffff, v2  }
0x124: {  	[tilespmem:s0+$0xE010] =	vst.add.f32.msk $0xffff, v2  }
0x125: {  	[tilespmem:s0+$0x10010] =	vst.add.f32.msk $0xffff, v2  }
0x126: {  	[tilespmem:s0+$0x12010] =	vst.add.f32.msk $0xffff, v2  }
0x127: {  	[tilespmem:s0+$0xC020] =	vst.add.f32.msk $0xffff, v3  }
0x128: {  	[tilespmem:s0+$0xE020] =	vst.add.f32.msk $0xffff, v3  }
0x129: {  	[tilespmem:s0+$0x10020] =	vst.add.f32.msk $0xffff, v3  }
0x12a: {  	[tilespmem:s0+$0x12020] =	vst.add.f32.msk $0xffff, v3  }
0x12b: {  	[tilespmem:s0+$0xC030] =	vst.add.f32.msk $0xffff, v4  }
0x12c: {  	[tilespmem:s0+$0xE030] =	vst.add.f32.msk $0xffff, v4  }
0x12d: {  	[tilespmem:s0+$0x10030] =	vst.add.f32.msk $0xffff, v4  }
0x12e: {  	[tilespmem:s0+$0x12030] =	vst.add.f32.msk $0xffff, v4  }
0x12f: {  	[tilespmem:s0+$0xC040] =	vst.add.f32.msk $0xffff, v5  }
0x130: {  	[tilespmem:s0+$0xE040] =	vst.add.f32.msk $0xffff, v5  }
0x131: {  	[tilespmem:s0+$0x10040] =	vst.add.f32.msk $0xffff, v5  }
0x132: {  	[tilespmem:s0+$0x12040] =	vst.add.f32.msk $0xffff, v5  }
0x133: {  	[tilespmem:s0+$0xC050] =	vst.add.f32.msk $0xffff, v6  }
0x134: {  	[tilespmem:s0+$0xE050] =	vst.add.f32.msk $0xffff, v6  }
0x135: {  	[tilespmem:s0+$0x10050] =	vst.add.f32.msk $0xffff, v6  }
0x136: {  	[tilespmem:s0+$0x12050] =	vst.add.f32.msk $0xffff, v6  }
0x137: {  	[tilespmem:s0+$0xC060] =	vst.add.f32.msk $0xffff, v7  }
.Ltmp2:
0x138: {  	[tilespmem:s0+$0xE060] =	vst.add.f32.msk $0xffff, v7;
	(pc) =	sbr.rel @p0 .LBB2_7-.Ltmp2, $4  }
0x139: {  	[tilespmem:s0+$0x10060] =	vst.add.f32.msk $0xffff, v7  }
0x13a: {  	[tilespmem:s0+$0x12060] =	vst.add.f32.msk $0xffff, v7  }
0x13b: {  	[tilespmem:s0+$0xC070] =	vst.add.f32.msk $0xffff, v0  }
0x13c: {  	s3 =	sadd.s32 $0x1000, s3;
	[tilespmem:s0+$0xE070] =	vst.add.f32.msk $0xffff, v0  }
0x13d: {  	s31 =	sadd.s32 $0x1, s31  }
0x13e: {  	p0 =	sne.s32 s31, $0x8  }
.Ltmp3:
0x13f: {  	_ = 	snop;
	(pc) =	sbr.rel @p0 .LBB2_6-.Ltmp3, $2  }
0x140: {  	_ =	sdelay $0x2  }
0x141: {  	[tilespmem:s0+$0x10070] =	vst.add.f32.msk $0xffff, v0;
	s30 =	sadd.s32 $0x200, s30  }
0x142: {  	s30 =	simm.s32 $0x0;
	s0 =	rddreg [dreg:$0x11]  }
0x143: {  	[hbm4b:s0+s30] =	stream.linear.scatter [tilespmem:s20], [sflag:$0x4], $0x2000, $0x38;
	[tilespmem:$0x14000] =	vst v63  }
0x144: {  	s2 =	rddreg [dreg:$0x12]  }
0x145: {  	[hbm4b:s2+s30] =	stream.linear.scatter [tilespmem:s21], [sflag:$0x4], $0x2000, $0x38;
	[tilespmem:$0x14000] =	vst v63  }
0x146: {  	s3 =	rddreg [dreg:$0x13]  }
0x147: {  	[hbm4b:s3+s30] =	stream.linear.scatter [tilespmem:s22], [sflag:$0x4], $0x2000, $0x38;
	[tilespmem:$0x14000] =	vst v63  }
0x148: {  	s2 =	rddreg [dreg:$0x14]  }
0x149: {  	[hbm4b:s2+s30] =	stream.linear.scatter [tilespmem:s23], [sflag:$0x4], $0x2000, $0x38;
	[tilespmem:$0x14000] =	vst v63  }
0x14a: {  	_ =	swait.ge [sflag:s28], $0x2000  }
0x14b: {  	[sflag:s28] =	ssyncset.done $0x0  }
0x14c: {  	[sflag:s28] =	ssyncadd.s32 $0xFFFFE000  }
0x14d: {  	_ =	swait.ge [sflag:s28], $0x2000  }
0x14e: {  	[sflag:s28] =	ssyncset.done $0x0  }
0x14f: {  	[sflag:s28] =	ssyncadd.s32 $0xFFFFE000  }
0x150: {  	_ =	swait.ge [sflag:s28], $0x2000  }
0x151: {  	[sflag:s28] =	ssyncset.done $0x0  }
0x152: {  	[sflag:s28] =	ssyncadd.s32 $0xFFFFE000  }
0x153: {  	_ =	swait.ge [sflag:s28], $0x2000  }
0x154: {  	[sflag:s28] =	ssyncset.done $0x0;
	s3 =	rddreg [dreg:$0x1c]  }
0x155: {  	s2 =	rddreg [dreg:$0x1d];
	[sflag:s28] =	ssyncadd.s32 $0xFFFFE000  }
0x156: {  	[tilespmem:s19], [sflag:$0x2] =	stream.linear.gather [hbm4b:s3+s30], $0x2000, $0x38;
	[tilespmem:$0x14000] =	vst v63  }
0x157: {  	s3 =	rddreg [dreg:$0x1f]  }
0x158: {  	[tilespmem:s20], [sflag:$0x2] =	stream.linear.gather [hbm4b:s2+s30], $0x2000, $0x38;
	[tilespmem:$0x14000] =	vst v63  }
0x159: {  	s2 =	sld [smem:$0x7DD]  }
0x15a: {  	[tilespmem:s21], [sflag:$0x2] =	stream.linear.gather [hbm4b:s3+s30], $0x2000, $0x38;
	[tilespmem:$0x14000] =	vst v63  }
0x15b: {  	s3 =	sld [smem:$0x7DF]  }
0x15c: {  	[tilespmem:s22], [sflag:$0x2] =	stream.linear.gather [hbm4b:s2+s30], $0x2000, $0x38;
	[tilespmem:$0x14000] =	vst v63  }
0x15d: {  	_ = 	snop  }
0x15e: {  	[tilespmem:s23], [sflag:$0x2] =	stream.linear.gather [hbm4b:s3+s30], $0x2000, $0x38;
	[tilespmem:$0x14000] =	vst v63  }
0x15f: {  	_ =	swait.ge [sflag:s24], $0x2000  }
0x160: {  	[sflag:s24] =	ssyncset.done $0x0  }
0x161: {  	[sflag:s24] =	ssyncadd.s32 $0xFFFFE000  }
0x162: {  	_ =	swait.ge [sflag:s24], $0x2000  }
0x163: {  	[sflag:s24] =	ssyncset.done $0x0  }
0x164: {  	[sflag:s24] =	ssyncadd.s32 $0xFFFFE000  }
0x165: {  	_ =	swait.ge [sflag:s24], $0x2000  }
0x166: {  	[sflag:s24] =	ssyncset.done $0x0  }
0x167: {  	[sflag:s24] =	ssyncadd.s32 $0xFFFFE000  }
0x168: {  	_ =	swait.ge [sflag:s24], $0x2000  }
0x169: {  	[sflag:s24] =	ssyncset.done $0x0  }
0x16a: {  	[sflag:s24] =	ssyncadd.s32 $0xFFFFE000  }
0x16b: {  	_ =	swait.ge [sflag:s24], $0x2000  }
0x16c: {  	[sflag:s24] =	ssyncset.done $0x0  }
0x16d: {  	s31 =	simm.s32 $0x0;
	[sflag:s24] =	ssyncadd.s32 $0xFFFFE000  }
.LBB2_10:
0x16e: {  	s0 =	sshra.s32 s30, $0x2  }
0x16f: {  	v0 =	vld [tilespmem:s0+$0x70]  }
0x170: {  	v1 =	vld [tilespmem:s0+$0x0]  }
0x171: {  	v2 =	vld [tilespmem:s0+$0x10]  }
0x172: {  	v3 =	vld [tilespmem:s0+$0x20]  }
0x173: {  	v4 =	vld [tilespmem:s0+$0x30]  }
0x174: {  	v5 =	vld [tilespmem:s0+$0x40]  }
0x175: {  	v6 =	vld [tilespmem:s0+$0x50]  }
0x176: {  	v7 =	vld [tilespmem:s0+$0x60]  }
0x177: {  	[tilespmem:s0+$0xA070] =	vst.add.f32.msk $0xffff, v0  }
0x178: {  	[tilespmem:s0+$0x4000] =	vst.add.f32.msk $0xffff, v1  }
0x179: {  	[tilespmem:s0+$0x6000] =	vst.add.f32.msk $0xffff, v1  }
0x17a: {  	[tilespmem:s0+$0x8000] =	vst.add.f32.msk $0xffff, v1  }
0x17b: {  	[tilespmem:s0+$0xA000] =	vst.add.f32.msk $0xffff, v1  }
0x17c: {  	[tilespmem:s0+$0x4010] =	vst.add.f32.msk $0xffff, v2  }
0x17d: {  	[tilespmem:s0+$0x6010] =	vst.add.f32.msk $0xffff, v2  }
0x17e: {  	[tilespmem:s0+$0x8010] =	vst.add.f32.msk $0xffff, v2  }
0x17f: {  	[tilespmem:s0+$0xA010] =	vst.add.f32.msk $0xffff, v2  }
0x180: {  	[tilespmem:s0+$0x4020] =	vst.add.f32.msk $0xffff, v3  }
0x181: {  	[tilespmem:s0+$0x6020] =	vst.add.f32.msk $0xffff, v3  }
0x182: {  	[tilespmem:s0+$0x8020] =	vst.add.f32.msk $0xffff, v3  }
0x183: {  	[tilespmem:s0+$0xA020] =	vst.add.f32.msk $0xffff, v3  }
0x184: {  	[tilespmem:s0+$0x4030] =	vst.add.f32.msk $0xffff, v4  }
0x185: {  	[tilespmem:s0+$0x6030] =	vst.add.f32.msk $0xffff, v4  }
0x186: {  	[tilespmem:s0+$0x8030] =	vst.add.f32.msk $0xffff, v4  }
0x187: {  	[tilespmem:s0+$0xA030] =	vst.add.f32.msk $0xffff, v4  }
0x188: {  	[tilespmem:s0+$0x4040] =	vst.add.f32.msk $0xffff, v5  }
0x189: {  	[tilespmem:s0+$0x6040] =	vst.add.f32.msk $0xffff, v5  }
0x18a: {  	[tilespmem:s0+$0x8040] =	vst.add.f32.msk $0xffff, v5  }
0x18b: {  	[tilespmem:s0+$0xA040] =	vst.add.f32.msk $0xffff, v5  }
0x18c: {  	[tilespmem:s0+$0x4050] =	vst.add.f32.msk $0xffff, v6  }
0x18d: {  	[tilespmem:s0+$0x6050] =	vst.add.f32.msk $0xffff, v6  }
0x18e: {  	[tilespmem:s0+$0x8050] =	vst.add.f32.msk $0xffff, v6  }
0x18f: {  	[tilespmem:s0+$0xA050] =	vst.add.f32.msk $0xffff, v6  }
0x190: {  	[tilespmem:s0+$0x4060] =	vst.add.f32.msk $0xffff, v7  }
0x191: {  	[tilespmem:s0+$0x6060] =	vst.add.f32.msk $0xffff, v7  }
0x192: {  	[tilespmem:s0+$0x8060] =	vst.add.f32.msk $0xffff, v7  }
0x193: {  	[tilespmem:s0+$0xA060] =	vst.add.f32.msk $0xffff, v7  }
0x194: {  	[tilespmem:s0+$0x4070] =	vst.add.f32.msk $0xffff, v0  }
0x195: {  	s2 =	simm.s32 $0x0;
	s3 =	sadd.s32 $0x1000, s30;
	[tilespmem:s0+$0x6070] =	vst.add.f32.msk $0xffff, v0  }
.LBB2_11:
0x196: {  	s2 =	sadd.s32 $0x8, s2;
	[tilespmem:s0+$0x8070] =	vst.add.f32.msk $0xffff, v0;
	s0 =	sshra.s32 s3, $0x2  }
0x197: {  	v0 =	vld [tilespmem:s0+$0x70];
	p0 =	slt.u32 s2, $0x38  }
0x198: {  	v1 =	vld [tilespmem:s0+$0x0]  }
0x199: {  	v2 =	vld [tilespmem:s0+$0x10]  }
0x19a: {  	v3 =	vld [tilespmem:s0+$0x20]  }
0x19b: {  	v4 =	vld [tilespmem:s0+$0x30]  }
0x19c: {  	[tilespmem:s0+$0xA070] =	vst.add.f32.msk $0xffff, v0  }
0x19d: {  	v5 =	vld [tilespmem:s0+$0x40]  }
0x19e: {  	v6 =	vld [tilespmem:s0+$0x50]  }
0x19f: {  	v7 =	vld [tilespmem:s0+$0x60]  }
0x1a0: {  	[tilespmem:s0+$0x4000] =	vst.add.f32.msk $0xffff, v1  }
0x1a1: {  	[tilespmem:s0+$0x6000] =	vst.add.f32.msk $0xffff, v1  }
0x1a2: {  	[tilespmem:s0+$0x8000] =	vst.add.f32.msk $0xffff, v1  }
0x1a3: {  	[tilespmem:s0+$0xA000] =	vst.add.f32.msk $0xffff, v1  }
0x1a4: {  	[tilespmem:s0+$0x4010] =	vst.add.f32.msk $0xffff, v2  }
0x1a5: {  	[tilespmem:s0+$0x6010] =	vst.add.f32.msk $0xffff, v2  }
0x1a6: {  	[tilespmem:s0+$0x8010] =	vst.add.f32.msk $0xffff, v2  }
0x1a7: {  	[tilespmem:s0+$0xA010] =	vst.add.f32.msk $0xffff, v2  }
0x1a8: {  	[tilespmem:s0+$0x4020] =	vst.add.f32.msk $0xffff, v3  }
0x1a9: {  	[tilespmem:s0+$0x6020] =	vst.add.f32.msk $0xffff, v3  }
0x1aa: {  	[tilespmem:s0+$0x8020] =	vst.add.f32.msk $0xffff, v3  }
0x1ab: {  	[tilespmem:s0+$0xA020] =	vst.add.f32.msk $0xffff, v3  }
0x1ac: {  	[tilespmem:s0+$0x4030] =	vst.add.f32.msk $0xffff, v4  }
0x1ad: {  	[tilespmem:s0+$0x6030] =	vst.add.f32.msk $0xffff, v4  }
0x1ae: {  	[tilespmem:s0+$0x8030] =	vst.add.f32.msk $0xffff, v4  }
0x1af: {  	[tilespmem:s0+$0xA030] =	vst.add.f32.msk $0xffff, v4  }
0x1b0: {  	[tilespmem:s0+$0x4040] =	vst.add.f32.msk $0xffff, v5  }
0x1b1: {  	[tilespmem:s0+$0x6040] =	vst.add.f32.msk $0xffff, v5  }
0x1b2: {  	[tilespmem:s0+$0x8040] =	vst.add.f32.msk $0xffff, v5  }
0x1b3: {  	[tilespmem:s0+$0xA040] =	vst.add.f32.msk $0xffff, v5  }
0x1b4: {  	[tilespmem:s0+$0x4050] =	vst.add.f32.msk $0xffff, v6  }
0x1b5: {  	[tilespmem:s0+$0x6050] =	vst.add.f32.msk $0xffff, v6  }
0x1b6: {  	[tilespmem:s0+$0x8050] =	vst.add.f32.msk $0xffff, v6  }
0x1b7: {  	[tilespmem:s0+$0xA050] =	vst.add.f32.msk $0xffff, v6  }
0x1b8: {  	[tilespmem:s0+$0x4060] =	vst.add.f32.msk $0xffff, v7  }
.Ltmp4:
0x1b9: {  	[tilespmem:s0+$0x6060] =	vst.add.f32.msk $0xffff, v7;
	(pc) =	sbr.rel @p0 .LBB2_11-.Ltmp4, $4  }
0x1ba: {  	[tilespmem:s0+$0x8060] =	vst.add.f32.msk $0xffff, v7  }
0x1bb: {  	[tilespmem:s0+$0xA060] =	vst.add.f32.msk $0xffff, v7  }
0x1bc: {  	[tilespmem:s0+$0x4070] =	vst.add.f32.msk $0xffff, v0  }
0x1bd: {  	s3 =	sadd.s32 $0x1000, s3;
	[tilespmem:s0+$0x6070] =	vst.add.f32.msk $0xffff, v0  }
0x1be: {  	s31 =	sadd.s32 $0x1, s31  }
0x1bf: {  	p0 =	sne.s32 s31, $0x8  }
.Ltmp5:
0x1c0: {  	_ = 	snop;
	(pc) =	sbr.rel @p0 .LBB2_10-.Ltmp5, $2  }
0x1c1: {  	_ =	sdelay $0x2  }
0x1c2: {  	[tilespmem:s0+$0x8070] =	vst.add.f32.msk $0xffff, v0;
	s30 =	sadd.s32 $0x200, s30  }
0x1c3: {  	s30 =	simm.s32 $0x0;
	s0 =	rddreg [dreg:$0x15]  }
0x1c4: {  	[hbm4b:s0+s30] =	stream.linear.scatter [tilespmem:s15], [sflag:$0x3], $0x2000, $0x38;
	[tilespmem:$0x14000] =	vst v63  }
0x1c5: {  	s2 =	rddreg [dreg:$0x17]  }
0x1c6: {  	[hbm4b:s2+s30] =	stream.linear.scatter [tilespmem:s16], [sflag:$0x3], $0x2000, $0x38;
	[tilespmem:$0x14000] =	vst v63  }
0x1c7: {  	s3 =	rddreg [dreg:$0x19]  }
0x1c8: {  	[hbm4b:s3+s30] =	stream.linear.scatter [tilespmem:s17], [sflag:$0x3], $0x2000, $0x38;
	[tilespmem:$0x14000] =	vst v63  }
0x1c9: {  	s2 =	rddreg [dreg:$0x1b]  }
0x1ca: {  	[hbm4b:s2+s30] =	stream.linear.scatter [tilespmem:s18], [sflag:$0x3], $0x2000, $0x38;
	[tilespmem:$0x14000] =	vst v63  }
0x1cb: {  	_ =	swait.ge [sflag:s25], $0x2000  }
0x1cc: {  	[sflag:s25] =	ssyncset.done $0x0  }
0x1cd: {  	[sflag:s25] =	ssyncadd.s32 $0xFFFFE000  }
0x1ce: {  	_ =	swait.ge [sflag:s25], $0x2000  }
0x1cf: {  	[sflag:s25] =	ssyncset.done $0x0  }
0x1d0: {  	[sflag:s25] =	ssyncadd.s32 $0xFFFFE000  }
0x1d1: {  	_ =	swait.ge [sflag:s25], $0x2000  }
0x1d2: {  	[sflag:s25] =	ssyncset.done $0x0  }
0x1d3: {  	[sflag:s25] =	ssyncadd.s32 $0xFFFFE000  }
0x1d4: {  	_ =	swait.ge [sflag:s25], $0x2000  }
0x1d5: {  	s3 =	sld [smem:$0x7E1]  }
0x1d6: {  	[sflag:s25] =	ssyncset.done $0x0  }
0x1d7: {  	s2 =	sld [smem:$0x7E2];
	[sflag:s25] =	ssyncadd.s32 $0xFFFFE000  }
0x1d8: {  	[tilespmem:s30], [sflag:$0x1] =	stream.linear.gather [hbm4b:s3+s30], $0x2000, $0x38;
	[tilespmem:$0x14000] =	vst v63  }
0x1d9: {  	s3 =	sld [smem:$0x7E4]  }
0x1da: {  	[tilespmem:s15], [sflag:$0x1] =	stream.linear.gather [hbm4b:s2+s30], $0x2000, $0x38;
	[tilespmem:$0x14000] =	vst v63  }
0x1db: {  	s2 =	sld [smem:$0x7E6]  }
0x1dc: {  	[tilespmem:s16], [sflag:$0x1] =	stream.linear.gather [hbm4b:s3+s30], $0x2000, $0x38;
	[tilespmem:$0x14000] =	vst v63  }
0x1dd: {  	s3 =	sld [smem:$0x7E8]  }
0x1de: {  	[tilespmem:s17], [sflag:$0x1] =	stream.linear.gather [hbm4b:s2+s30], $0x2000, $0x38;
	[tilespmem:$0x14000] =	vst v63  }
0x1df: {  	_ = 	snop  }
0x1e0: {  	[tilespmem:s18], [sflag:$0x1] =	stream.linear.gather [hbm4b:s3+s30], $0x2000, $0x38;
	[tilespmem:$0x14000] =	vst v63  }
0x1e1: {  	_ =	swait.ge [sflag:s26], $0x2000  }
0x1e2: {  	[sflag:s26] =	ssyncset.done $0x0  }
0x1e3: {  	[sflag:s26] =	ssyncadd.s32 $0xFFFFE000  }
0x1e4: {  	_ =	swait.ge [sflag:s26], $0x2000  }
0x1e5: {  	[sflag:s26] =	ssyncset.done $0x0  }
0x1e6: {  	[sflag:s26] =	ssyncadd.s32 $0xFFFFE000  }
0x1e7: {  	_ =	swait.ge [sflag:s26], $0x2000  }
0x1e8: {  	[sflag:s26] =	ssyncset.done $0x0  }
0x1e9: {  	[sflag:s26] =	ssyncadd.s32 $0xFFFFE000  }
0x1ea: {  	_ =	swait.ge [sflag:s26], $0x2000  }
0x1eb: {  	[sflag:s26] =	ssyncset.done $0x0  }
0x1ec: {  	[sflag:s26] =	ssyncadd.s32 $0xFFFFE000  }
0x1ed: {  	_ =	swait.ge [sflag:s26], $0x2000  }
0x1ee: {  	[sflag:s26] =	ssyncset.done $0x0  }
0x1ef: {  	s31 =	simm.s32 $0x0;
	[sflag:s26] =	ssyncadd.s32 $0xFFFFE000  }
.LBB2_14:
0x1f0: {  	s0 =	sshra.s32 s30, $0x2  }
0x1f1: {  	v0 =	vld [tilespmem:s0+$0x2070]  }
0x1f2: {  	v1 =	vld [tilespmem:s0+$0x2000]  }
0x1f3: {  	v2 =	vld [tilespmem:s0+$0x2010]  }
0x1f4: {  	v3 =	vld [tilespmem:s0+$0x2020]  }
0x1f5: {  	v4 =	vld [tilespmem:s0+$0x2030]  }
0x1f6: {  	v5 =	vld [tilespmem:s0+$0x2040]  }
0x1f7: {  	v6 =	vld [tilespmem:s0+$0x2050]  }
0x1f8: {  	v7 =	vld [tilespmem:s0+$0x2060]  }
0x1f9: {  	[tilespmem:s0+$0x12070] =	vst.add.f32.msk $0xffff, v0  }
0x1fa: {  	[tilespmem:s0+$0xC000] =	vst.add.f32.msk $0xffff, v1  }
0x1fb: {  	[tilespmem:s0+$0xE000] =	vst.add.f32.msk $0xffff, v1  }
0x1fc: {  	[tilespmem:s0+$0x10000] =	vst.add.f32.msk $0xffff, v1  }
0x1fd: {  	[tilespmem:s0+$0x12000] =	vst.add.f32.msk $0xffff, v1  }
0x1fe: {  	[tilespmem:s0+$0xC010] =	vst.add.f32.msk $0xffff, v2  }
0x1ff: {  	[tilespmem:s0+$0xE010] =	vst.add.f32.msk $0xffff, v2  }
0x200: {  	[tilespmem:s0+$0x10010] =	vst.add.f32.msk $0xffff, v2  }
0x201: {  	[tilespmem:s0+$0x12010] =	vst.add.f32.msk $0xffff, v2  }
0x202: {  	[tilespmem:s0+$0xC020] =	vst.add.f32.msk $0xffff, v3  }
0x203: {  	[tilespmem:s0+$0xE020] =	vst.add.f32.msk $0xffff, v3  }
0x204: {  	[tilespmem:s0+$0x10020] =	vst.add.f32.msk $0xffff, v3  }
0x205: {  	[tilespmem:s0+$0x12020] =	vst.add.f32.msk $0xffff, v3  }
0x206: {  	[tilespmem:s0+$0xC030] =	vst.add.f32.msk $0xffff, v4  }
0x207: {  	[tilespmem:s0+$0xE030] =	vst.add.f32.msk $0xffff, v4  }
0x208: {  	[tilespmem:s0+$0x10030] =	vst.add.f32.msk $0xffff, v4  }
0x209: {  	[tilespmem:s0+$0x12030] =	vst.add.f32.msk $0xffff, v4  }
0x20a: {  	[tilespmem:s0+$0xC040] =	vst.add.f32.msk $0xffff, v5  }
0x20b: {  	[tilespmem:s0+$0xE040] =	vst.add.f32.msk $0xffff, v5  }
0x20c: {  	[tilespmem:s0+$0x10040] =	vst.add.f32.msk $0xffff, v5  }
0x20d: {  	[tilespmem:s0+$0x12040] =	vst.add.f32.msk $0xffff, v5  }
0x20e: {  	[tilespmem:s0+$0xC050] =	vst.add.f32.msk $0xffff, v6  }
0x20f: {  	[tilespmem:s0+$0xE050] =	vst.add.f32.msk $0xffff, v6  }
0x210: {  	[tilespmem:s0+$0x10050] =	vst.add.f32.msk $0xffff, v6  }
0x211: {  	[tilespmem:s0+$0x12050] =	vst.add.f32.msk $0xffff, v6  }
0x212: {  	[tilespmem:s0+$0xC060] =	vst.add.f32.msk $0xffff, v7  }
0x213: {  	[tilespmem:s0+$0xE060] =	vst.add.f32.msk $0xffff, v7  }
0x214: {  	[tilespmem:s0+$0x10060] =	vst.add.f32.msk $0xffff, v7  }
0x215: {  	[tilespmem:s0+$0x12060] =	vst.add.f32.msk $0xffff, v7  }
0x216: {  	[tilespmem:s0+$0xC070] =	vst.add.f32.msk $0xffff, v0  }
0x217: {  	s2 =	simm.s32 $0x0;
	s3 =	sadd.s32 $0x1000, s30;
	[tilespmem:s0+$0xE070] =	vst.add.f32.msk $0xffff, v0  }
.LBB2_15:
0x218: {  	s2 =	sadd.s32 $0x8, s2;
	[tilespmem:s0+$0x10070] =	vst.add.f32.msk $0xffff, v0;
	s0 =	sshra.s32 s3, $0x2  }
0x219: {  	v0 =	vld [tilespmem:s0+$0x2070];
	p0 =	slt.u32 s2, $0x38  }
0x21a: {  	v1 =	vld [tilespmem:s0+$0x2000]  }
0x21b: {  	v2 =	vld [tilespmem:s0+$0x2010]  }
0x21c: {  	v3 =	vld [tilespmem:s0+$0x2020]  }
0x21d: {  	v4 =	vld [tilespmem:s0+$0x2030]  }
0x21e: {  	[tilespmem:s0+$0x12070] =	vst.add.f32.msk $0xffff, v0  }
0x21f: {  	v5 =	vld [tilespmem:s0+$0x2040]  }
0x220: {  	v6 =	vld [tilespmem:s0+$0x2050]  }
0x221: {  	v7 =	vld [tilespmem:s0+$0x2060]  }
0x222: {  	[tilespmem:s0+$0xC000] =	vst.add.f32.msk $0xffff, v1  }
0x223: {  	[tilespmem:s0+$0xE000] =	vst.add.f32.msk $0xffff, v1  }
0x224: {  	[tilespmem:s0+$0x10000] =	vst.add.f32.msk $0xffff, v1  }
0x225: {  	[tilespmem:s0+$0x12000] =	vst.add.f32.msk $0xffff, v1  }
0x226: {  	[tilespmem:s0+$0xC010] =	vst.add.f32.msk $0xffff, v2  }
0x227: {  	[tilespmem:s0+$0xE010] =	vst.add.f32.msk $0xffff, v2  }
0x228: {  	[tilespmem:s0+$0x10010] =	vst.add.f32.msk $0xffff, v2  }
0x229: {  	[tilespmem:s0+$0x12010] =	vst.add.f32.msk $0xffff, v2  }
0x22a: {  	[tilespmem:s0+$0xC020] =	vst.add.f32.msk $0xffff, v3  }
0x22b: {  	[tilespmem:s0+$0xE020] =	vst.add.f32.msk $0xffff, v3  }
0x22c: {  	[tilespmem:s0+$0x10020] =	vst.add.f32.msk $0xffff, v3  }
0x22d: {  	[tilespmem:s0+$0x12020] =	vst.add.f32.msk $0xffff, v3  }
0x22e: {  	[tilespmem:s0+$0xC030] =	vst.add.f32.msk $0xffff, v4  }
0x22f: {  	[tilespmem:s0+$0xE030] =	vst.add.f32.msk $0xffff, v4  }
0x230: {  	[tilespmem:s0+$0x10030] =	vst.add.f32.msk $0xffff, v4  }
0x231: {  	[tilespmem:s0+$0x12030] =	vst.add.f32.msk $0xffff, v4  }
0x232: {  	[tilespmem:s0+$0xC040] =	vst.add.f32.msk $0xffff, v5  }
0x233: {  	[tilespmem:s0+$0xE040] =	vst.add.f32.msk $0xffff, v5  }
0x234: {  	[tilespmem:s0+$0x10040] =	vst.add.f32.msk $0xffff, v5  }
0x235: {  	[tilespmem:s0+$0x12040] =	vst.add.f32.msk $0xffff, v5  }
0x236: {  	[tilespmem:s0+$0xC050] =	vst.add.f32.msk $0xffff, v6  }
0x237: {  	[tilespmem:s0+$0xE050] =	vst.add.f32.msk $0xffff, v6  }
0x238: {  	[tilespmem:s0+$0x10050] =	vst.add.f32.msk $0xffff, v6  }
0x239: {  	[tilespmem:s0+$0x12050] =	vst.add.f32.msk $0xffff, v6  }
0x23a: {  	[tilespmem:s0+$0xC060] =	vst.add.f32.msk $0xffff, v7  }
.Ltmp6:
0x23b: {  	[tilespmem:s0+$0xE060] =	vst.add.f32.msk $0xffff, v7;
	(pc) =	sbr.rel @p0 .LBB2_15-.Ltmp6, $4  }
0x23c: {  	[tilespmem:s0+$0x10060] =	vst.add.f32.msk $0xffff, v7  }
0x23d: {  	[tilespmem:s0+$0x12060] =	vst.add.f32.msk $0xffff, v7  }
0x23e: {  	[tilespmem:s0+$0xC070] =	vst.add.f32.msk $0xffff, v0  }
0x23f: {  	s3 =	sadd.s32 $0x1000, s3;
	[tilespmem:s0+$0xE070] =	vst.add.f32.msk $0xffff, v0  }
0x240: {  	s31 =	sadd.s32 $0x1, s31  }
0x241: {  	p0 =	sne.s32 s31, $0x8  }
.Ltmp7:
0x242: {  	_ = 	snop;
	(pc) =	sbr.rel @p0 .LBB2_14-.Ltmp7, $2  }
0x243: {  	_ =	sdelay $0x2  }
0x244: {  	[tilespmem:s0+$0x10070] =	vst.add.f32.msk $0xffff, v0;
	s30 =	sadd.s32 $0x200, s30  }
0x245: {  	s0 =	rddreg [dreg:$0x1e]  }
0x246: {  	s30 =	simm.s32 $0x0;
	s2 =	sld [smem:$0x7DC]  }
0x247: {  	[hbm4b:s0+s30] =	stream.linear.scatter [tilespmem:s20], [sflag:$0x4], $0x2000, $0x38;
	[tilespmem:$0x14000] =	vst v63  }
0x248: {  	s3 =	sld [smem:$0x7DE]  }
0x249: {  	[hbm4b:s2+s30] =	stream.linear.scatter [tilespmem:s21], [sflag:$0x4], $0x2000, $0x38;
	[tilespmem:$0x14000] =	vst v63  }
0x24a: {  	s2 =	sld [smem:$0x7E0]  }
0x24b: {  	[hbm4b:s3+s30] =	stream.linear.scatter [tilespmem:s22], [sflag:$0x4], $0x2000, $0x38;
	[tilespmem:$0x14000] =	vst v63  }
0x24c: {  	_ = 	snop  }
0x24d: {  	[hbm4b:s2+s30] =	stream.linear.scatter [tilespmem:s23], [sflag:$0x4], $0x2000, $0x38;
	[tilespmem:$0x14000] =	vst v63  }
0x24e: {  	_ =	swait.ge [sflag:s28], $0x2000  }
0x24f: {  	[sflag:s28] =	ssyncset.done $0x0  }
0x250: {  	[sflag:s28] =	ssyncadd.s32 $0xFFFFE000  }
0x251: {  	_ =	swait.ge [sflag:s28], $0x2000  }
0x252: {  	[sflag:s28] =	ssyncset.done $0x0  }
0x253: {  	[sflag:s28] =	ssyncadd.s32 $0xFFFFE000  }
0x254: {  	_ =	swait.ge [sflag:s28], $0x2000  }
0x255: {  	[sflag:s28] =	ssyncset.done $0x0  }
0x256: {  	[sflag:s28] =	ssyncadd.s32 $0xFFFFE000  }
0x257: {  	_ =	swait.ge [sflag:s28], $0x2000  }
0x258: {  	s3 =	sld [smem:$0x7EA]  }
0x259: {  	[sflag:s28] =	ssyncset.done $0x0  }
0x25a: {  	s2 =	sld [smem:$0x7EB];
	[sflag:s28] =	ssyncadd.s32 $0xFFFFE000  }
0x25b: {  	[tilespmem:s19], [sflag:$0x2] =	stream.linear.gather [hbm4b:s3+s30], $0x2000, $0x38;
	[tilespmem:$0x14000] =	vst v63  }
0x25c: {  	s3 =	sld [smem:$0x7ED]  }
0x25d: {  	[tilespmem:s20], [sflag:$0x2] =	stream.linear.gather [hbm4b:s2+s30], $0x2000, $0x38;
	[tilespmem:$0x14000] =	vst v63  }
0x25e: {  	s2 =	sld [smem:$0x7EF]  }
0x25f: {  	[tilespmem:s21], [sflag:$0x2] =	stream.linear.gather [hbm4b:s3+s30], $0x2000, $0x38;
	[tilespmem:$0x14000] =	vst v63  }
0x260: {  	s3 =	sld [smem:$0x7F1]  }
0x261: {  	[tilespmem:s22], [sflag:$0x2] =	stream.linear.gather [hbm4b:s2+s30], $0x2000, $0x38;
	[tilespmem:$0x14000] =	vst v63  }
0x262: {  	_ = 	snop  }
0x263: {  	[tilespmem:s23], [sflag:$0x2] =	stream.linear.gather [hbm4b:s3+s30], $0x2000, $0x38;
	[tilespmem:$0x14000] =	vst v63  }
0x264: {  	_ =	swait.ge [sflag:s24], $0x2000  }
0x265: {  	[sflag:s24] =	ssyncset.done $0x0  }
0x266: {  	[sflag:s24] =	ssyncadd.s32 $0xFFFFE000  }
0x267: {  	_ =	swait.ge [sflag:s24], $0x2000  }
0x268: {  	[sflag:s24] =	ssyncset.done $0x0  }
0x269: {  	[sflag:s24] =	ssyncadd.s32 $0xFFFFE000  }
0x26a: {  	_ =	swait.ge [sflag:s24], $0x2000  }
0x26b: {  	[sflag:s24] =	ssyncset.done $0x0  }
0x26c: {  	[sflag:s24] =	ssyncadd.s32 $0xFFFFE000  }
0x26d: {  	_ =	swait.ge [sflag:s24], $0x2000  }
0x26e: {  	[sflag:s24] =	ssyncset.done $0x0  }
0x26f: {  	[sflag:s24] =	ssyncadd.s32 $0xFFFFE000  }
0x270: {  	_ =	swait.ge [sflag:s24], $0x2000  }
0x271: {  	[sflag:s24] =	ssyncset.done $0x0  }
0x272: {  	s31 =	simm.s32 $0x0;
	[sflag:s24] =	ssyncadd.s32 $0xFFFFE000  }
.LBB2_18:
0x273: {  	s0 =	sshra.s32 s30, $0x2  }
0x274: {  	v0 =	vld [tilespmem:s0+$0x70]  }
0x275: {  	v1 =	vld [tilespmem:s0+$0x0]  }
0x276: {  	v2 =	vld [tilespmem:s0+$0x10]  }
0x277: {  	v3 =	vld [tilespmem:s0+$0x20]  }
0x278: {  	v4 =	vld [tilespmem:s0+$0x30]  }
0x279: {  	v5 =	vld [tilespmem:s0+$0x40]  }
0x27a: {  	v6 =	vld [tilespmem:s0+$0x50]  }
0x27b: {  	v7 =	vld [tilespmem:s0+$0x60]  }
0x27c: {  	[tilespmem:s0+$0xA070] =	vst.add.f32.msk $0xffff, v0  }
0x27d: {  	[tilespmem:s0+$0x4000] =	vst.add.f32.msk $0xffff, v1  }
0x27e: {  	[tilespmem:s0+$0x6000] =	vst.add.f32.msk $0xffff, v1  }
0x27f: {  	[tilespmem:s0+$0x8000] =	vst.add.f32.msk $0xffff, v1  }
0x280: {  	[tilespmem:s0+$0xA000] =	vst.add.f32.msk $0xffff, v1  }
0x281: {  	[tilespmem:s0+$0x4010] =	vst.add.f32.msk $0xffff, v2  }
0x282: {  	[tilespmem:s0+$0x6010] =	vst.add.f32.msk $0xffff, v2  }
0x283: {  	[tilespmem:s0+$0x8010] =	vst.add.f32.msk $0xffff, v2  }
0x284: {  	[tilespmem:s0+$0xA010] =	vst.add.f32.msk $0xffff, v2  }
0x285: {  	[tilespmem:s0+$0x4020] =	vst.add.f32.msk $0xffff, v3  }
0x286: {  	[tilespmem:s0+$0x6020] =	vst.add.f32.msk $0xffff, v3  }
0x287: {  	[tilespmem:s0+$0x8020] =	vst.add.f32.msk $0xffff, v3  }
0x288: {  	[tilespmem:s0+$0xA020] =	vst.add.f32.msk $0xffff, v3  }
0x289: {  	[tilespmem:s0+$0x4030] =	vst.add.f32.msk $0xffff, v4  }
0x28a: {  	[tilespmem:s0+$0x6030] =	vst.add.f32.msk $0xffff, v4  }
0x28b: {  	[tilespmem:s0+$0x8030] =	vst.add.f32.msk $0xffff, v4  }
0x28c: {  	[tilespmem:s0+$0xA030] =	vst.add.f32.msk $0xffff, v4  }
0x28d: {  	[tilespmem:s0+$0x4040] =	vst.add.f32.msk $0xffff, v5  }
0x28e: {  	[tilespmem:s0+$0x6040] =	vst.add.f32.msk $0xffff, v5  }
0x28f: {  	[tilespmem:s0+$0x8040] =	vst.add.f32.msk $0xffff, v5  }
0x290: {  	[tilespmem:s0+$0xA040] =	vst.add.f32.msk $0xffff, v5  }
0x291: {  	[tilespmem:s0+$0x4050] =	vst.add.f32.msk $0xffff, v6  }
0x292: {  	[tilespmem:s0+$0x6050] =	vst.add.f32.msk $0xffff, v6  }
0x293: {  	[tilespmem:s0+$0x8050] =	vst.add.f32.msk $0xffff, v6  }
0x294: {  	[tilespmem:s0+$0xA050] =	vst.add.f32.msk $0xffff, v6  }
0x295: {  	[tilespmem:s0+$0x4060] =	vst.add.f32.msk $0xffff, v7  }
0x296: {  	[tilespmem:s0+$0x6060] =	vst.add.f32.msk $0xffff, v7  }
0x297: {  	[tilespmem:s0+$0x8060] =	vst.add.f32.msk $0xffff, v7  }
0x298: {  	[tilespmem:s0+$0xA060] =	vst.add.f32.msk $0xffff, v7  }
0x299: {  	[tilespmem:s0+$0x4070] =	vst.add.f32.msk $0xffff, v0  }
0x29a: {  	s2 =	simm.s32 $0x0;
	s3 =	sadd.s32 $0x1000, s30;
	[tilespmem:s0+$0x6070] =	vst.add.f32.msk $0xffff, v0  }
.LBB2_19:
0x29b: {  	s2 =	sadd.s32 $0x8, s2;
	[tilespmem:s0+$0x8070] =	vst.add.f32.msk $0xffff, v0;
	s0 =	sshra.s32 s3, $0x2  }
0x29c: {  	v0 =	vld [tilespmem:s0+$0x70];
	p0 =	slt.u32 s2, $0x38  }
0x29d: {  	v1 =	vld [tilespmem:s0+$0x0]  }
0x29e: {  	v2 =	vld [tilespmem:s0+$0x10]  }
0x29f: {  	v3 =	vld [tilespmem:s0+$0x20]  }
0x2a0: {  	v4 =	vld [tilespmem:s0+$0x30]  }
0x2a1: {  	[tilespmem:s0+$0xA070] =	vst.add.f32.msk $0xffff, v0  }
0x2a2: {  	v5 =	vld [tilespmem:s0+$0x40]  }
0x2a3: {  	v6 =	vld [tilespmem:s0+$0x50]  }
0x2a4: {  	v7 =	vld [tilespmem:s0+$0x60]  }
0x2a5: {  	[tilespmem:s0+$0x4000] =	vst.add.f32.msk $0xffff, v1  }
0x2a6: {  	[tilespmem:s0+$0x6000] =	vst.add.f32.msk $0xffff, v1  }
0x2a7: {  	[tilespmem:s0+$0x8000] =	vst.add.f32.msk $0xffff, v1  }
0x2a8: {  	[tilespmem:s0+$0xA000] =	vst.add.f32.msk $0xffff, v1  }
0x2a9: {  	[tilespmem:s0+$0x4010] =	vst.add.f32.msk $0xffff, v2  }
0x2aa: {  	[tilespmem:s0+$0x6010] =	vst.add.f32.msk $0xffff, v2  }
0x2ab: {  	[tilespmem:s0+$0x8010] =	vst.add.f32.msk $0xffff, v2  }
0x2ac: {  	[tilespmem:s0+$0xA010] =	vst.add.f32.msk $0xffff, v2  }
0x2ad: {  	[tilespmem:s0+$0x4020] =	vst.add.f32.msk $0xffff, v3  }
0x2ae: {  	[tilespmem:s0+$0x6020] =	vst.add.f32.msk $0xffff, v3  }
0x2af: {  	[tilespmem:s0+$0x8020] =	vst.add.f32.msk $0xffff, v3  }
0x2b0: {  	[tilespmem:s0+$0xA020] =	vst.add.f32.msk $0xffff, v3  }
0x2b1: {  	[tilespmem:s0+$0x4030] =	vst.add.f32.msk $0xffff, v4  }
0x2b2: {  	[tilespmem:s0+$0x6030] =	vst.add.f32.msk $0xffff, v4  }
0x2b3: {  	[tilespmem:s0+$0x8030] =	vst.add.f32.msk $0xffff, v4  }
0x2b4: {  	[tilespmem:s0+$0xA030] =	vst.add.f32.msk $0xffff, v4  }
0x2b5: {  	[tilespmem:s0+$0x4040] =	vst.add.f32.msk $0xffff, v5  }
0x2b6: {  	[tilespmem:s0+$0x6040] =	vst.add.f32.msk $0xffff, v5  }
0x2b7: {  	[tilespmem:s0+$0x8040] =	vst.add.f32.msk $0xffff, v5  }
0x2b8: {  	[tilespmem:s0+$0xA040] =	vst.add.f32.msk $0xffff, v5  }
0x2b9: {  	[tilespmem:s0+$0x4050] =	vst.add.f32.msk $0xffff, v6  }
0x2ba: {  	[tilespmem:s0+$0x6050] =	vst.add.f32.msk $0xffff, v6  }
0x2bb: {  	[tilespmem:s0+$0x8050] =	vst.add.f32.msk $0xffff, v6  }
0x2bc: {  	[tilespmem:s0+$0xA050] =	vst.add.f32.msk $0xffff, v6  }
0x2bd: {  	[tilespmem:s0+$0x4060] =	vst.add.f32.msk $0xffff, v7  }
.Ltmp8:
0x2be: {  	[tilespmem:s0+$0x6060] =	vst.add.f32.msk $0xffff, v7;
	(pc) =	sbr.rel @p0 .LBB2_19-.Ltmp8, $4  }
0x2bf: {  	[tilespmem:s0+$0x8060] =	vst.add.f32.msk $0xffff, v7  }
0x2c0: {  	[tilespmem:s0+$0xA060] =	vst.add.f32.msk $0xffff, v7  }
0x2c1: {  	[tilespmem:s0+$0x4070] =	vst.add.f32.msk $0xffff, v0  }
0x2c2: {  	s3 =	sadd.s32 $0x1000, s3;
	[tilespmem:s0+$0x6070] =	vst.add.f32.msk $0xffff, v0  }
0x2c3: {  	s31 =	sadd.s32 $0x1, s31  }
0x2c4: {  	p0 =	sne.s32 s31, $0x8  }
.Ltmp9:
0x2c5: {  	_ = 	snop;
	(pc) =	sbr.rel @p0 .LBB2_18-.Ltmp9, $2  }
0x2c6: {  	_ =	sdelay $0x2  }
0x2c7: {  	[tilespmem:s0+$0x8070] =	vst.add.f32.msk $0xffff, v0;
	s30 =	sadd.s32 $0x200, s30  }
0x2c8: {  	s0 =	sld [smem:$0x7E3];
	_ =	sdelay $0x1  }
0x2c9: {  	s30 =	simm.s32 $0x0;
	s2 =	sld [smem:$0x7E5]  }
0x2ca: {  	[hbm4b:s0+s30] =	stream.linear.scatter [tilespmem:s15], [sflag:$0x3], $0x2000, $0x38;
	[tilespmem:$0x14000] =	vst v63  }
0x2cb: {  	s3 =	sld [smem:$0x7E7]  }
0x2cc: {  	[hbm4b:s2+s30] =	stream.linear.scatter [tilespmem:s16], [sflag:$0x3], $0x2000, $0x38;
	[tilespmem:$0x14000] =	vst v63  }
0x2cd: {  	s2 =	sld [smem:$0x7E9]  }
0x2ce: {  	[hbm4b:s3+s30] =	stream.linear.scatter [tilespmem:s17], [sflag:$0x3], $0x2000, $0x38;
	[tilespmem:$0x14000] =	vst v63  }
0x2cf: {  	_ = 	snop  }
0x2d0: {  	[hbm4b:s2+s30] =	stream.linear.scatter [tilespmem:s18], [sflag:$0x3], $0x2000, $0x38;
	[tilespmem:$0x14000] =	vst v63  }
0x2d1: {  	_ =	swait.ge [sflag:s25], $0x2000  }
0x2d2: {  	[sflag:s25] =	ssyncset.done $0x0  }
0x2d3: {  	[sflag:s25] =	ssyncadd.s32 $0xFFFFE000  }
0x2d4: {  	_ =	swait.ge [sflag:s25], $0x2000  }
0x2d5: {  	[sflag:s25] =	ssyncset.done $0x0  }
0x2d6: {  	[sflag:s25] =	ssyncadd.s32 $0xFFFFE000  }
0x2d7: {  	_ =	swait.ge [sflag:s25], $0x2000  }
0x2d8: {  	[sflag:s25] =	ssyncset.done $0x0  }
0x2d9: {  	[sflag:s25] =	ssyncadd.s32 $0xFFFFE000  }
0x2da: {  	_ =	swait.ge [sflag:s25], $0x2000  }
0x2db: {  	s3 =	sld [smem:$0x7F4]  }
0x2dc: {  	[sflag:s25] =	ssyncset.done $0x0  }
0x2dd: {  	s2 =	sld [smem:$0x7F8];
	[sflag:s25] =	ssyncadd.s32 $0xFFFFE000  }
0x2de: {  	[tilespmem:s30], [sflag:$0x1] =	stream.linear.gather [hbm4b:s3+s30], $0x2000, $0x38;
	[tilespmem:$0x14000] =	vst v63  }
0x2df: {  	s3 =	sld [smem:$0x7F9]  }
0x2e0: {  	[tilespmem:s15], [sflag:$0x1] =	stream.linear.gather [hbm4b:s2+s30], $0x2000, $0x38;
	[tilespmem:$0x14000] =	vst v63  }
0x2e1: {  	s2 =	sld [smem:$0x7FA]  }
0x2e2: {  	[tilespmem:s16], [sflag:$0x1] =	stream.linear.gather [hbm4b:s3+s30], $0x2000, $0x38;
	[tilespmem:$0x14000] =	vst v63  }
0x2e3: {  	s3 =	sld [smem:$0x7FB]  }
0x2e4: {  	[tilespmem:s17], [sflag:$0x1] =	stream.linear.gather [hbm4b:s2+s30], $0x2000, $0x38;
	[tilespmem:$0x14000] =	vst v63  }
0x2e5: {  	_ = 	snop  }
0x2e6: {  	[tilespmem:s18], [sflag:$0x1] =	stream.linear.gather [hbm4b:s3+s30], $0x2000, $0x38;
	[tilespmem:$0x14000] =	vst v63  }
0x2e7: {  	_ =	swait.ge [sflag:s26], $0x2000  }
0x2e8: {  	[sflag:s26] =	ssyncset.done $0x0  }
0x2e9: {  	[sflag:s26] =	ssyncadd.s32 $0xFFFFE000  }
0x2ea: {  	_ =	swait.ge [sflag:s26], $0x2000  }
0x2eb: {  	[sflag:s26] =	ssyncset.done $0x0  }
0x2ec: {  	[sflag:s26] =	ssyncadd.s32 $0xFFFFE000  }
0x2ed: {  	_ =	swait.ge [sflag:s26], $0x2000  }
0x2ee: {  	[sflag:s26] =	ssyncset.done $0x0  }
0x2ef: {  	[sflag:s26] =	ssyncadd.s32 $0xFFFFE000  }
0x2f0: {  	_ =	swait.ge [sflag:s26], $0x2000  }
0x2f1: {  	[sflag:s26] =	ssyncset.done $0x0  }
0x2f2: {  	[sflag:s26] =	ssyncadd.s32 $0xFFFFE000  }
0x2f3: {  	_ =	swait.ge [sflag:s26], $0x2000  }
0x2f4: {  	[sflag:s26] =	ssyncset.done $0x0  }
0x2f5: {  	s31 =	simm.s32 $0x0;
	[sflag:s26] =	ssyncadd.s32 $0xFFFFE000  }
.LBB2_22:
0x2f6: {  	s0 =	sshra.s32 s30, $0x2  }
0x2f7: {  	v0 =	vld [tilespmem:s0+$0x2070]  }
0x2f8: {  	v1 =	vld [tilespmem:s0+$0x2000]  }
0x2f9: {  	v2 =	vld [tilespmem:s0+$0x2010]  }
0x2fa: {  	v3 =	vld [tilespmem:s0+$0x2020]  }
0x2fb: {  	v4 =	vld [tilespmem:s0+$0x2030]  }
0x2fc: {  	v5 =	vld [tilespmem:s0+$0x2040]  }
0x2fd: {  	v6 =	vld [tilespmem:s0+$0x2050]  }
0x2fe: {  	v7 =	vld [tilespmem:s0+$0x2060]  }
0x2ff: {  	[tilespmem:s0+$0x12070] =	vst.add.f32.msk $0xffff, v0  }
0x300: {  	[tilespmem:s0+$0xC000] =	vst.add.f32.msk $0xffff, v1  }
0x301: {  	[tilespmem:s0+$0xE000] =	vst.add.f32.msk $0xffff, v1  }
0x302: {  	[tilespmem:s0+$0x10000] =	vst.add.f32.msk $0xffff, v1  }
0x303: {  	[tilespmem:s0+$0x12000] =	vst.add.f32.msk $0xffff, v1  }
0x304: {  	[tilespmem:s0+$0xC010] =	vst.add.f32.msk $0xffff, v2  }
0x305: {  	[tilespmem:s0+$0xE010] =	vst.add.f32.msk $0xffff, v2  }
0x306: {  	[tilespmem:s0+$0x10010] =	vst.add.f32.msk $0xffff, v2  }
0x307: {  	[tilespmem:s0+$0x12010] =	vst.add.f32.msk $0xffff, v2  }
0x308: {  	[tilespmem:s0+$0xC020] =	vst.add.f32.msk $0xffff, v3  }
0x309: {  	[tilespmem:s0+$0xE020] =	vst.add.f32.msk $0xffff, v3  }
0x30a: {  	[tilespmem:s0+$0x10020] =	vst.add.f32.msk $0xffff, v3  }
0x30b: {  	[tilespmem:s0+$0x12020] =	vst.add.f32.msk $0xffff, v3  }
0x30c: {  	[tilespmem:s0+$0xC030] =	vst.add.f32.msk $0xffff, v4  }
0x30d: {  	[tilespmem:s0+$0xE030] =	vst.add.f32.msk $0xffff, v4  }
0x30e: {  	[tilespmem:s0+$0x10030] =	vst.add.f32.msk $0xffff, v4  }
0x30f: {  	[tilespmem:s0+$0x12030] =	vst.add.f32.msk $0xffff, v4  }
0x310: {  	[tilespmem:s0+$0xC040] =	vst.add.f32.msk $0xffff, v5  }
0x311: {  	[tilespmem:s0+$0xE040] =	vst.add.f32.msk $0xffff, v5  }
0x312: {  	[tilespmem:s0+$0x10040] =	vst.add.f32.msk $0xffff, v5  }
0x313: {  	[tilespmem:s0+$0x12040] =	vst.add.f32.msk $0xffff, v5  }
0x314: {  	[tilespmem:s0+$0xC050] =	vst.add.f32.msk $0xffff, v6  }
0x315: {  	[tilespmem:s0+$0xE050] =	vst.add.f32.msk $0xffff, v6  }
0x316: {  	[tilespmem:s0+$0x10050] =	vst.add.f32.msk $0xffff, v6  }
0x317: {  	[tilespmem:s0+$0x12050] =	vst.add.f32.msk $0xffff, v6  }
0x318: {  	[tilespmem:s0+$0xC060] =	vst.add.f32.msk $0xffff, v7  }
0x319: {  	[tilespmem:s0+$0xE060] =	vst.add.f32.msk $0xffff, v7  }
0x31a: {  	[tilespmem:s0+$0x10060] =	vst.add.f32.msk $0xffff, v7  }
0x31b: {  	[tilespmem:s0+$0x12060] =	vst.add.f32.msk $0xffff, v7  }
0x31c: {  	[tilespmem:s0+$0xC070] =	vst.add.f32.msk $0xffff, v0  }
0x31d: {  	s2 =	simm.s32 $0x0;
	s3 =	sadd.s32 $0x1000, s30;
	[tilespmem:s0+$0xE070] =	vst.add.f32.msk $0xffff, v0  }
.LBB2_23:
0x31e: {  	s2 =	sadd.s32 $0x8, s2;
	[tilespmem:s0+$0x10070] =	vst.add.f32.msk $0xffff, v0;
	s0 =	sshra.s32 s3, $0x2  }
0x31f: {  	v0 =	vld [tilespmem:s0+$0x2070];
	p0 =	slt.u32 s2, $0x38  }
0x320: {  	v1 =	vld [tilespmem:s0+$0x2000]  }
0x321: {  	v2 =	vld [tilespmem:s0+$0x2010]  }
0x322: {  	v3 =	vld [tilespmem:s0+$0x2020]  }
0x323: {  	v4 =	vld [tilespmem:s0+$0x2030]  }
0x324: {  	[tilespmem:s0+$0x12070] =	vst.add.f32.msk $0xffff, v0  }
0x325: {  	v5 =	vld [tilespmem:s0+$0x2040]  }
0x326: {  	v6 =	vld [tilespmem:s0+$0x2050]  }
0x327: {  	v7 =	vld [tilespmem:s0+$0x2060]  }
0x328: {  	[tilespmem:s0+$0xC000] =	vst.add.f32.msk $0xffff, v1  }
0x329: {  	[tilespmem:s0+$0xE000] =	vst.add.f32.msk $0xffff, v1  }
0x32a: {  	[tilespmem:s0+$0x10000] =	vst.add.f32.msk $0xffff, v1  }
0x32b: {  	[tilespmem:s0+$0x12000] =	vst.add.f32.msk $0xffff, v1  }
0x32c: {  	[tilespmem:s0+$0xC010] =	vst.add.f32.msk $0xffff, v2  }
0x32d: {  	[tilespmem:s0+$0xE010] =	vst.add.f32.msk $0xffff, v2  }
0x32e: {  	[tilespmem:s0+$0x10010] =	vst.add.f32.msk $0xffff, v2  }
0x32f: {  	[tilespmem:s0+$0x12010] =	vst.add.f32.msk $0xffff, v2  }
0x330: {  	[tilespmem:s0+$0xC020] =	vst.add.f32.msk $0xffff, v3  }
0x331: {  	[tilespmem:s0+$0xE020] =	vst.add.f32.msk $0xffff, v3  }
0x332: {  	[tilespmem:s0+$0x10020] =	vst.add.f32.msk $0xffff, v3  }
0x333: {  	[tilespmem:s0+$0x12020] =	vst.add.f32.msk $0xffff, v3  }
0x334: {  	[tilespmem:s0+$0xC030] =	vst.add.f32.msk $0xffff, v4  }
0x335: {  	[tilespmem:s0+$0xE030] =	vst.add.f32.msk $0xffff, v4  }
0x336: {  	[tilespmem:s0+$0x10030] =	vst.add.f32.msk $0xffff, v4  }
0x337: {  	[tilespmem:s0+$0x12030] =	vst.add.f32.msk $0xffff, v4  }
0x338: {  	[tilespmem:s0+$0xC040] =	vst.add.f32.msk $0xffff, v5  }
0x339: {  	[tilespmem:s0+$0xE040] =	vst.add.f32.msk $0xffff, v5  }
0x33a: {  	[tilespmem:s0+$0x10040] =	vst.add.f32.msk $0xffff, v5  }
0x33b: {  	[tilespmem:s0+$0x12040] =	vst.add.f32.msk $0xffff, v5  }
0x33c: {  	[tilespmem:s0+$0xC050] =	vst.add.f32.msk $0xffff, v6  }
0x33d: {  	[tilespmem:s0+$0xE050] =	vst.add.f32.msk $0xffff, v6  }
0x33e: {  	[tilespmem:s0+$0x10050] =	vst.add.f32.msk $0xffff, v6  }
0x33f: {  	[tilespmem:s0+$0x12050] =	vst.add.f32.msk $0xffff, v6  }
0x340: {  	[tilespmem:s0+$0xC060] =	vst.add.f32.msk $0xffff, v7  }
.Ltmp10:
0x341: {  	[tilespmem:s0+$0xE060] =	vst.add.f32.msk $0xffff, v7;
	(pc) =	sbr.rel @p0 .LBB2_23-.Ltmp10, $4  }
0x342: {  	[tilespmem:s0+$0x10060] =	vst.add.f32.msk $0xffff, v7  }
0x343: {  	[tilespmem:s0+$0x12060] =	vst.add.f32.msk $0xffff, v7  }
0x344: {  	[tilespmem:s0+$0xC070] =	vst.add.f32.msk $0xffff, v0  }
0x345: {  	s3 =	sadd.s32 $0x1000, s3;
	[tilespmem:s0+$0xE070] =	vst.add.f32.msk $0xffff, v0  }
0x346: {  	s31 =	sadd.s32 $0x1, s31  }
0x347: {  	p0 =	sne.s32 s31, $0x8  }
.Ltmp11:
0x348: {  	_ = 	snop;
	(pc) =	sbr.rel @p0 .LBB2_22-.Ltmp11, $2  }
0x349: {  	_ =	sdelay $0x2  }
0x34a: {  	[tilespmem:s0+$0x10070] =	vst.add.f32.msk $0xffff, v0;
	s30 =	sadd.s32 $0x200, s30  }
0x34b: {  	s0 =	sld [smem:$0x7EC];
	_ =	sdelay $0x1  }
0x34c: {  	s30 =	simm.s32 $0x0;
	s2 =	sld [smem:$0x7EE]  }
0x34d: {  	[hbm4b:s0+s30] =	stream.linear.scatter [tilespmem:s20], [sflag:$0x4], $0x2000, $0x38;
	[tilespmem:$0x14000] =	vst v63  }
0x34e: {  	s3 =	sld [smem:$0x7F0]  }
0x34f: {  	[hbm4b:s2+s30] =	stream.linear.scatter [tilespmem:s21], [sflag:$0x4], $0x2000, $0x38;
	[tilespmem:$0x14000] =	vst v63  }
0x350: {  	s2 =	sld [smem:$0x7F2]  }
0x351: {  	[hbm4b:s3+s30] =	stream.linear.scatter [tilespmem:s22], [sflag:$0x4], $0x2000, $0x38;
	[tilespmem:$0x14000] =	vst v63  }
0x352: {  	_ = 	snop  }
0x353: {  	[hbm4b:s2+s30] =	stream.linear.scatter [tilespmem:s23], [sflag:$0x4], $0x2000, $0x38;
	[tilespmem:$0x14000] =	vst v63  }
0x354: {  	_ =	swait.ge [sflag:s28], $0x2000  }
0x355: {  	[sflag:s28] =	ssyncset.done $0x0  }
0x356: {  	[sflag:s28] =	ssyncadd.s32 $0xFFFFE000  }
0x357: {  	_ =	swait.ge [sflag:s28], $0x2000  }
0x358: {  	[sflag:s28] =	ssyncset.done $0x0  }
0x359: {  	[sflag:s28] =	ssyncadd.s32 $0xFFFFE000  }
0x35a: {  	_ =	swait.ge [sflag:s28], $0x2000  }
0x35b: {  	[sflag:s28] =	ssyncset.done $0x0  }
0x35c: {  	[sflag:s28] =	ssyncadd.s32 $0xFFFFE000  }
0x35d: {  	_ =	swait.ge [sflag:s28], $0x2000  }
0x35e: {  	s3 =	sld [smem:$0x7F5]  }
0x35f: {  	[sflag:s28] =	ssyncset.done $0x0  }
0x360: {  	s2 =	sld [smem:$0x7FC];
	[sflag:s28] =	ssyncadd.s32 $0xFFFFE000  }
0x361: {  	[tilespmem:s19], [sflag:$0x2] =	stream.linear.gather [hbm4b:s3+s30], $0x2000, $0x38;
	[tilespmem:$0x14000] =	vst v63  }
0x362: {  	s3 =	sld [smem:$0x7FD]  }
0x363: {  	[tilespmem:s20], [sflag:$0x2] =	stream.linear.gather [hbm4b:s2+s30], $0x2000, $0x38;
	[tilespmem:$0x14000] =	vst v63  }
0x364: {  	_ = 	snop  }
0x365: {  	[tilespmem:s21], [sflag:$0x2] =	stream.linear.gather [hbm4b:s3+s30], $0x2000, $0x38;
	[tilespmem:$0x14000] =	vst v63  }
0x366: {  	_ = 	snop  }
0x367: {  	[tilespmem:s22], [sflag:$0x2] =	stream.linear.gather [hbm4b:s4+s30], $0x2000, $0x38;
	[tilespmem:$0x14000] =	vst v63  }
0x368: {  	_ = 	snop  }
0x369: {  	[tilespmem:s23], [sflag:$0x2] =	stream.linear.gather [hbm4b:s5+s30], $0x2000, $0x38;
	[tilespmem:$0x14000] =	vst v63  }
0x36a: {  	_ =	swait.ge [sflag:s24], $0x2000  }
0x36b: {  	[sflag:s24] =	ssyncset.done $0x0  }
0x36c: {  	[sflag:s24] =	ssyncadd.s32 $0xFFFFE000  }
0x36d: {  	_ =	swait.ge [sflag:s24], $0x2000  }
0x36e: {  	[sflag:s24] =	ssyncset.done $0x0  }
0x36f: {  	[sflag:s24] =	ssyncadd.s32 $0xFFFFE000  }
0x370: {  	_ =	swait.ge [sflag:s24], $0x2000  }
0x371: {  	[sflag:s24] =	ssyncset.done $0x0  }
0x372: {  	[sflag:s24] =	ssyncadd.s32 $0xFFFFE000  }
0x373: {  	_ =	swait.ge [sflag:s24], $0x2000  }
0x374: {  	[sflag:s24] =	ssyncset.done $0x0  }
0x375: {  	[sflag:s24] =	ssyncadd.s32 $0xFFFFE000  }
0x376: {  	_ =	swait.ge [sflag:s24], $0x2000  }
0x377: {  	[sflag:s24] =	ssyncset.done $0x0  }
0x378: {  	s31 =	simm.s32 $0x0;
	[sflag:s24] =	ssyncadd.s32 $0xFFFFE000  }
.LBB2_26:
0x379: {  	s0 =	sshra.s32 s30, $0x2  }
0x37a: {  	v0 =	vld [tilespmem:s0+$0x70]  }
0x37b: {  	v1 =	vld [tilespmem:s0+$0x0]  }
0x37c: {  	v2 =	vld [tilespmem:s0+$0x10]  }
0x37d: {  	v3 =	vld [tilespmem:s0+$0x20]  }
0x37e: {  	v4 =	vld [tilespmem:s0+$0x30]  }
0x37f: {  	v5 =	vld [tilespmem:s0+$0x40]  }
0x380: {  	v6 =	vld [tilespmem:s0+$0x50]  }
0x381: {  	v7 =	vld [tilespmem:s0+$0x60]  }
0x382: {  	[tilespmem:s0+$0xA070] =	vst.add.f32.msk $0xffff, v0  }
0x383: {  	[tilespmem:s0+$0x4000] =	vst.add.f32.msk $0xffff, v1  }
0x384: {  	[tilespmem:s0+$0x6000] =	vst.add.f32.msk $0xffff, v1  }
0x385: {  	[tilespmem:s0+$0x8000] =	vst.add.f32.msk $0xffff, v1  }
0x386: {  	[tilespmem:s0+$0xA000] =	vst.add.f32.msk $0xffff, v1  }
0x387: {  	[tilespmem:s0+$0x4010] =	vst.add.f32.msk $0xffff, v2  }
0x388: {  	[tilespmem:s0+$0x6010] =	vst.add.f32.msk $0xffff, v2  }
0x389: {  	[tilespmem:s0+$0x8010] =	vst.add.f32.msk $0xffff, v2  }
0x38a: {  	[tilespmem:s0+$0xA010] =	vst.add.f32.msk $0xffff, v2  }
0x38b: {  	[tilespmem:s0+$0x4020] =	vst.add.f32.msk $0xffff, v3  }
0x38c: {  	[tilespmem:s0+$0x6020] =	vst.add.f32.msk $0xffff, v3  }
0x38d: {  	[tilespmem:s0+$0x8020] =	vst.add.f32.msk $0xffff, v3  }
0x38e: {  	[tilespmem:s0+$0xA020] =	vst.add.f32.msk $0xffff, v3  }
0x38f: {  	[tilespmem:s0+$0x4030] =	vst.add.f32.msk $0xffff, v4  }
0x390: {  	[tilespmem:s0+$0x6030] =	vst.add.f32.msk $0xffff, v4  }
0x391: {  	[tilespmem:s0+$0x8030] =	vst.add.f32.msk $0xffff, v4  }
0x392: {  	[tilespmem:s0+$0xA030] =	vst.add.f32.msk $0xffff, v4  }
0x393: {  	[tilespmem:s0+$0x4040] =	vst.add.f32.msk $0xffff, v5  }
0x394: {  	[tilespmem:s0+$0x6040] =	vst.add.f32.msk $0xffff, v5  }
0x395: {  	[tilespmem:s0+$0x8040] =	vst.add.f32.msk $0xffff, v5  }
0x396: {  	[tilespmem:s0+$0xA040] =	vst.add.f32.msk $0xffff, v5  }
0x397: {  	[tilespmem:s0+$0x4050] =	vst.add.f32.msk $0xffff, v6  }
0x398: {  	[tilespmem:s0+$0x6050] =	vst.add.f32.msk $0xffff, v6  }
0x399: {  	[tilespmem:s0+$0x8050] =	vst.add.f32.msk $0xffff, v6  }
0x39a: {  	[tilespmem:s0+$0xA050] =	vst.add.f32.msk $0xffff, v6  }
0x39b: {  	[tilespmem:s0+$0x4060] =	vst.add.f32.msk $0xffff, v7  }
0x39c: {  	[tilespmem:s0+$0x6060] =	vst.add.f32.msk $0xffff, v7  }
0x39d: {  	[tilespmem:s0+$0x8060] =	vst.add.f32.msk $0xffff, v7  }
0x39e: {  	[tilespmem:s0+$0xA060] =	vst.add.f32.msk $0xffff, v7  }
0x39f: {  	[tilespmem:s0+$0x4070] =	vst.add.f32.msk $0xffff, v0  }
0x3a0: {  	s2 =	simm.s32 $0x0;
	s3 =	sadd.s32 $0x1000, s30;
	[tilespmem:s0+$0x6070] =	vst.add.f32.msk $0xffff, v0  }
.LBB2_27:
0x3a1: {  	s2 =	sadd.s32 $0x8, s2;
	[tilespmem:s0+$0x8070] =	vst.add.f32.msk $0xffff, v0;
	s0 =	sshra.s32 s3, $0x2  }
0x3a2: {  	v0 =	vld [tilespmem:s0+$0x70];
	p0 =	slt.u32 s2, $0x38  }
0x3a3: {  	v1 =	vld [tilespmem:s0+$0x0]  }
0x3a4: {  	v2 =	vld [tilespmem:s0+$0x10]  }
0x3a5: {  	v3 =	vld [tilespmem:s0+$0x20]  }
0x3a6: {  	v4 =	vld [tilespmem:s0+$0x30]  }
0x3a7: {  	[tilespmem:s0+$0xA070] =	vst.add.f32.msk $0xffff, v0  }
0x3a8: {  	v5 =	vld [tilespmem:s0+$0x40]  }
0x3a9: {  	v6 =	vld [tilespmem:s0+$0x50]  }
0x3aa: {  	v7 =	vld [tilespmem:s0+$0x60]  }
0x3ab: {  	[tilespmem:s0+$0x4000] =	vst.add.f32.msk $0xffff, v1  }
0x3ac: {  	[tilespmem:s0+$0x6000] =	vst.add.f32.msk $0xffff, v1  }
0x3ad: {  	[tilespmem:s0+$0x8000] =	vst.add.f32.msk $0xffff, v1  }
0x3ae: {  	[tilespmem:s0+$0xA000] =	vst.add.f32.msk $0xffff, v1  }
0x3af: {  	[tilespmem:s0+$0x4010] =	vst.add.f32.msk $0xffff, v2  }
0x3b0: {  	[tilespmem:s0+$0x6010] =	vst.add.f32.msk $0xffff, v2  }
0x3b1: {  	[tilespmem:s0+$0x8010] =	vst.add.f32.msk $0xffff, v2  }
0x3b2: {  	[tilespmem:s0+$0xA010] =	vst.add.f32.msk $0xffff, v2  }
0x3b3: {  	[tilespmem:s0+$0x4020] =	vst.add.f32.msk $0xffff, v3  }
0x3b4: {  	[tilespmem:s0+$0x6020] =	vst.add.f32.msk $0xffff, v3  }
0x3b5: {  	[tilespmem:s0+$0x8020] =	vst.add.f32.msk $0xffff, v3  }
0x3b6: {  	[tilespmem:s0+$0xA020] =	vst.add.f32.msk $0xffff, v3  }
0x3b7: {  	[tilespmem:s0+$0x4030] =	vst.add.f32.msk $0xffff, v4  }
0x3b8: {  	[tilespmem:s0+$0x6030] =	vst.add.f32.msk $0xffff, v4  }
0x3b9: {  	[tilespmem:s0+$0x8030] =	vst.add.f32.msk $0xffff, v4  }
0x3ba: {  	[tilespmem:s0+$0xA030] =	vst.add.f32.msk $0xffff, v4  }
0x3bb: {  	[tilespmem:s0+$0x4040] =	vst.add.f32.msk $0xffff, v5  }
0x3bc: {  	[tilespmem:s0+$0x6040] =	vst.add.f32.msk $0xffff, v5  }
0x3bd: {  	[tilespmem:s0+$0x8040] =	vst.add.f32.msk $0xffff, v5  }
0x3be: {  	[tilespmem:s0+$0xA040] =	vst.add.f32.msk $0xffff, v5  }
0x3bf: {  	[tilespmem:s0+$0x4050] =	vst.add.f32.msk $0xffff, v6  }
0x3c0: {  	[tilespmem:s0+$0x6050] =	vst.add.f32.msk $0xffff, v6  }
0x3c1: {  	[tilespmem:s0+$0x8050] =	vst.add.f32.msk $0xffff, v6  }
0x3c2: {  	[tilespmem:s0+$0xA050] =	vst.add.f32.msk $0xffff, v6  }
0x3c3: {  	[tilespmem:s0+$0x4060] =	vst.add.f32.msk $0xffff, v7  }
.Ltmp12:
0x3c4: {  	[tilespmem:s0+$0x6060] =	vst.add.f32.msk $0xffff, v7;
	(pc) =	sbr.rel @p0 .LBB2_27-.Ltmp12, $4  }
0x3c5: {  	[tilespmem:s0+$0x8060] =	vst.add.f32.msk $0xffff, v7  }
0x3c6: {  	[tilespmem:s0+$0xA060] =	vst.add.f32.msk $0xffff, v7  }
0x3c7: {  	[tilespmem:s0+$0x4070] =	vst.add.f32.msk $0xffff, v0  }
0x3c8: {  	s3 =	sadd.s32 $0x1000, s3;
	[tilespmem:s0+$0x6070] =	vst.add.f32.msk $0xffff, v0  }
0x3c9: {  	s31 =	sadd.s32 $0x1, s31  }
0x3ca: {  	p0 =	sne.s32 s31, $0x8  }
.Ltmp13:
0x3cb: {  	_ = 	snop;
	(pc) =	sbr.rel @p0 .LBB2_26-.Ltmp13, $2  }
0x3cc: {  	_ =	sdelay $0x2  }
0x3cd: {  	[tilespmem:s0+$0x8070] =	vst.add.f32.msk $0xffff, v0;
	s30 =	sadd.s32 $0x200, s30  }
0x3ce: {  	s30 =	simm.s32 $0x0  }
0x3cf: {  	[hbm4b:s6+s30] =	stream.linear.scatter [tilespmem:s15], [sflag:$0x3], $0x2000, $0x38;
	[tilespmem:$0x14000] =	vst v63  }
0x3d0: {  	_ = 	snop  }
0x3d1: {  	[hbm4b:s7+s30] =	stream.linear.scatter [tilespmem:s16], [sflag:$0x3], $0x2000, $0x38;
	[tilespmem:$0x14000] =	vst v63  }
0x3d2: {  	_ = 	snop  }
0x3d3: {  	[hbm4b:s8+s30] =	stream.linear.scatter [tilespmem:s17], [sflag:$0x3], $0x2000, $0x38;
	[tilespmem:$0x14000] =	vst v63  }
0x3d4: {  	_ = 	snop  }
0x3d5: {  	[hbm4b:s9+s30] =	stream.linear.scatter [tilespmem:s18], [sflag:$0x3], $0x2000, $0x38;
	[tilespmem:$0x14000] =	vst v63  }
0x3d6: {  	_ =	swait.ge [sflag:s26], $0x2000  }
0x3d7: {  	[sflag:s26] =	ssyncset.done $0x0  }
0x3d8: {  	[sflag:s26] =	ssyncadd.s32 $0xFFFFE000  }
0x3d9: {  	_ =	swait.ge [sflag:s26], $0x2000  }
0x3da: {  	[sflag:s26] =	ssyncset.done $0x0  }
0x3db: {  	[sflag:s26] =	ssyncadd.s32 $0xFFFFE000  }
0x3dc: {  	_ =	swait.ge [sflag:s26], $0x2000  }
0x3dd: {  	[sflag:s26] =	ssyncset.done $0x0  }
0x3de: {  	[sflag:s26] =	ssyncadd.s32 $0xFFFFE000  }
0x3df: {  	_ =	swait.ge [sflag:s26], $0x2000  }
0x3e0: {  	[sflag:s26] =	ssyncset.done $0x0  }
0x3e1: {  	[sflag:s26] =	ssyncadd.s32 $0xFFFFE000  }
0x3e2: {  	_ =	swait.ge [sflag:s26], $0x2000  }
0x3e3: {  	[sflag:s26] =	ssyncset.done $0x0  }
0x3e4: {  	s31 =	simm.s32 $0x0;
	[sflag:s26] =	ssyncadd.s32 $0xFFFFE000  }
.LBB2_30:
0x3e5: {  	s0 =	sshra.s32 s30, $0x2  }
0x3e6: {  	v0 =	vld [tilespmem:s0+$0x2070]  }
0x3e7: {  	v1 =	vld [tilespmem:s0+$0x2000]  }
0x3e8: {  	v2 =	vld [tilespmem:s0+$0x2010]  }
0x3e9: {  	v3 =	vld [tilespmem:s0+$0x2020]  }
0x3ea: {  	v4 =	vld [tilespmem:s0+$0x2030]  }
0x3eb: {  	v5 =	vld [tilespmem:s0+$0x2040]  }
0x3ec: {  	v6 =	vld [tilespmem:s0+$0x2050]  }
0x3ed: {  	v7 =	vld [tilespmem:s0+$0x2060]  }
0x3ee: {  	[tilespmem:s0+$0x12070] =	vst.add.f32.msk $0xffff, v0  }
0x3ef: {  	[tilespmem:s0+$0xC000] =	vst.add.f32.msk $0xffff, v1  }
0x3f0: {  	[tilespmem:s0+$0xE000] =	vst.add.f32.msk $0xffff, v1  }
0x3f1: {  	[tilespmem:s0+$0x10000] =	vst.add.f32.msk $0xffff, v1  }
0x3f2: {  	[tilespmem:s0+$0x12000] =	vst.add.f32.msk $0xffff, v1  }
0x3f3: {  	[tilespmem:s0+$0xC010] =	vst.add.f32.msk $0xffff, v2  }
0x3f4: {  	[tilespmem:s0+$0xE010] =	vst.add.f32.msk $0xffff, v2  }
0x3f5: {  	[tilespmem:s0+$0x10010] =	vst.add.f32.msk $0xffff, v2  }
0x3f6: {  	[tilespmem:s0+$0x12010] =	vst.add.f32.msk $0xffff, v2  }
0x3f7: {  	[tilespmem:s0+$0xC020] =	vst.add.f32.msk $0xffff, v3  }
0x3f8: {  	[tilespmem:s0+$0xE020] =	vst.add.f32.msk $0xffff, v3  }
0x3f9: {  	[tilespmem:s0+$0x10020] =	vst.add.f32.msk $0xffff, v3  }
0x3fa: {  	[tilespmem:s0+$0x12020] =	vst.add.f32.msk $0xffff, v3  }
0x3fb: {  	[tilespmem:s0+$0xC030] =	vst.add.f32.msk $0xffff, v4  }
0x3fc: {  	[tilespmem:s0+$0xE030] =	vst.add.f32.msk $0xffff, v4  }
0x3fd: {  	[tilespmem:s0+$0x10030] =	vst.add.f32.msk $0xffff, v4  }
0x3fe: {  	[tilespmem:s0+$0x12030] =	vst.add.f32.msk $0xffff, v4  }
0x3ff: {  	[tilespmem:s0+$0xC040] =	vst.add.f32.msk $0xffff, v5  }
0x400: {  	[tilespmem:s0+$0xE040] =	vst.add.f32.msk $0xffff, v5  }
0x401: {  	[tilespmem:s0+$0x10040] =	vst.add.f32.msk $0xffff, v5  }
0x402: {  	[tilespmem:s0+$0x12040] =	vst.add.f32.msk $0xffff, v5  }
0x403: {  	[tilespmem:s0+$0xC050] =	vst.add.f32.msk $0xffff, v6  }
0x404: {  	[tilespmem:s0+$0xE050] =	vst.add.f32.msk $0xffff, v6  }
0x405: {  	[tilespmem:s0+$0x10050] =	vst.add.f32.msk $0xffff, v6  }
0x406: {  	[tilespmem:s0+$0x12050] =	vst.add.f32.msk $0xffff, v6  }
0x407: {  	[tilespmem:s0+$0xC060] =	vst.add.f32.msk $0xffff, v7  }
0x408: {  	[tilespmem:s0+$0xE060] =	vst.add.f32.msk $0xffff, v7  }
0x409: {  	[tilespmem:s0+$0x10060] =	vst.add.f32.msk $0xffff, v7  }
0x40a: {  	[tilespmem:s0+$0x12060] =	vst.add.f32.msk $0xffff, v7  }
0x40b: {  	[tilespmem:s0+$0xC070] =	vst.add.f32.msk $0xffff, v0  }
0x40c: {  	s2 =	simm.s32 $0x0;
	s3 =	sadd.s32 $0x1000, s30;
	[tilespmem:s0+$0xE070] =	vst.add.f32.msk $0xffff, v0  }
.LBB2_31:
0x40d: {  	s2 =	sadd.s32 $0x8, s2;
	[tilespmem:s0+$0x10070] =	vst.add.f32.msk $0xffff, v0;
	s0 =	sshra.s32 s3, $0x2  }
0x40e: {  	v0 =	vld [tilespmem:s0+$0x2070];
	p0 =	slt.u32 s2, $0x38  }
0x40f: {  	v1 =	vld [tilespmem:s0+$0x2000]  }
0x410: {  	v2 =	vld [tilespmem:s0+$0x2010]  }
0x411: {  	v3 =	vld [tilespmem:s0+$0x2020]  }
0x412: {  	v4 =	vld [tilespmem:s0+$0x2030]  }
0x413: {  	[tilespmem:s0+$0x12070] =	vst.add.f32.msk $0xffff, v0  }
0x414: {  	v5 =	vld [tilespmem:s0+$0x2040]  }
0x415: {  	v6 =	vld [tilespmem:s0+$0x2050]  }
0x416: {  	v7 =	vld [tilespmem:s0+$0x2060]  }
0x417: {  	[tilespmem:s0+$0xC000] =	vst.add.f32.msk $0xffff, v1  }
0x418: {  	[tilespmem:s0+$0xE000] =	vst.add.f32.msk $0xffff, v1  }
0x419: {  	[tilespmem:s0+$0x10000] =	vst.add.f32.msk $0xffff, v1  }
0x41a: {  	[tilespmem:s0+$0x12000] =	vst.add.f32.msk $0xffff, v1  }
0x41b: {  	[tilespmem:s0+$0xC010] =	vst.add.f32.msk $0xffff, v2  }
0x41c: {  	[tilespmem:s0+$0xE010] =	vst.add.f32.msk $0xffff, v2  }
0x41d: {  	[tilespmem:s0+$0x10010] =	vst.add.f32.msk $0xffff, v2  }
0x41e: {  	[tilespmem:s0+$0x12010] =	vst.add.f32.msk $0xffff, v2  }
0x41f: {  	[tilespmem:s0+$0xC020] =	vst.add.f32.msk $0xffff, v3  }
0x420: {  	[tilespmem:s0+$0xE020] =	vst.add.f32.msk $0xffff, v3  }
0x421: {  	[tilespmem:s0+$0x10020] =	vst.add.f32.msk $0xffff, v3  }
0x422: {  	[tilespmem:s0+$0x12020] =	vst.add.f32.msk $0xffff, v3  }
0x423: {  	[tilespmem:s0+$0xC030] =	vst.add.f32.msk $0xffff, v4  }
0x424: {  	[tilespmem:s0+$0xE030] =	vst.add.f32.msk $0xffff, v4  }
0x425: {  	[tilespmem:s0+$0x10030] =	vst.add.f32.msk $0xffff, v4  }
0x426: {  	[tilespmem:s0+$0x12030] =	vst.add.f32.msk $0xffff, v4  }
0x427: {  	[tilespmem:s0+$0xC040] =	vst.add.f32.msk $0xffff, v5  }
0x428: {  	[tilespmem:s0+$0xE040] =	vst.add.f32.msk $0xffff, v5  }
0x429: {  	[tilespmem:s0+$0x10040] =	vst.add.f32.msk $0xffff, v5  }
0x42a: {  	[tilespmem:s0+$0x12040] =	vst.add.f32.msk $0xffff, v5  }
0x42b: {  	[tilespmem:s0+$0xC050] =	vst.add.f32.msk $0xffff, v6  }
0x42c: {  	[tilespmem:s0+$0xE050] =	vst.add.f32.msk $0xffff, v6  }
0x42d: {  	[tilespmem:s0+$0x10050] =	vst.add.f32.msk $0xffff, v6  }
0x42e: {  	[tilespmem:s0+$0x12050] =	vst.add.f32.msk $0xffff, v6  }
0x42f: {  	[tilespmem:s0+$0xC060] =	vst.add.f32.msk $0xffff, v7  }
.Ltmp14:
0x430: {  	[tilespmem:s0+$0xE060] =	vst.add.f32.msk $0xffff, v7;
	(pc) =	sbr.rel @p0 .LBB2_31-.Ltmp14, $4  }
0x431: {  	[tilespmem:s0+$0x10060] =	vst.add.f32.msk $0xffff, v7  }
0x432: {  	[tilespmem:s0+$0x12060] =	vst.add.f32.msk $0xffff, v7  }
0x433: {  	[tilespmem:s0+$0xC070] =	vst.add.f32.msk $0xffff, v0  }
0x434: {  	s3 =	sadd.s32 $0x1000, s3;
	[tilespmem:s0+$0xE070] =	vst.add.f32.msk $0xffff, v0  }
0x435: {  	s31 =	sadd.s32 $0x1, s31  }
0x436: {  	p0 =	sne.s32 s31, $0x8  }
.Ltmp15:
0x437: {  	_ = 	snop;
	(pc) =	sbr.rel @p0 .LBB2_30-.Ltmp15, $2  }
0x438: {  	_ =	sdelay $0x2  }
0x439: {  	[tilespmem:s0+$0x10070] =	vst.add.f32.msk $0xffff, v0;
	s30 =	sadd.s32 $0x200, s30  }
0x43a: {  	[hbm4b:s10+s1] =	stream.linear.scatter [tilespmem:s20], [sflag:$0x4], $0x2000, $0x38;
	[tilespmem:$0x14000] =	vst v63  }
0x43b: {  	_ = 	snop  }
0x43c: {  	[hbm4b:s11+s1] =	stream.linear.scatter [tilespmem:s21], [sflag:$0x4], $0x2000, $0x38;
	[tilespmem:$0x14000] =	vst v63  }
0x43d: {  	_ = 	snop  }
0x43e: {  	[hbm4b:s12+s1] =	stream.linear.scatter [tilespmem:s22], [sflag:$0x4], $0x2000, $0x38;
	[tilespmem:$0x14000] =	vst v63  }
0x43f: {  	_ = 	snop  }
0x440: {  	[hbm4b:s13+s1] =	stream.linear.scatter [tilespmem:s23], [sflag:$0x4], $0x2000, $0x38;
	[tilespmem:$0x14000] =	vst v63  }
0x441: {  	_ =	swait.ge [sflag:s25], $0x2000  }
0x442: {  	[sflag:s25] =	ssyncset.done $0x0  }
0x443: {  	[sflag:s25] =	ssyncadd.s32 $0xFFFFE000  }
0x444: {  	_ =	swait.ge [sflag:s25], $0x2000  }
0x445: {  	[sflag:s25] =	ssyncset.done $0x0  }
0x446: {  	[sflag:s25] =	ssyncadd.s32 $0xFFFFE000  }
0x447: {  	_ =	swait.ge [sflag:s25], $0x2000  }
0x448: {  	[sflag:s25] =	ssyncset.done $0x0  }
0x449: {  	[sflag:s25] =	ssyncadd.s32 $0xFFFFE000  }
0x44a: {  	_ =	swait.ge [sflag:s25], $0x2000  }
0x44b: {  	[sflag:s25] =	ssyncset.done $0x0  }
0x44c: {  	[sflag:s25] =	ssyncadd.s32 $0xFFFFE000  }
0x44d: {  	_ =	swait.ge [sflag:s28], $0x2000  }
0x44e: {  	[sflag:s28] =	ssyncset.done $0x0  }
0x44f: {  	[sflag:s28] =	ssyncadd.s32 $0xFFFFE000  }
0x450: {  	_ =	swait.ge [sflag:s28], $0x2000  }
0x451: {  	[sflag:s28] =	ssyncset.done $0x0  }
0x452: {  	s29 =	sadd.s32 $0x1, s29;
	[sflag:s28] =	ssyncadd.s32 $0xFFFFE000  }
0x453: {  	p0 =	sne.s32 s29, s14;
	_ =	swait.ge [sflag:s28], $0x2000  }
.Ltmp16:
0x454: {  	[sflag:s28] =	ssyncset.done $0x0;
	(pc) =	sbr.rel @p0 .LBB2_1-.Ltmp16, $4  }
0x455: {  	[sflag:s28] =	ssyncadd.s32 $0xFFFFE000  }
0x456: {  	_ =	swait.ge [sflag:s28], $0x2000  }
0x457: {  	[sflag:s28] =	ssyncset.done $0x0  }
0x458: {  	[sflag:s28] =	ssyncadd.s32 $0xFFFFE000  }
0x459: {  	_ =	sfence.sel $0x180000  }
0x45a: {  	[bflag:$0x0] =	sbarrier.arrive $0xFFFF  }
0x45b: {  	_ =	strace $0x90000047  }
0x45c: {  	s0 =	stileid.u32;
	[bflag:$0x2] =	sbarrier.arrive $0xFFFF  }
0x45d: {  	p0 =	sne.s32 s0, $0x0;
	s0 =	rddreg [dreg:$0x3]  }
0x45e: {  	s0 =	sadd.s32 @!p0 $0x100000, s0  }
0x45f: {  	[sflag:s0] =	ssyncadd.tile.s32 @!p0 $0x1;
	_ =	shalt  }
.Lfunc_end2:
_tile_overlayer_lowered:
.L_overlay_start_2:
0x460: {  	(tag) =	ssettag $0x2  }
0x461: {  	s0 =	rddreg [dreg:$0x0];
	s2 =	stileid.u32  }
0x462: {  	s1 =	rddreg [dreg:$0x1];
	p0 =	sne.s32 s2, $0x0  }
0x463: {  	s3 =	rddreg [dreg:$0x2];
	[bflag:$0x3] =	sbarrier.arrive $0xFFFF;
	s2 =	simm.s32 @!p0 $0x1C05  }
0x464: {  	[timem:s3], [sflag:s2] =	dma.local @!p0 [hbm:s0], s1  }
0x465: {  	s0 =	simm.s32 @!p0 $0x5  }
0x466: {  	_ =	swait.ge @!p0 [sflag:s0], s1  }
0x467: {  	s1 =	ssub.s32 @!p0 $0x0, s1;
	[sflag:s0] =	ssyncset.done @!p0 $0x0  }
0x468: {  	[sflag:s0] =	ssyncadd.s32 @!p0 s1  }
0x469: {  	[bflag:$0x3] =	sbarrier.arrive $0xFFFF  }
0x46a: {  	_ =	shalt  }

</sc_bundles>
